<compile_context>
chip_gen: v7x
topology: tpu7x:2x2x1
jax: 0.10.2.dev20260603
libtpu: 0.0.44.dev20260713+nightly
codegen_flags: <defaults>
</compile_context>

<pallas_src>
import functools

import jax
import jax.numpy as jnp
from jax import lax
from jax.experimental import pallas as pl
from jax.experimental.pallas import tpu as pltpu
from jax.experimental.pallas import tpu_sc as plsc

NUM_EXPERTS = 64
TOP_K = 8
E_BLK = 2
SPLIT = 4

SC_CORES = 2
SC_SUBCORES = 16
SC_LANES = 16
_NEG_BIG = -3.4e38


def _logits_body(hs_ref, gw_ref, out_ref):
    out_ref[...] = jax.lax.dot_general(
        hs_ref[...], gw_ref[...], (((1,), (1,)), ((), ())),
        preferred_element_type=jnp.float32)


def _vshuffle(x, idx):
    return x.at[idx].get(mode="promise_in_bounds")


def _all_lanes(x, op):
    lane = lax.broadcasted_iota(jnp.int32, (SC_LANES,), 0)
    for sh in (8, 4, 2, 1):
        x = op(x, _vshuffle(x, jnp.bitwise_xor(lane, sh)))
    return x


def _router_sc_body(logits_hbm, comb_hbm, row_v, comb_v):
    T = logits_hbm.shape[0]
    E = logits_hbm.shape[1]
    nvec = E // SC_LANES
    n_workers = SC_CORES * SC_SUBCORES
    per_worker = T // n_workers
    wid = lax.axis_index("s") * SC_CORES + lax.axis_index("c")
    gidx = [
        lax.broadcasted_iota(jnp.int32, (SC_LANES,), 0) + v * SC_LANES
        for v in range(nvec)
    ]
    for r in range(per_worker):
        t = wid * per_worker + r
        pltpu.sync_copy(logits_hbm.at[t], row_v)
        orig = [row_v[pl.ds(v * SC_LANES, SC_LANES)] for v in range(nvec)]
        work = list(orig)
        mask = [jnp.zeros((SC_LANES,), jnp.float32) for _ in range(nvec)]
        row_max = None
        for _ in range(TOP_K):
            m = work[0]
            for v in range(1, nvec):
                m = jnp.maximum(m, work[v])
            mx = _all_lanes(m, jnp.maximum)
            if row_max is None:
                row_max = mx
            cand = [jnp.where(work[v] == mx, gidx[v], E) for v in range(nvec)]
            cm = cand[0]
            for v in range(1, nvec):
                cm = jnp.minimum(cm, cand[v])
            jstar = _all_lanes(cm, jnp.minimum)
            for v in range(nvec):
                sel = gidx[v] == jstar
                mask[v] = jnp.where(sel, 1.0, mask[v])
                work[v] = jnp.where(sel, _NEG_BIG, work[v])
        p = [jnp.exp(orig[v] - row_max) * mask[v] for v in range(nvec)]
        s = p[0]
        for v in range(1, nvec):
            s = s + p[v]
        denom = _all_lanes(s, jnp.add)
        for v in range(nvec):
            comb_v[pl.ds(v * SC_LANES, SC_LANES)] = p[v] / denom
        pltpu.sync_copy(comb_v, comb_hbm.at[t])


def _gateup_body(*refs):
    hs_ref = refs[0]
    gp_refs = refs[1:1 + SPLIT]
    up_refs = refs[1 + SPLIT:1 + 2 * SPLIT]
    act_ref = refs[1 + 2 * SPLIT]

    hs = hs_ref[...]
    T, H = hs.shape
    Ip = gp_refs[0].shape[1]
    I = Ip * SPLIT

    for p in range(SPLIT):
        gp = gp_refs[p][...].reshape(E_BLK * Ip, H)
        up = up_refs[p][...].reshape(E_BLK * Ip, H)
        g = jax.lax.dot_general(hs, gp, (((1,), (1,)), ((), ())),
                                preferred_element_type=jnp.float32)
        u = jax.lax.dot_general(hs, up, (((1,), (1,)), ((), ())),
                                preferred_element_type=jnp.float32)
        a = g * jax.nn.sigmoid(g) * u
        for j in range(E_BLK):
            act_ref[:, j * I + p * Ip:j * I + (p + 1) * Ip] = (
                a[:, j * Ip:(j + 1) * Ip])


def _down_body(*refs):
    act_ref, comb_ref = refs[0], refs[1]
    dp_refs = refs[2:2 + SPLIT]
    out_ref = refs[2 + SPLIT]

    i = pl.program_id(0)
    T = act_ref.shape[0]
    I = act_ref.shape[1] // E_BLK
    Hp = dp_refs[0].shape[1]

    @pl.when(i == 0)
    def _init():
        out_ref[...] = jnp.zeros_like(out_ref)

    E = comb_ref.shape[1]
    colid = jax.lax.broadcasted_iota(jnp.int32, (T, E), 1)
    comb = comb_ref[...]
    aw = []
    for j in range(E_BLK):
        e = i * E_BLK + j
        w = jnp.sum(jnp.where(colid == e, comb, 0.0), axis=1,
                    keepdims=True)
        aw.append(act_ref[:, j * I:(j + 1) * I] * w)

    for p in range(SPLIT):
        acc = out_ref[:, p * Hp:(p + 1) * Hp]
        for j in range(E_BLK):
            acc = acc + jax.lax.dot_general(
                aw[j], dp_refs[p][j], (((1,), (1,)), ((), ())),
                preferred_element_type=jnp.float32)
        out_ref[:, p * Hp:(p + 1) * Hp] = acc


@functools.partial(jax.jit, static_argnames=())
def kernel(hidden_states, gate_w, gate_proj, up_proj, down_proj):
    B, S, H = hidden_states.shape
    T = B * S
    hs = hidden_states.reshape(T, H)
    E = gate_w.shape[0]
    I = gate_proj.shape[1]
    Ip = I // SPLIT
    Hp = H // SPLIT

    logits = pl.pallas_call(
        _logits_body,
        out_shape=jax.ShapeDtypeStruct((T, E), jnp.float32),
    )(hs, gate_w)

    comb = pl.kernel(
        _router_sc_body,
        out_type=jax.ShapeDtypeStruct((T, E), jnp.float32),
        mesh=plsc.VectorSubcoreMesh(core_axis_name="c", subcore_axis_name="s"),
        scratch_types=[
            pltpu.VMEM((E,), jnp.float32),
            pltpu.VMEM((E,), jnp.float32),
        ],
    )(logits)

    gu_specs = [pl.BlockSpec((T, H), lambda i: (0, 0))]
    for p in range(SPLIT):
        gu_specs.append(
            pl.BlockSpec((E_BLK, Ip, H), lambda i, p=p: (i, p, 0)))
    for p in range(SPLIT):
        gu_specs.append(
            pl.BlockSpec((E_BLK, Ip, H), lambda i, p=p: (i, p, 0)))

    act = pl.pallas_call(
        _gateup_body,
        grid=(E // E_BLK,),
        in_specs=gu_specs,
        out_specs=pl.BlockSpec((T, E_BLK * I), lambda i: (0, i)),
        out_shape=jax.ShapeDtypeStruct((T, E * I), jnp.float32),
        compiler_params=pltpu.CompilerParams(
            dimension_semantics=("arbitrary",),
        ),
    )(hs, *([gate_proj] * SPLIT), *([up_proj] * SPLIT))

    dn_specs = [
        pl.BlockSpec((T, E_BLK * I), lambda i: (0, i)),
        pl.BlockSpec((T, E), lambda i: (0, 0)),
    ]
    for p in range(SPLIT):
        dn_specs.append(
            pl.BlockSpec((E_BLK, Hp, I), lambda i, p=p: (i, p, 0)))

    final = pl.pallas_call(
        _down_body,
        grid=(E // E_BLK,),
        in_specs=dn_specs,
        out_specs=pl.BlockSpec((T, H), lambda i: (0, 0)),
        out_shape=jax.ShapeDtypeStruct((T, H), jnp.float32),
        compiler_params=pltpu.CompilerParams(
            dimension_semantics=("arbitrary",),
        ),
    )(act, comb, *([down_proj] * SPLIT))

    return final.reshape(B, S, H), logits

# --- scband reference (transcript-rebuilt; emitter-appended) ---
"""Pipeline reference for scband-qwen3-moe-sparse-moe-block-21638045237563 (READ-ONLY COPY).

The authoritative reference and input builder live on the scoring server;
editing this copy changes nothing except your own understanding.
"""

import jax, jax.numpy as jnp
import numpy as np

NUM_EXPERTS = 64
TOP_K = 8
HIDDEN = 1024
INTER = 512
NORM_TOPK_PROB = True
BATCH = 64
SEQ = 1


def setup_inputs(seed: int = 0) -> dict:
    key = jax.random.key(seed)
    k1, k2, k3, k4, k5 = jax.random.split(key, 5)
    hidden_states = jax.random.normal(k1, (BATCH, SEQ, HIDDEN), dtype=jnp.float32)
    gate_w = jax.random.normal(k2, (NUM_EXPERTS, HIDDEN), dtype=jnp.float32) * 0.02
    gate_proj = jax.random.normal(k3, (NUM_EXPERTS, INTER, HIDDEN), dtype=jnp.float32) * 0.02
    up_proj = jax.random.normal(k4, (NUM_EXPERTS, INTER, HIDDEN), dtype=jnp.float32) * 0.02
    down_proj = jax.random.normal(k5, (NUM_EXPERTS, HIDDEN, INTER), dtype=jnp.float32) * 0.02
    return {"hidden_states": hidden_states, "gate_w": gate_w, "gate_proj": gate_proj, "up_proj": up_proj, "down_proj": down_proj}


def reference(hidden_states, gate_w, gate_proj, up_proj, down_proj):
    B, S, H = hidden_states.shape
    hs = hidden_states.reshape(-1, H)
    # router
    router_logits = hs @ gate_w.T  # (T, E)
    routing_probs = jax.nn.softmax(router_logits.astype(jnp.float32), axis=1)
    routing_weights, selected_experts = jax.lax.top_k(routing_probs, TOP_K)  # (T, K)
    if NORM_TOPK_PROB:
        routing_weights = routing_weights / jnp.sum(routing_weights, axis=-1, keepdims=True)
    routing_weights = routing_weights.astype(hs.dtype)
    # combine weight per (token, expert); zero for unselected experts -> mathematically
    # identical to the torch masked loop with index_add_ accumulation.
    one_hot = jax.nn.one_hot(selected_experts, NUM_EXPERTS, dtype=hs.dtype)  # (T, K, E)
    combine = jnp.einsum('tk,tke->te', routing_weights, one_hot)  # (T, E)
    # per-expert SwiGLU MLP
    gate_out = jnp.einsum('th,eih->eti', hs, gate_proj)  # (E, T, I)
    up_out = jnp.einsum('th,eih->eti', hs, up_proj)      # (E, T, I)
    act = jax.nn.silu(gate_out) * up_out                  # (E, T, I)
    expert_out = jnp.einsum('eti,ehi->eth', act, down_proj)  # (E, T, H)
    final = jnp.einsum('eth,te->th', expert_out, combine)     # (T, H)
    final_hidden_states = final.reshape(B, S, H)
    return final_hidden_states, router_logits

if __name__ == "__main__":
    import jax
    _d = setup_inputs()
    print(jax.jit(kernel)(*tuple(_d.values())))

</pallas_src>

<mosaic_0001>
#map = affine_map<(d0, d1) -> (0, 0)>
module attributes {stable_mosaic.version = 14 : i64} {
  func.func @_router_sc_body(%arg0: i32, %arg1: i32, %arg2: memref<64x64xf32, #tpu.memory_space<hbm>>, %arg3: memref<64x64xf32, #tpu.memory_space<hbm>>, %arg4: memref<64xf32, #tpu.memory_space<vmem>>, %arg5: memref<64xf32, #tpu.memory_space<vmem>>) attributes {dimension_semantics = [#tpu.dimension_semantics<core_parallel>, #tpu.dimension_semantics<subcore_parallel>], iteration_bounds = array<i64: 2, 16>, scalar_prefetch = 0 : i64, scratch_operands = 2 : i64, tpu.core_type = #tpu.core_type<sc_vector_subcore>, window_params = [{transform_indices = #map}, {transform_indices = #map}]} {
    %mul3A = arith.constant 2 : i32
    %mul3A_0 = arith.muli %arg1, %mul3A : i32
    %add3A = arith.addi %mul3A_0, %arg0 : i32
    %iota3A = tpu.iota {dimensions = array<i32: 0>} : vector<16xi32>
    %add3A_1 = arith.constant 0 : i32
    %add3A_2 = vector.broadcast %add3A_1 : i32 to vector<16xi32>
    %add3A_3 = arith.addi %iota3A, %add3A_2 : vector<16xi32>
    %iota3A_4 = tpu.iota {dimensions = array<i32: 0>} : vector<16xi32>
    %add3A_5 = arith.constant 16 : i32
    %add3A_6 = vector.broadcast %add3A_5 : i32 to vector<16xi32>
    %add3A_7 = arith.addi %iota3A_4, %add3A_6 : vector<16xi32>
    %iota3A_8 = tpu.iota {dimensions = array<i32: 0>} : vector<16xi32>
    %add3A_9 = arith.constant 32 : i32
    %add3A_10 = vector.broadcast %add3A_9 : i32 to vector<16xi32>
    %add3A_11 = arith.addi %iota3A_8, %add3A_10 : vector<16xi32>
    %iota3A_12 = tpu.iota {dimensions = array<i32: 0>} : vector<16xi32>
    %add3A_13 = arith.constant 48 : i32
    %add3A_14 = vector.broadcast %add3A_13 : i32 to vector<16xi32>
    %add3A_15 = arith.addi %iota3A_12, %add3A_14 : vector<16xi32>
    %mul3A_16 = arith.constant 2 : i32
    %mul3A_17 = arith.muli %add3A, %mul3A_16 : i32
    %add3A_18 = arith.constant 0 : i32
    %add3A_19 = arith.addi %mul3A_17, %add3A_18 : i32
    "tpu.region"() ({
      %run_scoped3A = tpu.sem_alloc : memref<!tpu.dma_semaphore, #tpu.memory_space<semaphore_mem>>
      %dma_start3A = arith.constant 0 : i32
      %dma_start3A_2858 = tpu.memref_slice %arg2[%add3A_19, %dma_start3A] : memref<64x64xf32, #tpu.memory_space<hbm>> -> memref<1x64xf32, #tpu.memory_space<hbm>>
      %dma_start3A_2859 = tpu.memref_squeeze %dma_start3A_2858 : memref<1x64xf32, #tpu.memory_space<hbm>> -> memref<64xf32, #tpu.memory_space<hbm>>
      %dma_start3A_2860 = arith.constant 0 : i32
      %dma_start3A_2861 = tpu.memref_slice %arg2[%add3A_19, %dma_start3A_2860] : memref<64x64xf32, #tpu.memory_space<hbm>> -> memref<1x64xf32, #tpu.memory_space<hbm>>
      %dma_start3A_2862 = tpu.memref_squeeze %dma_start3A_2861 : memref<1x64xf32, #tpu.memory_space<hbm>> -> memref<64xf32, #tpu.memory_space<hbm>>
      tpu.enqueue_dma source(%dma_start3A_2862 : memref<64xf32, #tpu.memory_space<hbm>>) target(%arg4 : memref<64xf32, #tpu.memory_space<vmem>>) target_semaphore(%run_scoped3A : memref<!tpu.dma_semaphore, #tpu.memory_space<semaphore_mem>>)
      %dma_wait3A = arith.constant 0 : i32
      %dma_wait3A_2863 = tpu.memref_slice %arg2[%add3A_19, %dma_wait3A] : memref<64x64xf32, #tpu.memory_space<hbm>> -> memref<1x64xf32, #tpu.memory_space<hbm>>
      %dma_wait3A_2864 = tpu.memref_squeeze %dma_wait3A_2863 : memref<1x64xf32, #tpu.memory_space<hbm>> -> memref<64xf32, #tpu.memory_space<hbm>>
      %dma_wait3A_2865 = arith.constant 0 : i32
      %dma_wait3A_2866 = tpu.memref_slice %arg2[%add3A_19, %dma_wait3A_2865] : memref<64x64xf32, #tpu.memory_space<hbm>> -> memref<1x64xf32, #tpu.memory_space<hbm>>
      %dma_wait3A_2867 = tpu.memref_squeeze %dma_wait3A_2866 : memref<1x64xf32, #tpu.memory_space<hbm>> -> memref<64xf32, #tpu.memory_space<hbm>>
      tpu.wait_dma2 semaphore(%run_scoped3A : memref<!tpu.dma_semaphore, #tpu.memory_space<semaphore_mem>>) src(%dma_wait3A_2867 : memref<64xf32, #tpu.memory_space<hbm>>) dst(%arg4 : memref<64xf32, #tpu.memory_space<vmem>>)
      tpu.yield
    }) : () -> ()
    %get3A = arith.constant 0 : index
    %get3A_20 = tpu.vector_load %arg4[%get3A] {strides = array<i32>} : memref<64xf32, #tpu.memory_space<vmem>>, vector<16xf32>,
    %get3A_21 = vector.shape_cast %get3A_20 : vector<16xf32> to vector<16xf32>
    %get3A_22 = arith.constant 16 : index
    %get3A_23 = tpu.vector_load %arg4[%get3A_22] {strides = array<i32>} : memref<64xf32, #tpu.memory_space<vmem>>, vector<16xf32>,
    %get3A_24 = vector.shape_cast %get3A_23 : vector<16xf32> to vector<16xf32>
    %get3A_25 = arith.constant 32 : index
    %get3A_26 = tpu.vector_load %arg4[%get3A_25] {strides = array<i32>} : memref<64xf32, #tpu.memory_space<vmem>>, vector<16xf32>,
    %get3A_27 = vector.shape_cast %get3A_26 : vector<16xf32> to vector<16xf32>
    %get3A_28 = arith.constant 48 : index
    %get3A_29 = tpu.vector_load %arg4[%get3A_28] {strides = array<i32>} : memref<64xf32, #tpu.memory_space<vmem>>, vector<16xf32>,
    %get3A_30 = vector.shape_cast %get3A_29 : vector<16xf32> to vector<16xf32>
    %broadcast_in_dim3A = arith.constant 0.000000e+00 : f32
    %broadcast_in_dim3A_31 = vector.broadcast %broadcast_in_dim3A : f32 to vector<16xf32>
    %broadcast_in_dim3A_32 = arith.constant 0.000000e+00 : f32
    %broadcast_in_dim3A_33 = vector.broadcast %broadcast_in_dim3A_32 : f32 to vector<16xf32>
    %broadcast_in_dim3A_34 = arith.constant 0.000000e+00 : f32
    %broadcast_in_dim3A_35 = vector.broadcast %broadcast_in_dim3A_34 : f32 to vector<16xf32>
    %broadcast_in_dim3A_36 = arith.constant 0.000000e+00 : f32
    %broadcast_in_dim3A_37 = vector.broadcast %broadcast_in_dim3A_36 : f32 to vector<16xf32>
    %max3A = arith.maximumf %get3A_21, %get3A_24 : vector<16xf32>
    %max3A_38 = arith.maximumf %max3A, %get3A_27 : vector<16xf32>
    %max3A_39 = arith.maximumf %max3A_38, %get3A_30 : vector<16xf32>
    %iota3A_40 = tpu.iota {dimensions = array<i32: 0>} : vector<16xi32>
    %xor3A = arith.constant 8 : i32
    %xor3A_41 = vector.broadcast %xor3A : i32 to vector<16xi32>
    %xor3A_42 = arith.xori %iota3A_40, %xor3A_41 : vector<16xi32>
    %lt3A = arith.constant 0 : i32
    %lt3A_43 = vector.broadcast %lt3A : i32 to vector<16xi32>
    %lt3A_44 = arith.cmpi slt, %xor3A_42, %lt3A_43 : vector<16xi32>
    %add3A_45 = arith.constant 16 : i32
    %add3A_46 = vector.broadcast %add3A_45 : i32 to vector<16xi32>
    %add3A_47 = arith.addi %xor3A_42, %add3A_46 : vector<16xi32>
    %select_n3A = arith.select %lt3A_44, %add3A_47, %xor3A_42 : vector<16xi1>, vector<16xi32>
    %broadcast_in_dim3A_48 = vector.shape_cast %select_n3A : vector<16xi32> to vector<16x1xi32>
    %gather3A = vector.shape_cast %broadcast_in_dim3A_48 : vector<16x1xi32> to vector<16xi32>
    %gather3A_49 = tpu.dynamic_gather %max3A_39[%gather3A] in [0] : vector<16xf32>, vector<16xi32> -> vector<16xf32>
    %max3A_50 = arith.maximumf %max3A_39, %gather3A_49 : vector<16xf32>
    %xor3A_51 = arith.constant 4 : i32
    %xor3A_52 = vector.broadcast %xor3A_51 : i32 to vector<16xi32>
    %xor3A_53 = arith.xori %iota3A_40, %xor3A_52 : vector<16xi32>
    %lt3A_54 = arith.constant 0 : i32
    %lt3A_55 = vector.broadcast %lt3A_54 : i32 to vector<16xi32>
    %lt3A_56 = arith.cmpi slt, %xor3A_53, %lt3A_55 : vector<16xi32>
    %add3A_57 = arith.constant 16 : i32
    %add3A_58 = vector.broadcast %add3A_57 : i32 to vector<16xi32>
    %add3A_59 = arith.addi %xor3A_53, %add3A_58 : vector<16xi32>
    %select_n3A_60 = arith.select %lt3A_56, %add3A_59, %xor3A_53 : vector<16xi1>, vector<16xi32>
    %broadcast_in_dim3A_61 = vector.shape_cast %select_n3A_60 : vector<16xi32> to vector<16x1xi32>
    %gather3A_62 = vector.shape_cast %broadcast_in_dim3A_61 : vector<16x1xi32> to vector<16xi32>
    %gather3A_63 = tpu.dynamic_gather %max3A_50[%gather3A_62] in [0] : vector<16xf32>, vector<16xi32> -> vector<16xf32>
    %max3A_64 = arith.maximumf %max3A_50, %gather3A_63 : vector<16xf32>
    %xor3A_65 = arith.constant 2 : i32
    %xor3A_66 = vector.broadcast %xor3A_65 : i32 to vector<16xi32>
    %xor3A_67 = arith.xori %iota3A_40, %xor3A_66 : vector<16xi32>
    %lt3A_68 = arith.constant 0 : i32
    %lt3A_69 = vector.broadcast %lt3A_68 : i32 to vector<16xi32>
    %lt3A_70 = arith.cmpi slt, %xor3A_67, %lt3A_69 : vector<16xi32>
    %add3A_71 = arith.constant 16 : i32
    %add3A_72 = vector.broadcast %add3A_71 : i32 to vector<16xi32>
    %add3A_73 = arith.addi %xor3A_67, %add3A_72 : vector<16xi32>
    %select_n3A_74 = arith.select %lt3A_70, %add3A_73, %xor3A_67 : vector<16xi1>, vector<16xi32>
    %broadcast_in_dim3A_75 = vector.shape_cast %select_n3A_74 : vector<16xi32> to vector<16x1xi32>
    %gather3A_76 = vector.shape_cast %broadcast_in_dim3A_75 : vector<16x1xi32> to vector<16xi32>
    %gather3A_77 = tpu.dynamic_gather %max3A_64[%gather3A_76] in [0] : vector<16xf32>, vector<16xi32> -> vector<16xf32>
    %max3A_78 = arith.maximumf %max3A_64, %gather3A_77 : vector<16xf32>
    %xor3A_79 = arith.constant 1 : i32
    %xor3A_80 = vector.broadcast %xor3A_79 : i32 to vector<16xi32>
    %xor3A_81 = arith.xori %iota3A_40, %xor3A_80 : vector<16xi32>
    %lt3A_82 = arith.constant 0 : i32
    %lt3A_83 = vector.broadcast %lt3A_82 : i32 to vector<16xi32>
    %lt3A_84 = arith.cmpi slt, %xor3A_81, %lt3A_83 : vector<16xi32>
    %add3A_85 = arith.constant 16 : i32
    %add3A_86 = vector.broadcast %add3A_85 : i32 to vector<16xi32>
    %add3A_87 = arith.addi %xor3A_81, %add3A_86 : vector<16xi32>
    %select_n3A_88 = arith.select %lt3A_84, %add3A_87, %xor3A_81 : vector<16xi1>, vector<16xi32>
    %broadcast_in_dim3A_89 = vector.shape_cast %select_n3A_88 : vector<16xi32> to vector<16x1xi32>
    %gather3A_90 = vector.shape_cast %broadcast_in_dim3A_89 : vector<16x1xi32> to vector<16xi32>
    %gather3A_91 = tpu.dynamic_gather %max3A_78[%gather3A_90] in [0] : vector<16xf32>, vector<16xi32> -> vector<16xf32>
    %max3A_92 = arith.maximumf %max3A_78, %gather3A_91 : vector<16xf32>
    %eq3A = arith.cmpf oeq, %get3A_21, %max3A_92 : vector<16xf32>
    %jit3A = arith.constant 64 : i32
    %broadcast_in_dim3A_93 = vector.broadcast %jit3A : i32 to vector<16xi32>
    %select_n3A_94 = arith.select %eq3A, %add3A_3, %broadcast_in_dim3A_93 : vector<16xi1>, vector<16xi32>
    %eq3A_95 = arith.cmpf oeq, %get3A_24, %max3A_92 : vector<16xf32>
    %jit3A_96 = arith.constant 64 : i32
    %broadcast_in_dim3A_97 = vector.broadcast %jit3A_96 : i32 to vector<16xi32>
    %select_n3A_98 = arith.select %eq3A_95, %add3A_7, %broadcast_in_dim3A_97 : vector<16xi1>, vector<16xi32>
    %eq3A_99 = arith.cmpf oeq, %get3A_27, %max3A_92 : vector<16xf32>
    %jit3A_100 = arith.constant 64 : i32
    %broadcast_in_dim3A_101 = vector.broadcast %jit3A_100 : i32 to vector<16xi32>
    %select_n3A_102 = arith.select %eq3A_99, %add3A_11, %broadcast_in_dim3A_101 : vector<16xi1>, vector<16xi32>
    %eq3A_103 = arith.cmpf oeq, %get3A_30, %max3A_92 : vector<16xf32>
    %jit3A_104 = arith.constant 64 : i32
    %broadcast_in_dim3A_105 = vector.broadcast %jit3A_104 : i32 to vector<16xi32>
    %select_n3A_106 = arith.select %eq3A_103, %add3A_15, %broadcast_in_dim3A_105 : vector<16xi1>, vector<16xi32>
    %min3A = arith.minsi %select_n3A_94, %select_n3A_98 : vector<16xi32>
    %min3A_107 = arith.minsi %min3A, %select_n3A_102 : vector<16xi32>
    %min3A_108 = arith.minsi %min3A_107, %select_n3A_106 : vector<16xi32>
    %iota3A_109 = tpu.iota {dimensions = array<i32: 0>} : vector<16xi32>
    %xor3A_110 = arith.constant 8 : i32
    %xor3A_111 = vector.broadcast %xor3A_110 : i32 to vector<16xi32>
    %xor3A_112 = arith.xori %iota3A_109, %xor3A_111 : vector<16xi32>
    %lt3A_113 = arith.constant 0 : i32
    %lt3A_114 = vector.broadcast %lt3A_113 : i32 to vector<16xi32>
    %lt3A_115 = arith.cmpi slt, %xor3A_112, %lt3A_114 : vector<16xi32>
    %add3A_116 = arith.constant 16 : i32
    %add3A_117 = vector.broadcast %add3A_116 : i32 to vector<16xi32>
    %add3A_118 = arith.addi %xor3A_112, %add3A_117 : vector<16xi32>
    %select_n3A_119 = arith.select %lt3A_115, %add3A_118, %xor3A_112 : vector<16xi1>, vector<16xi32>
    %broadcast_in_dim3A_120 = vector.shape_cast %select_n3A_119 : vector<16xi32> to vector<16x1xi32>
    %gather3A_121 = vector.shape_cast %broadcast_in_dim3A_120 : vector<16x1xi32> to vector<16xi32>
    %gather3A_122 = tpu.dynamic_gather %min3A_108[%gather3A_121] in [0] : vector<16xi32>, vector<16xi32> -> vector<16xi32>
    %min3A_123 = arith.minsi %min3A_108, %gather3A_122 : vector<16xi32>
    %xor3A_124 = arith.constant 4 : i32
    %xor3A_125 = vector.broadcast %xor3A_124 : i32 to vector<16xi32>
    %xor3A_126 = arith.xori %iota3A_109, %xor3A_125 : vector<16xi32>
    %lt3A_127 = arith.constant 0 : i32
    %lt3A_128 = vector.broadcast %lt3A_127 : i32 to vector<16xi32>
    %lt3A_129 = arith.cmpi slt, %xor3A_126, %lt3A_128 : vector<16xi32>
    %add3A_130 = arith.constant 16 : i32
    %add3A_131 = vector.broadcast %add3A_130 : i32 to vector<16xi32>
    %add3A_132 = arith.addi %xor3A_126, %add3A_131 : vector<16xi32>
    %select_n3A_133 = arith.select %lt3A_129, %add3A_132, %xor3A_126 : vector<16xi1>, vector<16xi32>
    %broadcast_in_dim3A_134 = vector.shape_cast %select_n3A_133 : vector<16xi32> to vector<16x1xi32>
    %gather3A_135 = vector.shape_cast %broadcast_in_dim3A_134 : vector<16x1xi32> to vector<16xi32>
    %gather3A_136 = tpu.dynamic_gather %min3A_123[%gather3A_135] in [0] : vector<16xi32>, vector<16xi32> -> vector<16xi32>
    %min3A_137 = arith.minsi %min3A_123, %gather3A_136 : vector<16xi32>
    %xor3A_138 = arith.constant 2 : i32
    %xor3A_139 = vector.broadcast %xor3A_138 : i32 to vector<16xi32>
    %xor3A_140 = arith.xori %iota3A_109, %xor3A_139 : vector<16xi32>
    %lt3A_141 = arith.constant 0 : i32
    %lt3A_142 = vector.broadcast %lt3A_141 : i32 to vector<16xi32>
    %lt3A_143 = arith.cmpi slt, %xor3A_140, %lt3A_142 : vector<16xi32>
    %add3A_144 = arith.constant 16 : i32
    %add3A_145 = vector.broadcast %add3A_144 : i32 to vector<16xi32>
    %add3A_146 = arith.addi %xor3A_140, %add3A_145 : vector<16xi32>
    %select_n3A_147 = arith.select %lt3A_143, %add3A_146, %xor3A_140 : vector<16xi1>, vector<16xi32>
    %broadcast_in_dim3A_148 = vector.shape_cast %select_n3A_147 : vector<16xi32> to vector<16x1xi32>
    %gather3A_149 = vector.shape_cast %broadcast_in_dim3A_148 : vector<16x1xi32> to vector<16xi32>
    %gather3A_150 = tpu.dynamic_gather %min3A_137[%gather3A_149] in [0] : vector<16xi32>, vector<16xi32> -> vector<16xi32>
    %min3A_151 = arith.minsi %min3A_137, %gather3A_150 : vector<16xi32>
    %xor3A_152 = arith.constant 1 : i32
    %xor3A_153 = vector.broadcast %xor3A_152 : i32 to vector<16xi32>
    %xor3A_154 = arith.xori %iota3A_109, %xor3A_153 : vector<16xi32>
    %lt3A_155 = arith.constant 0 : i32
    %lt3A_156 = vector.broadcast %lt3A_155 : i32 to vector<16xi32>
    %lt3A_157 = arith.cmpi slt, %xor3A_154, %lt3A_156 : vector<16xi32>
    %add3A_158 = arith.constant 16 : i32
    %add3A_159 = vector.broadcast %add3A_158 : i32 to vector<16xi32>
    %add3A_160 = arith.addi %xor3A_154, %add3A_159 : vector<16xi32>
    %select_n3A_161 = arith.select %lt3A_157, %add3A_160, %xor3A_154 : vector<16xi1>, vector<16xi32>
    %broadcast_in_dim3A_162 = vector.shape_cast %select_n3A_161 : vector<16xi32> to vector<16x1xi32>
    %gather3A_163 = vector.shape_cast %broadcast_in_dim3A_162 : vector<16x1xi32> to vector<16xi32>
    %gather3A_164 = tpu.dynamic_gather %min3A_151[%gather3A_163] in [0] : vector<16xi32>, vector<16xi32> -> vector<16xi32>
    %min3A_165 = arith.minsi %min3A_151, %gather3A_164 : vector<16xi32>
    %eq3A_166 = arith.cmpi eq, %add3A_3, %min3A_165 : vector<16xi32>
    %jit3A_167 = arith.constant 1.000000e+00 : f32
    %broadcast_in_dim3A_168 = vector.broadcast %jit3A_167 : f32 to vector<16xf32>
    %select_n3A_169 = arith.select %eq3A_166, %broadcast_in_dim3A_168, %broadcast_in_dim3A_31 : vector<16xi1>, vector<16xf32>
    %jit3A_170 = arith.constant -3.400000e+38 : f32
    %broadcast_in_dim3A_171 = vector.broadcast %jit3A_170 : f32 to vector<16xf32>
    %select_n3A_172 = arith.select %eq3A_166, %broadcast_in_dim3A_171, %get3A_21 : vector<16xi1>, vector<16xf32>
    %eq3A_173 = arith.cmpi eq, %add3A_7, %min3A_165 : vector<16xi32>
    %jit3A_174 = arith.constant 1.000000e+00 : f32
    %broadcast_in_dim3A_175 = vector.broadcast %jit3A_174 : f32 to vector<16xf32>
    %select_n3A_176 = arith.select %eq3A_173, %broadcast_in_dim3A_175, %broadcast_in_dim3A_33 : vector<16xi1>, vector<16xf32>
    %jit3A_177 = arith.constant -3.400000e+38 : f32
    %broadcast_in_dim3A_178 = vector.broadcast %jit3A_177 : f32 to vector<16xf32>
    %select_n3A_179 = arith.select %eq3A_173, %broadcast_in_dim3A_178, %get3A_24 : vector<16xi1>, vector<16xf32>
    %eq3A_180 = arith.cmpi eq, %add3A_11, %min3A_165 : vector<16xi32>
    %jit3A_181 = arith.constant 1.000000e+00 : f32
    %broadcast_in_dim3A_182 = vector.broadcast %jit3A_181 : f32 to vector<16xf32>
    %select_n3A_183 = arith.select %eq3A_180, %broadcast_in_dim3A_182, %broadcast_in_dim3A_35 : vector<16xi1>, vector<16xf32>
    %jit3A_184 = arith.constant -3.400000e+38 : f32
    %broadcast_in_dim3A_185 = vector.broadcast %jit3A_184 : f32 to vector<16xf32>
    %select_n3A_186 = arith.select %eq3A_180, %broadcast_in_dim3A_185, %get3A_27 : vector<16xi1>, vector<16xf32>
    %eq3A_187 = arith.cmpi eq, %add3A_15, %min3A_165 : vector<16xi32>
    %jit3A_188 = arith.constant 1.000000e+00 : f32
    %broadcast_in_dim3A_189 = vector.broadcast %jit3A_188 : f32 to vector<16xf32>
    %select_n3A_190 = arith.select %eq3A_187, %broadcast_in_dim3A_189, %broadcast_in_dim3A_37 : vector<16xi1>, vector<16xf32>
    %jit3A_191 = arith.constant -3.400000e+38 : f32
    %broadcast_in_dim3A_192 = vector.broadcast %jit3A_191 : f32 to vector<16xf32>
    %select_n3A_193 = arith.select %eq3A_187, %broadcast_in_dim3A_192, %get3A_30 : vector<16xi1>, vector<16xf32>
    %max3A_194 = arith.maximumf %select_n3A_172, %select_n3A_179 : vector<16xf32>
    %max3A_195 = arith.maximumf %max3A_194, %select_n3A_186 : vector<16xf32>
    %max3A_196 = arith.maximumf %max3A_195, %select_n3A_193 : vector<16xf32>
    %iota3A_197 = tpu.iota {dimensions = array<i32: 0>} : vector<16xi32>
    %xor3A_198 = arith.constant 8 : i32
    %xor3A_199 = vector.broadcast %xor3A_198 : i32 to vector<16xi32>
    %xor3A_200 = arith.xori %iota3A_197, %xor3A_199 : vector<16xi32>
    %lt3A_201 = arith.constant 0 : i32
    %lt3A_202 = vector.broadcast %lt3A_201 : i32 to vector<16xi32>
    %lt3A_203 = arith.cmpi slt, %xor3A_200, %lt3A_202 : vector<16xi32>
    %add3A_204 = arith.constant 16 : i32
    %add3A_205 = vector.broadcast %add3A_204 : i32 to vector<16xi32>
    %add3A_206 = arith.addi %xor3A_200, %add3A_205 : vector<16xi32>
    %select_n3A_207 = arith.select %lt3A_203, %add3A_206, %xor3A_200 : vector<16xi1>, vector<16xi32>
    %broadcast_in_dim3A_208 = vector.shape_cast %select_n3A_207 : vector<16xi32> to vector<16x1xi32>
    %gather3A_209 = vector.shape_cast %broadcast_in_dim3A_208 : vector<16x1xi32> to vector<16xi32>
    %gather3A_210 = tpu.dynamic_gather %max3A_196[%gather3A_209] in [0] : vector<16xf32>, vector<16xi32> -> vector<16xf32>
    %max3A_211 = arith.maximumf %max3A_196, %gather3A_210 : vector<16xf32>
    %xor3A_212 = arith.constant 4 : i32
    %xor3A_213 = vector.broadcast %xor3A_212 : i32 to vector<16xi32>
    %xor3A_214 = arith.xori %iota3A_197, %xor3A_213 : vector<16xi32>
    %lt3A_215 = arith.constant 0 : i32
    %lt3A_216 = vector.broadcast %lt3A_215 : i32 to vector<16xi32>
    %lt3A_217 = arith.cmpi slt, %xor3A_214, %lt3A_216 : vector<16xi32>
    %add3A_218 = arith.constant 16 : i32
    %add3A_219 = vector.broadcast %add3A_218 : i32 to vector<16xi32>
    %add3A_220 = arith.addi %xor3A_214, %add3A_219 : vector<16xi32>
    %select_n3A_221 = arith.select %lt3A_217, %add3A_220, %xor3A_214 : vector<16xi1>, vector<16xi32>
    %broadcast_in_dim3A_222 = vector.shape_cast %select_n3A_221 : vector<16xi32> to vector<16x1xi32>
    %gather3A_223 = vector.shape_cast %broadcast_in_dim3A_222 : vector<16x1xi32> to vector<16xi32>
    %gather3A_224 = tpu.dynamic_gather %max3A_211[%gather3A_223] in [0] : vector<16xf32>, vector<16xi32> -> vector<16xf32>
    %max3A_225 = arith.maximumf %max3A_211, %gather3A_224 : vector<16xf32>
    %xor3A_226 = arith.constant 2 : i32
    %xor3A_227 = vector.broadcast %xor3A_226 : i32 to vector<16xi32>
    %xor3A_228 = arith.xori %iota3A_197, %xor3A_227 : vector<16xi32>
    %lt3A_229 = arith.constant 0 : i32
    %lt3A_230 = vector.broadcast %lt3A_229 : i32 to vector<16xi32>
    %lt3A_231 = arith.cmpi slt, %xor3A_228, %lt3A_230 : vector<16xi32>
    %add3A_232 = arith.constant 16 : i32
    %add3A_233 = vector.broadcast %add3A_232 : i32 to vector<16xi32>
    %add3A_234 = arith.addi %xor3A_228, %add3A_233 : vector<16xi32>
    %select_n3A_235 = arith.select %lt3A_231, %add3A_234, %xor3A_228 : vector<16xi1>, vector<16xi32>
    %broadcast_in_dim3A_236 = vector.shape_cast %select_n3A_235 : vector<16xi32> to vector<16x1xi32>
    %gather3A_237 = vector.shape_cast %broadcast_in_dim3A_236 : vector<16x1xi32> to vector<16xi32>
    %gather3A_238 = tpu.dynamic_gather %max3A_225[%gather3A_237] in [0] : vector<16xf32>, vector<16xi32> -> vector<16xf32>
    %max3A_239 = arith.maximumf %max3A_225, %gather3A_238 : vector<16xf32>
    %xor3A_240 = arith.constant 1 : i32
    %xor3A_241 = vector.broadcast %xor3A_240 : i32 to vector<16xi32>
    %xor3A_242 = arith.xori %iota3A_197, %xor3A_241 : vector<16xi32>
    %lt3A_243 = arith.constant 0 : i32
    %lt3A_244 = vector.broadcast %lt3A_243 : i32 to vector<16xi32>
    %lt3A_245 = arith.cmpi slt, %xor3A_242, %lt3A_244 : vector<16xi32>
    %add3A_246 = arith.constant 16 : i32
    %add3A_247 = vector.broadcast %add3A_246 : i32 to vector<16xi32>
    %add3A_248 = arith.addi %xor3A_242, %add3A_247 : vector<16xi32>
    %select_n3A_249 = arith.select %lt3A_245, %add3A_248, %xor3A_242 : vector<16xi1>, vector<16xi32>
    %broadcast_in_dim3A_250 = vector.shape_cast %select_n3A_249 : vector<16xi32> to vector<16x1xi32>
    %gather3A_251 = vector.shape_cast %broadcast_in_dim3A_250 : vector<16x1xi32> to vector<16xi32>
    %gather3A_252 = tpu.dynamic_gather %max3A_239[%gather3A_251] in [0] : vector<16xf32>, vector<16xi32> -> vector<16xf32>
    %max3A_253 = arith.maximumf %max3A_239, %gather3A_252 : vector<16xf32>
    %eq3A_254 = arith.cmpf oeq, %select_n3A_172, %max3A_253 : vector<16xf32>
    %jit3A_255 = arith.constant 64 : i32
    %broadcast_in_dim3A_256 = vector.broadcast %jit3A_255 : i32 to vector<16xi32>
    %select_n3A_257 = arith.select %eq3A_254, %add3A_3, %broadcast_in_dim3A_256 : vector<16xi1>, vector<16xi32>
    %eq3A_258 = arith.cmpf oeq, %select_n3A_179, %max3A_253 : vector<16xf32>
    %jit3A_259 = arith.constant 64 : i32
    %broadcast_in_dim3A_260 = vector.broadcast %jit3A_259 : i32 to vector<16xi32>
    %select_n3A_261 = arith.select %eq3A_258, %add3A_7, %broadcast_in_dim3A_260 : vector<16xi1>, vector<16xi32>
    %eq3A_262 = arith.cmpf oeq, %select_n3A_186, %max3A_253 : vector<16xf32>
    %jit3A_263 = arith.constant 64 : i32
    %broadcast_in_dim3A_264 = vector.broadcast %jit3A_263 : i32 to vector<16xi32>
    %select_n3A_265 = arith.select %eq3A_262, %add3A_11, %broadcast_in_dim3A_264 : vector<16xi1>, vector<16xi32>
    %eq3A_266 = arith.cmpf oeq, %select_n3A_193, %max3A_253 : vector<16xf32>
    %jit3A_267 = arith.constant 64 : i32
    %broadcast_in_dim3A_268 = vector.broadcast %jit3A_267 : i32 to vector<16xi32>
    %select_n3A_269 = arith.select %eq3A_266, %add3A_15, %broadcast_in_dim3A_268 : vector<16xi1>, vector<16xi32>
    %min3A_270 = arith.minsi %select_n3A_257, %select_n3A_261 : vector<16xi32>
    %min3A_271 = arith.minsi %min3A_270, %select_n3A_265 : vector<16xi32>
    %min3A_272 = arith.minsi %min3A_271, %select_n3A_269 : vector<16xi32>
    %iota3A_273 = tpu.iota {dimensions = array<i32: 0>} : vector<16xi32>
    %xor3A_274 = arith.constant 8 : i32
    %xor3A_275 = vector.broadcast %xor3A_274 : i32 to vector<16xi32>
    %xor3A_276 = arith.xori %iota3A_273, %xor3A_275 : vector<16xi32>
    %lt3A_277 = arith.constant 0 : i32
    %lt3A_278 = vector.broadcast %lt3A_277 : i32 to vector<16xi32>
    %lt3A_279 = arith.cmpi slt, %xor3A_276, %lt3A_278 : vector<16xi32>
    %add3A_280 = arith.constant 16 : i32
    %add3A_281 = vector.broadcast %add3A_280 : i32 to vector<16xi32>
    %add3A_282 = arith.addi %xor3A_276, %add3A_281 : vector<16xi32>
    %select_n3A_283 = arith.select %lt3A_279, %add3A_282, %xor3A_276 : vector<16xi1>, vector<16xi32>
    %broadcast_in_dim3A_284 = vector.shape_cast %select_n3A_283 : vector<16xi32> to vector<16x1xi32>
    %gather3A_285 = vector.shape_cast %broadcast_in_dim3A_284 : vector<16x1xi32> to vector<16xi32>
    %gather3A_286 = tpu.dynamic_gather %min3A_272[%gather3A_285] in [0] : vector<16xi32>, vector<16xi32> -> vector<16xi32>
    %min3A_287 = arith.minsi %min3A_272, %gather3A_286 : vector<16xi32>
    %xor3A_288 = arith.constant 4 : i32
    %xor3A_289 = vector.broadcast %xor3A_288 : i32 to vector<16xi32>
    %xor3A_290 = arith.xori %iota3A_273, %xor3A_289 : vector<16xi32>
    %lt3A_291 = arith.constant 0 : i32
    %lt3A_292 = vector.broadcast %lt3A_291 : i32 to vector<16xi32>
    %lt3A_293 = arith.cmpi slt, %xor3A_290, %lt3A_292 : vector<16xi32>
    %add3A_294 = arith.constant 16 : i32
    %add3A_295 = vector.broadcast %add3A_294 : i32 to vector<16xi32>
    %add3A_296 = arith.addi %xor3A_290, %add3A_295 : vector<16xi32>
    %select_n3A_297 = arith.select %lt3A_293, %add3A_296, %xor3A_290 : vector<16xi1>, vector<16xi32>
    %broadcast_in_dim3A_298 = vector.shape_cast %select_n3A_297 : vector<16xi32> to vector<16x1xi32>
    %gather3A_299 = vector.shape_cast %broadcast_in_dim3A_298 : vector<16x1xi32> to vector<16xi32>
    %gather3A_300 = tpu.dynamic_gather %min3A_287[%gather3A_299] in [0] : vector<16xi32>, vector<16xi32> -> vector<16xi32>
    %min3A_301 = arith.minsi %min3A_287, %gather3A_300 : vector<16xi32>
    %xor3A_302 = arith.constant 2 : i32
    %xor3A_303 = vector.broadcast %xor3A_302 : i32 to vector<16xi32>
    %xor3A_304 = arith.xori %iota3A_273, %xor3A_303 : vector<16xi32>
    %lt3A_305 = arith.constant 0 : i32
    %lt3A_306 = vector.broadcast %lt3A_305 : i32 to vector<16xi32>
    %lt3A_307 = arith.cmpi slt, %xor3A_304, %lt3A_306 : vector<16xi32>
    %add3A_308 = arith.constant 16 : i32
    %add3A_309 = vector.broadcast %add3A_308 : i32 to vector<16xi32>
    %add3A_310 = arith.addi %xor3A_304, %add3A_309 : vector<16xi32>
    %select_n3A_311 = arith.select %lt3A_307, %add3A_310, %xor3A_304 : vector<16xi1>, vector<16xi32>
    %broadcast_in_dim3A_312 = vector.shape_cast %select_n3A_311 : vector<16xi32> to vector<16x1xi32>
    %gather3A_313 = vector.shape_cast %broadcast_in_dim3A_312 : vector<16x1xi32> to vector<16xi32>
    %gather3A_314 = tpu.dynamic_gather %min3A_301[%gather3A_313] in [0] : vector<16xi32>, vector<16xi32> -> vector<16xi32>
    %min3A_315 = arith.minsi %min3A_301, %gather3A_314 : vector<16xi32>
    %xor3A_316 = arith.constant 1 : i32
    %xor3A_317 = vector.broadcast %xor3A_316 : i32 to vector<16xi32>
    %xor3A_318 = arith.xori %iota3A_273, %xor3A_317 : vector<16xi32>
    %lt3A_319 = arith.constant 0 : i32
    %lt3A_320 = vector.broadcast %lt3A_319 : i32 to vector<16xi32>
    %lt3A_321 = arith.cmpi slt, %xor3A_318, %lt3A_320 : vector<16xi32>
    %add3A_322 = arith.constant 16 : i32
    %add3A_323 = vector.broadcast %add3A_322 : i32 to vector<16xi32>
    %add3A_324 = arith.addi %xor3A_318, %add3A_323 : vector<16xi32>
    %select_n3A_325 = arith.select %lt3A_321, %add3A_324, %xor3A_318 : vector<16xi1>, vector<16xi32>
    %broadcast_in_dim3A_326 = vector.shape_cast %select_n3A_325 : vector<16xi32> to vector<16x1xi32>
    %gather3A_327 = vector.shape_cast %broadcast_in_dim3A_326 : vector<16x1xi32> to vector<16xi32>
    %gather3A_328 = tpu.dynamic_gather %min3A_315[%gather3A_327] in [0] : vector<16xi32>, vector<16xi32> -> vector<16xi32>
    %min3A_329 = arith.minsi %min3A_315, %gather3A_328 : vector<16xi32>
    %eq3A_330 = arith.cmpi eq, %add3A_3, %min3A_329 : vector<16xi32>
    %jit3A_331 = arith.constant 1.000000e+00 : f32
    %broadcast_in_dim3A_332 = vector.broadcast %jit3A_331 : f32 to vector<16xf32>
    %select_n3A_333 = arith.select %eq3A_330, %broadcast_in_dim3A_332, %select_n3A_169 : vector<16xi1>, vector<16xf32>
    %jit3A_334 = arith.constant -3.400000e+38 : f32
    %broadcast_in_dim3A_335 = vector.broadcast %jit3A_334 : f32 to vector<16xf32>
    %select_n3A_336 = arith.select %eq3A_330, %broadcast_in_dim3A_335, %select_n3A_172 : vector<16xi1>, vector<16xf32>
    %eq3A_337 = arith.cmpi eq, %add3A_7, %min3A_329 : vector<16xi32>
    %jit3A_338 = arith.constant 1.000000e+00 : f32
    %broadcast_in_dim3A_339 = vector.broadcast %jit3A_338 : f32 to vector<16xf32>
    %select_n3A_340 = arith.select %eq3A_337, %broadcast_in_dim3A_339, %select_n3A_176 : vector<16xi1>, vector<16xf32>
    %jit3A_341 = arith.constant -3.400000e+38 : f32
    %broadcast_in_dim3A_342 = vector.broadcast %jit3A_341 : f32 to vector<16xf32>
    %select_n3A_343 = arith.select %eq3A_337, %broadcast_in_dim3A_342, %select_n3A_179 : vector<16xi1>, vector<16xf32>
    %eq3A_344 = arith.cmpi eq, %add3A_11, %min3A_329 : vector<16xi32>
    %jit3A_345 = arith.constant 1.000000e+00 : f32
    %broadcast_in_dim3A_346 = vector.broadcast %jit3A_345 : f32 to vector<16xf32>
    %select_n3A_347 = arith.select %eq3A_344, %broadcast_in_dim3A_346, %select_n3A_183 : vector<16xi1>, vector<16xf32>
    %jit3A_348 = arith.constant -3.400000e+38 : f32
    %broadcast_in_dim3A_349 = vector.broadcast %jit3A_348 : f32 to vector<16xf32>
    %select_n3A_350 = arith.select %eq3A_344, %broadcast_in_dim3A_349, %select_n3A_186 : vector<16xi1>, vector<16xf32>
    %eq3A_351 = arith.cmpi eq, %add3A_15, %min3A_329 : vector<16xi32>
    %jit3A_352 = arith.constant 1.000000e+00 : f32
    %broadcast_in_dim3A_353 = vector.broadcast %jit3A_352 : f32 to vector<16xf32>
    %select_n3A_354 = arith.select %eq3A_351, %broadcast_in_dim3A_353, %select_n3A_190 : vector<16xi1>, vector<16xf32>
    %jit3A_355 = arith.constant -3.400000e+38 : f32
    %broadcast_in_dim3A_356 = vector.broadcast %jit3A_355 : f32 to vector<16xf32>
    %select_n3A_357 = arith.select %eq3A_351, %broadcast_in_dim3A_356, %select_n3A_193 : vector<16xi1>, vector<16xf32>
    %max3A_358 = arith.maximumf %select_n3A_336, %select_n3A_343 : vector<16xf32>
    %max3A_359 = arith.maximumf %max3A_358, %select_n3A_350 : vector<16xf32>
    %max3A_360 = arith.maximumf %max3A_359, %select_n3A_357 : vector<16xf32>
    %iota3A_361 = tpu.iota {dimensions = array<i32: 0>} : vector<16xi32>
    %xor3A_362 = arith.constant 8 : i32
    %xor3A_363 = vector.broadcast %xor3A_362 : i32 to vector<16xi32>
    %xor3A_364 = arith.xori %iota3A_361, %xor3A_363 : vector<16xi32>
    %lt3A_365 = arith.constant 0 : i32
    %lt3A_366 = vector.broadcast %lt3A_365 : i32 to vector<16xi32>
    %lt3A_367 = arith.cmpi slt, %xor3A_364, %lt3A_366 : vector<16xi32>
    %add3A_368 = arith.constant 16 : i32
    %add3A_369 = vector.broadcast %add3A_368 : i32 to vector<16xi32>
    %add3A_370 = arith.addi %xor3A_364, %add3A_369 : vector<16xi32>
    %select_n3A_371 = arith.select %lt3A_367, %add3A_370, %xor3A_364 : vector<16xi1>, vector<16xi32>
    %broadcast_in_dim3A_372 = vector.shape_cast %select_n3A_371 : vector<16xi32> to vector<16x1xi32>
    %gather3A_373 = vector.shape_cast %broadcast_in_dim3A_372 : vector<16x1xi32> to vector<16xi32>
    %gather3A_374 = tpu.dynamic_gather %max3A_360[%gather3A_373] in [0] : vector<16xf32>, vector<16xi32> -> vector<16xf32>
    %max3A_375 = arith.maximumf %max3A_360, %gather3A_374 : vector<16xf32>
    %xor3A_376 = arith.constant 4 : i32
    %xor3A_377 = vector.broadcast %xor3A_376 : i32 to vector<16xi32>
    %xor3A_378 = arith.xori %iota3A_361, %xor3A_377 : vector<16xi32>
    %lt3A_379 = arith.constant 0 : i32
    %lt3A_380 = vector.broadcast %lt3A_379 : i32 to vector<16xi32>
    %lt3A_381 = arith.cmpi slt, %xor3A_378, %lt3A_380 : vector<16xi32>
    %add3A_382 = arith.constant 16 : i32
    %add3A_383 = vector.broadcast %add3A_382 : i32 to vector<16xi32>
    %add3A_384 = arith.addi %xor3A_378, %add3A_383 : vector<16xi32>
    %select_n3A_385 = arith.select %lt3A_381, %add3A_384, %xor3A_378 : vector<16xi1>, vector<16xi32>
    %broadcast_in_dim3A_386 = vector.shape_cast %select_n3A_385 : vector<16xi32> to vector<16x1xi32>
    %gather3A_387 = vector.shape_cast %broadcast_in_dim3A_386 : vector<16x1xi32> to vector<16xi32>
    %gather3A_388 = tpu.dynamic_gather %max3A_375[%gather3A_387] in [0] : vector<16xf32>, vector<16xi32> -> vector<16xf32>
    %max3A_389 = arith.maximumf %max3A_375, %gather3A_388 : vector<16xf32>
    %xor3A_390 = arith.constant 2 : i32
    %xor3A_391 = vector.broadcast %xor3A_390 : i32 to vector<16xi32>
    %xor3A_392 = arith.xori %iota3A_361, %xor3A_391 : vector<16xi32>
    %lt3A_393 = arith.constant 0 : i32
    %lt3A_394 = vector.broadcast %lt3A_393 : i32 to vector<16xi32>
    %lt3A_395 = arith.cmpi slt, %xor3A_392, %lt3A_394 : vector<16xi32>
    %add3A_396 = arith.constant 16 : i32
    %add3A_397 = vector.broadcast %add3A_396 : i32 to vector<16xi32>
    %add3A_398 = arith.addi %xor3A_392, %add3A_397 : vector<16xi32>
    %select_n3A_399 = arith.select %lt3A_395, %add3A_398, %xor3A_392 : vector<16xi1>, vector<16xi32>
    %broadcast_in_dim3A_400 = vector.shape_cast %select_n3A_399 : vector<16xi32> to vector<16x1xi32>
    %gather3A_401 = vector.shape_cast %broadcast_in_dim3A_400 : vector<16x1xi32> to vector<16xi32>
    %gather3A_402 = tpu.dynamic_gather %max3A_389[%gather3A_401] in [0] : vector<16xf32>, vector<16xi32> -> vector<16xf32>
    %max3A_403 = arith.maximumf %max3A_389, %gather3A_402 : vector<16xf32>
    %xor3A_404 = arith.constant 1 : i32
    %xor3A_405 = vector.broadcast %xor3A_404 : i32 to vector<16xi32>
    %xor3A_406 = arith.xori %iota3A_361, %xor3A_405 : vector<16xi32>
    %lt3A_407 = arith.constant 0 : i32
    %lt3A_408 = vector.broadcast %lt3A_407 : i32 to vector<16xi32>
    %lt3A_409 = arith.cmpi slt, %xor3A_406, %lt3A_408 : vector<16xi32>
    %add3A_410 = arith.constant 16 : i32
    %add3A_411 = vector.broadcast %add3A_410 : i32 to vector<16xi32>
    %add3A_412 = arith.addi %xor3A_406, %add3A_411 : vector<16xi32>
    %select_n3A_413 = arith.select %lt3A_409, %add3A_412, %xor3A_406 : vector<16xi1>, vector<16xi32>
    %broadcast_in_dim3A_414 = vector.shape_cast %select_n3A_413 : vector<16xi32> to vector<16x1xi32>
    %gather3A_415 = vector.shape_cast %broadcast_in_dim3A_414 : vector<16x1xi32> to vector<16xi32>
    %gather3A_416 = tpu.dynamic_gather %max3A_403[%gather3A_415] in [0] : vector<16xf32>, vector<16xi32> -> vector<16xf32>
    %max3A_417 = arith.maximumf %max3A_403, %gather3A_416 : vector<16xf32>
    %eq3A_418 = arith.cmpf oeq, %select_n3A_336, %max3A_417 : vector<16xf32>
    %jit3A_419 = arith.constant 64 : i32
    %broadcast_in_dim3A_420 = vector.broadcast %jit3A_419 : i32 to vector<16xi32>
    %select_n3A_421 = arith.select %eq3A_418, %add3A_3, %broadcast_in_dim3A_420 : vector<16xi1>, vector<16xi32>
    %eq3A_422 = arith.cmpf oeq, %select_n3A_343, %max3A_417 : vector<16xf32>
    %jit3A_423 = arith.constant 64 : i32
    %broadcast_in_dim3A_424 = vector.broadcast %jit3A_423 : i32 to vector<16xi32>
    %select_n3A_425 = arith.select %eq3A_422, %add3A_7, %broadcast_in_dim3A_424 : vector<16xi1>, vector<16xi32>
    %eq3A_426 = arith.cmpf oeq, %select_n3A_350, %max3A_417 : vector<16xf32>
    %jit3A_427 = arith.constant 64 : i32
    %broadcast_in_dim3A_428 = vector.broadcast %jit3A_427 : i32 to vector<16xi32>
    %select_n3A_429 = arith.select %eq3A_426, %add3A_11, %broadcast_in_dim3A_428 : vector<16xi1>, vector<16xi32>
    %eq3A_430 = arith.cmpf oeq, %select_n3A_357, %max3A_417 : vector<16xf32>
    %jit3A_431 = arith.constant 64 : i32
    %broadcast_in_dim3A_432 = vector.broadcast %jit3A_431 : i32 to vector<16xi32>
    %select_n3A_433 = arith.select %eq3A_430, %add3A_15, %broadcast_in_dim3A_432 : vector<16xi1>, vector<16xi32>
    %min3A_434 = arith.minsi %select_n3A_421, %select_n3A_425 : vector<16xi32>
    %min3A_435 = arith.minsi %min3A_434, %select_n3A_429 : vector<16xi32>
    %min3A_436 = arith.minsi %min3A_435, %select_n3A_433 : vector<16xi32>
    %iota3A_437 = tpu.iota {dimensions = array<i32: 0>} : vector<16xi32>
    %xor3A_438 = arith.constant 8 : i32
    %xor3A_439 = vector.broadcast %xor3A_438 : i32 to vector<16xi32>
    %xor3A_440 = arith.xori %iota3A_437, %xor3A_439 : vector<16xi32>
    %lt3A_441 = arith.constant 0 : i32
    %lt3A_442 = vector.broadcast %lt3A_441 : i32 to vector<16xi32>
    %lt3A_443 = arith.cmpi slt, %xor3A_440, %lt3A_442 : vector<16xi32>
    %add3A_444 = arith.constant 16 : i32
    %add3A_445 = vector.broadcast %add3A_444 : i32 to vector<16xi32>
    %add3A_446 = arith.addi %xor3A_440, %add3A_445 : vector<16xi32>
    %select_n3A_447 = arith.select %lt3A_443, %add3A_446, %xor3A_440 : vector<16xi1>, vector<16xi32>
    %broadcast_in_dim3A_448 = vector.shape_cast %select_n3A_447 : vector<16xi32> to vector<16x1xi32>
    %gather3A_449 = vector.shape_cast %broadcast_in_dim3A_448 : vector<16x1xi32> to vector<16xi32>
    %gather3A_450 = tpu.dynamic_gather %min3A_436[%gather3A_449] in [0] : vector<16xi32>, vector<16xi32> -> vector<16xi32>
    %min3A_451 = arith.minsi %min3A_436, %gather3A_450 : vector<16xi32>
    %xor3A_452 = arith.constant 4 : i32
    %xor3A_453 = vector.broadcast %xor3A_452 : i32 to vector<16xi32>
    %xor3A_454 = arith.xori %iota3A_437, %xor3A_453 : vector<16xi32>
    %lt3A_455 = arith.constant 0 : i32
    %lt3A_456 = vector.broadcast %lt3A_455 : i32 to vector<16xi32>
    %lt3A_457 = arith.cmpi slt, %xor3A_454, %lt3A_456 : vector<16xi32>
    %add3A_458 = arith.constant 16 : i32
    %add3A_459 = vector.broadcast %add3A_458 : i32 to vector<16xi32>
    %add3A_460 = arith.addi %xor3A_454, %add3A_459 : vector<16xi32>
    %select_n3A_461 = arith.select %lt3A_457, %add3A_460, %xor3A_454 : vector<16xi1>, vector<16xi32>
    %broadcast_in_dim3A_462 = vector.shape_cast %select_n3A_461 : vector<16xi32> to vector<16x1xi32>
    %gather3A_463 = vector.shape_cast %broadcast_in_dim3A_462 : vector<16x1xi32> to vector<16xi32>
    %gather3A_464 = tpu.dynamic_gather %min3A_451[%gather3A_463] in [0] : vector<16xi32>, vector<16xi32> -> vector<16xi32>
    %min3A_465 = arith.minsi %min3A_451, %gather3A_464 : vector<16xi32>
    %xor3A_466 = arith.constant 2 : i32
    %xor3A_467 = vector.broadcast %xor3A_466 : i32 to vector<16xi32>
    %xor3A_468 = arith.xori %iota3A_437, %xor3A_467 : vector<16xi32>
    %lt3A_469 = arith.constant 0 : i32
    %lt3A_470 = vector.broadcast %lt3A_469 : i32 to vector<16xi32>
    %lt3A_471 = arith.cmpi slt, %xor3A_468, %lt3A_470 : vector<16xi32>
    %add3A_472 = arith.constant 16 : i32
    %add3A_473 = vector.broadcast %add3A_472 : i32 to vector<16xi32>
    %add3A_474 = arith.addi %xor3A_468, %add3A_473 : vector<16xi32>
    %select_n3A_475 = arith.select %lt3A_471, %add3A_474, %xor3A_468 : vector<16xi1>, vector<16xi32>
    %broadcast_in_dim3A_476 = vector.shape_cast %select_n3A_475 : vector<16xi32> to vector<16x1xi32>
    %gather3A_477 = vector.shape_cast %broadcast_in_dim3A_476 : vector<16x1xi32> to vector<16xi32>
    %gather3A_478 = tpu.dynamic_gather %min3A_465[%gather3A_477] in [0] : vector<16xi32>, vector<16xi32> -> vector<16xi32>
    %min3A_479 = arith.minsi %min3A_465, %gather3A_478 : vector<16xi32>
    %xor3A_480 = arith.constant 1 : i32
    %xor3A_481 = vector.broadcast %xor3A_480 : i32 to vector<16xi32>
    %xor3A_482 = arith.xori %iota3A_437, %xor3A_481 : vector<16xi32>
    %lt3A_483 = arith.constant 0 : i32
    %lt3A_484 = vector.broadcast %lt3A_483 : i32 to vector<16xi32>
    %lt3A_485 = arith.cmpi slt, %xor3A_482, %lt3A_484 : vector<16xi32>
    %add3A_486 = arith.constant 16 : i32
    %add3A_487 = vector.broadcast %add3A_486 : i32 to vector<16xi32>
    %add3A_488 = arith.addi %xor3A_482, %add3A_487 : vector<16xi32>
    %select_n3A_489 = arith.select %lt3A_485, %add3A_488, %xor3A_482 : vector<16xi1>, vector<16xi32>
    %broadcast_in_dim3A_490 = vector.shape_cast %select_n3A_489 : vector<16xi32> to vector<16x1xi32>
    %gather3A_491 = vector.shape_cast %broadcast_in_dim3A_490 : vector<16x1xi32> to vector<16xi32>
    %gather3A_492 = tpu.dynamic_gather %min3A_479[%gather3A_491] in [0] : vector<16xi32>, vector<16xi32> -> vector<16xi32>
    %min3A_493 = arith.minsi %min3A_479, %gather3A_492 : vector<16xi32>
    %eq3A_494 = arith.cmpi eq, %add3A_3, %min3A_493 : vector<16xi32>
    %jit3A_495 = arith.constant 1.000000e+00 : f32
    %broadcast_in_dim3A_496 = vector.broadcast %jit3A_495 : f32 to vector<16xf32>
    %select_n3A_497 = arith.select %eq3A_494, %broadcast_in_dim3A_496, %select_n3A_333 : vector<16xi1>, vector<16xf32>
    %jit3A_498 = arith.constant -3.400000e+38 : f32
    %broadcast_in_dim3A_499 = vector.broadcast %jit3A_498 : f32 to vector<16xf32>
    %select_n3A_500 = arith.select %eq3A_494, %broadcast_in_dim3A_499, %select_n3A_336 : vector<16xi1>, vector<16xf32>
    %eq3A_501 = arith.cmpi eq, %add3A_7, %min3A_493 : vector<16xi32>
    %jit3A_502 = arith.constant 1.000000e+00 : f32
    %broadcast_in_dim3A_503 = vector.broadcast %jit3A_502 : f32 to vector<16xf32>
    %select_n3A_504 = arith.select %eq3A_501, %broadcast_in_dim3A_503, %select_n3A_340 : vector<16xi1>, vector<16xf32>
    %jit3A_505 = arith.constant -3.400000e+38 : f32
    %broadcast_in_dim3A_506 = vector.broadcast %jit3A_505 : f32 to vector<16xf32>
    %select_n3A_507 = arith.select %eq3A_501, %broadcast_in_dim3A_506, %select_n3A_343 : vector<16xi1>, vector<16xf32>
    %eq3A_508 = arith.cmpi eq, %add3A_11, %min3A_493 : vector<16xi32>
    %jit3A_509 = arith.constant 1.000000e+00 : f32
    %broadcast_in_dim3A_510 = vector.broadcast %jit3A_509 : f32 to vector<16xf32>
    %select_n3A_511 = arith.select %eq3A_508, %broadcast_in_dim3A_510, %select_n3A_347 : vector<16xi1>, vector<16xf32>
    %jit3A_512 = arith.constant -3.400000e+38 : f32
    %broadcast_in_dim3A_513 = vector.broadcast %jit3A_512 : f32 to vector<16xf32>
    %select_n3A_514 = arith.select %eq3A_508, %broadcast_in_dim3A_513, %select_n3A_350 : vector<16xi1>, vector<16xf32>
    %eq3A_515 = arith.cmpi eq, %add3A_15, %min3A_493 : vector<16xi32>
    %jit3A_516 = arith.constant 1.000000e+00 : f32
    %broadcast_in_dim3A_517 = vector.broadcast %jit3A_516 : f32 to vector<16xf32>
    %select_n3A_518 = arith.select %eq3A_515, %broadcast_in_dim3A_517, %select_n3A_354 : vector<16xi1>, vector<16xf32>
    %jit3A_519 = arith.constant -3.400000e+38 : f32
    %broadcast_in_dim3A_520 = vector.broadcast %jit3A_519 : f32 to vector<16xf32>
    %select_n3A_521 = arith.select %eq3A_515, %broadcast_in_dim3A_520, %select_n3A_357 : vector<16xi1>, vector<16xf32>
    %max3A_522 = arith.maximumf %select_n3A_500, %select_n3A_507 : vector<16xf32>
    %max3A_523 = arith.maximumf %max3A_522, %select_n3A_514 : vector<16xf32>
    %max3A_524 = arith.maximumf %max3A_523, %select_n3A_521 : vector<16xf32>
    %iota3A_525 = tpu.iota {dimensions = array<i32: 0>} : vector<16xi32>
    %xor3A_526 = arith.constant 8 : i32
    %xor3A_527 = vector.broadcast %xor3A_526 : i32 to vector<16xi32>
    %xor3A_528 = arith.xori %iota3A_525, %xor3A_527 : vector<16xi32>
    %lt3A_529 = arith.constant 0 : i32
    %lt3A_530 = vector.broadcast %lt3A_529 : i32 to vector<16xi32>
    %lt3A_531 = arith.cmpi slt, %xor3A_528, %lt3A_530 : vector<16xi32>
    %add3A_532 = arith.constant 16 : i32
    %add3A_533 = vector.broadcast %add3A_532 : i32 to vector<16xi32>
    %add3A_534 = arith.addi %xor3A_528, %add3A_533 : vector<16xi32>
    %select_n3A_535 = arith.select %lt3A_531, %add3A_534, %xor3A_528 : vector<16xi1>, vector<16xi32>
    %broadcast_in_dim3A_536 = vector.shape_cast %select_n3A_535 : vector<16xi32> to vector<16x1xi32>
    %gather3A_537 = vector.shape_cast %broadcast_in_dim3A_536 : vector<16x1xi32> to vector<16xi32>
    %gather3A_538 = tpu.dynamic_gather %max3A_524[%gather3A_537] in [0] : vector<16xf32>, vector<16xi32> -> vector<16xf32>
    %max3A_539 = arith.maximumf %max3A_524, %gather3A_538 : vector<16xf32>
    %xor3A_540 = arith.constant 4 : i32
    %xor3A_541 = vector.broadcast %xor3A_540 : i32 to vector<16xi32>
    %xor3A_542 = arith.xori %iota3A_525, %xor3A_541 : vector<16xi32>
    %lt3A_543 = arith.constant 0 : i32
    %lt3A_544 = vector.broadcast %lt3A_543 : i32 to vector<16xi32>
    %lt3A_545 = arith.cmpi slt, %xor3A_542, %lt3A_544 : vector<16xi32>
    %add3A_546 = arith.constant 16 : i32
    %add3A_547 = vector.broadcast %add3A_546 : i32 to vector<16xi32>
    %add3A_548 = arith.addi %xor3A_542, %add3A_547 : vector<16xi32>
    %select_n3A_549 = arith.select %lt3A_545, %add3A_548, %xor3A_542 : vector<16xi1>, vector<16xi32>
    %broadcast_in_dim3A_550 = vector.shape_cast %select_n3A_549 : vector<16xi32> to vector<16x1xi32>
    %gather3A_551 = vector.shape_cast %broadcast_in_dim3A_550 : vector<16x1xi32> to vector<16xi32>
    %gather3A_552 = tpu.dynamic_gather %max3A_539[%gather3A_551] in [0] : vector<16xf32>, vector<16xi32> -> vector<16xf32>
    %max3A_553 = arith.maximumf %max3A_539, %gather3A_552 : vector<16xf32>
    %xor3A_554 = arith.constant 2 : i32
    %xor3A_555 = vector.broadcast %xor3A_554 : i32 to vector<16xi32>
    %xor3A_556 = arith.xori %iota3A_525, %xor3A_555 : vector<16xi32>
    %lt3A_557 = arith.constant 0 : i32
    %lt3A_558 = vector.broadcast %lt3A_557 : i32 to vector<16xi32>
    %lt3A_559 = arith.cmpi slt, %xor3A_556, %lt3A_558 : vector<16xi32>
    %add3A_560 = arith.constant 16 : i32
    %add3A_561 = vector.broadcast %add3A_560 : i32 to vector<16xi32>
    %add3A_562 = arith.addi %xor3A_556, %add3A_561 : vector<16xi32>
    %select_n3A_563 = arith.select %lt3A_559, %add3A_562, %xor3A_556 : vector<16xi1>, vector<16xi32>
    %broadcast_in_dim3A_564 = vector.shape_cast %select_n3A_563 : vector<16xi32> to vector<16x1xi32>
    %gather3A_565 = vector.shape_cast %broadcast_in_dim3A_564 : vector<16x1xi32> to vector<16xi32>
    %gather3A_566 = tpu.dynamic_gather %max3A_553[%gather3A_565] in [0] : vector<16xf32>, vector<16xi32> -> vector<16xf32>
    %max3A_567 = arith.maximumf %max3A_553, %gather3A_566 : vector<16xf32>
    %xor3A_568 = arith.constant 1 : i32
    %xor3A_569 = vector.broadcast %xor3A_568 : i32 to vector<16xi32>
    %xor3A_570 = arith.xori %iota3A_525, %xor3A_569 : vector<16xi32>
    %lt3A_571 = arith.constant 0 : i32
    %lt3A_572 = vector.broadcast %lt3A_571 : i32 to vector<16xi32>
    %lt3A_573 = arith.cmpi slt, %xor3A_570, %lt3A_572 : vector<16xi32>
    %add3A_574 = arith.constant 16 : i32
    %add3A_575 = vector.broadcast %add3A_574 : i32 to vector<16xi32>
    %add3A_576 = arith.addi %xor3A_570, %add3A_575 : vector<16xi32>
    %select_n3A_577 = arith.select %lt3A_573, %add3A_576, %xor3A_570 : vector<16xi1>, vector<16xi32>
    %broadcast_in_dim3A_578 = vector.shape_cast %select_n3A_577 : vector<16xi32> to vector<16x1xi32>
    %gather3A_579 = vector.shape_cast %broadcast_in_dim3A_578 : vector<16x1xi32> to vector<16xi32>
    %gather3A_580 = tpu.dynamic_gather %max3A_567[%gather3A_579] in [0] : vector<16xf32>, vector<16xi32> -> vector<16xf32>
    %max3A_581 = arith.maximumf %max3A_567, %gather3A_580 : vector<16xf32>
    %eq3A_582 = arith.cmpf oeq, %select_n3A_500, %max3A_581 : vector<16xf32>
    %jit3A_583 = arith.constant 64 : i32
    %broadcast_in_dim3A_584 = vector.broadcast %jit3A_583 : i32 to vector<16xi32>
    %select_n3A_585 = arith.select %eq3A_582, %add3A_3, %broadcast_in_dim3A_584 : vector<16xi1>, vector<16xi32>
    %eq3A_586 = arith.cmpf oeq, %select_n3A_507, %max3A_581 : vector<16xf32>
    %jit3A_587 = arith.constant 64 : i32
    %broadcast_in_dim3A_588 = vector.broadcast %jit3A_587 : i32 to vector<16xi32>
    %select_n3A_589 = arith.select %eq3A_586, %add3A_7, %broadcast_in_dim3A_588 : vector<16xi1>, vector<16xi32>
    %eq3A_590 = arith.cmpf oeq, %select_n3A_514, %max3A_581 : vector<16xf32>
    %jit3A_591 = arith.constant 64 : i32
    %broadcast_in_dim3A_592 = vector.broadcast %jit3A_591 : i32 to vector<16xi32>
    %select_n3A_593 = arith.select %eq3A_590, %add3A_11, %broadcast_in_dim3A_592 : vector<16xi1>, vector<16xi32>
    %eq3A_594 = arith.cmpf oeq, %select_n3A_521, %max3A_581 : vector<16xf32>
    %jit3A_595 = arith.constant 64 : i32
    %broadcast_in_dim3A_596 = vector.broadcast %jit3A_595 : i32 to vector<16xi32>
    %select_n3A_597 = arith.select %eq3A_594, %add3A_15, %broadcast_in_dim3A_596 : vector<16xi1>, vector<16xi32>
    %min3A_598 = arith.minsi %select_n3A_585, %select_n3A_589 : vector<16xi32>
    %min3A_599 = arith.minsi %min3A_598, %select_n3A_593 : vector<16xi32>
    %min3A_600 = arith.minsi %min3A_599, %select_n3A_597 : vector<16xi32>
    %iota3A_601 = tpu.iota {dimensions = array<i32: 0>} : vector<16xi32>
    %xor3A_602 = arith.constant 8 : i32
    %xor3A_603 = vector.broadcast %xor3A_602 : i32 to vector<16xi32>
    %xor3A_604 = arith.xori %iota3A_601, %xor3A_603 : vector<16xi32>
    %lt3A_605 = arith.constant 0 : i32
    %lt3A_606 = vector.broadcast %lt3A_605 : i32 to vector<16xi32>
    %lt3A_607 = arith.cmpi slt, %xor3A_604, %lt3A_606 : vector<16xi32>
    %add3A_608 = arith.constant 16 : i32
    %add3A_609 = vector.broadcast %add3A_608 : i32 to vector<16xi32>
    %add3A_610 = arith.addi %xor3A_604, %add3A_609 : vector<16xi32>
    %select_n3A_611 = arith.select %lt3A_607, %add3A_610, %xor3A_604 : vector<16xi1>, vector<16xi32>
    %broadcast_in_dim3A_612 = vector.shape_cast %select_n3A_611 : vector<16xi32> to vector<16x1xi32>
    %gather3A_613 = vector.shape_cast %broadcast_in_dim3A_612 : vector<16x1xi32> to vector<16xi32>
    %gather3A_614 = tpu.dynamic_gather %min3A_600[%gather3A_613] in [0] : vector<16xi32>, vector<16xi32> -> vector<16xi32>
    %min3A_615 = arith.minsi %min3A_600, %gather3A_614 : vector<16xi32>
    %xor3A_616 = arith.constant 4 : i32
    %xor3A_617 = vector.broadcast %xor3A_616 : i32 to vector<16xi32>
    %xor3A_618 = arith.xori %iota3A_601, %xor3A_617 : vector<16xi32>
    %lt3A_619 = arith.constant 0 : i32
    %lt3A_620 = vector.broadcast %lt3A_619 : i32 to vector<16xi32>
    %lt3A_621 = arith.cmpi slt, %xor3A_618, %lt3A_620 : vector<16xi32>
    %add3A_622 = arith.constant 16 : i32
    %add3A_623 = vector.broadcast %add3A_622 : i32 to vector<16xi32>
    %add3A_624 = arith.addi %xor3A_618, %add3A_623 : vector<16xi32>
    %select_n3A_625 = arith.select %lt3A_621, %add3A_624, %xor3A_618 : vector<16xi1>, vector<16xi32>
    %broadcast_in_dim3A_626 = vector.shape_cast %select_n3A_625 : vector<16xi32> to vector<16x1xi32>
    %gather3A_627 = vector.shape_cast %broadcast_in_dim3A_626 : vector<16x1xi32> to vector<16xi32>
    %gather3A_628 = tpu.dynamic_gather %min3A_615[%gather3A_627] in [0] : vector<16xi32>, vector<16xi32> -> vector<16xi32>
    %min3A_629 = arith.minsi %min3A_615, %gather3A_628 : vector<16xi32>
    %xor3A_630 = arith.constant 2 : i32
    %xor3A_631 = vector.broadcast %xor3A_630 : i32 to vector<16xi32>
    %xor3A_632 = arith.xori %iota3A_601, %xor3A_631 : vector<16xi32>
    %lt3A_633 = arith.constant 0 : i32
    %lt3A_634 = vector.broadcast %lt3A_633 : i32 to vector<16xi32>
    %lt3A_635 = arith.cmpi slt, %xor3A_632, %lt3A_634 : vector<16xi32>
    %add3A_636 = arith.constant 16 : i32
    %add3A_637 = vector.broadcast %add3A_636 : i32 to vector<16xi32>
    %add3A_638 = arith.addi %xor3A_632, %add3A_637 : vector<16xi32>
    %select_n3A_639 = arith.select %lt3A_635, %add3A_638, %xor3A_632 : vector<16xi1>, vector<16xi32>
    %broadcast_in_dim3A_640 = vector.shape_cast %select_n3A_639 : vector<16xi32> to vector<16x1xi32>
    %gather3A_641 = vector.shape_cast %broadcast_in_dim3A_640 : vector<16x1xi32> to vector<16xi32>
    %gather3A_642 = tpu.dynamic_gather %min3A_629[%gather3A_641] in [0] : vector<16xi32>, vector<16xi32> -> vector<16xi32>
    %min3A_643 = arith.minsi %min3A_629, %gather3A_642 : vector<16xi32>
    %xor3A_644 = arith.constant 1 : i32
    %xor3A_645 = vector.broadcast %xor3A_644 : i32 to vector<16xi32>
    %xor3A_646 = arith.xori %iota3A_601, %xor3A_645 : vector<16xi32>
    %lt3A_647 = arith.constant 0 : i32
    %lt3A_648 = vector.broadcast %lt3A_647 : i32 to vector<16xi32>
    %lt3A_649 = arith.cmpi slt, %xor3A_646, %lt3A_648 : vector<16xi32>
    %add3A_650 = arith.constant 16 : i32
    %add3A_651 = vector.broadcast %add3A_650 : i32 to vector<16xi32>
    %add3A_652 = arith.addi %xor3A_646, %add3A_651 : vector<16xi32>
    %select_n3A_653 = arith.select %lt3A_649, %add3A_652, %xor3A_646 : vector<16xi1>, vector<16xi32>
    %broadcast_in_dim3A_654 = vector.shape_cast %select_n3A_653 : vector<16xi32> to vector<16x1xi32>
    %gather3A_655 = vector.shape_cast %broadcast_in_dim3A_654 : vector<16x1xi32> to vector<16xi32>
    %gather3A_656 = tpu.dynamic_gather %min3A_643[%gather3A_655] in [0] : vector<16xi32>, vector<16xi32> -> vector<16xi32>
    %min3A_657 = arith.minsi %min3A_643, %gather3A_656 : vector<16xi32>
    %eq3A_658 = arith.cmpi eq, %add3A_3, %min3A_657 : vector<16xi32>
    %jit3A_659 = arith.constant 1.000000e+00 : f32
    %broadcast_in_dim3A_660 = vector.broadcast %jit3A_659 : f32 to vector<16xf32>
    %select_n3A_661 = arith.select %eq3A_658, %broadcast_in_dim3A_660, %select_n3A_497 : vector<16xi1>, vector<16xf32>
    %jit3A_662 = arith.constant -3.400000e+38 : f32
    %broadcast_in_dim3A_663 = vector.broadcast %jit3A_662 : f32 to vector<16xf32>
    %select_n3A_664 = arith.select %eq3A_658, %broadcast_in_dim3A_663, %select_n3A_500 : vector<16xi1>, vector<16xf32>
    %eq3A_665 = arith.cmpi eq, %add3A_7, %min3A_657 : vector<16xi32>
    %jit3A_666 = arith.constant 1.000000e+00 : f32
    %broadcast_in_dim3A_667 = vector.broadcast %jit3A_666 : f32 to vector<16xf32>
    %select_n3A_668 = arith.select %eq3A_665, %broadcast_in_dim3A_667, %select_n3A_504 : vector<16xi1>, vector<16xf32>
    %jit3A_669 = arith.constant -3.400000e+38 : f32
    %broadcast_in_dim3A_670 = vector.broadcast %jit3A_669 : f32 to vector<16xf32>
    %select_n3A_671 = arith.select %eq3A_665, %broadcast_in_dim3A_670, %select_n3A_507 : vector<16xi1>, vector<16xf32>
    %eq3A_672 = arith.cmpi eq, %add3A_11, %min3A_657 : vector<16xi32>
    %jit3A_673 = arith.constant 1.000000e+00 : f32
    %broadcast_in_dim3A_674 = vector.broadcast %jit3A_673 : f32 to vector<16xf32>
    %select_n3A_675 = arith.select %eq3A_672, %broadcast_in_dim3A_674, %select_n3A_511 : vector<16xi1>, vector<16xf32>
    %jit3A_676 = arith.constant -3.400000e+38 : f32
    %broadcast_in_dim3A_677 = vector.broadcast %jit3A_676 : f32 to vector<16xf32>
    %select_n3A_678 = arith.select %eq3A_672, %broadcast_in_dim3A_677, %select_n3A_514 : vector<16xi1>, vector<16xf32>
    %eq3A_679 = arith.cmpi eq, %add3A_15, %min3A_657 : vector<16xi32>
    %jit3A_680 = arith.constant 1.000000e+00 : f32
    %broadcast_in_dim3A_681 = vector.broadcast %jit3A_680 : f32 to vector<16xf32>
    %select_n3A_682 = arith.select %eq3A_679, %broadcast_in_dim3A_681, %select_n3A_518 : vector<16xi1>, vector<16xf32>
    %jit3A_683 = arith.constant -3.400000e+38 : f32
    %broadcast_in_dim3A_684 = vector.broadcast %jit3A_683 : f32 to vector<16xf32>
    %select_n3A_685 = arith.select %eq3A_679, %broadcast_in_dim3A_684, %select_n3A_521 : vector<16xi1>, vector<16xf32>
    %max3A_686 = arith.maximumf %select_n3A_664, %select_n3A_671 : vector<16xf32>
    %max3A_687 = arith.maximumf %max3A_686, %select_n3A_678 : vector<16xf32>
    %max3A_688 = arith.maximumf %max3A_687, %select_n3A_685 : vector<16xf32>
    %iota3A_689 = tpu.iota {dimensions = array<i32: 0>} : vector<16xi32>
    %xor3A_690 = arith.constant 8 : i32
    %xor3A_691 = vector.broadcast %xor3A_690 : i32 to vector<16xi32>
    %xor3A_692 = arith.xori %iota3A_689, %xor3A_691 : vector<16xi32>
    %lt3A_693 = arith.constant 0 : i32
    %lt3A_694 = vector.broadcast %lt3A_693 : i32 to vector<16xi32>
    %lt3A_695 = arith.cmpi slt, %xor3A_692, %lt3A_694 : vector<16xi32>
    %add3A_696 = arith.constant 16 : i32
    %add3A_697 = vector.broadcast %add3A_696 : i32 to vector<16xi32>
    %add3A_698 = arith.addi %xor3A_692, %add3A_697 : vector<16xi32>
    %select_n3A_699 = arith.select %lt3A_695, %add3A_698, %xor3A_692 : vector<16xi1>, vector<16xi32>
    %broadcast_in_dim3A_700 = vector.shape_cast %select_n3A_699 : vector<16xi32> to vector<16x1xi32>
    %gather3A_701 = vector.shape_cast %broadcast_in_dim3A_700 : vector<16x1xi32> to vector<16xi32>
    %gather3A_702 = tpu.dynamic_gather %max3A_688[%gather3A_701] in [0] : vector<16xf32>, vector<16xi32> -> vector<16xf32>
    %max3A_703 = arith.maximumf %max3A_688, %gather3A_702 : vector<16xf32>
    %xor3A_704 = arith.constant 4 : i32
    %xor3A_705 = vector.broadcast %xor3A_704 : i32 to vector<16xi32>
    %xor3A_706 = arith.xori %iota3A_689, %xor3A_705 : vector<16xi32>
    %lt3A_707 = arith.constant 0 : i32
    %lt3A_708 = vector.broadcast %lt3A_707 : i32 to vector<16xi32>
    %lt3A_709 = arith.cmpi slt, %xor3A_706, %lt3A_708 : vector<16xi32>
    %add3A_710 = arith.constant 16 : i32
    %add3A_711 = vector.broadcast %add3A_710 : i32 to vector<16xi32>
    %add3A_712 = arith.addi %xor3A_706, %add3A_711 : vector<16xi32>
    %select_n3A_713 = arith.select %lt3A_709, %add3A_712, %xor3A_706 : vector<16xi1>, vector<16xi32>
    %broadcast_in_dim3A_714 = vector.shape_cast %select_n3A_713 : vector<16xi32> to vector<16x1xi32>
    %gather3A_715 = vector.shape_cast %broadcast_in_dim3A_714 : vector<16x1xi32> to vector<16xi32>
    %gather3A_716 = tpu.dynamic_gather %max3A_703[%gather3A_715] in [0] : vector<16xf32>, vector<16xi32> -> vector<16xf32>
    %max3A_717 = arith.maximumf %max3A_703, %gather3A_716 : vector<16xf32>
    %xor3A_718 = arith.constant 2 : i32
    %xor3A_719 = vector.broadcast %xor3A_718 : i32 to vector<16xi32>
    %xor3A_720 = arith.xori %iota3A_689, %xor3A_719 : vector<16xi32>
    %lt3A_721 = arith.constant 0 : i32
    %lt3A_722 = vector.broadcast %lt3A_721 : i32 to vector<16xi32>
    %lt3A_723 = arith.cmpi slt, %xor3A_720, %lt3A_722 : vector<16xi32>
    %add3A_724 = arith.constant 16 : i32
    %add3A_725 = vector.broadcast %add3A_724 : i32 to vector<16xi32>
    %add3A_726 = arith.addi %xor3A_720, %add3A_725 : vector<16xi32>
    %select_n3A_727 = arith.select %lt3A_723, %add3A_726, %xor3A_720 : vector<16xi1>, vector<16xi32>
    %broadcast_in_dim3A_728 = vector.shape_cast %select_n3A_727 : vector<16xi32> to vector<16x1xi32>
    %gather3A_729 = vector.shape_cast %broadcast_in_dim3A_728 : vector<16x1xi32> to vector<16xi32>
    %gather3A_730 = tpu.dynamic_gather %max3A_717[%gather3A_729] in [0] : vector<16xf32>, vector<16xi32> -> vector<16xf32>
    %max3A_731 = arith.maximumf %max3A_717, %gather3A_730 : vector<16xf32>
    %xor3A_732 = arith.constant 1 : i32
    %xor3A_733 = vector.broadcast %xor3A_732 : i32 to vector<16xi32>
    %xor3A_734 = arith.xori %iota3A_689, %xor3A_733 : vector<16xi32>
    %lt3A_735 = arith.constant 0 : i32
    %lt3A_736 = vector.broadcast %lt3A_735 : i32 to vector<16xi32>
    %lt3A_737 = arith.cmpi slt, %xor3A_734, %lt3A_736 : vector<16xi32>
    %add3A_738 = arith.constant 16 : i32
    %add3A_739 = vector.broadcast %add3A_738 : i32 to vector<16xi32>
    %add3A_740 = arith.addi %xor3A_734, %add3A_739 : vector<16xi32>
    %select_n3A_741 = arith.select %lt3A_737, %add3A_740, %xor3A_734 : vector<16xi1>, vector<16xi32>
    %broadcast_in_dim3A_742 = vector.shape_cast %select_n3A_741 : vector<16xi32> to vector<16x1xi32>
    %gather3A_743 = vector.shape_cast %broadcast_in_dim3A_742 : vector<16x1xi32> to vector<16xi32>
    %gather3A_744 = tpu.dynamic_gather %max3A_731[%gather3A_743] in [0] : vector<16xf32>, vector<16xi32> -> vector<16xf32>
    %max3A_745 = arith.maximumf %max3A_731, %gather3A_744 : vector<16xf32>
    %eq3A_746 = arith.cmpf oeq, %select_n3A_664, %max3A_745 : vector<16xf32>
    %jit3A_747 = arith.constant 64 : i32
    %broadcast_in_dim3A_748 = vector.broadcast %jit3A_747 : i32 to vector<16xi32>
    %select_n3A_749 = arith.select %eq3A_746, %add3A_3, %broadcast_in_dim3A_748 : vector<16xi1>, vector<16xi32>
    %eq3A_750 = arith.cmpf oeq, %select_n3A_671, %max3A_745 : vector<16xf32>
    %jit3A_751 = arith.constant 64 : i32
    %broadcast_in_dim3A_752 = vector.broadcast %jit3A_751 : i32 to vector<16xi32>
    %select_n3A_753 = arith.select %eq3A_750, %add3A_7, %broadcast_in_dim3A_752 : vector<16xi1>, vector<16xi32>
    %eq3A_754 = arith.cmpf oeq, %select_n3A_678, %max3A_745 : vector<16xf32>
    %jit3A_755 = arith.constant 64 : i32
    %broadcast_in_dim3A_756 = vector.broadcast %jit3A_755 : i32 to vector<16xi32>
    %select_n3A_757 = arith.select %eq3A_754, %add3A_11, %broadcast_in_dim3A_756 : vector<16xi1>, vector<16xi32>
    %eq3A_758 = arith.cmpf oeq, %select_n3A_685, %max3A_745 : vector<16xf32>
    %jit3A_759 = arith.constant 64 : i32
    %broadcast_in_dim3A_760 = vector.broadcast %jit3A_759 : i32 to vector<16xi32>
    %select_n3A_761 = arith.select %eq3A_758, %add3A_15, %broadcast_in_dim3A_760 : vector<16xi1>, vector<16xi32>
    %min3A_762 = arith.minsi %select_n3A_749, %select_n3A_753 : vector<16xi32>
    %min3A_763 = arith.minsi %min3A_762, %select_n3A_757 : vector<16xi32>
    %min3A_764 = arith.minsi %min3A_763, %select_n3A_761 : vector<16xi32>
    %iota3A_765 = tpu.iota {dimensions = array<i32: 0>} : vector<16xi32>
    %xor3A_766 = arith.constant 8 : i32
    %xor3A_767 = vector.broadcast %xor3A_766 : i32 to vector<16xi32>
    %xor3A_768 = arith.xori %iota3A_765, %xor3A_767 : vector<16xi32>
    %lt3A_769 = arith.constant 0 : i32
    %lt3A_770 = vector.broadcast %lt3A_769 : i32 to vector<16xi32>
    %lt3A_771 = arith.cmpi slt, %xor3A_768, %lt3A_770 : vector<16xi32>
    %add3A_772 = arith.constant 16 : i32
    %add3A_773 = vector.broadcast %add3A_772 : i32 to vector<16xi32>
    %add3A_774 = arith.addi %xor3A_768, %add3A_773 : vector<16xi32>
    %select_n3A_775 = arith.select %lt3A_771, %add3A_774, %xor3A_768 : vector<16xi1>, vector<16xi32>
    %broadcast_in_dim3A_776 = vector.shape_cast %select_n3A_775 : vector<16xi32> to vector<16x1xi32>
    %gather3A_777 = vector.shape_cast %broadcast_in_dim3A_776 : vector<16x1xi32> to vector<16xi32>
    %gather3A_778 = tpu.dynamic_gather %min3A_764[%gather3A_777] in [0] : vector<16xi32>, vector<16xi32> -> vector<16xi32>
    %min3A_779 = arith.minsi %min3A_764, %gather3A_778 : vector<16xi32>
    %xor3A_780 = arith.constant 4 : i32
    %xor3A_781 = vector.broadcast %xor3A_780 : i32 to vector<16xi32>
    %xor3A_782 = arith.xori %iota3A_765, %xor3A_781 : vector<16xi32>
    %lt3A_783 = arith.constant 0 : i32
    %lt3A_784 = vector.broadcast %lt3A_783 : i32 to vector<16xi32>
    %lt3A_785 = arith.cmpi slt, %xor3A_782, %lt3A_784 : vector<16xi32>
    %add3A_786 = arith.constant 16 : i32
    %add3A_787 = vector.broadcast %add3A_786 : i32 to vector<16xi32>
    %add3A_788 = arith.addi %xor3A_782, %add3A_787 : vector<16xi32>
    %select_n3A_789 = arith.select %lt3A_785, %add3A_788, %xor3A_782 : vector<16xi1>, vector<16xi32>
    %broadcast_in_dim3A_790 = vector.shape_cast %select_n3A_789 : vector<16xi32> to vector<16x1xi32>
    %gather3A_791 = vector.shape_cast %broadcast_in_dim3A_790 : vector<16x1xi32> to vector<16xi32>
    %gather3A_792 = tpu.dynamic_gather %min3A_779[%gather3A_791] in [0] : vector<16xi32>, vector<16xi32> -> vector<16xi32>
    %min3A_793 = arith.minsi %min3A_779, %gather3A_792 : vector<16xi32>
    %xor3A_794 = arith.constant 2 : i32
    %xor3A_795 = vector.broadcast %xor3A_794 : i32 to vector<16xi32>
    %xor3A_796 = arith.xori %iota3A_765, %xor3A_795 : vector<16xi32>
    %lt3A_797 = arith.constant 0 : i32
    %lt3A_798 = vector.broadcast %lt3A_797 : i32 to vector<16xi32>
    %lt3A_799 = arith.cmpi slt, %xor3A_796, %lt3A_798 : vector<16xi32>
    %add3A_800 = arith.constant 16 : i32
    %add3A_801 = vector.broadcast %add3A_800 : i32 to vector<16xi32>
    %add3A_802 = arith.addi %xor3A_796, %add3A_801 : vector<16xi32>
    %select_n3A_803 = arith.select %lt3A_799, %add3A_802, %xor3A_796 : vector<16xi1>, vector<16xi32>
    %broadcast_in_dim3A_804 = vector.shape_cast %select_n3A_803 : vector<16xi32> to vector<16x1xi32>
    %gather3A_805 = vector.shape_cast %broadcast_in_dim3A_804 : vector<16x1xi32> to vector<16xi32>
    %gather3A_806 = tpu.dynamic_gather %min3A_793[%gather3A_805] in [0] : vector<16xi32>, vector<16xi32> -> vector<16xi32>
    %min3A_807 = arith.minsi %min3A_793, %gather3A_806 : vector<16xi32>
    %xor3A_808 = arith.constant 1 : i32
    %xor3A_809 = vector.broadcast %xor3A_808 : i32 to vector<16xi32>
    %xor3A_810 = arith.xori %iota3A_765, %xor3A_809 : vector<16xi32>
    %lt3A_811 = arith.constant 0 : i32
    %lt3A_812 = vector.broadcast %lt3A_811 : i32 to vector<16xi32>
    %lt3A_813 = arith.cmpi slt, %xor3A_810, %lt3A_812 : vector<16xi32>
    %add3A_814 = arith.constant 16 : i32
    %add3A_815 = vector.broadcast %add3A_814 : i32 to vector<16xi32>
    %add3A_816 = arith.addi %xor3A_810, %add3A_815 : vector<16xi32>
    %select_n3A_817 = arith.select %lt3A_813, %add3A_816, %xor3A_810 : vector<16xi1>, vector<16xi32>
    %broadcast_in_dim3A_818 = vector.shape_cast %select_n3A_817 : vector<16xi32> to vector<16x1xi32>
    %gather3A_819 = vector.shape_cast %broadcast_in_dim3A_818 : vector<16x1xi32> to vector<16xi32>
    %gather3A_820 = tpu.dynamic_gather %min3A_807[%gather3A_819] in [0] : vector<16xi32>, vector<16xi32> -> vector<16xi32>
    %min3A_821 = arith.minsi %min3A_807, %gather3A_820 : vector<16xi32>
    %eq3A_822 = arith.cmpi eq, %add3A_3, %min3A_821 : vector<16xi32>
    %jit3A_823 = arith.constant 1.000000e+00 : f32
    %broadcast_in_dim3A_824 = vector.broadcast %jit3A_823 : f32 to vector<16xf32>
    %select_n3A_825 = arith.select %eq3A_822, %broadcast_in_dim3A_824, %select_n3A_661 : vector<16xi1>, vector<16xf32>
    %jit3A_826 = arith.constant -3.400000e+38 : f32
    %broadcast_in_dim3A_827 = vector.broadcast %jit3A_826 : f32 to vector<16xf32>
    %select_n3A_828 = arith.select %eq3A_822, %broadcast_in_dim3A_827, %select_n3A_664 : vector<16xi1>, vector<16xf32>
    %eq3A_829 = arith.cmpi eq, %add3A_7, %min3A_821 : vector<16xi32>
    %jit3A_830 = arith.constant 1.000000e+00 : f32
    %broadcast_in_dim3A_831 = vector.broadcast %jit3A_830 : f32 to vector<16xf32>
    %select_n3A_832 = arith.select %eq3A_829, %broadcast_in_dim3A_831, %select_n3A_668 : vector<16xi1>, vector<16xf32>
    %jit3A_833 = arith.constant -3.400000e+38 : f32
    %broadcast_in_dim3A_834 = vector.broadcast %jit3A_833 : f32 to vector<16xf32>
    %select_n3A_835 = arith.select %eq3A_829, %broadcast_in_dim3A_834, %select_n3A_671 : vector<16xi1>, vector<16xf32>
    %eq3A_836 = arith.cmpi eq, %add3A_11, %min3A_821 : vector<16xi32>
    %jit3A_837 = arith.constant 1.000000e+00 : f32
    %broadcast_in_dim3A_838 = vector.broadcast %jit3A_837 : f32 to vector<16xf32>
    %select_n3A_839 = arith.select %eq3A_836, %broadcast_in_dim3A_838, %select_n3A_675 : vector<16xi1>, vector<16xf32>
    %jit3A_840 = arith.constant -3.400000e+38 : f32
    %broadcast_in_dim3A_841 = vector.broadcast %jit3A_840 : f32 to vector<16xf32>
    %select_n3A_842 = arith.select %eq3A_836, %broadcast_in_dim3A_841, %select_n3A_678 : vector<16xi1>, vector<16xf32>
    %eq3A_843 = arith.cmpi eq, %add3A_15, %min3A_821 : vector<16xi32>
    %jit3A_844 = arith.constant 1.000000e+00 : f32
    %broadcast_in_dim3A_845 = vector.broadcast %jit3A_844 : f32 to vector<16xf32>
    %select_n3A_846 = arith.select %eq3A_843, %broadcast_in_dim3A_845, %select_n3A_682 : vector<16xi1>, vector<16xf32>
    %jit3A_847 = arith.constant -3.400000e+38 : f32
    %broadcast_in_dim3A_848 = vector.broadcast %jit3A_847 : f32 to vector<16xf32>
    %select_n3A_849 = arith.select %eq3A_843, %broadcast_in_dim3A_848, %select_n3A_685 : vector<16xi1>, vector<16xf32>
    %max3A_850 = arith.maximumf %select_n3A_828, %select_n3A_835 : vector<16xf32>
    %max3A_851 = arith.maximumf %max3A_850, %select_n3A_842 : vector<16xf32>
    %max3A_852 = arith.maximumf %max3A_851, %select_n3A_849 : vector<16xf32>
    %iota3A_853 = tpu.iota {dimensions = array<i32: 0>} : vector<16xi32>
    %xor3A_854 = arith.constant 8 : i32
    %xor3A_855 = vector.broadcast %xor3A_854 : i32 to vector<16xi32>
    %xor3A_856 = arith.xori %iota3A_853, %xor3A_855 : vector<16xi32>
    %lt3A_857 = arith.constant 0 : i32
    %lt3A_858 = vector.broadcast %lt3A_857 : i32 to vector<16xi32>
    %lt3A_859 = arith.cmpi slt, %xor3A_856, %lt3A_858 : vector<16xi32>
    %add3A_860 = arith.constant 16 : i32
    %add3A_861 = vector.broadcast %add3A_860 : i32 to vector<16xi32>
    %add3A_862 = arith.addi %xor3A_856, %add3A_861 : vector<16xi32>
    %select_n3A_863 = arith.select %lt3A_859, %add3A_862, %xor3A_856 : vector<16xi1>, vector<16xi32>
    %broadcast_in_dim3A_864 = vector.shape_cast %select_n3A_863 : vector<16xi32> to vector<16x1xi32>
    %gather3A_865 = vector.shape_cast %broadcast_in_dim3A_864 : vector<16x1xi32> to vector<16xi32>
    %gather3A_866 = tpu.dynamic_gather %max3A_852[%gather3A_865] in [0] : vector<16xf32>, vector<16xi32> -> vector<16xf32>
    %max3A_867 = arith.maximumf %max3A_852, %gather3A_866 : vector<16xf32>
    %xor3A_868 = arith.constant 4 : i32
    %xor3A_869 = vector.broadcast %xor3A_868 : i32 to vector<16xi32>
    %xor3A_870 = arith.xori %iota3A_853, %xor3A_869 : vector<16xi32>
    %lt3A_871 = arith.constant 0 : i32
    %lt3A_872 = vector.broadcast %lt3A_871 : i32 to vector<16xi32>
    %lt3A_873 = arith.cmpi slt, %xor3A_870, %lt3A_872 : vector<16xi32>
    %add3A_874 = arith.constant 16 : i32
    %add3A_875 = vector.broadcast %add3A_874 : i32 to vector<16xi32>
    %add3A_876 = arith.addi %xor3A_870, %add3A_875 : vector<16xi32>
    %select_n3A_877 = arith.select %lt3A_873, %add3A_876, %xor3A_870 : vector<16xi1>, vector<16xi32>
    %broadcast_in_dim3A_878 = vector.shape_cast %select_n3A_877 : vector<16xi32> to vector<16x1xi32>
    %gather3A_879 = vector.shape_cast %broadcast_in_dim3A_878 : vector<16x1xi32> to vector<16xi32>
    %gather3A_880 = tpu.dynamic_gather %max3A_867[%gather3A_879] in [0] : vector<16xf32>, vector<16xi32> -> vector<16xf32>
    %max3A_881 = arith.maximumf %max3A_867, %gather3A_880 : vector<16xf32>
    %xor3A_882 = arith.constant 2 : i32
    %xor3A_883 = vector.broadcast %xor3A_882 : i32 to vector<16xi32>
    %xor3A_884 = arith.xori %iota3A_853, %xor3A_883 : vector<16xi32>
    %lt3A_885 = arith.constant 0 : i32
    %lt3A_886 = vector.broadcast %lt3A_885 : i32 to vector<16xi32>
    %lt3A_887 = arith.cmpi slt, %xor3A_884, %lt3A_886 : vector<16xi32>
    %add3A_888 = arith.constant 16 : i32
    %add3A_889 = vector.broadcast %add3A_888 : i32 to vector<16xi32>
    %add3A_890 = arith.addi %xor3A_884, %add3A_889 : vector<16xi32>
    %select_n3A_891 = arith.select %lt3A_887, %add3A_890, %xor3A_884 : vector<16xi1>, vector<16xi32>
    %broadcast_in_dim3A_892 = vector.shape_cast %select_n3A_891 : vector<16xi32> to vector<16x1xi32>
    %gather3A_893 = vector.shape_cast %broadcast_in_dim3A_892 : vector<16x1xi32> to vector<16xi32>
    %gather3A_894 = tpu.dynamic_gather %max3A_881[%gather3A_893] in [0] : vector<16xf32>, vector<16xi32> -> vector<16xf32>
    %max3A_895 = arith.maximumf %max3A_881, %gather3A_894 : vector<16xf32>
    %xor3A_896 = arith.constant 1 : i32
    %xor3A_897 = vector.broadcast %xor3A_896 : i32 to vector<16xi32>
    %xor3A_898 = arith.xori %iota3A_853, %xor3A_897 : vector<16xi32>
    %lt3A_899 = arith.constant 0 : i32
    %lt3A_900 = vector.broadcast %lt3A_899 : i32 to vector<16xi32>
    %lt3A_901 = arith.cmpi slt, %xor3A_898, %lt3A_900 : vector<16xi32>
    %add3A_902 = arith.constant 16 : i32
    %add3A_903 = vector.broadcast %add3A_902 : i32 to vector<16xi32>
    %add3A_904 = arith.addi %xor3A_898, %add3A_903 : vector<16xi32>
    %select_n3A_905 = arith.select %lt3A_901, %add3A_904, %xor3A_898 : vector<16xi1>, vector<16xi32>
    %broadcast_in_dim3A_906 = vector.shape_cast %select_n3A_905 : vector<16xi32> to vector<16x1xi32>
    %gather3A_907 = vector.shape_cast %broadcast_in_dim3A_906 : vector<16x1xi32> to vector<16xi32>
    %gather3A_908 = tpu.dynamic_gather %max3A_895[%gather3A_907] in [0] : vector<16xf32>, vector<16xi32> -> vector<16xf32>
    %max3A_909 = arith.maximumf %max3A_895, %gather3A_908 : vector<16xf32>
    %eq3A_910 = arith.cmpf oeq, %select_n3A_828, %max3A_909 : vector<16xf32>
    %jit3A_911 = arith.constant 64 : i32
    %broadcast_in_dim3A_912 = vector.broadcast %jit3A_911 : i32 to vector<16xi32>
    %select_n3A_913 = arith.select %eq3A_910, %add3A_3, %broadcast_in_dim3A_912 : vector<16xi1>, vector<16xi32>
    %eq3A_914 = arith.cmpf oeq, %select_n3A_835, %max3A_909 : vector<16xf32>
    %jit3A_915 = arith.constant 64 : i32
    %broadcast_in_dim3A_916 = vector.broadcast %jit3A_915 : i32 to vector<16xi32>
    %select_n3A_917 = arith.select %eq3A_914, %add3A_7, %broadcast_in_dim3A_916 : vector<16xi1>, vector<16xi32>
    %eq3A_918 = arith.cmpf oeq, %select_n3A_842, %max3A_909 : vector<16xf32>
    %jit3A_919 = arith.constant 64 : i32
    %broadcast_in_dim3A_920 = vector.broadcast %jit3A_919 : i32 to vector<16xi32>
    %select_n3A_921 = arith.select %eq3A_918, %add3A_11, %broadcast_in_dim3A_920 : vector<16xi1>, vector<16xi32>
    %eq3A_922 = arith.cmpf oeq, %select_n3A_849, %max3A_909 : vector<16xf32>
    %jit3A_923 = arith.constant 64 : i32
    %broadcast_in_dim3A_924 = vector.broadcast %jit3A_923 : i32 to vector<16xi32>
    %select_n3A_925 = arith.select %eq3A_922, %add3A_15, %broadcast_in_dim3A_924 : vector<16xi1>, vector<16xi32>
    %min3A_926 = arith.minsi %select_n3A_913, %select_n3A_917 : vector<16xi32>
    %min3A_927 = arith.minsi %min3A_926, %select_n3A_921 : vector<16xi32>
    %min3A_928 = arith.minsi %min3A_927, %select_n3A_925 : vector<16xi32>
    %iota3A_929 = tpu.iota {dimensions = array<i32: 0>} : vector<16xi32>
    %xor3A_930 = arith.constant 8 : i32
    %xor3A_931 = vector.broadcast %xor3A_930 : i32 to vector<16xi32>
    %xor3A_932 = arith.xori %iota3A_929, %xor3A_931 : vector<16xi32>
    %lt3A_933 = arith.constant 0 : i32
    %lt3A_934 = vector.broadcast %lt3A_933 : i32 to vector<16xi32>
    %lt3A_935 = arith.cmpi slt, %xor3A_932, %lt3A_934 : vector<16xi32>
    %add3A_936 = arith.constant 16 : i32
    %add3A_937 = vector.broadcast %add3A_936 : i32 to vector<16xi32>
    %add3A_938 = arith.addi %xor3A_932, %add3A_937 : vector<16xi32>
    %select_n3A_939 = arith.select %lt3A_935, %add3A_938, %xor3A_932 : vector<16xi1>, vector<16xi32>
    %broadcast_in_dim3A_940 = vector.shape_cast %select_n3A_939 : vector<16xi32> to vector<16x1xi32>
    %gather3A_941 = vector.shape_cast %broadcast_in_dim3A_940 : vector<16x1xi32> to vector<16xi32>
    %gather3A_942 = tpu.dynamic_gather %min3A_928[%gather3A_941] in [0] : vector<16xi32>, vector<16xi32> -> vector<16xi32>
    %min3A_943 = arith.minsi %min3A_928, %gather3A_942 : vector<16xi32>
    %xor3A_944 = arith.constant 4 : i32
    %xor3A_945 = vector.broadcast %xor3A_944 : i32 to vector<16xi32>
    %xor3A_946 = arith.xori %iota3A_929, %xor3A_945 : vector<16xi32>
    %lt3A_947 = arith.constant 0 : i32
    %lt3A_948 = vector.broadcast %lt3A_947 : i32 to vector<16xi32>
    %lt3A_949 = arith.cmpi slt, %xor3A_946, %lt3A_948 : vector<16xi32>
    %add3A_950 = arith.constant 16 : i32
    %add3A_951 = vector.broadcast %add3A_950 : i32 to vector<16xi32>
    %add3A_952 = arith.addi %xor3A_946, %add3A_951 : vector<16xi32>
    %select_n3A_953 = arith.select %lt3A_949, %add3A_952, %xor3A_946 : vector<16xi1>, vector<16xi32>
    %broadcast_in_dim3A_954 = vector.shape_cast %select_n3A_953 : vector<16xi32> to vector<16x1xi32>
    %gather3A_955 = vector.shape_cast %broadcast_in_dim3A_954 : vector<16x1xi32> to vector<16xi32>
    %gather3A_956 = tpu.dynamic_gather %min3A_943[%gather3A_955] in [0] : vector<16xi32>, vector<16xi32> -> vector<16xi32>
    %min3A_957 = arith.minsi %min3A_943, %gather3A_956 : vector<16xi32>
    %xor3A_958 = arith.constant 2 : i32
    %xor3A_959 = vector.broadcast %xor3A_958 : i32 to vector<16xi32>
    %xor3A_960 = arith.xori %iota3A_929, %xor3A_959 : vector<16xi32>
    %lt3A_961 = arith.constant 0 : i32
    %lt3A_962 = vector.broadcast %lt3A_961 : i32 to vector<16xi32>
    %lt3A_963 = arith.cmpi slt, %xor3A_960, %lt3A_962 : vector<16xi32>
    %add3A_964 = arith.constant 16 : i32
    %add3A_965 = vector.broadcast %add3A_964 : i32 to vector<16xi32>
    %add3A_966 = arith.addi %xor3A_960, %add3A_965 : vector<16xi32>
    %select_n3A_967 = arith.select %lt3A_963, %add3A_966, %xor3A_960 : vector<16xi1>, vector<16xi32>
    %broadcast_in_dim3A_968 = vector.shape_cast %select_n3A_967 : vector<16xi32> to vector<16x1xi32>
    %gather3A_969 = vector.shape_cast %broadcast_in_dim3A_968 : vector<16x1xi32> to vector<16xi32>
    %gather3A_970 = tpu.dynamic_gather %min3A_957[%gather3A_969] in [0] : vector<16xi32>, vector<16xi32> -> vector<16xi32>
    %min3A_971 = arith.minsi %min3A_957, %gather3A_970 : vector<16xi32>
    %xor3A_972 = arith.constant 1 : i32
    %xor3A_973 = vector.broadcast %xor3A_972 : i32 to vector<16xi32>
    %xor3A_974 = arith.xori %iota3A_929, %xor3A_973 : vector<16xi32>
    %lt3A_975 = arith.constant 0 : i32
    %lt3A_976 = vector.broadcast %lt3A_975 : i32 to vector<16xi32>
    %lt3A_977 = arith.cmpi slt, %xor3A_974, %lt3A_976 : vector<16xi32>
    %add3A_978 = arith.constant 16 : i32
    %add3A_979 = vector.broadcast %add3A_978 : i32 to vector<16xi32>
    %add3A_980 = arith.addi %xor3A_974, %add3A_979 : vector<16xi32>
    %select_n3A_981 = arith.select %lt3A_977, %add3A_980, %xor3A_974 : vector<16xi1>, vector<16xi32>
    %broadcast_in_dim3A_982 = vector.shape_cast %select_n3A_981 : vector<16xi32> to vector<16x1xi32>
    %gather3A_983 = vector.shape_cast %broadcast_in_dim3A_982 : vector<16x1xi32> to vector<16xi32>
    %gather3A_984 = tpu.dynamic_gather %min3A_971[%gather3A_983] in [0] : vector<16xi32>, vector<16xi32> -> vector<16xi32>
    %min3A_985 = arith.minsi %min3A_971, %gather3A_984 : vector<16xi32>
    %eq3A_986 = arith.cmpi eq, %add3A_3, %min3A_985 : vector<16xi32>
    %jit3A_987 = arith.constant 1.000000e+00 : f32
    %broadcast_in_dim3A_988 = vector.broadcast %jit3A_987 : f32 to vector<16xf32>
    %select_n3A_989 = arith.select %eq3A_986, %broadcast_in_dim3A_988, %select_n3A_825 : vector<16xi1>, vector<16xf32>
    %jit3A_990 = arith.constant -3.400000e+38 : f32
    %broadcast_in_dim3A_991 = vector.broadcast %jit3A_990 : f32 to vector<16xf32>
    %select_n3A_992 = arith.select %eq3A_986, %broadcast_in_dim3A_991, %select_n3A_828 : vector<16xi1>, vector<16xf32>
    %eq3A_993 = arith.cmpi eq, %add3A_7, %min3A_985 : vector<16xi32>
    %jit3A_994 = arith.constant 1.000000e+00 : f32
    %broadcast_in_dim3A_995 = vector.broadcast %jit3A_994 : f32 to vector<16xf32>
    %select_n3A_996 = arith.select %eq3A_993, %broadcast_in_dim3A_995, %select_n3A_832 : vector<16xi1>, vector<16xf32>
    %jit3A_997 = arith.constant -3.400000e+38 : f32
    %broadcast_in_dim3A_998 = vector.broadcast %jit3A_997 : f32 to vector<16xf32>
    %select_n3A_999 = arith.select %eq3A_993, %broadcast_in_dim3A_998, %select_n3A_835 : vector<16xi1>, vector<16xf32>
    %eq3A_1000 = arith.cmpi eq, %add3A_11, %min3A_985 : vector<16xi32>
    %jit3A_1001 = arith.constant 1.000000e+00 : f32
    %broadcast_in_dim3A_1002 = vector.broadcast %jit3A_1001 : f32 to vector<16xf32>
    %select_n3A_1003 = arith.select %eq3A_1000, %broadcast_in_dim3A_1002, %select_n3A_839 : vector<16xi1>, vector<16xf32>
    %jit3A_1004 = arith.constant -3.400000e+38 : f32
    %broadcast_in_dim3A_1005 = vector.broadcast %jit3A_1004 : f32 to vector<16xf32>
    %select_n3A_1006 = arith.select %eq3A_1000, %broadcast_in_dim3A_1005, %select_n3A_842 : vector<16xi1>, vector<16xf32>
    %eq3A_1007 = arith.cmpi eq, %add3A_15, %min3A_985 : vector<16xi32>
    %jit3A_1008 = arith.constant 1.000000e+00 : f32
    %broadcast_in_dim3A_1009 = vector.broadcast %jit3A_1008 : f32 to vector<16xf32>
    %select_n3A_1010 = arith.select %eq3A_1007, %broadcast_in_dim3A_1009, %select_n3A_846 : vector<16xi1>, vector<16xf32>
    %jit3A_1011 = arith.constant -3.400000e+38 : f32
    %broadcast_in_dim3A_1012 = vector.broadcast %jit3A_1011 : f32 to vector<16xf32>
    %select_n3A_1013 = arith.select %eq3A_1007, %broadcast_in_dim3A_1012, %select_n3A_849 : vector<16xi1>, vector<16xf32>
    %max3A_1014 = arith.maximumf %select_n3A_992, %select_n3A_999 : vector<16xf32>
    %max3A_1015 = arith.maximumf %max3A_1014, %select_n3A_1006 : vector<16xf32>
    %max3A_1016 = arith.maximumf %max3A_1015, %select_n3A_1013 : vector<16xf32>
    %iota3A_1017 = tpu.iota {dimensions = array<i32: 0>} : vector<16xi32>
    %xor3A_1018 = arith.constant 8 : i32
    %xor3A_1019 = vector.broadcast %xor3A_1018 : i32 to vector<16xi32>
    %xor3A_1020 = arith.xori %iota3A_1017, %xor3A_1019 : vector<16xi32>
    %lt3A_1021 = arith.constant 0 : i32
    %lt3A_1022 = vector.broadcast %lt3A_1021 : i32 to vector<16xi32>
    %lt3A_1023 = arith.cmpi slt, %xor3A_1020, %lt3A_1022 : vector<16xi32>
    %add3A_1024 = arith.constant 16 : i32
    %add3A_1025 = vector.broadcast %add3A_1024 : i32 to vector<16xi32>
    %add3A_1026 = arith.addi %xor3A_1020, %add3A_1025 : vector<16xi32>
    %select_n3A_1027 = arith.select %lt3A_1023, %add3A_1026, %xor3A_1020 : vector<16xi1>, vector<16xi32>
    %broadcast_in_dim3A_1028 = vector.shape_cast %select_n3A_1027 : vector<16xi32> to vector<16x1xi32>
    %gather3A_1029 = vector.shape_cast %broadcast_in_dim3A_1028 : vector<16x1xi32> to vector<16xi32>
    %gather3A_1030 = tpu.dynamic_gather %max3A_1016[%gather3A_1029] in [0] : vector<16xf32>, vector<16xi32> -> vector<16xf32>
    %max3A_1031 = arith.maximumf %max3A_1016, %gather3A_1030 : vector<16xf32>
    %xor3A_1032 = arith.constant 4 : i32
    %xor3A_1033 = vector.broadcast %xor3A_1032 : i32 to vector<16xi32>
    %xor3A_1034 = arith.xori %iota3A_1017, %xor3A_1033 : vector<16xi32>
    %lt3A_1035 = arith.constant 0 : i32
    %lt3A_1036 = vector.broadcast %lt3A_1035 : i32 to vector<16xi32>
    %lt3A_1037 = arith.cmpi slt, %xor3A_1034, %lt3A_1036 : vector<16xi32>
    %add3A_1038 = arith.constant 16 : i32
    %add3A_1039 = vector.broadcast %add3A_1038 : i32 to vector<16xi32>
    %add3A_1040 = arith.addi %xor3A_1034, %add3A_1039 : vector<16xi32>
    %select_n3A_1041 = arith.select %lt3A_1037, %add3A_1040, %xor3A_1034 : vector<16xi1>, vector<16xi32>
    %broadcast_in_dim3A_1042 = vector.shape_cast %select_n3A_1041 : vector<16xi32> to vector<16x1xi32>
    %gather3A_1043 = vector.shape_cast %broadcast_in_dim3A_1042 : vector<16x1xi32> to vector<16xi32>
    %gather3A_1044 = tpu.dynamic_gather %max3A_1031[%gather3A_1043] in [0] : vector<16xf32>, vector<16xi32> -> vector<16xf32>
    %max3A_1045 = arith.maximumf %max3A_1031, %gather3A_1044 : vector<16xf32>
    %xor3A_1046 = arith.constant 2 : i32
    %xor3A_1047 = vector.broadcast %xor3A_1046 : i32 to vector<16xi32>
    %xor3A_1048 = arith.xori %iota3A_1017, %xor3A_1047 : vector<16xi32>
    %lt3A_1049 = arith.constant 0 : i32
    %lt3A_1050 = vector.broadcast %lt3A_1049 : i32 to vector<16xi32>
    %lt3A_1051 = arith.cmpi slt, %xor3A_1048, %lt3A_1050 : vector<16xi32>
    %add3A_1052 = arith.constant 16 : i32
    %add3A_1053 = vector.broadcast %add3A_1052 : i32 to vector<16xi32>
    %add3A_1054 = arith.addi %xor3A_1048, %add3A_1053 : vector<16xi32>
    %select_n3A_1055 = arith.select %lt3A_1051, %add3A_1054, %xor3A_1048 : vector<16xi1>, vector<16xi32>
    %broadcast_in_dim3A_1056 = vector.shape_cast %select_n3A_1055 : vector<16xi32> to vector<16x1xi32>
    %gather3A_1057 = vector.shape_cast %broadcast_in_dim3A_1056 : vector<16x1xi32> to vector<16xi32>
    %gather3A_1058 = tpu.dynamic_gather %max3A_1045[%gather3A_1057] in [0] : vector<16xf32>, vector<16xi32> -> vector<16xf32>
    %max3A_1059 = arith.maximumf %max3A_1045, %gather3A_1058 : vector<16xf32>
    %xor3A_1060 = arith.constant 1 : i32
    %xor3A_1061 = vector.broadcast %xor3A_1060 : i32 to vector<16xi32>
    %xor3A_1062 = arith.xori %iota3A_1017, %xor3A_1061 : vector<16xi32>
    %lt3A_1063 = arith.constant 0 : i32
    %lt3A_1064 = vector.broadcast %lt3A_1063 : i32 to vector<16xi32>
    %lt3A_1065 = arith.cmpi slt, %xor3A_1062, %lt3A_1064 : vector<16xi32>
    %add3A_1066 = arith.constant 16 : i32
    %add3A_1067 = vector.broadcast %add3A_1066 : i32 to vector<16xi32>
    %add3A_1068 = arith.addi %xor3A_1062, %add3A_1067 : vector<16xi32>
    %select_n3A_1069 = arith.select %lt3A_1065, %add3A_1068, %xor3A_1062 : vector<16xi1>, vector<16xi32>
    %broadcast_in_dim3A_1070 = vector.shape_cast %select_n3A_1069 : vector<16xi32> to vector<16x1xi32>
    %gather3A_1071 = vector.shape_cast %broadcast_in_dim3A_1070 : vector<16x1xi32> to vector<16xi32>
    %gather3A_1072 = tpu.dynamic_gather %max3A_1059[%gather3A_1071] in [0] : vector<16xf32>, vector<16xi32> -> vector<16xf32>
    %max3A_1073 = arith.maximumf %max3A_1059, %gather3A_1072 : vector<16xf32>
    %eq3A_1074 = arith.cmpf oeq, %select_n3A_992, %max3A_1073 : vector<16xf32>
    %jit3A_1075 = arith.constant 64 : i32
    %broadcast_in_dim3A_1076 = vector.broadcast %jit3A_1075 : i32 to vector<16xi32>
    %select_n3A_1077 = arith.select %eq3A_1074, %add3A_3, %broadcast_in_dim3A_1076 : vector<16xi1>, vector<16xi32>
    %eq3A_1078 = arith.cmpf oeq, %select_n3A_999, %max3A_1073 : vector<16xf32>
    %jit3A_1079 = arith.constant 64 : i32
    %broadcast_in_dim3A_1080 = vector.broadcast %jit3A_1079 : i32 to vector<16xi32>
    %select_n3A_1081 = arith.select %eq3A_1078, %add3A_7, %broadcast_in_dim3A_1080 : vector<16xi1>, vector<16xi32>
    %eq3A_1082 = arith.cmpf oeq, %select_n3A_1006, %max3A_1073 : vector<16xf32>
    %jit3A_1083 = arith.constant 64 : i32
    %broadcast_in_dim3A_1084 = vector.broadcast %jit3A_1083 : i32 to vector<16xi32>
    %select_n3A_1085 = arith.select %eq3A_1082, %add3A_11, %broadcast_in_dim3A_1084 : vector<16xi1>, vector<16xi32>
    %eq3A_1086 = arith.cmpf oeq, %select_n3A_1013, %max3A_1073 : vector<16xf32>
    %jit3A_1087 = arith.constant 64 : i32
    %broadcast_in_dim3A_1088 = vector.broadcast %jit3A_1087 : i32 to vector<16xi32>
    %select_n3A_1089 = arith.select %eq3A_1086, %add3A_15, %broadcast_in_dim3A_1088 : vector<16xi1>, vector<16xi32>
    %min3A_1090 = arith.minsi %select_n3A_1077, %select_n3A_1081 : vector<16xi32>
    %min3A_1091 = arith.minsi %min3A_1090, %select_n3A_1085 : vector<16xi32>
    %min3A_1092 = arith.minsi %min3A_1091, %select_n3A_1089 : vector<16xi32>
    %iota3A_1093 = tpu.iota {dimensions = array<i32: 0>} : vector<16xi32>
    %xor3A_1094 = arith.constant 8 : i32
    %xor3A_1095 = vector.broadcast %xor3A_1094 : i32 to vector<16xi32>
    %xor3A_1096 = arith.xori %iota3A_1093, %xor3A_1095 : vector<16xi32>
    %lt3A_1097 = arith.constant 0 : i32
    %lt3A_1098 = vector.broadcast %lt3A_1097 : i32 to vector<16xi32>
    %lt3A_1099 = arith.cmpi slt, %xor3A_1096, %lt3A_1098 : vector<16xi32>
    %add3A_1100 = arith.constant 16 : i32
    %add3A_1101 = vector.broadcast %add3A_1100 : i32 to vector<16xi32>
    %add3A_1102 = arith.addi %xor3A_1096, %add3A_1101 : vector<16xi32>
    %select_n3A_1103 = arith.select %lt3A_1099, %add3A_1102, %xor3A_1096 : vector<16xi1>, vector<16xi32>
    %broadcast_in_dim3A_1104 = vector.shape_cast %select_n3A_1103 : vector<16xi32> to vector<16x1xi32>
    %gather3A_1105 = vector.shape_cast %broadcast_in_dim3A_1104 : vector<16x1xi32> to vector<16xi32>
    %gather3A_1106 = tpu.dynamic_gather %min3A_1092[%gather3A_1105] in [0] : vector<16xi32>, vector<16xi32> -> vector<16xi32>
    %min3A_1107 = arith.minsi %min3A_1092, %gather3A_1106 : vector<16xi32>
    %xor3A_1108 = arith.constant 4 : i32
    %xor3A_1109 = vector.broadcast %xor3A_1108 : i32 to vector<16xi32>
    %xor3A_1110 = arith.xori %iota3A_1093, %xor3A_1109 : vector<16xi32>
    %lt3A_1111 = arith.constant 0 : i32
    %lt3A_1112 = vector.broadcast %lt3A_1111 : i32 to vector<16xi32>
    %lt3A_1113 = arith.cmpi slt, %xor3A_1110, %lt3A_1112 : vector<16xi32>
    %add3A_1114 = arith.constant 16 : i32
    %add3A_1115 = vector.broadcast %add3A_1114 : i32 to vector<16xi32>
    %add3A_1116 = arith.addi %xor3A_1110, %add3A_1115 : vector<16xi32>
    %select_n3A_1117 = arith.select %lt3A_1113, %add3A_1116, %xor3A_1110 : vector<16xi1>, vector<16xi32>
    %broadcast_in_dim3A_1118 = vector.shape_cast %select_n3A_1117 : vector<16xi32> to vector<16x1xi32>
    %gather3A_1119 = vector.shape_cast %broadcast_in_dim3A_1118 : vector<16x1xi32> to vector<16xi32>
    %gather3A_1120 = tpu.dynamic_gather %min3A_1107[%gather3A_1119] in [0] : vector<16xi32>, vector<16xi32> -> vector<16xi32>
    %min3A_1121 = arith.minsi %min3A_1107, %gather3A_1120 : vector<16xi32>
    %xor3A_1122 = arith.constant 2 : i32
    %xor3A_1123 = vector.broadcast %xor3A_1122 : i32 to vector<16xi32>
    %xor3A_1124 = arith.xori %iota3A_1093, %xor3A_1123 : vector<16xi32>
    %lt3A_1125 = arith.constant 0 : i32
    %lt3A_1126 = vector.broadcast %lt3A_1125 : i32 to vector<16xi32>
    %lt3A_1127 = arith.cmpi slt, %xor3A_1124, %lt3A_1126 : vector<16xi32>
    %add3A_1128 = arith.constant 16 : i32
    %add3A_1129 = vector.broadcast %add3A_1128 : i32 to vector<16xi32>
    %add3A_1130 = arith.addi %xor3A_1124, %add3A_1129 : vector<16xi32>
    %select_n3A_1131 = arith.select %lt3A_1127, %add3A_1130, %xor3A_1124 : vector<16xi1>, vector<16xi32>
    %broadcast_in_dim3A_1132 = vector.shape_cast %select_n3A_1131 : vector<16xi32> to vector<16x1xi32>
    %gather3A_1133 = vector.shape_cast %broadcast_in_dim3A_1132 : vector<16x1xi32> to vector<16xi32>
    %gather3A_1134 = tpu.dynamic_gather %min3A_1121[%gather3A_1133] in [0] : vector<16xi32>, vector<16xi32> -> vector<16xi32>
    %min3A_1135 = arith.minsi %min3A_1121, %gather3A_1134 : vector<16xi32>
    %xor3A_1136 = arith.constant 1 : i32
    %xor3A_1137 = vector.broadcast %xor3A_1136 : i32 to vector<16xi32>
    %xor3A_1138 = arith.xori %iota3A_1093, %xor3A_1137 : vector<16xi32>
    %lt3A_1139 = arith.constant 0 : i32
    %lt3A_1140 = vector.broadcast %lt3A_1139 : i32 to vector<16xi32>
    %lt3A_1141 = arith.cmpi slt, %xor3A_1138, %lt3A_1140 : vector<16xi32>
    %add3A_1142 = arith.constant 16 : i32
    %add3A_1143 = vector.broadcast %add3A_1142 : i32 to vector<16xi32>
    %add3A_1144 = arith.addi %xor3A_1138, %add3A_1143 : vector<16xi32>
    %select_n3A_1145 = arith.select %lt3A_1141, %add3A_1144, %xor3A_1138 : vector<16xi1>, vector<16xi32>
    %broadcast_in_dim3A_1146 = vector.shape_cast %select_n3A_1145 : vector<16xi32> to vector<16x1xi32>
    %gather3A_1147 = vector.shape_cast %broadcast_in_dim3A_1146 : vector<16x1xi32> to vector<16xi32>
    %gather3A_1148 = tpu.dynamic_gather %min3A_1135[%gather3A_1147] in [0] : vector<16xi32>, vector<16xi32> -> vector<16xi32>
    %min3A_1149 = arith.minsi %min3A_1135, %gather3A_1148 : vector<16xi32>
    %eq3A_1150 = arith.cmpi eq, %add3A_3, %min3A_1149 : vector<16xi32>
    %jit3A_1151 = arith.constant 1.000000e+00 : f32
    %broadcast_in_dim3A_1152 = vector.broadcast %jit3A_1151 : f32 to vector<16xf32>
    %select_n3A_1153 = arith.select %eq3A_1150, %broadcast_in_dim3A_1152, %select_n3A_989 : vector<16xi1>, vector<16xf32>
    %jit3A_1154 = arith.constant -3.400000e+38 : f32
    %broadcast_in_dim3A_1155 = vector.broadcast %jit3A_1154 : f32 to vector<16xf32>
    %select_n3A_1156 = arith.select %eq3A_1150, %broadcast_in_dim3A_1155, %select_n3A_992 : vector<16xi1>, vector<16xf32>
    %eq3A_1157 = arith.cmpi eq, %add3A_7, %min3A_1149 : vector<16xi32>
    %jit3A_1158 = arith.constant 1.000000e+00 : f32
    %broadcast_in_dim3A_1159 = vector.broadcast %jit3A_1158 : f32 to vector<16xf32>
    %select_n3A_1160 = arith.select %eq3A_1157, %broadcast_in_dim3A_1159, %select_n3A_996 : vector<16xi1>, vector<16xf32>
    %jit3A_1161 = arith.constant -3.400000e+38 : f32
    %broadcast_in_dim3A_1162 = vector.broadcast %jit3A_1161 : f32 to vector<16xf32>
    %select_n3A_1163 = arith.select %eq3A_1157, %broadcast_in_dim3A_1162, %select_n3A_999 : vector<16xi1>, vector<16xf32>
    %eq3A_1164 = arith.cmpi eq, %add3A_11, %min3A_1149 : vector<16xi32>
    %jit3A_1165 = arith.constant 1.000000e+00 : f32
    %broadcast_in_dim3A_1166 = vector.broadcast %jit3A_1165 : f32 to vector<16xf32>
    %select_n3A_1167 = arith.select %eq3A_1164, %broadcast_in_dim3A_1166, %select_n3A_1003 : vector<16xi1>, vector<16xf32>
    %jit3A_1168 = arith.constant -3.400000e+38 : f32
    %broadcast_in_dim3A_1169 = vector.broadcast %jit3A_1168 : f32 to vector<16xf32>
    %select_n3A_1170 = arith.select %eq3A_1164, %broadcast_in_dim3A_1169, %select_n3A_1006 : vector<16xi1>, vector<16xf32>
    %eq3A_1171 = arith.cmpi eq, %add3A_15, %min3A_1149 : vector<16xi32>
    %jit3A_1172 = arith.constant 1.000000e+00 : f32
    %broadcast_in_dim3A_1173 = vector.broadcast %jit3A_1172 : f32 to vector<16xf32>
    %select_n3A_1174 = arith.select %eq3A_1171, %broadcast_in_dim3A_1173, %select_n3A_1010 : vector<16xi1>, vector<16xf32>
    %jit3A_1175 = arith.constant -3.400000e+38 : f32
    %broadcast_in_dim3A_1176 = vector.broadcast %jit3A_1175 : f32 to vector<16xf32>
    %select_n3A_1177 = arith.select %eq3A_1171, %broadcast_in_dim3A_1176, %select_n3A_1013 : vector<16xi1>, vector<16xf32>
    %max3A_1178 = arith.maximumf %select_n3A_1156, %select_n3A_1163 : vector<16xf32>
    %max3A_1179 = arith.maximumf %max3A_1178, %select_n3A_1170 : vector<16xf32>
    %max3A_1180 = arith.maximumf %max3A_1179, %select_n3A_1177 : vector<16xf32>
    %iota3A_1181 = tpu.iota {dimensions = array<i32: 0>} : vector<16xi32>
    %xor3A_1182 = arith.constant 8 : i32
    %xor3A_1183 = vector.broadcast %xor3A_1182 : i32 to vector<16xi32>
    %xor3A_1184 = arith.xori %iota3A_1181, %xor3A_1183 : vector<16xi32>
    %lt3A_1185 = arith.constant 0 : i32
    %lt3A_1186 = vector.broadcast %lt3A_1185 : i32 to vector<16xi32>
    %lt3A_1187 = arith.cmpi slt, %xor3A_1184, %lt3A_1186 : vector<16xi32>
    %add3A_1188 = arith.constant 16 : i32
    %add3A_1189 = vector.broadcast %add3A_1188 : i32 to vector<16xi32>
    %add3A_1190 = arith.addi %xor3A_1184, %add3A_1189 : vector<16xi32>
    %select_n3A_1191 = arith.select %lt3A_1187, %add3A_1190, %xor3A_1184 : vector<16xi1>, vector<16xi32>
    %broadcast_in_dim3A_1192 = vector.shape_cast %select_n3A_1191 : vector<16xi32> to vector<16x1xi32>
    %gather3A_1193 = vector.shape_cast %broadcast_in_dim3A_1192 : vector<16x1xi32> to vector<16xi32>
    %gather3A_1194 = tpu.dynamic_gather %max3A_1180[%gather3A_1193] in [0] : vector<16xf32>, vector<16xi32> -> vector<16xf32>
    %max3A_1195 = arith.maximumf %max3A_1180, %gather3A_1194 : vector<16xf32>
    %xor3A_1196 = arith.constant 4 : i32
    %xor3A_1197 = vector.broadcast %xor3A_1196 : i32 to vector<16xi32>
    %xor3A_1198 = arith.xori %iota3A_1181, %xor3A_1197 : vector<16xi32>
    %lt3A_1199 = arith.constant 0 : i32
    %lt3A_1200 = vector.broadcast %lt3A_1199 : i32 to vector<16xi32>
    %lt3A_1201 = arith.cmpi slt, %xor3A_1198, %lt3A_1200 : vector<16xi32>
    %add3A_1202 = arith.constant 16 : i32
    %add3A_1203 = vector.broadcast %add3A_1202 : i32 to vector<16xi32>
    %add3A_1204 = arith.addi %xor3A_1198, %add3A_1203 : vector<16xi32>
    %select_n3A_1205 = arith.select %lt3A_1201, %add3A_1204, %xor3A_1198 : vector<16xi1>, vector<16xi32>
    %broadcast_in_dim3A_1206 = vector.shape_cast %select_n3A_1205 : vector<16xi32> to vector<16x1xi32>
    %gather3A_1207 = vector.shape_cast %broadcast_in_dim3A_1206 : vector<16x1xi32> to vector<16xi32>
    %gather3A_1208 = tpu.dynamic_gather %max3A_1195[%gather3A_1207] in [0] : vector<16xf32>, vector<16xi32> -> vector<16xf32>
    %max3A_1209 = arith.maximumf %max3A_1195, %gather3A_1208 : vector<16xf32>
    %xor3A_1210 = arith.constant 2 : i32
    %xor3A_1211 = vector.broadcast %xor3A_1210 : i32 to vector<16xi32>
    %xor3A_1212 = arith.xori %iota3A_1181, %xor3A_1211 : vector<16xi32>
    %lt3A_1213 = arith.constant 0 : i32
    %lt3A_1214 = vector.broadcast %lt3A_1213 : i32 to vector<16xi32>
    %lt3A_1215 = arith.cmpi slt, %xor3A_1212, %lt3A_1214 : vector<16xi32>
    %add3A_1216 = arith.constant 16 : i32
    %add3A_1217 = vector.broadcast %add3A_1216 : i32 to vector<16xi32>
    %add3A_1218 = arith.addi %xor3A_1212, %add3A_1217 : vector<16xi32>
    %select_n3A_1219 = arith.select %lt3A_1215, %add3A_1218, %xor3A_1212 : vector<16xi1>, vector<16xi32>
    %broadcast_in_dim3A_1220 = vector.shape_cast %select_n3A_1219 : vector<16xi32> to vector<16x1xi32>
    %gather3A_1221 = vector.shape_cast %broadcast_in_dim3A_1220 : vector<16x1xi32> to vector<16xi32>
    %gather3A_1222 = tpu.dynamic_gather %max3A_1209[%gather3A_1221] in [0] : vector<16xf32>, vector<16xi32> -> vector<16xf32>
    %max3A_1223 = arith.maximumf %max3A_1209, %gather3A_1222 : vector<16xf32>
    %xor3A_1224 = arith.constant 1 : i32
    %xor3A_1225 = vector.broadcast %xor3A_1224 : i32 to vector<16xi32>
    %xor3A_1226 = arith.xori %iota3A_1181, %xor3A_1225 : vector<16xi32>
    %lt3A_1227 = arith.constant 0 : i32
    %lt3A_1228 = vector.broadcast %lt3A_1227 : i32 to vector<16xi32>
    %lt3A_1229 = arith.cmpi slt, %xor3A_1226, %lt3A_1228 : vector<16xi32>
    %add3A_1230 = arith.constant 16 : i32
    %add3A_1231 = vector.broadcast %add3A_1230 : i32 to vector<16xi32>
    %add3A_1232 = arith.addi %xor3A_1226, %add3A_1231 : vector<16xi32>
    %select_n3A_1233 = arith.select %lt3A_1229, %add3A_1232, %xor3A_1226 : vector<16xi1>, vector<16xi32>
    %broadcast_in_dim3A_1234 = vector.shape_cast %select_n3A_1233 : vector<16xi32> to vector<16x1xi32>
    %gather3A_1235 = vector.shape_cast %broadcast_in_dim3A_1234 : vector<16x1xi32> to vector<16xi32>
    %gather3A_1236 = tpu.dynamic_gather %max3A_1223[%gather3A_1235] in [0] : vector<16xf32>, vector<16xi32> -> vector<16xf32>
    %max3A_1237 = arith.maximumf %max3A_1223, %gather3A_1236 : vector<16xf32>
    %eq3A_1238 = arith.cmpf oeq, %select_n3A_1156, %max3A_1237 : vector<16xf32>
    %jit3A_1239 = arith.constant 64 : i32
    %broadcast_in_dim3A_1240 = vector.broadcast %jit3A_1239 : i32 to vector<16xi32>
    %select_n3A_1241 = arith.select %eq3A_1238, %add3A_3, %broadcast_in_dim3A_1240 : vector<16xi1>, vector<16xi32>
    %eq3A_1242 = arith.cmpf oeq, %select_n3A_1163, %max3A_1237 : vector<16xf32>
    %jit3A_1243 = arith.constant 64 : i32
    %broadcast_in_dim3A_1244 = vector.broadcast %jit3A_1243 : i32 to vector<16xi32>
    %select_n3A_1245 = arith.select %eq3A_1242, %add3A_7, %broadcast_in_dim3A_1244 : vector<16xi1>, vector<16xi32>
    %eq3A_1246 = arith.cmpf oeq, %select_n3A_1170, %max3A_1237 : vector<16xf32>
    %jit3A_1247 = arith.constant 64 : i32
    %broadcast_in_dim3A_1248 = vector.broadcast %jit3A_1247 : i32 to vector<16xi32>
    %select_n3A_1249 = arith.select %eq3A_1246, %add3A_11, %broadcast_in_dim3A_1248 : vector<16xi1>, vector<16xi32>
    %eq3A_1250 = arith.cmpf oeq, %select_n3A_1177, %max3A_1237 : vector<16xf32>
    %jit3A_1251 = arith.constant 64 : i32
    %broadcast_in_dim3A_1252 = vector.broadcast %jit3A_1251 : i32 to vector<16xi32>
    %select_n3A_1253 = arith.select %eq3A_1250, %add3A_15, %broadcast_in_dim3A_1252 : vector<16xi1>, vector<16xi32>
    %min3A_1254 = arith.minsi %select_n3A_1241, %select_n3A_1245 : vector<16xi32>
    %min3A_1255 = arith.minsi %min3A_1254, %select_n3A_1249 : vector<16xi32>
    %min3A_1256 = arith.minsi %min3A_1255, %select_n3A_1253 : vector<16xi32>
    %iota3A_1257 = tpu.iota {dimensions = array<i32: 0>} : vector<16xi32>
    %xor3A_1258 = arith.constant 8 : i32
    %xor3A_1259 = vector.broadcast %xor3A_1258 : i32 to vector<16xi32>
    %xor3A_1260 = arith.xori %iota3A_1257, %xor3A_1259 : vector<16xi32>
    %lt3A_1261 = arith.constant 0 : i32
    %lt3A_1262 = vector.broadcast %lt3A_1261 : i32 to vector<16xi32>
    %lt3A_1263 = arith.cmpi slt, %xor3A_1260, %lt3A_1262 : vector<16xi32>
    %add3A_1264 = arith.constant 16 : i32
    %add3A_1265 = vector.broadcast %add3A_1264 : i32 to vector<16xi32>
    %add3A_1266 = arith.addi %xor3A_1260, %add3A_1265 : vector<16xi32>
    %select_n3A_1267 = arith.select %lt3A_1263, %add3A_1266, %xor3A_1260 : vector<16xi1>, vector<16xi32>
    %broadcast_in_dim3A_1268 = vector.shape_cast %select_n3A_1267 : vector<16xi32> to vector<16x1xi32>
    %gather3A_1269 = vector.shape_cast %broadcast_in_dim3A_1268 : vector<16x1xi32> to vector<16xi32>
    %gather3A_1270 = tpu.dynamic_gather %min3A_1256[%gather3A_1269] in [0] : vector<16xi32>, vector<16xi32> -> vector<16xi32>
    %min3A_1271 = arith.minsi %min3A_1256, %gather3A_1270 : vector<16xi32>
    %xor3A_1272 = arith.constant 4 : i32
    %xor3A_1273 = vector.broadcast %xor3A_1272 : i32 to vector<16xi32>
    %xor3A_1274 = arith.xori %iota3A_1257, %xor3A_1273 : vector<16xi32>
    %lt3A_1275 = arith.constant 0 : i32
    %lt3A_1276 = vector.broadcast %lt3A_1275 : i32 to vector<16xi32>
    %lt3A_1277 = arith.cmpi slt, %xor3A_1274, %lt3A_1276 : vector<16xi32>
    %add3A_1278 = arith.constant 16 : i32
    %add3A_1279 = vector.broadcast %add3A_1278 : i32 to vector<16xi32>
    %add3A_1280 = arith.addi %xor3A_1274, %add3A_1279 : vector<16xi32>
    %select_n3A_1281 = arith.select %lt3A_1277, %add3A_1280, %xor3A_1274 : vector<16xi1>, vector<16xi32>
    %broadcast_in_dim3A_1282 = vector.shape_cast %select_n3A_1281 : vector<16xi32> to vector<16x1xi32>
    %gather3A_1283 = vector.shape_cast %broadcast_in_dim3A_1282 : vector<16x1xi32> to vector<16xi32>
    %gather3A_1284 = tpu.dynamic_gather %min3A_1271[%gather3A_1283] in [0] : vector<16xi32>, vector<16xi32> -> vector<16xi32>
    %min3A_1285 = arith.minsi %min3A_1271, %gather3A_1284 : vector<16xi32>
    %xor3A_1286 = arith.constant 2 : i32
    %xor3A_1287 = vector.broadcast %xor3A_1286 : i32 to vector<16xi32>
    %xor3A_1288 = arith.xori %iota3A_1257, %xor3A_1287 : vector<16xi32>
    %lt3A_1289 = arith.constant 0 : i32
    %lt3A_1290 = vector.broadcast %lt3A_1289 : i32 to vector<16xi32>
    %lt3A_1291 = arith.cmpi slt, %xor3A_1288, %lt3A_1290 : vector<16xi32>
    %add3A_1292 = arith.constant 16 : i32
    %add3A_1293 = vector.broadcast %add3A_1292 : i32 to vector<16xi32>
    %add3A_1294 = arith.addi %xor3A_1288, %add3A_1293 : vector<16xi32>
    %select_n3A_1295 = arith.select %lt3A_1291, %add3A_1294, %xor3A_1288 : vector<16xi1>, vector<16xi32>
    %broadcast_in_dim3A_1296 = vector.shape_cast %select_n3A_1295 : vector<16xi32> to vector<16x1xi32>
    %gather3A_1297 = vector.shape_cast %broadcast_in_dim3A_1296 : vector<16x1xi32> to vector<16xi32>
    %gather3A_1298 = tpu.dynamic_gather %min3A_1285[%gather3A_1297] in [0] : vector<16xi32>, vector<16xi32> -> vector<16xi32>
    %min3A_1299 = arith.minsi %min3A_1285, %gather3A_1298 : vector<16xi32>
    %xor3A_1300 = arith.constant 1 : i32
    %xor3A_1301 = vector.broadcast %xor3A_1300 : i32 to vector<16xi32>
    %xor3A_1302 = arith.xori %iota3A_1257, %xor3A_1301 : vector<16xi32>
    %lt3A_1303 = arith.constant 0 : i32
    %lt3A_1304 = vector.broadcast %lt3A_1303 : i32 to vector<16xi32>
    %lt3A_1305 = arith.cmpi slt, %xor3A_1302, %lt3A_1304 : vector<16xi32>
    %add3A_1306 = arith.constant 16 : i32
    %add3A_1307 = vector.broadcast %add3A_1306 : i32 to vector<16xi32>
    %add3A_1308 = arith.addi %xor3A_1302, %add3A_1307 : vector<16xi32>
    %select_n3A_1309 = arith.select %lt3A_1305, %add3A_1308, %xor3A_1302 : vector<16xi1>, vector<16xi32>
    %broadcast_in_dim3A_1310 = vector.shape_cast %select_n3A_1309 : vector<16xi32> to vector<16x1xi32>
    %gather3A_1311 = vector.shape_cast %broadcast_in_dim3A_1310 : vector<16x1xi32> to vector<16xi32>
    %gather3A_1312 = tpu.dynamic_gather %min3A_1299[%gather3A_1311] in [0] : vector<16xi32>, vector<16xi32> -> vector<16xi32>
    %min3A_1313 = arith.minsi %min3A_1299, %gather3A_1312 : vector<16xi32>
    %eq3A_1314 = arith.cmpi eq, %add3A_3, %min3A_1313 : vector<16xi32>
    %jit3A_1315 = arith.constant 1.000000e+00 : f32
    %broadcast_in_dim3A_1316 = vector.broadcast %jit3A_1315 : f32 to vector<16xf32>
    %select_n3A_1317 = arith.select %eq3A_1314, %broadcast_in_dim3A_1316, %select_n3A_1153 : vector<16xi1>, vector<16xf32>
    %jit3A_1318 = arith.constant -3.400000e+38 : f32
    %broadcast_in_dim3A_1319 = vector.broadcast %jit3A_1318 : f32 to vector<16xf32>
    %select_n3A_1320 = arith.select %eq3A_1314, %broadcast_in_dim3A_1319, %select_n3A_1156 : vector<16xi1>, vector<16xf32>
    %eq3A_1321 = arith.cmpi eq, %add3A_7, %min3A_1313 : vector<16xi32>
    %jit3A_1322 = arith.constant 1.000000e+00 : f32
    %broadcast_in_dim3A_1323 = vector.broadcast %jit3A_1322 : f32 to vector<16xf32>
    %select_n3A_1324 = arith.select %eq3A_1321, %broadcast_in_dim3A_1323, %select_n3A_1160 : vector<16xi1>, vector<16xf32>
    %jit3A_1325 = arith.constant -3.400000e+38 : f32
    %broadcast_in_dim3A_1326 = vector.broadcast %jit3A_1325 : f32 to vector<16xf32>
    %select_n3A_1327 = arith.select %eq3A_1321, %broadcast_in_dim3A_1326, %select_n3A_1163 : vector<16xi1>, vector<16xf32>
    %eq3A_1328 = arith.cmpi eq, %add3A_11, %min3A_1313 : vector<16xi32>
    %jit3A_1329 = arith.constant 1.000000e+00 : f32
    %broadcast_in_dim3A_1330 = vector.broadcast %jit3A_1329 : f32 to vector<16xf32>
    %select_n3A_1331 = arith.select %eq3A_1328, %broadcast_in_dim3A_1330, %select_n3A_1167 : vector<16xi1>, vector<16xf32>
    %jit3A_1332 = arith.constant -3.400000e+38 : f32
    %broadcast_in_dim3A_1333 = vector.broadcast %jit3A_1332 : f32 to vector<16xf32>
    %select_n3A_1334 = arith.select %eq3A_1328, %broadcast_in_dim3A_1333, %select_n3A_1170 : vector<16xi1>, vector<16xf32>
    %eq3A_1335 = arith.cmpi eq, %add3A_15, %min3A_1313 : vector<16xi32>
    %jit3A_1336 = arith.constant 1.000000e+00 : f32
    %broadcast_in_dim3A_1337 = vector.broadcast %jit3A_1336 : f32 to vector<16xf32>
    %select_n3A_1338 = arith.select %eq3A_1335, %broadcast_in_dim3A_1337, %select_n3A_1174 : vector<16xi1>, vector<16xf32>
    %jit3A_1339 = arith.constant -3.400000e+38 : f32
    %broadcast_in_dim3A_1340 = vector.broadcast %jit3A_1339 : f32 to vector<16xf32>
    %select_n3A_1341 = arith.select %eq3A_1335, %broadcast_in_dim3A_1340, %select_n3A_1177 : vector<16xi1>, vector<16xf32>
    %sub3A = arith.subf %get3A_21, %max3A_92 : vector<16xf32>
    %exp3A = math.exp %sub3A : vector<16xf32>
    %mul3A_1342 = arith.mulf %exp3A, %select_n3A_1317 : vector<16xf32>
    %sub3A_1343 = arith.subf %get3A_24, %max3A_92 : vector<16xf32>
    %exp3A_1344 = math.exp %sub3A_1343 : vector<16xf32>
    %mul3A_1345 = arith.mulf %exp3A_1344, %select_n3A_1324 : vector<16xf32>
    %sub3A_1346 = arith.subf %get3A_27, %max3A_92 : vector<16xf32>
    %exp3A_1347 = math.exp %sub3A_1346 : vector<16xf32>
    %mul3A_1348 = arith.mulf %exp3A_1347, %select_n3A_1331 : vector<16xf32>
    %sub3A_1349 = arith.subf %get3A_30, %max3A_92 : vector<16xf32>
    %exp3A_1350 = math.exp %sub3A_1349 : vector<16xf32>
    %mul3A_1351 = arith.mulf %exp3A_1350, %select_n3A_1338 : vector<16xf32>
    %add3A_1352 = arith.addf %mul3A_1342, %mul3A_1345 : vector<16xf32>
    %add3A_1353 = arith.addf %add3A_1352, %mul3A_1348 : vector<16xf32>
    %add3A_1354 = arith.addf %add3A_1353, %mul3A_1351 : vector<16xf32>
    %iota3A_1355 = tpu.iota {dimensions = array<i32: 0>} : vector<16xi32>
    %xor3A_1356 = arith.constant 8 : i32
    %xor3A_1357 = vector.broadcast %xor3A_1356 : i32 to vector<16xi32>
    %xor3A_1358 = arith.xori %iota3A_1355, %xor3A_1357 : vector<16xi32>
    %lt3A_1359 = arith.constant 0 : i32
    %lt3A_1360 = vector.broadcast %lt3A_1359 : i32 to vector<16xi32>
    %lt3A_1361 = arith.cmpi slt, %xor3A_1358, %lt3A_1360 : vector<16xi32>
    %add3A_1362 = arith.constant 16 : i32
    %add3A_1363 = vector.broadcast %add3A_1362 : i32 to vector<16xi32>
    %add3A_1364 = arith.addi %xor3A_1358, %add3A_1363 : vector<16xi32>
    %select_n3A_1365 = arith.select %lt3A_1361, %add3A_1364, %xor3A_1358 : vector<16xi1>, vector<16xi32>
    %broadcast_in_dim3A_1366 = vector.shape_cast %select_n3A_1365 : vector<16xi32> to vector<16x1xi32>
    %gather3A_1367 = vector.shape_cast %broadcast_in_dim3A_1366 : vector<16x1xi32> to vector<16xi32>
    %gather3A_1368 = tpu.dynamic_gather %add3A_1354[%gather3A_1367] in [0] : vector<16xf32>, vector<16xi32> -> vector<16xf32>
    %add3A_1369 = arith.addf %add3A_1354, %gather3A_1368 : vector<16xf32>
    %xor3A_1370 = arith.constant 4 : i32
    %xor3A_1371 = vector.broadcast %xor3A_1370 : i32 to vector<16xi32>
    %xor3A_1372 = arith.xori %iota3A_1355, %xor3A_1371 : vector<16xi32>
    %lt3A_1373 = arith.constant 0 : i32
    %lt3A_1374 = vector.broadcast %lt3A_1373 : i32 to vector<16xi32>
    %lt3A_1375 = arith.cmpi slt, %xor3A_1372, %lt3A_1374 : vector<16xi32>
    %add3A_1376 = arith.constant 16 : i32
    %add3A_1377 = vector.broadcast %add3A_1376 : i32 to vector<16xi32>
    %add3A_1378 = arith.addi %xor3A_1372, %add3A_1377 : vector<16xi32>
    %select_n3A_1379 = arith.select %lt3A_1375, %add3A_1378, %xor3A_1372 : vector<16xi1>, vector<16xi32>
    %broadcast_in_dim3A_1380 = vector.shape_cast %select_n3A_1379 : vector<16xi32> to vector<16x1xi32>
    %gather3A_1381 = vector.shape_cast %broadcast_in_dim3A_1380 : vector<16x1xi32> to vector<16xi32>
    %gather3A_1382 = tpu.dynamic_gather %add3A_1369[%gather3A_1381] in [0] : vector<16xf32>, vector<16xi32> -> vector<16xf32>
    %add3A_1383 = arith.addf %add3A_1369, %gather3A_1382 : vector<16xf32>
    %xor3A_1384 = arith.constant 2 : i32
    %xor3A_1385 = vector.broadcast %xor3A_1384 : i32 to vector<16xi32>
    %xor3A_1386 = arith.xori %iota3A_1355, %xor3A_1385 : vector<16xi32>
    %lt3A_1387 = arith.constant 0 : i32
    %lt3A_1388 = vector.broadcast %lt3A_1387 : i32 to vector<16xi32>
    %lt3A_1389 = arith.cmpi slt, %xor3A_1386, %lt3A_1388 : vector<16xi32>
    %add3A_1390 = arith.constant 16 : i32
    %add3A_1391 = vector.broadcast %add3A_1390 : i32 to vector<16xi32>
    %add3A_1392 = arith.addi %xor3A_1386, %add3A_1391 : vector<16xi32>
    %select_n3A_1393 = arith.select %lt3A_1389, %add3A_1392, %xor3A_1386 : vector<16xi1>, vector<16xi32>
    %broadcast_in_dim3A_1394 = vector.shape_cast %select_n3A_1393 : vector<16xi32> to vector<16x1xi32>
    %gather3A_1395 = vector.shape_cast %broadcast_in_dim3A_1394 : vector<16x1xi32> to vector<16xi32>
    %gather3A_1396 = tpu.dynamic_gather %add3A_1383[%gather3A_1395] in [0] : vector<16xf32>, vector<16xi32> -> vector<16xf32>
    %add3A_1397 = arith.addf %add3A_1383, %gather3A_1396 : vector<16xf32>
    %xor3A_1398 = arith.constant 1 : i32
    %xor3A_1399 = vector.broadcast %xor3A_1398 : i32 to vector<16xi32>
    %xor3A_1400 = arith.xori %iota3A_1355, %xor3A_1399 : vector<16xi32>
    %lt3A_1401 = arith.constant 0 : i32
    %lt3A_1402 = vector.broadcast %lt3A_1401 : i32 to vector<16xi32>
    %lt3A_1403 = arith.cmpi slt, %xor3A_1400, %lt3A_1402 : vector<16xi32>
    %add3A_1404 = arith.constant 16 : i32
    %add3A_1405 = vector.broadcast %add3A_1404 : i32 to vector<16xi32>
    %add3A_1406 = arith.addi %xor3A_1400, %add3A_1405 : vector<16xi32>
    %select_n3A_1407 = arith.select %lt3A_1403, %add3A_1406, %xor3A_1400 : vector<16xi1>, vector<16xi32>
    %broadcast_in_dim3A_1408 = vector.shape_cast %select_n3A_1407 : vector<16xi32> to vector<16x1xi32>
    %gather3A_1409 = vector.shape_cast %broadcast_in_dim3A_1408 : vector<16x1xi32> to vector<16xi32>
    %gather3A_1410 = tpu.dynamic_gather %add3A_1397[%gather3A_1409] in [0] : vector<16xf32>, vector<16xi32> -> vector<16xf32>
    %add3A_1411 = arith.addf %add3A_1397, %gather3A_1410 : vector<16xf32>
    %div3A = arith.divf %mul3A_1342, %add3A_1411 : vector<16xf32>
    %swap3A = arith.constant 0 : index
    %swap3A_1412 = tpu.vector_load %arg5[%swap3A] {strides = array<i32>} : memref<64xf32, #tpu.memory_space<vmem>>, vector<16xf32>,
    %swap3A_1413 = vector.shape_cast %swap3A_1412 : vector<16xf32> to vector<16xf32>
    %swap3A_1414 = vector.shape_cast %div3A : vector<16xf32> to vector<16xf32>
    tpu.vector_store %arg5[%swap3A], %swap3A_1414 {strides = array<i32>} : memref<64xf32, #tpu.memory_space<vmem>>, vector<16xf32>,
    %div3A_1415 = arith.divf %mul3A_1345, %add3A_1411 : vector<16xf32>
    %swap3A_1416 = arith.constant 16 : index
    %swap3A_1417 = tpu.vector_load %arg5[%swap3A_1416] {strides = array<i32>} : memref<64xf32, #tpu.memory_space<vmem>>, vector<16xf32>,
    %swap3A_1418 = vector.shape_cast %swap3A_1417 : vector<16xf32> to vector<16xf32>
    %swap3A_1419 = vector.shape_cast %div3A_1415 : vector<16xf32> to vector<16xf32>
    tpu.vector_store %arg5[%swap3A_1416], %swap3A_1419 {strides = array<i32>} : memref<64xf32, #tpu.memory_space<vmem>>, vector<16xf32>,
    %div3A_1420 = arith.divf %mul3A_1348, %add3A_1411 : vector<16xf32>
    %swap3A_1421 = arith.constant 32 : index
    %swap3A_1422 = tpu.vector_load %arg5[%swap3A_1421] {strides = array<i32>} : memref<64xf32, #tpu.memory_space<vmem>>, vector<16xf32>,
    %swap3A_1423 = vector.shape_cast %swap3A_1422 : vector<16xf32> to vector<16xf32>
    %swap3A_1424 = vector.shape_cast %div3A_1420 : vector<16xf32> to vector<16xf32>
    tpu.vector_store %arg5[%swap3A_1421], %swap3A_1424 {strides = array<i32>} : memref<64xf32, #tpu.memory_space<vmem>>, vector<16xf32>,
    %div3A_1425 = arith.divf %mul3A_1351, %add3A_1411 : vector<16xf32>
    %swap3A_1426 = arith.constant 48 : index
    %swap3A_1427 = tpu.vector_load %arg5[%swap3A_1426] {strides = array<i32>} : memref<64xf32, #tpu.memory_space<vmem>>, vector<16xf32>,
    %swap3A_1428 = vector.shape_cast %swap3A_1427 : vector<16xf32> to vector<16xf32>
    %swap3A_1429 = vector.shape_cast %div3A_1425 : vector<16xf32> to vector<16xf32>
    tpu.vector_store %arg5[%swap3A_1426], %swap3A_1429 {strides = array<i32>} : memref<64xf32, #tpu.memory_space<vmem>>, vector<16xf32>,
    "tpu.region"() ({
      %run_scoped3A = tpu.sem_alloc : memref<!tpu.dma_semaphore, #tpu.memory_space<semaphore_mem>>
      %dma_start3A = arith.constant 0 : i32
      %dma_start3A_2858 = tpu.memref_slice %arg3[%add3A_19, %dma_start3A] : memref<64x64xf32, #tpu.memory_space<hbm>> -> memref<1x64xf32, #tpu.memory_space<hbm>>
      %dma_start3A_2859 = tpu.memref_squeeze %dma_start3A_2858 : memref<1x64xf32, #tpu.memory_space<hbm>> -> memref<64xf32, #tpu.memory_space<hbm>>
      %dma_start3A_2860 = arith.constant 0 : i32
      %dma_start3A_2861 = tpu.memref_slice %arg3[%add3A_19, %dma_start3A_2860] : memref<64x64xf32, #tpu.memory_space<hbm>> -> memref<1x64xf32, #tpu.memory_space<hbm>>
      %dma_start3A_2862 = tpu.memref_squeeze %dma_start3A_2861 : memref<1x64xf32, #tpu.memory_space<hbm>> -> memref<64xf32, #tpu.memory_space<hbm>>
      tpu.enqueue_dma source(%arg5 : memref<64xf32, #tpu.memory_space<vmem>>) target(%dma_start3A_2862 : memref<64xf32, #tpu.memory_space<hbm>>) target_semaphore(%run_scoped3A : memref<!tpu.dma_semaphore, #tpu.memory_space<semaphore_mem>>)
      %dma_wait3A = arith.constant 0 : i32
      %dma_wait3A_2863 = tpu.memref_slice %arg3[%add3A_19, %dma_wait3A] : memref<64x64xf32, #tpu.memory_space<hbm>> -> memref<1x64xf32, #tpu.memory_space<hbm>>
      %dma_wait3A_2864 = tpu.memref_squeeze %dma_wait3A_2863 : memref<1x64xf32, #tpu.memory_space<hbm>> -> memref<64xf32, #tpu.memory_space<hbm>>
      %dma_wait3A_2865 = arith.constant 0 : i32
      %dma_wait3A_2866 = tpu.memref_slice %arg3[%add3A_19, %dma_wait3A_2865] : memref<64x64xf32, #tpu.memory_space<hbm>> -> memref<1x64xf32, #tpu.memory_space<hbm>>
      %dma_wait3A_2867 = tpu.memref_squeeze %dma_wait3A_2866 : memref<1x64xf32, #tpu.memory_space<hbm>> -> memref<64xf32, #tpu.memory_space<hbm>>
      tpu.wait_dma2 semaphore(%run_scoped3A : memref<!tpu.dma_semaphore, #tpu.memory_space<semaphore_mem>>) src(%arg5 : memref<64xf32, #tpu.memory_space<vmem>>) dst(%dma_wait3A_2867 : memref<64xf32, #tpu.memory_space<hbm>>)
      tpu.yield
    }) : () -> ()
    %mul3A_1430 = arith.constant 2 : i32
    %mul3A_1431 = arith.muli %add3A, %mul3A_1430 : i32
    %add3A_1432 = arith.constant 1 : i32
    %add3A_1433 = arith.addi %mul3A_1431, %add3A_1432 : i32
    "tpu.region"() ({
      %run_scoped3A = tpu.sem_alloc : memref<!tpu.dma_semaphore, #tpu.memory_space<semaphore_mem>>
      %dma_start3A = arith.constant 0 : i32
      %dma_start3A_2858 = tpu.memref_slice %arg2[%add3A_1433, %dma_start3A] : memref<64x64xf32, #tpu.memory_space<hbm>> -> memref<1x64xf32, #tpu.memory_space<hbm>>
      %dma_start3A_2859 = tpu.memref_squeeze %dma_start3A_2858 : memref<1x64xf32, #tpu.memory_space<hbm>> -> memref<64xf32, #tpu.memory_space<hbm>>
      %dma_start3A_2860 = arith.constant 0 : i32
      %dma_start3A_2861 = tpu.memref_slice %arg2[%add3A_1433, %dma_start3A_2860] : memref<64x64xf32, #tpu.memory_space<hbm>> -> memref<1x64xf32, #tpu.memory_space<hbm>>
      %dma_start3A_2862 = tpu.memref_squeeze %dma_start3A_2861 : memref<1x64xf32, #tpu.memory_space<hbm>> -> memref<64xf32, #tpu.memory_space<hbm>>
      tpu.enqueue_dma source(%dma_start3A_2862 : memref<64xf32, #tpu.memory_space<hbm>>) target(%arg4 : memref<64xf32, #tpu.memory_space<vmem>>) target_semaphore(%run_scoped3A : memref<!tpu.dma_semaphore, #tpu.memory_space<semaphore_mem>>)
      %dma_wait3A = arith.constant 0 : i32
      %dma_wait3A_2863 = tpu.memref_slice %arg2[%add3A_1433, %dma_wait3A] : memref<64x64xf32, #tpu.memory_space<hbm>> -> memref<1x64xf32, #tpu.memory_space<hbm>>
      %dma_wait3A_2864 = tpu.memref_squeeze %dma_wait3A_2863 : memref<1x64xf32, #tpu.memory_space<hbm>> -> memref<64xf32, #tpu.memory_space<hbm>>
      %dma_wait3A_2865 = arith.constant 0 : i32
      %dma_wait3A_2866 = tpu.memref_slice %arg2[%add3A_1433, %dma_wait3A_2865] : memref<64x64xf32, #tpu.memory_space<hbm>> -> memref<1x64xf32, #tpu.memory_space<hbm>>
      %dma_wait3A_2867 = tpu.memref_squeeze %dma_wait3A_2866 : memref<1x64xf32, #tpu.memory_space<hbm>> -> memref<64xf32, #tpu.memory_space<hbm>>
      tpu.wait_dma2 semaphore(%run_scoped3A : memref<!tpu.dma_semaphore, #tpu.memory_space<semaphore_mem>>) src(%dma_wait3A_2867 : memref<64xf32, #tpu.memory_space<hbm>>) dst(%arg4 : memref<64xf32, #tpu.memory_space<vmem>>)
      tpu.yield
    }) : () -> ()
    %get3A_1434 = arith.constant 0 : index
    %get3A_1435 = tpu.vector_load %arg4[%get3A_1434] {strides = array<i32>} : memref<64xf32, #tpu.memory_space<vmem>>, vector<16xf32>,
    %get3A_1436 = vector.shape_cast %get3A_1435 : vector<16xf32> to vector<16xf32>
    %get3A_1437 = arith.constant 16 : index
    %get3A_1438 = tpu.vector_load %arg4[%get3A_1437] {strides = array<i32>} : memref<64xf32, #tpu.memory_space<vmem>>, vector<16xf32>,
    %get3A_1439 = vector.shape_cast %get3A_1438 : vector<16xf32> to vector<16xf32>
    %get3A_1440 = arith.constant 32 : index
    %get3A_1441 = tpu.vector_load %arg4[%get3A_1440] {strides = array<i32>} : memref<64xf32, #tpu.memory_space<vmem>>, vector<16xf32>,
    %get3A_1442 = vector.shape_cast %get3A_1441 : vector<16xf32> to vector<16xf32>
    %get3A_1443 = arith.constant 48 : index
    %get3A_1444 = tpu.vector_load %arg4[%get3A_1443] {strides = array<i32>} : memref<64xf32, #tpu.memory_space<vmem>>, vector<16xf32>,
    %get3A_1445 = vector.shape_cast %get3A_1444 : vector<16xf32> to vector<16xf32>
    %broadcast_in_dim3A_1446 = arith.constant 0.000000e+00 : f32
    %broadcast_in_dim3A_1447 = vector.broadcast %broadcast_in_dim3A_1446 : f32 to vector<16xf32>
    %broadcast_in_dim3A_1448 = arith.constant 0.000000e+00 : f32
    %broadcast_in_dim3A_1449 = vector.broadcast %broadcast_in_dim3A_1448 : f32 to vector<16xf32>
    %broadcast_in_dim3A_1450 = arith.constant 0.000000e+00 : f32
    %broadcast_in_dim3A_1451 = vector.broadcast %broadcast_in_dim3A_1450 : f32 to vector<16xf32>
    %broadcast_in_dim3A_1452 = arith.constant 0.000000e+00 : f32
    %broadcast_in_dim3A_1453 = vector.broadcast %broadcast_in_dim3A_1452 : f32 to vector<16xf32>
    %max3A_1454 = arith.maximumf %get3A_1436, %get3A_1439 : vector<16xf32>
    %max3A_1455 = arith.maximumf %max3A_1454, %get3A_1442 : vector<16xf32>
    %max3A_1456 = arith.maximumf %max3A_1455, %get3A_1445 : vector<16xf32>
    %iota3A_1457 = tpu.iota {dimensions = array<i32: 0>} : vector<16xi32>
    %xor3A_1458 = arith.constant 8 : i32
    %xor3A_1459 = vector.broadcast %xor3A_1458 : i32 to vector<16xi32>
    %xor3A_1460 = arith.xori %iota3A_1457, %xor3A_1459 : vector<16xi32>
    %lt3A_1461 = arith.constant 0 : i32
    %lt3A_1462 = vector.broadcast %lt3A_1461 : i32 to vector<16xi32>
    %lt3A_1463 = arith.cmpi slt, %xor3A_1460, %lt3A_1462 : vector<16xi32>
    %add3A_1464 = arith.constant 16 : i32
    %add3A_1465 = vector.broadcast %add3A_1464 : i32 to vector<16xi32>
    %add3A_1466 = arith.addi %xor3A_1460, %add3A_1465 : vector<16xi32>
    %select_n3A_1467 = arith.select %lt3A_1463, %add3A_1466, %xor3A_1460 : vector<16xi1>, vector<16xi32>
    %broadcast_in_dim3A_1468 = vector.shape_cast %select_n3A_1467 : vector<16xi32> to vector<16x1xi32>
    %gather3A_1469 = vector.shape_cast %broadcast_in_dim3A_1468 : vector<16x1xi32> to vector<16xi32>
    %gather3A_1470 = tpu.dynamic_gather %max3A_1456[%gather3A_1469] in [0] : vector<16xf32>, vector<16xi32> -> vector<16xf32>
    %max3A_1471 = arith.maximumf %max3A_1456, %gather3A_1470 : vector<16xf32>
    %xor3A_1472 = arith.constant 4 : i32
    %xor3A_1473 = vector.broadcast %xor3A_1472 : i32 to vector<16xi32>
    %xor3A_1474 = arith.xori %iota3A_1457, %xor3A_1473 : vector<16xi32>
    %lt3A_1475 = arith.constant 0 : i32
    %lt3A_1476 = vector.broadcast %lt3A_1475 : i32 to vector<16xi32>
    %lt3A_1477 = arith.cmpi slt, %xor3A_1474, %lt3A_1476 : vector<16xi32>
    %add3A_1478 = arith.constant 16 : i32
    %add3A_1479 = vector.broadcast %add3A_1478 : i32 to vector<16xi32>
    %add3A_1480 = arith.addi %xor3A_1474, %add3A_1479 : vector<16xi32>
    %select_n3A_1481 = arith.select %lt3A_1477, %add3A_1480, %xor3A_1474 : vector<16xi1>, vector<16xi32>
    %broadcast_in_dim3A_1482 = vector.shape_cast %select_n3A_1481 : vector<16xi32> to vector<16x1xi32>
    %gather3A_1483 = vector.shape_cast %broadcast_in_dim3A_1482 : vector<16x1xi32> to vector<16xi32>
    %gather3A_1484 = tpu.dynamic_gather %max3A_1471[%gather3A_1483] in [0] : vector<16xf32>, vector<16xi32> -> vector<16xf32>
    %max3A_1485 = arith.maximumf %max3A_1471, %gather3A_1484 : vector<16xf32>
    %xor3A_1486 = arith.constant 2 : i32
    %xor3A_1487 = vector.broadcast %xor3A_1486 : i32 to vector<16xi32>
    %xor3A_1488 = arith.xori %iota3A_1457, %xor3A_1487 : vector<16xi32>
    %lt3A_1489 = arith.constant 0 : i32
    %lt3A_1490 = vector.broadcast %lt3A_1489 : i32 to vector<16xi32>
    %lt3A_1491 = arith.cmpi slt, %xor3A_1488, %lt3A_1490 : vector<16xi32>
    %add3A_1492 = arith.constant 16 : i32
    %add3A_1493 = vector.broadcast %add3A_1492 : i32 to vector<16xi32>
    %add3A_1494 = arith.addi %xor3A_1488, %add3A_1493 : vector<16xi32>
    %select_n3A_1495 = arith.select %lt3A_1491, %add3A_1494, %xor3A_1488 : vector<16xi1>, vector<16xi32>
    %broadcast_in_dim3A_1496 = vector.shape_cast %select_n3A_1495 : vector<16xi32> to vector<16x1xi32>
    %gather3A_1497 = vector.shape_cast %broadcast_in_dim3A_1496 : vector<16x1xi32> to vector<16xi32>
    %gather3A_1498 = tpu.dynamic_gather %max3A_1485[%gather3A_1497] in [0] : vector<16xf32>, vector<16xi32> -> vector<16xf32>
    %max3A_1499 = arith.maximumf %max3A_1485, %gather3A_1498 : vector<16xf32>
    %xor3A_1500 = arith.constant 1 : i32
    %xor3A_1501 = vector.broadcast %xor3A_1500 : i32 to vector<16xi32>
    %xor3A_1502 = arith.xori %iota3A_1457, %xor3A_1501 : vector<16xi32>
    %lt3A_1503 = arith.constant 0 : i32
    %lt3A_1504 = vector.broadcast %lt3A_1503 : i32 to vector<16xi32>
    %lt3A_1505 = arith.cmpi slt, %xor3A_1502, %lt3A_1504 : vector<16xi32>
    %add3A_1506 = arith.constant 16 : i32
    %add3A_1507 = vector.broadcast %add3A_1506 : i32 to vector<16xi32>
    %add3A_1508 = arith.addi %xor3A_1502, %add3A_1507 : vector<16xi32>
    %select_n3A_1509 = arith.select %lt3A_1505, %add3A_1508, %xor3A_1502 : vector<16xi1>, vector<16xi32>
    %broadcast_in_dim3A_1510 = vector.shape_cast %select_n3A_1509 : vector<16xi32> to vector<16x1xi32>
    %gather3A_1511 = vector.shape_cast %broadcast_in_dim3A_1510 : vector<16x1xi32> to vector<16xi32>
    %gather3A_1512 = tpu.dynamic_gather %max3A_1499[%gather3A_1511] in [0] : vector<16xf32>, vector<16xi32> -> vector<16xf32>
    %max3A_1513 = arith.maximumf %max3A_1499, %gather3A_1512 : vector<16xf32>
    %eq3A_1514 = arith.cmpf oeq, %get3A_1436, %max3A_1513 : vector<16xf32>
    %jit3A_1515 = arith.constant 64 : i32
    %broadcast_in_dim3A_1516 = vector.broadcast %jit3A_1515 : i32 to vector<16xi32>
    %select_n3A_1517 = arith.select %eq3A_1514, %add3A_3, %broadcast_in_dim3A_1516 : vector<16xi1>, vector<16xi32>
    %eq3A_1518 = arith.cmpf oeq, %get3A_1439, %max3A_1513 : vector<16xf32>
    %jit3A_1519 = arith.constant 64 : i32
    %broadcast_in_dim3A_1520 = vector.broadcast %jit3A_1519 : i32 to vector<16xi32>
    %select_n3A_1521 = arith.select %eq3A_1518, %add3A_7, %broadcast_in_dim3A_1520 : vector<16xi1>, vector<16xi32>
    %eq3A_1522 = arith.cmpf oeq, %get3A_1442, %max3A_1513 : vector<16xf32>
    %jit3A_1523 = arith.constant 64 : i32
    %broadcast_in_dim3A_1524 = vector.broadcast %jit3A_1523 : i32 to vector<16xi32>
    %select_n3A_1525 = arith.select %eq3A_1522, %add3A_11, %broadcast_in_dim3A_1524 : vector<16xi1>, vector<16xi32>
    %eq3A_1526 = arith.cmpf oeq, %get3A_1445, %max3A_1513 : vector<16xf32>
    %jit3A_1527 = arith.constant 64 : i32
    %broadcast_in_dim3A_1528 = vector.broadcast %jit3A_1527 : i32 to vector<16xi32>
    %select_n3A_1529 = arith.select %eq3A_1526, %add3A_15, %broadcast_in_dim3A_1528 : vector<16xi1>, vector<16xi32>
    %min3A_1530 = arith.minsi %select_n3A_1517, %select_n3A_1521 : vector<16xi32>
    %min3A_1531 = arith.minsi %min3A_1530, %select_n3A_1525 : vector<16xi32>
    %min3A_1532 = arith.minsi %min3A_1531, %select_n3A_1529 : vector<16xi32>
    %iota3A_1533 = tpu.iota {dimensions = array<i32: 0>} : vector<16xi32>
    %xor3A_1534 = arith.constant 8 : i32
    %xor3A_1535 = vector.broadcast %xor3A_1534 : i32 to vector<16xi32>
    %xor3A_1536 = arith.xori %iota3A_1533, %xor3A_1535 : vector<16xi32>
    %lt3A_1537 = arith.constant 0 : i32
    %lt3A_1538 = vector.broadcast %lt3A_1537 : i32 to vector<16xi32>
    %lt3A_1539 = arith.cmpi slt, %xor3A_1536, %lt3A_1538 : vector<16xi32>
    %add3A_1540 = arith.constant 16 : i32
    %add3A_1541 = vector.broadcast %add3A_1540 : i32 to vector<16xi32>
    %add3A_1542 = arith.addi %xor3A_1536, %add3A_1541 : vector<16xi32>
    %select_n3A_1543 = arith.select %lt3A_1539, %add3A_1542, %xor3A_1536 : vector<16xi1>, vector<16xi32>
    %broadcast_in_dim3A_1544 = vector.shape_cast %select_n3A_1543 : vector<16xi32> to vector<16x1xi32>
    %gather3A_1545 = vector.shape_cast %broadcast_in_dim3A_1544 : vector<16x1xi32> to vector<16xi32>
    %gather3A_1546 = tpu.dynamic_gather %min3A_1532[%gather3A_1545] in [0] : vector<16xi32>, vector<16xi32> -> vector<16xi32>
    %min3A_1547 = arith.minsi %min3A_1532, %gather3A_1546 : vector<16xi32>
    %xor3A_1548 = arith.constant 4 : i32
    %xor3A_1549 = vector.broadcast %xor3A_1548 : i32 to vector<16xi32>
    %xor3A_1550 = arith.xori %iota3A_1533, %xor3A_1549 : vector<16xi32>
    %lt3A_1551 = arith.constant 0 : i32
    %lt3A_1552 = vector.broadcast %lt3A_1551 : i32 to vector<16xi32>
    %lt3A_1553 = arith.cmpi slt, %xor3A_1550, %lt3A_1552 : vector<16xi32>
    %add3A_1554 = arith.constant 16 : i32
    %add3A_1555 = vector.broadcast %add3A_1554 : i32 to vector<16xi32>
    %add3A_1556 = arith.addi %xor3A_1550, %add3A_1555 : vector<16xi32>
    %select_n3A_1557 = arith.select %lt3A_1553, %add3A_1556, %xor3A_1550 : vector<16xi1>, vector<16xi32>
    %broadcast_in_dim3A_1558 = vector.shape_cast %select_n3A_1557 : vector<16xi32> to vector<16x1xi32>
    %gather3A_1559 = vector.shape_cast %broadcast_in_dim3A_1558 : vector<16x1xi32> to vector<16xi32>
    %gather3A_1560 = tpu.dynamic_gather %min3A_1547[%gather3A_1559] in [0] : vector<16xi32>, vector<16xi32> -> vector<16xi32>
    %min3A_1561 = arith.minsi %min3A_1547, %gather3A_1560 : vector<16xi32>
    %xor3A_1562 = arith.constant 2 : i32
    %xor3A_1563 = vector.broadcast %xor3A_1562 : i32 to vector<16xi32>
    %xor3A_1564 = arith.xori %iota3A_1533, %xor3A_1563 : vector<16xi32>
    %lt3A_1565 = arith.constant 0 : i32
    %lt3A_1566 = vector.broadcast %lt3A_1565 : i32 to vector<16xi32>
    %lt3A_1567 = arith.cmpi slt, %xor3A_1564, %lt3A_1566 : vector<16xi32>
    %add3A_1568 = arith.constant 16 : i32
    %add3A_1569 = vector.broadcast %add3A_1568 : i32 to vector<16xi32>
    %add3A_1570 = arith.addi %xor3A_1564, %add3A_1569 : vector<16xi32>
    %select_n3A_1571 = arith.select %lt3A_1567, %add3A_1570, %xor3A_1564 : vector<16xi1>, vector<16xi32>
    %broadcast_in_dim3A_1572 = vector.shape_cast %select_n3A_1571 : vector<16xi32> to vector<16x1xi32>
    %gather3A_1573 = vector.shape_cast %broadcast_in_dim3A_1572 : vector<16x1xi32> to vector<16xi32>
    %gather3A_1574 = tpu.dynamic_gather %min3A_1561[%gather3A_1573] in [0] : vector<16xi32>, vector<16xi32> -> vector<16xi32>
    %min3A_1575 = arith.minsi %min3A_1561, %gather3A_1574 : vector<16xi32>
    %xor3A_1576 = arith.constant 1 : i32
    %xor3A_1577 = vector.broadcast %xor3A_1576 : i32 to vector<16xi32>
    %xor3A_1578 = arith.xori %iota3A_1533, %xor3A_1577 : vector<16xi32>
    %lt3A_1579 = arith.constant 0 : i32
    %lt3A_1580 = vector.broadcast %lt3A_1579 : i32 to vector<16xi32>
    %lt3A_1581 = arith.cmpi slt, %xor3A_1578, %lt3A_1580 : vector<16xi32>
    %add3A_1582 = arith.constant 16 : i32
    %add3A_1583 = vector.broadcast %add3A_1582 : i32 to vector<16xi32>
    %add3A_1584 = arith.addi %xor3A_1578, %add3A_1583 : vector<16xi32>
    %select_n3A_1585 = arith.select %lt3A_1581, %add3A_1584, %xor3A_1578 : vector<16xi1>, vector<16xi32>
    %broadcast_in_dim3A_1586 = vector.shape_cast %select_n3A_1585 : vector<16xi32> to vector<16x1xi32>
    %gather3A_1587 = vector.shape_cast %broadcast_in_dim3A_1586 : vector<16x1xi32> to vector<16xi32>
    %gather3A_1588 = tpu.dynamic_gather %min3A_1575[%gather3A_1587] in [0] : vector<16xi32>, vector<16xi32> -> vector<16xi32>
    %min3A_1589 = arith.minsi %min3A_1575, %gather3A_1588 : vector<16xi32>
    %eq3A_1590 = arith.cmpi eq, %add3A_3, %min3A_1589 : vector<16xi32>
    %jit3A_1591 = arith.constant 1.000000e+00 : f32
    %broadcast_in_dim3A_1592 = vector.broadcast %jit3A_1591 : f32 to vector<16xf32>
    %select_n3A_1593 = arith.select %eq3A_1590, %broadcast_in_dim3A_1592, %broadcast_in_dim3A_1447 : vector<16xi1>, vector<16xf32>
    %jit3A_1594 = arith.constant -3.400000e+38 : f32
    %broadcast_in_dim3A_1595 = vector.broadcast %jit3A_1594 : f32 to vector<16xf32>
    %select_n3A_1596 = arith.select %eq3A_1590, %broadcast_in_dim3A_1595, %get3A_1436 : vector<16xi1>, vector<16xf32>
    %eq3A_1597 = arith.cmpi eq, %add3A_7, %min3A_1589 : vector<16xi32>
    %jit3A_1598 = arith.constant 1.000000e+00 : f32
    %broadcast_in_dim3A_1599 = vector.broadcast %jit3A_1598 : f32 to vector<16xf32>
    %select_n3A_1600 = arith.select %eq3A_1597, %broadcast_in_dim3A_1599, %broadcast_in_dim3A_1449 : vector<16xi1>, vector<16xf32>
    %jit3A_1601 = arith.constant -3.400000e+38 : f32
    %broadcast_in_dim3A_1602 = vector.broadcast %jit3A_1601 : f32 to vector<16xf32>
    %select_n3A_1603 = arith.select %eq3A_1597, %broadcast_in_dim3A_1602, %get3A_1439 : vector<16xi1>, vector<16xf32>
    %eq3A_1604 = arith.cmpi eq, %add3A_11, %min3A_1589 : vector<16xi32>
    %jit3A_1605 = arith.constant 1.000000e+00 : f32
    %broadcast_in_dim3A_1606 = vector.broadcast %jit3A_1605 : f32 to vector<16xf32>
    %select_n3A_1607 = arith.select %eq3A_1604, %broadcast_in_dim3A_1606, %broadcast_in_dim3A_1451 : vector<16xi1>, vector<16xf32>
    %jit3A_1608 = arith.constant -3.400000e+38 : f32
    %broadcast_in_dim3A_1609 = vector.broadcast %jit3A_1608 : f32 to vector<16xf32>
    %select_n3A_1610 = arith.select %eq3A_1604, %broadcast_in_dim3A_1609, %get3A_1442 : vector<16xi1>, vector<16xf32>
    %eq3A_1611 = arith.cmpi eq, %add3A_15, %min3A_1589 : vector<16xi32>
    %jit3A_1612 = arith.constant 1.000000e+00 : f32
    %broadcast_in_dim3A_1613 = vector.broadcast %jit3A_1612 : f32 to vector<16xf32>
    %select_n3A_1614 = arith.select %eq3A_1611, %broadcast_in_dim3A_1613, %broadcast_in_dim3A_1453 : vector<16xi1>, vector<16xf32>
    %jit3A_1615 = arith.constant -3.400000e+38 : f32
    %broadcast_in_dim3A_1616 = vector.broadcast %jit3A_1615 : f32 to vector<16xf32>
    %select_n3A_1617 = arith.select %eq3A_1611, %broadcast_in_dim3A_1616, %get3A_1445 : vector<16xi1>, vector<16xf32>
    %max3A_1618 = arith.maximumf %select_n3A_1596, %select_n3A_1603 : vector<16xf32>
    %max3A_1619 = arith.maximumf %max3A_1618, %select_n3A_1610 : vector<16xf32>
    %max3A_1620 = arith.maximumf %max3A_1619, %select_n3A_1617 : vector<16xf32>
    %iota3A_1621 = tpu.iota {dimensions = array<i32: 0>} : vector<16xi32>
    %xor3A_1622 = arith.constant 8 : i32
    %xor3A_1623 = vector.broadcast %xor3A_1622 : i32 to vector<16xi32>
    %xor3A_1624 = arith.xori %iota3A_1621, %xor3A_1623 : vector<16xi32>
    %lt3A_1625 = arith.constant 0 : i32
    %lt3A_1626 = vector.broadcast %lt3A_1625 : i32 to vector<16xi32>
    %lt3A_1627 = arith.cmpi slt, %xor3A_1624, %lt3A_1626 : vector<16xi32>
    %add3A_1628 = arith.constant 16 : i32
    %add3A_1629 = vector.broadcast %add3A_1628 : i32 to vector<16xi32>
    %add3A_1630 = arith.addi %xor3A_1624, %add3A_1629 : vector<16xi32>
    %select_n3A_1631 = arith.select %lt3A_1627, %add3A_1630, %xor3A_1624 : vector<16xi1>, vector<16xi32>
    %broadcast_in_dim3A_1632 = vector.shape_cast %select_n3A_1631 : vector<16xi32> to vector<16x1xi32>
    %gather3A_1633 = vector.shape_cast %broadcast_in_dim3A_1632 : vector<16x1xi32> to vector<16xi32>
    %gather3A_1634 = tpu.dynamic_gather %max3A_1620[%gather3A_1633] in [0] : vector<16xf32>, vector<16xi32> -> vector<16xf32>
    %max3A_1635 = arith.maximumf %max3A_1620, %gather3A_1634 : vector<16xf32>
    %xor3A_1636 = arith.constant 4 : i32
    %xor3A_1637 = vector.broadcast %xor3A_1636 : i32 to vector<16xi32>
    %xor3A_1638 = arith.xori %iota3A_1621, %xor3A_1637 : vector<16xi32>
    %lt3A_1639 = arith.constant 0 : i32
    %lt3A_1640 = vector.broadcast %lt3A_1639 : i32 to vector<16xi32>
    %lt3A_1641 = arith.cmpi slt, %xor3A_1638, %lt3A_1640 : vector<16xi32>
    %add3A_1642 = arith.constant 16 : i32
    %add3A_1643 = vector.broadcast %add3A_1642 : i32 to vector<16xi32>
    %add3A_1644 = arith.addi %xor3A_1638, %add3A_1643 : vector<16xi32>
    %select_n3A_1645 = arith.select %lt3A_1641, %add3A_1644, %xor3A_1638 : vector<16xi1>, vector<16xi32>
    %broadcast_in_dim3A_1646 = vector.shape_cast %select_n3A_1645 : vector<16xi32> to vector<16x1xi32>
    %gather3A_1647 = vector.shape_cast %broadcast_in_dim3A_1646 : vector<16x1xi32> to vector<16xi32>
    %gather3A_1648 = tpu.dynamic_gather %max3A_1635[%gather3A_1647] in [0] : vector<16xf32>, vector<16xi32> -> vector<16xf32>
    %max3A_1649 = arith.maximumf %max3A_1635, %gather3A_1648 : vector<16xf32>
    %xor3A_1650 = arith.constant 2 : i32
    %xor3A_1651 = vector.broadcast %xor3A_1650 : i32 to vector<16xi32>
    %xor3A_1652 = arith.xori %iota3A_1621, %xor3A_1651 : vector<16xi32>
    %lt3A_1653 = arith.constant 0 : i32
    %lt3A_1654 = vector.broadcast %lt3A_1653 : i32 to vector<16xi32>
    %lt3A_1655 = arith.cmpi slt, %xor3A_1652, %lt3A_1654 : vector<16xi32>
    %add3A_1656 = arith.constant 16 : i32
    %add3A_1657 = vector.broadcast %add3A_1656 : i32 to vector<16xi32>
    %add3A_1658 = arith.addi %xor3A_1652, %add3A_1657 : vector<16xi32>
    %select_n3A_1659 = arith.select %lt3A_1655, %add3A_1658, %xor3A_1652 : vector<16xi1>, vector<16xi32>
    %broadcast_in_dim3A_1660 = vector.shape_cast %select_n3A_1659 : vector<16xi32> to vector<16x1xi32>
    %gather3A_1661 = vector.shape_cast %broadcast_in_dim3A_1660 : vector<16x1xi32> to vector<16xi32>
    %gather3A_1662 = tpu.dynamic_gather %max3A_1649[%gather3A_1661] in [0] : vector<16xf32>, vector<16xi32> -> vector<16xf32>
    %max3A_1663 = arith.maximumf %max3A_1649, %gather3A_1662 : vector<16xf32>
    %xor3A_1664 = arith.constant 1 : i32
    %xor3A_1665 = vector.broadcast %xor3A_1664 : i32 to vector<16xi32>
    %xor3A_1666 = arith.xori %iota3A_1621, %xor3A_1665 : vector<16xi32>
    %lt3A_1667 = arith.constant 0 : i32
    %lt3A_1668 = vector.broadcast %lt3A_1667 : i32 to vector<16xi32>
    %lt3A_1669 = arith.cmpi slt, %xor3A_1666, %lt3A_1668 : vector<16xi32>
    %add3A_1670 = arith.constant 16 : i32
    %add3A_1671 = vector.broadcast %add3A_1670 : i32 to vector<16xi32>
    %add3A_1672 = arith.addi %xor3A_1666, %add3A_1671 : vector<16xi32>
    %select_n3A_1673 = arith.select %lt3A_1669, %add3A_1672, %xor3A_1666 : vector<16xi1>, vector<16xi32>
    %broadcast_in_dim3A_1674 = vector.shape_cast %select_n3A_1673 : vector<16xi32> to vector<16x1xi32>
    %gather3A_1675 = vector.shape_cast %broadcast_in_dim3A_1674 : vector<16x1xi32> to vector<16xi32>
    %gather3A_1676 = tpu.dynamic_gather %max3A_1663[%gather3A_1675] in [0] : vector<16xf32>, vector<16xi32> -> vector<16xf32>
    %max3A_1677 = arith.maximumf %max3A_1663, %gather3A_1676 : vector<16xf32>
    %eq3A_1678 = arith.cmpf oeq, %select_n3A_1596, %max3A_1677 : vector<16xf32>
    %jit3A_1679 = arith.constant 64 : i32
    %broadcast_in_dim3A_1680 = vector.broadcast %jit3A_1679 : i32 to vector<16xi32>
    %select_n3A_1681 = arith.select %eq3A_1678, %add3A_3, %broadcast_in_dim3A_1680 : vector<16xi1>, vector<16xi32>
    %eq3A_1682 = arith.cmpf oeq, %select_n3A_1603, %max3A_1677 : vector<16xf32>
    %jit3A_1683 = arith.constant 64 : i32
    %broadcast_in_dim3A_1684 = vector.broadcast %jit3A_1683 : i32 to vector<16xi32>
    %select_n3A_1685 = arith.select %eq3A_1682, %add3A_7, %broadcast_in_dim3A_1684 : vector<16xi1>, vector<16xi32>
    %eq3A_1686 = arith.cmpf oeq, %select_n3A_1610, %max3A_1677 : vector<16xf32>
    %jit3A_1687 = arith.constant 64 : i32
    %broadcast_in_dim3A_1688 = vector.broadcast %jit3A_1687 : i32 to vector<16xi32>
    %select_n3A_1689 = arith.select %eq3A_1686, %add3A_11, %broadcast_in_dim3A_1688 : vector<16xi1>, vector<16xi32>
    %eq3A_1690 = arith.cmpf oeq, %select_n3A_1617, %max3A_1677 : vector<16xf32>
    %jit3A_1691 = arith.constant 64 : i32
    %broadcast_in_dim3A_1692 = vector.broadcast %jit3A_1691 : i32 to vector<16xi32>
    %select_n3A_1693 = arith.select %eq3A_1690, %add3A_15, %broadcast_in_dim3A_1692 : vector<16xi1>, vector<16xi32>
    %min3A_1694 = arith.minsi %select_n3A_1681, %select_n3A_1685 : vector<16xi32>
    %min3A_1695 = arith.minsi %min3A_1694, %select_n3A_1689 : vector<16xi32>
    %min3A_1696 = arith.minsi %min3A_1695, %select_n3A_1693 : vector<16xi32>
    %iota3A_1697 = tpu.iota {dimensions = array<i32: 0>} : vector<16xi32>
    %xor3A_1698 = arith.constant 8 : i32
    %xor3A_1699 = vector.broadcast %xor3A_1698 : i32 to vector<16xi32>
    %xor3A_1700 = arith.xori %iota3A_1697, %xor3A_1699 : vector<16xi32>
    %lt3A_1701 = arith.constant 0 : i32
    %lt3A_1702 = vector.broadcast %lt3A_1701 : i32 to vector<16xi32>
    %lt3A_1703 = arith.cmpi slt, %xor3A_1700, %lt3A_1702 : vector<16xi32>
    %add3A_1704 = arith.constant 16 : i32
    %add3A_1705 = vector.broadcast %add3A_1704 : i32 to vector<16xi32>
    %add3A_1706 = arith.addi %xor3A_1700, %add3A_1705 : vector<16xi32>
    %select_n3A_1707 = arith.select %lt3A_1703, %add3A_1706, %xor3A_1700 : vector<16xi1>, vector<16xi32>
    %broadcast_in_dim3A_1708 = vector.shape_cast %select_n3A_1707 : vector<16xi32> to vector<16x1xi32>
    %gather3A_1709 = vector.shape_cast %broadcast_in_dim3A_1708 : vector<16x1xi32> to vector<16xi32>
    %gather3A_1710 = tpu.dynamic_gather %min3A_1696[%gather3A_1709] in [0] : vector<16xi32>, vector<16xi32> -> vector<16xi32>
    %min3A_1711 = arith.minsi %min3A_1696, %gather3A_1710 : vector<16xi32>
    %xor3A_1712 = arith.constant 4 : i32
    %xor3A_1713 = vector.broadcast %xor3A_1712 : i32 to vector<16xi32>
    %xor3A_1714 = arith.xori %iota3A_1697, %xor3A_1713 : vector<16xi32>
    %lt3A_1715 = arith.constant 0 : i32
    %lt3A_1716 = vector.broadcast %lt3A_1715 : i32 to vector<16xi32>
    %lt3A_1717 = arith.cmpi slt, %xor3A_1714, %lt3A_1716 : vector<16xi32>
    %add3A_1718 = arith.constant 16 : i32
    %add3A_1719 = vector.broadcast %add3A_1718 : i32 to vector<16xi32>
    %add3A_1720 = arith.addi %xor3A_1714, %add3A_1719 : vector<16xi32>
    %select_n3A_1721 = arith.select %lt3A_1717, %add3A_1720, %xor3A_1714 : vector<16xi1>, vector<16xi32>
    %broadcast_in_dim3A_1722 = vector.shape_cast %select_n3A_1721 : vector<16xi32> to vector<16x1xi32>
    %gather3A_1723 = vector.shape_cast %broadcast_in_dim3A_1722 : vector<16x1xi32> to vector<16xi32>
    %gather3A_1724 = tpu.dynamic_gather %min3A_1711[%gather3A_1723] in [0] : vector<16xi32>, vector<16xi32> -> vector<16xi32>
    %min3A_1725 = arith.minsi %min3A_1711, %gather3A_1724 : vector<16xi32>
    %xor3A_1726 = arith.constant 2 : i32
    %xor3A_1727 = vector.broadcast %xor3A_1726 : i32 to vector<16xi32>
    %xor3A_1728 = arith.xori %iota3A_1697, %xor3A_1727 : vector<16xi32>
    %lt3A_1729 = arith.constant 0 : i32
    %lt3A_1730 = vector.broadcast %lt3A_1729 : i32 to vector<16xi32>
    %lt3A_1731 = arith.cmpi slt, %xor3A_1728, %lt3A_1730 : vector<16xi32>
    %add3A_1732 = arith.constant 16 : i32
    %add3A_1733 = vector.broadcast %add3A_1732 : i32 to vector<16xi32>
    %add3A_1734 = arith.addi %xor3A_1728, %add3A_1733 : vector<16xi32>
    %select_n3A_1735 = arith.select %lt3A_1731, %add3A_1734, %xor3A_1728 : vector<16xi1>, vector<16xi32>
    %broadcast_in_dim3A_1736 = vector.shape_cast %select_n3A_1735 : vector<16xi32> to vector<16x1xi32>
    %gather3A_1737 = vector.shape_cast %broadcast_in_dim3A_1736 : vector<16x1xi32> to vector<16xi32>
    %gather3A_1738 = tpu.dynamic_gather %min3A_1725[%gather3A_1737] in [0] : vector<16xi32>, vector<16xi32> -> vector<16xi32>
    %min3A_1739 = arith.minsi %min3A_1725, %gather3A_1738 : vector<16xi32>
    %xor3A_1740 = arith.constant 1 : i32
    %xor3A_1741 = vector.broadcast %xor3A_1740 : i32 to vector<16xi32>
    %xor3A_1742 = arith.xori %iota3A_1697, %xor3A_1741 : vector<16xi32>
    %lt3A_1743 = arith.constant 0 : i32
    %lt3A_1744 = vector.broadcast %lt3A_1743 : i32 to vector<16xi32>
    %lt3A_1745 = arith.cmpi slt, %xor3A_1742, %lt3A_1744 : vector<16xi32>
    %add3A_1746 = arith.constant 16 : i32
    %add3A_1747 = vector.broadcast %add3A_1746 : i32 to vector<16xi32>
    %add3A_1748 = arith.addi %xor3A_1742, %add3A_1747 : vector<16xi32>
    %select_n3A_1749 = arith.select %lt3A_1745, %add3A_1748, %xor3A_1742 : vector<16xi1>, vector<16xi32>
    %broadcast_in_dim3A_1750 = vector.shape_cast %select_n3A_1749 : vector<16xi32> to vector<16x1xi32>
    %gather3A_1751 = vector.shape_cast %broadcast_in_dim3A_1750 : vector<16x1xi32> to vector<16xi32>
    %gather3A_1752 = tpu.dynamic_gather %min3A_1739[%gather3A_1751] in [0] : vector<16xi32>, vector<16xi32> -> vector<16xi32>
    %min3A_1753 = arith.minsi %min3A_1739, %gather3A_1752 : vector<16xi32>
    %eq3A_1754 = arith.cmpi eq, %add3A_3, %min3A_1753 : vector<16xi32>
    %jit3A_1755 = arith.constant 1.000000e+00 : f32
    %broadcast_in_dim3A_1756 = vector.broadcast %jit3A_1755 : f32 to vector<16xf32>
    %select_n3A_1757 = arith.select %eq3A_1754, %broadcast_in_dim3A_1756, %select_n3A_1593 : vector<16xi1>, vector<16xf32>
    %jit3A_1758 = arith.constant -3.400000e+38 : f32
    %broadcast_in_dim3A_1759 = vector.broadcast %jit3A_1758 : f32 to vector<16xf32>
    %select_n3A_1760 = arith.select %eq3A_1754, %broadcast_in_dim3A_1759, %select_n3A_1596 : vector<16xi1>, vector<16xf32>
    %eq3A_1761 = arith.cmpi eq, %add3A_7, %min3A_1753 : vector<16xi32>
    %jit3A_1762 = arith.constant 1.000000e+00 : f32
    %broadcast_in_dim3A_1763 = vector.broadcast %jit3A_1762 : f32 to vector<16xf32>
    %select_n3A_1764 = arith.select %eq3A_1761, %broadcast_in_dim3A_1763, %select_n3A_1600 : vector<16xi1>, vector<16xf32>
    %jit3A_1765 = arith.constant -3.400000e+38 : f32
    %broadcast_in_dim3A_1766 = vector.broadcast %jit3A_1765 : f32 to vector<16xf32>
    %select_n3A_1767 = arith.select %eq3A_1761, %broadcast_in_dim3A_1766, %select_n3A_1603 : vector<16xi1>, vector<16xf32>
    %eq3A_1768 = arith.cmpi eq, %add3A_11, %min3A_1753 : vector<16xi32>
    %jit3A_1769 = arith.constant 1.000000e+00 : f32
    %broadcast_in_dim3A_1770 = vector.broadcast %jit3A_1769 : f32 to vector<16xf32>
    %select_n3A_1771 = arith.select %eq3A_1768, %broadcast_in_dim3A_1770, %select_n3A_1607 : vector<16xi1>, vector<16xf32>
    %jit3A_1772 = arith.constant -3.400000e+38 : f32
    %broadcast_in_dim3A_1773 = vector.broadcast %jit3A_1772 : f32 to vector<16xf32>
    %select_n3A_1774 = arith.select %eq3A_1768, %broadcast_in_dim3A_1773, %select_n3A_1610 : vector<16xi1>, vector<16xf32>
    %eq3A_1775 = arith.cmpi eq, %add3A_15, %min3A_1753 : vector<16xi32>
    %jit3A_1776 = arith.constant 1.000000e+00 : f32
    %broadcast_in_dim3A_1777 = vector.broadcast %jit3A_1776 : f32 to vector<16xf32>
    %select_n3A_1778 = arith.select %eq3A_1775, %broadcast_in_dim3A_1777, %select_n3A_1614 : vector<16xi1>, vector<16xf32>
    %jit3A_1779 = arith.constant -3.400000e+38 : f32
    %broadcast_in_dim3A_1780 = vector.broadcast %jit3A_1779 : f32 to vector<16xf32>
    %select_n3A_1781 = arith.select %eq3A_1775, %broadcast_in_dim3A_1780, %select_n3A_1617 : vector<16xi1>, vector<16xf32>
    %max3A_1782 = arith.maximumf %select_n3A_1760, %select_n3A_1767 : vector<16xf32>
    %max3A_1783 = arith.maximumf %max3A_1782, %select_n3A_1774 : vector<16xf32>
    %max3A_1784 = arith.maximumf %max3A_1783, %select_n3A_1781 : vector<16xf32>
    %iota3A_1785 = tpu.iota {dimensions = array<i32: 0>} : vector<16xi32>
    %xor3A_1786 = arith.constant 8 : i32
    %xor3A_1787 = vector.broadcast %xor3A_1786 : i32 to vector<16xi32>
    %xor3A_1788 = arith.xori %iota3A_1785, %xor3A_1787 : vector<16xi32>
    %lt3A_1789 = arith.constant 0 : i32
    %lt3A_1790 = vector.broadcast %lt3A_1789 : i32 to vector<16xi32>
    %lt3A_1791 = arith.cmpi slt, %xor3A_1788, %lt3A_1790 : vector<16xi32>
    %add3A_1792 = arith.constant 16 : i32
    %add3A_1793 = vector.broadcast %add3A_1792 : i32 to vector<16xi32>
    %add3A_1794 = arith.addi %xor3A_1788, %add3A_1793 : vector<16xi32>
    %select_n3A_1795 = arith.select %lt3A_1791, %add3A_1794, %xor3A_1788 : vector<16xi1>, vector<16xi32>
    %broadcast_in_dim3A_1796 = vector.shape_cast %select_n3A_1795 : vector<16xi32> to vector<16x1xi32>
    %gather3A_1797 = vector.shape_cast %broadcast_in_dim3A_1796 : vector<16x1xi32> to vector<16xi32>
    %gather3A_1798 = tpu.dynamic_gather %max3A_1784[%gather3A_1797] in [0] : vector<16xf32>, vector<16xi32> -> vector<16xf32>
    %max3A_1799 = arith.maximumf %max3A_1784, %gather3A_1798 : vector<16xf32>
    %xor3A_1800 = arith.constant 4 : i32
    %xor3A_1801 = vector.broadcast %xor3A_1800 : i32 to vector<16xi32>
    %xor3A_1802 = arith.xori %iota3A_1785, %xor3A_1801 : vector<16xi32>
    %lt3A_1803 = arith.constant 0 : i32
    %lt3A_1804 = vector.broadcast %lt3A_1803 : i32 to vector<16xi32>
    %lt3A_1805 = arith.cmpi slt, %xor3A_1802, %lt3A_1804 : vector<16xi32>
    %add3A_1806 = arith.constant 16 : i32
    %add3A_1807 = vector.broadcast %add3A_1806 : i32 to vector<16xi32>
    %add3A_1808 = arith.addi %xor3A_1802, %add3A_1807 : vector<16xi32>
    %select_n3A_1809 = arith.select %lt3A_1805, %add3A_1808, %xor3A_1802 : vector<16xi1>, vector<16xi32>
    %broadcast_in_dim3A_1810 = vector.shape_cast %select_n3A_1809 : vector<16xi32> to vector<16x1xi32>
    %gather3A_1811 = vector.shape_cast %broadcast_in_dim3A_1810 : vector<16x1xi32> to vector<16xi32>
    %gather3A_1812 = tpu.dynamic_gather %max3A_1799[%gather3A_1811] in [0] : vector<16xf32>, vector<16xi32> -> vector<16xf32>
    %max3A_1813 = arith.maximumf %max3A_1799, %gather3A_1812 : vector<16xf32>
    %xor3A_1814 = arith.constant 2 : i32
    %xor3A_1815 = vector.broadcast %xor3A_1814 : i32 to vector<16xi32>
    %xor3A_1816 = arith.xori %iota3A_1785, %xor3A_1815 : vector<16xi32>
    %lt3A_1817 = arith.constant 0 : i32
    %lt3A_1818 = vector.broadcast %lt3A_1817 : i32 to vector<16xi32>
    %lt3A_1819 = arith.cmpi slt, %xor3A_1816, %lt3A_1818 : vector<16xi32>
    %add3A_1820 = arith.constant 16 : i32
    %add3A_1821 = vector.broadcast %add3A_1820 : i32 to vector<16xi32>
    %add3A_1822 = arith.addi %xor3A_1816, %add3A_1821 : vector<16xi32>
    %select_n3A_1823 = arith.select %lt3A_1819, %add3A_1822, %xor3A_1816 : vector<16xi1>, vector<16xi32>
    %broadcast_in_dim3A_1824 = vector.shape_cast %select_n3A_1823 : vector<16xi32> to vector<16x1xi32>
    %gather3A_1825 = vector.shape_cast %broadcast_in_dim3A_1824 : vector<16x1xi32> to vector<16xi32>
    %gather3A_1826 = tpu.dynamic_gather %max3A_1813[%gather3A_1825] in [0] : vector<16xf32>, vector<16xi32> -> vector<16xf32>
    %max3A_1827 = arith.maximumf %max3A_1813, %gather3A_1826 : vector<16xf32>
    %xor3A_1828 = arith.constant 1 : i32
    %xor3A_1829 = vector.broadcast %xor3A_1828 : i32 to vector<16xi32>
    %xor3A_1830 = arith.xori %iota3A_1785, %xor3A_1829 : vector<16xi32>
    %lt3A_1831 = arith.constant 0 : i32
    %lt3A_1832 = vector.broadcast %lt3A_1831 : i32 to vector<16xi32>
    %lt3A_1833 = arith.cmpi slt, %xor3A_1830, %lt3A_1832 : vector<16xi32>
    %add3A_1834 = arith.constant 16 : i32
    %add3A_1835 = vector.broadcast %add3A_1834 : i32 to vector<16xi32>
    %add3A_1836 = arith.addi %xor3A_1830, %add3A_1835 : vector<16xi32>
    %select_n3A_1837 = arith.select %lt3A_1833, %add3A_1836, %xor3A_1830 : vector<16xi1>, vector<16xi32>
    %broadcast_in_dim3A_1838 = vector.shape_cast %select_n3A_1837 : vector<16xi32> to vector<16x1xi32>
    %gather3A_1839 = vector.shape_cast %broadcast_in_dim3A_1838 : vector<16x1xi32> to vector<16xi32>
    %gather3A_1840 = tpu.dynamic_gather %max3A_1827[%gather3A_1839] in [0] : vector<16xf32>, vector<16xi32> -> vector<16xf32>
    %max3A_1841 = arith.maximumf %max3A_1827, %gather3A_1840 : vector<16xf32>
    %eq3A_1842 = arith.cmpf oeq, %select_n3A_1760, %max3A_1841 : vector<16xf32>
    %jit3A_1843 = arith.constant 64 : i32
    %broadcast_in_dim3A_1844 = vector.broadcast %jit3A_1843 : i32 to vector<16xi32>
    %select_n3A_1845 = arith.select %eq3A_1842, %add3A_3, %broadcast_in_dim3A_1844 : vector<16xi1>, vector<16xi32>
    %eq3A_1846 = arith.cmpf oeq, %select_n3A_1767, %max3A_1841 : vector<16xf32>
    %jit3A_1847 = arith.constant 64 : i32
    %broadcast_in_dim3A_1848 = vector.broadcast %jit3A_1847 : i32 to vector<16xi32>
    %select_n3A_1849 = arith.select %eq3A_1846, %add3A_7, %broadcast_in_dim3A_1848 : vector<16xi1>, vector<16xi32>
    %eq3A_1850 = arith.cmpf oeq, %select_n3A_1774, %max3A_1841 : vector<16xf32>
    %jit3A_1851 = arith.constant 64 : i32
    %broadcast_in_dim3A_1852 = vector.broadcast %jit3A_1851 : i32 to vector<16xi32>
    %select_n3A_1853 = arith.select %eq3A_1850, %add3A_11, %broadcast_in_dim3A_1852 : vector<16xi1>, vector<16xi32>
    %eq3A_1854 = arith.cmpf oeq, %select_n3A_1781, %max3A_1841 : vector<16xf32>
    %jit3A_1855 = arith.constant 64 : i32
    %broadcast_in_dim3A_1856 = vector.broadcast %jit3A_1855 : i32 to vector<16xi32>
    %select_n3A_1857 = arith.select %eq3A_1854, %add3A_15, %broadcast_in_dim3A_1856 : vector<16xi1>, vector<16xi32>
    %min3A_1858 = arith.minsi %select_n3A_1845, %select_n3A_1849 : vector<16xi32>
    %min3A_1859 = arith.minsi %min3A_1858, %select_n3A_1853 : vector<16xi32>
    %min3A_1860 = arith.minsi %min3A_1859, %select_n3A_1857 : vector<16xi32>
    %iota3A_1861 = tpu.iota {dimensions = array<i32: 0>} : vector<16xi32>
    %xor3A_1862 = arith.constant 8 : i32
    %xor3A_1863 = vector.broadcast %xor3A_1862 : i32 to vector<16xi32>
    %xor3A_1864 = arith.xori %iota3A_1861, %xor3A_1863 : vector<16xi32>
    %lt3A_1865 = arith.constant 0 : i32
    %lt3A_1866 = vector.broadcast %lt3A_1865 : i32 to vector<16xi32>
    %lt3A_1867 = arith.cmpi slt, %xor3A_1864, %lt3A_1866 : vector<16xi32>
    %add3A_1868 = arith.constant 16 : i32
    %add3A_1869 = vector.broadcast %add3A_1868 : i32 to vector<16xi32>
    %add3A_1870 = arith.addi %xor3A_1864, %add3A_1869 : vector<16xi32>
    %select_n3A_1871 = arith.select %lt3A_1867, %add3A_1870, %xor3A_1864 : vector<16xi1>, vector<16xi32>
    %broadcast_in_dim3A_1872 = vector.shape_cast %select_n3A_1871 : vector<16xi32> to vector<16x1xi32>
    %gather3A_1873 = vector.shape_cast %broadcast_in_dim3A_1872 : vector<16x1xi32> to vector<16xi32>
    %gather3A_1874 = tpu.dynamic_gather %min3A_1860[%gather3A_1873] in [0] : vector<16xi32>, vector<16xi32> -> vector<16xi32>
    %min3A_1875 = arith.minsi %min3A_1860, %gather3A_1874 : vector<16xi32>
    %xor3A_1876 = arith.constant 4 : i32
    %xor3A_1877 = vector.broadcast %xor3A_1876 : i32 to vector<16xi32>
    %xor3A_1878 = arith.xori %iota3A_1861, %xor3A_1877 : vector<16xi32>
    %lt3A_1879 = arith.constant 0 : i32
    %lt3A_1880 = vector.broadcast %lt3A_1879 : i32 to vector<16xi32>
    %lt3A_1881 = arith.cmpi slt, %xor3A_1878, %lt3A_1880 : vector<16xi32>
    %add3A_1882 = arith.constant 16 : i32
    %add3A_1883 = vector.broadcast %add3A_1882 : i32 to vector<16xi32>
    %add3A_1884 = arith.addi %xor3A_1878, %add3A_1883 : vector<16xi32>
    %select_n3A_1885 = arith.select %lt3A_1881, %add3A_1884, %xor3A_1878 : vector<16xi1>, vector<16xi32>
    %broadcast_in_dim3A_1886 = vector.shape_cast %select_n3A_1885 : vector<16xi32> to vector<16x1xi32>
    %gather3A_1887 = vector.shape_cast %broadcast_in_dim3A_1886 : vector<16x1xi32> to vector<16xi32>
    %gather3A_1888 = tpu.dynamic_gather %min3A_1875[%gather3A_1887] in [0] : vector<16xi32>, vector<16xi32> -> vector<16xi32>
    %min3A_1889 = arith.minsi %min3A_1875, %gather3A_1888 : vector<16xi32>
    %xor3A_1890 = arith.constant 2 : i32
    %xor3A_1891 = vector.broadcast %xor3A_1890 : i32 to vector<16xi32>
    %xor3A_1892 = arith.xori %iota3A_1861, %xor3A_1891 : vector<16xi32>
    %lt3A_1893 = arith.constant 0 : i32
    %lt3A_1894 = vector.broadcast %lt3A_1893 : i32 to vector<16xi32>
    %lt3A_1895 = arith.cmpi slt, %xor3A_1892, %lt3A_1894 : vector<16xi32>
    %add3A_1896 = arith.constant 16 : i32
    %add3A_1897 = vector.broadcast %add3A_1896 : i32 to vector<16xi32>
    %add3A_1898 = arith.addi %xor3A_1892, %add3A_1897 : vector<16xi32>
    %select_n3A_1899 = arith.select %lt3A_1895, %add3A_1898, %xor3A_1892 : vector<16xi1>, vector<16xi32>
    %broadcast_in_dim3A_1900 = vector.shape_cast %select_n3A_1899 : vector<16xi32> to vector<16x1xi32>
    %gather3A_1901 = vector.shape_cast %broadcast_in_dim3A_1900 : vector<16x1xi32> to vector<16xi32>
    %gather3A_1902 = tpu.dynamic_gather %min3A_1889[%gather3A_1901] in [0] : vector<16xi32>, vector<16xi32> -> vector<16xi32>
    %min3A_1903 = arith.minsi %min3A_1889, %gather3A_1902 : vector<16xi32>
    %xor3A_1904 = arith.constant 1 : i32
    %xor3A_1905 = vector.broadcast %xor3A_1904 : i32 to vector<16xi32>
    %xor3A_1906 = arith.xori %iota3A_1861, %xor3A_1905 : vector<16xi32>
    %lt3A_1907 = arith.constant 0 : i32
    %lt3A_1908 = vector.broadcast %lt3A_1907 : i32 to vector<16xi32>
    %lt3A_1909 = arith.cmpi slt, %xor3A_1906, %lt3A_1908 : vector<16xi32>
    %add3A_1910 = arith.constant 16 : i32
    %add3A_1911 = vector.broadcast %add3A_1910 : i32 to vector<16xi32>
    %add3A_1912 = arith.addi %xor3A_1906, %add3A_1911 : vector<16xi32>
    %select_n3A_1913 = arith.select %lt3A_1909, %add3A_1912, %xor3A_1906 : vector<16xi1>, vector<16xi32>
    %broadcast_in_dim3A_1914 = vector.shape_cast %select_n3A_1913 : vector<16xi32> to vector<16x1xi32>
    %gather3A_1915 = vector.shape_cast %broadcast_in_dim3A_1914 : vector<16x1xi32> to vector<16xi32>
    %gather3A_1916 = tpu.dynamic_gather %min3A_1903[%gather3A_1915] in [0] : vector<16xi32>, vector<16xi32> -> vector<16xi32>
    %min3A_1917 = arith.minsi %min3A_1903, %gather3A_1916 : vector<16xi32>
    %eq3A_1918 = arith.cmpi eq, %add3A_3, %min3A_1917 : vector<16xi32>
    %jit3A_1919 = arith.constant 1.000000e+00 : f32
    %broadcast_in_dim3A_1920 = vector.broadcast %jit3A_1919 : f32 to vector<16xf32>
    %select_n3A_1921 = arith.select %eq3A_1918, %broadcast_in_dim3A_1920, %select_n3A_1757 : vector<16xi1>, vector<16xf32>
    %jit3A_1922 = arith.constant -3.400000e+38 : f32
    %broadcast_in_dim3A_1923 = vector.broadcast %jit3A_1922 : f32 to vector<16xf32>
    %select_n3A_1924 = arith.select %eq3A_1918, %broadcast_in_dim3A_1923, %select_n3A_1760 : vector<16xi1>, vector<16xf32>
    %eq3A_1925 = arith.cmpi eq, %add3A_7, %min3A_1917 : vector<16xi32>
    %jit3A_1926 = arith.constant 1.000000e+00 : f32
    %broadcast_in_dim3A_1927 = vector.broadcast %jit3A_1926 : f32 to vector<16xf32>
    %select_n3A_1928 = arith.select %eq3A_1925, %broadcast_in_dim3A_1927, %select_n3A_1764 : vector<16xi1>, vector<16xf32>
    %jit3A_1929 = arith.constant -3.400000e+38 : f32
    %broadcast_in_dim3A_1930 = vector.broadcast %jit3A_1929 : f32 to vector<16xf32>
    %select_n3A_1931 = arith.select %eq3A_1925, %broadcast_in_dim3A_1930, %select_n3A_1767 : vector<16xi1>, vector<16xf32>
    %eq3A_1932 = arith.cmpi eq, %add3A_11, %min3A_1917 : vector<16xi32>
    %jit3A_1933 = arith.constant 1.000000e+00 : f32
    %broadcast_in_dim3A_1934 = vector.broadcast %jit3A_1933 : f32 to vector<16xf32>
    %select_n3A_1935 = arith.select %eq3A_1932, %broadcast_in_dim3A_1934, %select_n3A_1771 : vector<16xi1>, vector<16xf32>
    %jit3A_1936 = arith.constant -3.400000e+38 : f32
    %broadcast_in_dim3A_1937 = vector.broadcast %jit3A_1936 : f32 to vector<16xf32>
    %select_n3A_1938 = arith.select %eq3A_1932, %broadcast_in_dim3A_1937, %select_n3A_1774 : vector<16xi1>, vector<16xf32>
    %eq3A_1939 = arith.cmpi eq, %add3A_15, %min3A_1917 : vector<16xi32>
    %jit3A_1940 = arith.constant 1.000000e+00 : f32
    %broadcast_in_dim3A_1941 = vector.broadcast %jit3A_1940 : f32 to vector<16xf32>
    %select_n3A_1942 = arith.select %eq3A_1939, %broadcast_in_dim3A_1941, %select_n3A_1778 : vector<16xi1>, vector<16xf32>
    %jit3A_1943 = arith.constant -3.400000e+38 : f32
    %broadcast_in_dim3A_1944 = vector.broadcast %jit3A_1943 : f32 to vector<16xf32>
    %select_n3A_1945 = arith.select %eq3A_1939, %broadcast_in_dim3A_1944, %select_n3A_1781 : vector<16xi1>, vector<16xf32>
    %max3A_1946 = arith.maximumf %select_n3A_1924, %select_n3A_1931 : vector<16xf32>
    %max3A_1947 = arith.maximumf %max3A_1946, %select_n3A_1938 : vector<16xf32>
    %max3A_1948 = arith.maximumf %max3A_1947, %select_n3A_1945 : vector<16xf32>
    %iota3A_1949 = tpu.iota {dimensions = array<i32: 0>} : vector<16xi32>
    %xor3A_1950 = arith.constant 8 : i32
    %xor3A_1951 = vector.broadcast %xor3A_1950 : i32 to vector<16xi32>
    %xor3A_1952 = arith.xori %iota3A_1949, %xor3A_1951 : vector<16xi32>
    %lt3A_1953 = arith.constant 0 : i32
    %lt3A_1954 = vector.broadcast %lt3A_1953 : i32 to vector<16xi32>
    %lt3A_1955 = arith.cmpi slt, %xor3A_1952, %lt3A_1954 : vector<16xi32>
    %add3A_1956 = arith.constant 16 : i32
    %add3A_1957 = vector.broadcast %add3A_1956 : i32 to vector<16xi32>
    %add3A_1958 = arith.addi %xor3A_1952, %add3A_1957 : vector<16xi32>
    %select_n3A_1959 = arith.select %lt3A_1955, %add3A_1958, %xor3A_1952 : vector<16xi1>, vector<16xi32>
    %broadcast_in_dim3A_1960 = vector.shape_cast %select_n3A_1959 : vector<16xi32> to vector<16x1xi32>
    %gather3A_1961 = vector.shape_cast %broadcast_in_dim3A_1960 : vector<16x1xi32> to vector<16xi32>
    %gather3A_1962 = tpu.dynamic_gather %max3A_1948[%gather3A_1961] in [0] : vector<16xf32>, vector<16xi32> -> vector<16xf32>
    %max3A_1963 = arith.maximumf %max3A_1948, %gather3A_1962 : vector<16xf32>
    %xor3A_1964 = arith.constant 4 : i32
    %xor3A_1965 = vector.broadcast %xor3A_1964 : i32 to vector<16xi32>
    %xor3A_1966 = arith.xori %iota3A_1949, %xor3A_1965 : vector<16xi32>
    %lt3A_1967 = arith.constant 0 : i32
    %lt3A_1968 = vector.broadcast %lt3A_1967 : i32 to vector<16xi32>
    %lt3A_1969 = arith.cmpi slt, %xor3A_1966, %lt3A_1968 : vector<16xi32>
    %add3A_1970 = arith.constant 16 : i32
    %add3A_1971 = vector.broadcast %add3A_1970 : i32 to vector<16xi32>
    %add3A_1972 = arith.addi %xor3A_1966, %add3A_1971 : vector<16xi32>
    %select_n3A_1973 = arith.select %lt3A_1969, %add3A_1972, %xor3A_1966 : vector<16xi1>, vector<16xi32>
    %broadcast_in_dim3A_1974 = vector.shape_cast %select_n3A_1973 : vector<16xi32> to vector<16x1xi32>
    %gather3A_1975 = vector.shape_cast %broadcast_in_dim3A_1974 : vector<16x1xi32> to vector<16xi32>
    %gather3A_1976 = tpu.dynamic_gather %max3A_1963[%gather3A_1975] in [0] : vector<16xf32>, vector<16xi32> -> vector<16xf32>
    %max3A_1977 = arith.maximumf %max3A_1963, %gather3A_1976 : vector<16xf32>
    %xor3A_1978 = arith.constant 2 : i32
    %xor3A_1979 = vector.broadcast %xor3A_1978 : i32 to vector<16xi32>
    %xor3A_1980 = arith.xori %iota3A_1949, %xor3A_1979 : vector<16xi32>
    %lt3A_1981 = arith.constant 0 : i32
    %lt3A_1982 = vector.broadcast %lt3A_1981 : i32 to vector<16xi32>
    %lt3A_1983 = arith.cmpi slt, %xor3A_1980, %lt3A_1982 : vector<16xi32>
    %add3A_1984 = arith.constant 16 : i32
    %add3A_1985 = vector.broadcast %add3A_1984 : i32 to vector<16xi32>
    %add3A_1986 = arith.addi %xor3A_1980, %add3A_1985 : vector<16xi32>
    %select_n3A_1987 = arith.select %lt3A_1983, %add3A_1986, %xor3A_1980 : vector<16xi1>, vector<16xi32>
    %broadcast_in_dim3A_1988 = vector.shape_cast %select_n3A_1987 : vector<16xi32> to vector<16x1xi32>
    %gather3A_1989 = vector.shape_cast %broadcast_in_dim3A_1988 : vector<16x1xi32> to vector<16xi32>
    %gather3A_1990 = tpu.dynamic_gather %max3A_1977[%gather3A_1989] in [0] : vector<16xf32>, vector<16xi32> -> vector<16xf32>
    %max3A_1991 = arith.maximumf %max3A_1977, %gather3A_1990 : vector<16xf32>
    %xor3A_1992 = arith.constant 1 : i32
    %xor3A_1993 = vector.broadcast %xor3A_1992 : i32 to vector<16xi32>
    %xor3A_1994 = arith.xori %iota3A_1949, %xor3A_1993 : vector<16xi32>
    %lt3A_1995 = arith.constant 0 : i32
    %lt3A_1996 = vector.broadcast %lt3A_1995 : i32 to vector<16xi32>
    %lt3A_1997 = arith.cmpi slt, %xor3A_1994, %lt3A_1996 : vector<16xi32>
    %add3A_1998 = arith.constant 16 : i32
    %add3A_1999 = vector.broadcast %add3A_1998 : i32 to vector<16xi32>
    %add3A_2000 = arith.addi %xor3A_1994, %add3A_1999 : vector<16xi32>
    %select_n3A_2001 = arith.select %lt3A_1997, %add3A_2000, %xor3A_1994 : vector<16xi1>, vector<16xi32>
    %broadcast_in_dim3A_2002 = vector.shape_cast %select_n3A_2001 : vector<16xi32> to vector<16x1xi32>
    %gather3A_2003 = vector.shape_cast %broadcast_in_dim3A_2002 : vector<16x1xi32> to vector<16xi32>
    %gather3A_2004 = tpu.dynamic_gather %max3A_1991[%gather3A_2003] in [0] : vector<16xf32>, vector<16xi32> -> vector<16xf32>
    %max3A_2005 = arith.maximumf %max3A_1991, %gather3A_2004 : vector<16xf32>
    %eq3A_2006 = arith.cmpf oeq, %select_n3A_1924, %max3A_2005 : vector<16xf32>
    %jit3A_2007 = arith.constant 64 : i32
    %broadcast_in_dim3A_2008 = vector.broadcast %jit3A_2007 : i32 to vector<16xi32>
    %select_n3A_2009 = arith.select %eq3A_2006, %add3A_3, %broadcast_in_dim3A_2008 : vector<16xi1>, vector<16xi32>
    %eq3A_2010 = arith.cmpf oeq, %select_n3A_1931, %max3A_2005 : vector<16xf32>
    %jit3A_2011 = arith.constant 64 : i32
    %broadcast_in_dim3A_2012 = vector.broadcast %jit3A_2011 : i32 to vector<16xi32>
    %select_n3A_2013 = arith.select %eq3A_2010, %add3A_7, %broadcast_in_dim3A_2012 : vector<16xi1>, vector<16xi32>
    %eq3A_2014 = arith.cmpf oeq, %select_n3A_1938, %max3A_2005 : vector<16xf32>
    %jit3A_2015 = arith.constant 64 : i32
    %broadcast_in_dim3A_2016 = vector.broadcast %jit3A_2015 : i32 to vector<16xi32>
    %select_n3A_2017 = arith.select %eq3A_2014, %add3A_11, %broadcast_in_dim3A_2016 : vector<16xi1>, vector<16xi32>
    %eq3A_2018 = arith.cmpf oeq, %select_n3A_1945, %max3A_2005 : vector<16xf32>
    %jit3A_2019 = arith.constant 64 : i32
    %broadcast_in_dim3A_2020 = vector.broadcast %jit3A_2019 : i32 to vector<16xi32>
    %select_n3A_2021 = arith.select %eq3A_2018, %add3A_15, %broadcast_in_dim3A_2020 : vector<16xi1>, vector<16xi32>
    %min3A_2022 = arith.minsi %select_n3A_2009, %select_n3A_2013 : vector<16xi32>
    %min3A_2023 = arith.minsi %min3A_2022, %select_n3A_2017 : vector<16xi32>
    %min3A_2024 = arith.minsi %min3A_2023, %select_n3A_2021 : vector<16xi32>
    %iota3A_2025 = tpu.iota {dimensions = array<i32: 0>} : vector<16xi32>
    %xor3A_2026 = arith.constant 8 : i32
    %xor3A_2027 = vector.broadcast %xor3A_2026 : i32 to vector<16xi32>
    %xor3A_2028 = arith.xori %iota3A_2025, %xor3A_2027 : vector<16xi32>
    %lt3A_2029 = arith.constant 0 : i32
    %lt3A_2030 = vector.broadcast %lt3A_2029 : i32 to vector<16xi32>
    %lt3A_2031 = arith.cmpi slt, %xor3A_2028, %lt3A_2030 : vector<16xi32>
    %add3A_2032 = arith.constant 16 : i32
    %add3A_2033 = vector.broadcast %add3A_2032 : i32 to vector<16xi32>
    %add3A_2034 = arith.addi %xor3A_2028, %add3A_2033 : vector<16xi32>
    %select_n3A_2035 = arith.select %lt3A_2031, %add3A_2034, %xor3A_2028 : vector<16xi1>, vector<16xi32>
    %broadcast_in_dim3A_2036 = vector.shape_cast %select_n3A_2035 : vector<16xi32> to vector<16x1xi32>
    %gather3A_2037 = vector.shape_cast %broadcast_in_dim3A_2036 : vector<16x1xi32> to vector<16xi32>
    %gather3A_2038 = tpu.dynamic_gather %min3A_2024[%gather3A_2037] in [0] : vector<16xi32>, vector<16xi32> -> vector<16xi32>
    %min3A_2039 = arith.minsi %min3A_2024, %gather3A_2038 : vector<16xi32>
    %xor3A_2040 = arith.constant 4 : i32
    %xor3A_2041 = vector.broadcast %xor3A_2040 : i32 to vector<16xi32>
    %xor3A_2042 = arith.xori %iota3A_2025, %xor3A_2041 : vector<16xi32>
    %lt3A_2043 = arith.constant 0 : i32
    %lt3A_2044 = vector.broadcast %lt3A_2043 : i32 to vector<16xi32>
    %lt3A_2045 = arith.cmpi slt, %xor3A_2042, %lt3A_2044 : vector<16xi32>
    %add3A_2046 = arith.constant 16 : i32
    %add3A_2047 = vector.broadcast %add3A_2046 : i32 to vector<16xi32>
    %add3A_2048 = arith.addi %xor3A_2042, %add3A_2047 : vector<16xi32>
    %select_n3A_2049 = arith.select %lt3A_2045, %add3A_2048, %xor3A_2042 : vector<16xi1>, vector<16xi32>
    %broadcast_in_dim3A_2050 = vector.shape_cast %select_n3A_2049 : vector<16xi32> to vector<16x1xi32>
    %gather3A_2051 = vector.shape_cast %broadcast_in_dim3A_2050 : vector<16x1xi32> to vector<16xi32>
    %gather3A_2052 = tpu.dynamic_gather %min3A_2039[%gather3A_2051] in [0] : vector<16xi32>, vector<16xi32> -> vector<16xi32>
    %min3A_2053 = arith.minsi %min3A_2039, %gather3A_2052 : vector<16xi32>
    %xor3A_2054 = arith.constant 2 : i32
    %xor3A_2055 = vector.broadcast %xor3A_2054 : i32 to vector<16xi32>
    %xor3A_2056 = arith.xori %iota3A_2025, %xor3A_2055 : vector<16xi32>
    %lt3A_2057 = arith.constant 0 : i32
    %lt3A_2058 = vector.broadcast %lt3A_2057 : i32 to vector<16xi32>
    %lt3A_2059 = arith.cmpi slt, %xor3A_2056, %lt3A_2058 : vector<16xi32>
    %add3A_2060 = arith.constant 16 : i32
    %add3A_2061 = vector.broadcast %add3A_2060 : i32 to vector<16xi32>
    %add3A_2062 = arith.addi %xor3A_2056, %add3A_2061 : vector<16xi32>
    %select_n3A_2063 = arith.select %lt3A_2059, %add3A_2062, %xor3A_2056 : vector<16xi1>, vector<16xi32>
    %broadcast_in_dim3A_2064 = vector.shape_cast %select_n3A_2063 : vector<16xi32> to vector<16x1xi32>
    %gather3A_2065 = vector.shape_cast %broadcast_in_dim3A_2064 : vector<16x1xi32> to vector<16xi32>
    %gather3A_2066 = tpu.dynamic_gather %min3A_2053[%gather3A_2065] in [0] : vector<16xi32>, vector<16xi32> -> vector<16xi32>
    %min3A_2067 = arith.minsi %min3A_2053, %gather3A_2066 : vector<16xi32>
    %xor3A_2068 = arith.constant 1 : i32
    %xor3A_2069 = vector.broadcast %xor3A_2068 : i32 to vector<16xi32>
    %xor3A_2070 = arith.xori %iota3A_2025, %xor3A_2069 : vector<16xi32>
    %lt3A_2071 = arith.constant 0 : i32
    %lt3A_2072 = vector.broadcast %lt3A_2071 : i32 to vector<16xi32>
    %lt3A_2073 = arith.cmpi slt, %xor3A_2070, %lt3A_2072 : vector<16xi32>
    %add3A_2074 = arith.constant 16 : i32
    %add3A_2075 = vector.broadcast %add3A_2074 : i32 to vector<16xi32>
    %add3A_2076 = arith.addi %xor3A_2070, %add3A_2075 : vector<16xi32>
    %select_n3A_2077 = arith.select %lt3A_2073, %add3A_2076, %xor3A_2070 : vector<16xi1>, vector<16xi32>
    %broadcast_in_dim3A_2078 = vector.shape_cast %select_n3A_2077 : vector<16xi32> to vector<16x1xi32>
    %gather3A_2079 = vector.shape_cast %broadcast_in_dim3A_2078 : vector<16x1xi32> to vector<16xi32>
    %gather3A_2080 = tpu.dynamic_gather %min3A_2067[%gather3A_2079] in [0] : vector<16xi32>, vector<16xi32> -> vector<16xi32>
    %min3A_2081 = arith.minsi %min3A_2067, %gather3A_2080 : vector<16xi32>
    %eq3A_2082 = arith.cmpi eq, %add3A_3, %min3A_2081 : vector<16xi32>
    %jit3A_2083 = arith.constant 1.000000e+00 : f32
    %broadcast_in_dim3A_2084 = vector.broadcast %jit3A_2083 : f32 to vector<16xf32>
    %select_n3A_2085 = arith.select %eq3A_2082, %broadcast_in_dim3A_2084, %select_n3A_1921 : vector<16xi1>, vector<16xf32>
    %jit3A_2086 = arith.constant -3.400000e+38 : f32
    %broadcast_in_dim3A_2087 = vector.broadcast %jit3A_2086 : f32 to vector<16xf32>
    %select_n3A_2088 = arith.select %eq3A_2082, %broadcast_in_dim3A_2087, %select_n3A_1924 : vector<16xi1>, vector<16xf32>
    %eq3A_2089 = arith.cmpi eq, %add3A_7, %min3A_2081 : vector<16xi32>
    %jit3A_2090 = arith.constant 1.000000e+00 : f32
    %broadcast_in_dim3A_2091 = vector.broadcast %jit3A_2090 : f32 to vector<16xf32>
    %select_n3A_2092 = arith.select %eq3A_2089, %broadcast_in_dim3A_2091, %select_n3A_1928 : vector<16xi1>, vector<16xf32>
    %jit3A_2093 = arith.constant -3.400000e+38 : f32
    %broadcast_in_dim3A_2094 = vector.broadcast %jit3A_2093 : f32 to vector<16xf32>
    %select_n3A_2095 = arith.select %eq3A_2089, %broadcast_in_dim3A_2094, %select_n3A_1931 : vector<16xi1>, vector<16xf32>
    %eq3A_2096 = arith.cmpi eq, %add3A_11, %min3A_2081 : vector<16xi32>
    %jit3A_2097 = arith.constant 1.000000e+00 : f32
    %broadcast_in_dim3A_2098 = vector.broadcast %jit3A_2097 : f32 to vector<16xf32>
    %select_n3A_2099 = arith.select %eq3A_2096, %broadcast_in_dim3A_2098, %select_n3A_1935 : vector<16xi1>, vector<16xf32>
    %jit3A_2100 = arith.constant -3.400000e+38 : f32
    %broadcast_in_dim3A_2101 = vector.broadcast %jit3A_2100 : f32 to vector<16xf32>
    %select_n3A_2102 = arith.select %eq3A_2096, %broadcast_in_dim3A_2101, %select_n3A_1938 : vector<16xi1>, vector<16xf32>
    %eq3A_2103 = arith.cmpi eq, %add3A_15, %min3A_2081 : vector<16xi32>
    %jit3A_2104 = arith.constant 1.000000e+00 : f32
    %broadcast_in_dim3A_2105 = vector.broadcast %jit3A_2104 : f32 to vector<16xf32>
    %select_n3A_2106 = arith.select %eq3A_2103, %broadcast_in_dim3A_2105, %select_n3A_1942 : vector<16xi1>, vector<16xf32>
    %jit3A_2107 = arith.constant -3.400000e+38 : f32
    %broadcast_in_dim3A_2108 = vector.broadcast %jit3A_2107 : f32 to vector<16xf32>
    %select_n3A_2109 = arith.select %eq3A_2103, %broadcast_in_dim3A_2108, %select_n3A_1945 : vector<16xi1>, vector<16xf32>
    %max3A_2110 = arith.maximumf %select_n3A_2088, %select_n3A_2095 : vector<16xf32>
    %max3A_2111 = arith.maximumf %max3A_2110, %select_n3A_2102 : vector<16xf32>
    %max3A_2112 = arith.maximumf %max3A_2111, %select_n3A_2109 : vector<16xf32>
    %iota3A_2113 = tpu.iota {dimensions = array<i32: 0>} : vector<16xi32>
    %xor3A_2114 = arith.constant 8 : i32
    %xor3A_2115 = vector.broadcast %xor3A_2114 : i32 to vector<16xi32>
    %xor3A_2116 = arith.xori %iota3A_2113, %xor3A_2115 : vector<16xi32>
    %lt3A_2117 = arith.constant 0 : i32
    %lt3A_2118 = vector.broadcast %lt3A_2117 : i32 to vector<16xi32>
    %lt3A_2119 = arith.cmpi slt, %xor3A_2116, %lt3A_2118 : vector<16xi32>
    %add3A_2120 = arith.constant 16 : i32
    %add3A_2121 = vector.broadcast %add3A_2120 : i32 to vector<16xi32>
    %add3A_2122 = arith.addi %xor3A_2116, %add3A_2121 : vector<16xi32>
    %select_n3A_2123 = arith.select %lt3A_2119, %add3A_2122, %xor3A_2116 : vector<16xi1>, vector<16xi32>
    %broadcast_in_dim3A_2124 = vector.shape_cast %select_n3A_2123 : vector<16xi32> to vector<16x1xi32>
    %gather3A_2125 = vector.shape_cast %broadcast_in_dim3A_2124 : vector<16x1xi32> to vector<16xi32>
    %gather3A_2126 = tpu.dynamic_gather %max3A_2112[%gather3A_2125] in [0] : vector<16xf32>, vector<16xi32> -> vector<16xf32>
    %max3A_2127 = arith.maximumf %max3A_2112, %gather3A_2126 : vector<16xf32>
    %xor3A_2128 = arith.constant 4 : i32
    %xor3A_2129 = vector.broadcast %xor3A_2128 : i32 to vector<16xi32>
    %xor3A_2130 = arith.xori %iota3A_2113, %xor3A_2129 : vector<16xi32>
    %lt3A_2131 = arith.constant 0 : i32
    %lt3A_2132 = vector.broadcast %lt3A_2131 : i32 to vector<16xi32>
    %lt3A_2133 = arith.cmpi slt, %xor3A_2130, %lt3A_2132 : vector<16xi32>
    %add3A_2134 = arith.constant 16 : i32
    %add3A_2135 = vector.broadcast %add3A_2134 : i32 to vector<16xi32>
    %add3A_2136 = arith.addi %xor3A_2130, %add3A_2135 : vector<16xi32>
    %select_n3A_2137 = arith.select %lt3A_2133, %add3A_2136, %xor3A_2130 : vector<16xi1>, vector<16xi32>
    %broadcast_in_dim3A_2138 = vector.shape_cast %select_n3A_2137 : vector<16xi32> to vector<16x1xi32>
    %gather3A_2139 = vector.shape_cast %broadcast_in_dim3A_2138 : vector<16x1xi32> to vector<16xi32>
    %gather3A_2140 = tpu.dynamic_gather %max3A_2127[%gather3A_2139] in [0] : vector<16xf32>, vector<16xi32> -> vector<16xf32>
    %max3A_2141 = arith.maximumf %max3A_2127, %gather3A_2140 : vector<16xf32>
    %xor3A_2142 = arith.constant 2 : i32
    %xor3A_2143 = vector.broadcast %xor3A_2142 : i32 to vector<16xi32>
    %xor3A_2144 = arith.xori %iota3A_2113, %xor3A_2143 : vector<16xi32>
    %lt3A_2145 = arith.constant 0 : i32
    %lt3A_2146 = vector.broadcast %lt3A_2145 : i32 to vector<16xi32>
    %lt3A_2147 = arith.cmpi slt, %xor3A_2144, %lt3A_2146 : vector<16xi32>
    %add3A_2148 = arith.constant 16 : i32
    %add3A_2149 = vector.broadcast %add3A_2148 : i32 to vector<16xi32>
    %add3A_2150 = arith.addi %xor3A_2144, %add3A_2149 : vector<16xi32>
    %select_n3A_2151 = arith.select %lt3A_2147, %add3A_2150, %xor3A_2144 : vector<16xi1>, vector<16xi32>
    %broadcast_in_dim3A_2152 = vector.shape_cast %select_n3A_2151 : vector<16xi32> to vector<16x1xi32>
    %gather3A_2153 = vector.shape_cast %broadcast_in_dim3A_2152 : vector<16x1xi32> to vector<16xi32>
    %gather3A_2154 = tpu.dynamic_gather %max3A_2141[%gather3A_2153] in [0] : vector<16xf32>, vector<16xi32> -> vector<16xf32>
    %max3A_2155 = arith.maximumf %max3A_2141, %gather3A_2154 : vector<16xf32>
    %xor3A_2156 = arith.constant 1 : i32
    %xor3A_2157 = vector.broadcast %xor3A_2156 : i32 to vector<16xi32>
    %xor3A_2158 = arith.xori %iota3A_2113, %xor3A_2157 : vector<16xi32>
    %lt3A_2159 = arith.constant 0 : i32
    %lt3A_2160 = vector.broadcast %lt3A_2159 : i32 to vector<16xi32>
    %lt3A_2161 = arith.cmpi slt, %xor3A_2158, %lt3A_2160 : vector<16xi32>
    %add3A_2162 = arith.constant 16 : i32
    %add3A_2163 = vector.broadcast %add3A_2162 : i32 to vector<16xi32>
    %add3A_2164 = arith.addi %xor3A_2158, %add3A_2163 : vector<16xi32>
    %select_n3A_2165 = arith.select %lt3A_2161, %add3A_2164, %xor3A_2158 : vector<16xi1>, vector<16xi32>
    %broadcast_in_dim3A_2166 = vector.shape_cast %select_n3A_2165 : vector<16xi32> to vector<16x1xi32>
    %gather3A_2167 = vector.shape_cast %broadcast_in_dim3A_2166 : vector<16x1xi32> to vector<16xi32>
    %gather3A_2168 = tpu.dynamic_gather %max3A_2155[%gather3A_2167] in [0] : vector<16xf32>, vector<16xi32> -> vector<16xf32>
    %max3A_2169 = arith.maximumf %max3A_2155, %gather3A_2168 : vector<16xf32>
    %eq3A_2170 = arith.cmpf oeq, %select_n3A_2088, %max3A_2169 : vector<16xf32>
    %jit3A_2171 = arith.constant 64 : i32
    %broadcast_in_dim3A_2172 = vector.broadcast %jit3A_2171 : i32 to vector<16xi32>
    %select_n3A_2173 = arith.select %eq3A_2170, %add3A_3, %broadcast_in_dim3A_2172 : vector<16xi1>, vector<16xi32>
    %eq3A_2174 = arith.cmpf oeq, %select_n3A_2095, %max3A_2169 : vector<16xf32>
    %jit3A_2175 = arith.constant 64 : i32
    %broadcast_in_dim3A_2176 = vector.broadcast %jit3A_2175 : i32 to vector<16xi32>
    %select_n3A_2177 = arith.select %eq3A_2174, %add3A_7, %broadcast_in_dim3A_2176 : vector<16xi1>, vector<16xi32>
    %eq3A_2178 = arith.cmpf oeq, %select_n3A_2102, %max3A_2169 : vector<16xf32>
    %jit3A_2179 = arith.constant 64 : i32
    %broadcast_in_dim3A_2180 = vector.broadcast %jit3A_2179 : i32 to vector<16xi32>
    %select_n3A_2181 = arith.select %eq3A_2178, %add3A_11, %broadcast_in_dim3A_2180 : vector<16xi1>, vector<16xi32>
    %eq3A_2182 = arith.cmpf oeq, %select_n3A_2109, %max3A_2169 : vector<16xf32>
    %jit3A_2183 = arith.constant 64 : i32
    %broadcast_in_dim3A_2184 = vector.broadcast %jit3A_2183 : i32 to vector<16xi32>
    %select_n3A_2185 = arith.select %eq3A_2182, %add3A_15, %broadcast_in_dim3A_2184 : vector<16xi1>, vector<16xi32>
    %min3A_2186 = arith.minsi %select_n3A_2173, %select_n3A_2177 : vector<16xi32>
    %min3A_2187 = arith.minsi %min3A_2186, %select_n3A_2181 : vector<16xi32>
    %min3A_2188 = arith.minsi %min3A_2187, %select_n3A_2185 : vector<16xi32>
    %iota3A_2189 = tpu.iota {dimensions = array<i32: 0>} : vector<16xi32>
    %xor3A_2190 = arith.constant 8 : i32
    %xor3A_2191 = vector.broadcast %xor3A_2190 : i32 to vector<16xi32>
    %xor3A_2192 = arith.xori %iota3A_2189, %xor3A_2191 : vector<16xi32>
    %lt3A_2193 = arith.constant 0 : i32
    %lt3A_2194 = vector.broadcast %lt3A_2193 : i32 to vector<16xi32>
    %lt3A_2195 = arith.cmpi slt, %xor3A_2192, %lt3A_2194 : vector<16xi32>
    %add3A_2196 = arith.constant 16 : i32
    %add3A_2197 = vector.broadcast %add3A_2196 : i32 to vector<16xi32>
    %add3A_2198 = arith.addi %xor3A_2192, %add3A_2197 : vector<16xi32>
    %select_n3A_2199 = arith.select %lt3A_2195, %add3A_2198, %xor3A_2192 : vector<16xi1>, vector<16xi32>
    %broadcast_in_dim3A_2200 = vector.shape_cast %select_n3A_2199 : vector<16xi32> to vector<16x1xi32>
    %gather3A_2201 = vector.shape_cast %broadcast_in_dim3A_2200 : vector<16x1xi32> to vector<16xi32>
    %gather3A_2202 = tpu.dynamic_gather %min3A_2188[%gather3A_2201] in [0] : vector<16xi32>, vector<16xi32> -> vector<16xi32>
    %min3A_2203 = arith.minsi %min3A_2188, %gather3A_2202 : vector<16xi32>
    %xor3A_2204 = arith.constant 4 : i32
    %xor3A_2205 = vector.broadcast %xor3A_2204 : i32 to vector<16xi32>
    %xor3A_2206 = arith.xori %iota3A_2189, %xor3A_2205 : vector<16xi32>
    %lt3A_2207 = arith.constant 0 : i32
    %lt3A_2208 = vector.broadcast %lt3A_2207 : i32 to vector<16xi32>
    %lt3A_2209 = arith.cmpi slt, %xor3A_2206, %lt3A_2208 : vector<16xi32>
    %add3A_2210 = arith.constant 16 : i32
    %add3A_2211 = vector.broadcast %add3A_2210 : i32 to vector<16xi32>
    %add3A_2212 = arith.addi %xor3A_2206, %add3A_2211 : vector<16xi32>
    %select_n3A_2213 = arith.select %lt3A_2209, %add3A_2212, %xor3A_2206 : vector<16xi1>, vector<16xi32>
    %broadcast_in_dim3A_2214 = vector.shape_cast %select_n3A_2213 : vector<16xi32> to vector<16x1xi32>
    %gather3A_2215 = vector.shape_cast %broadcast_in_dim3A_2214 : vector<16x1xi32> to vector<16xi32>
    %gather3A_2216 = tpu.dynamic_gather %min3A_2203[%gather3A_2215] in [0] : vector<16xi32>, vector<16xi32> -> vector<16xi32>
    %min3A_2217 = arith.minsi %min3A_2203, %gather3A_2216 : vector<16xi32>
    %xor3A_2218 = arith.constant 2 : i32
    %xor3A_2219 = vector.broadcast %xor3A_2218 : i32 to vector<16xi32>
    %xor3A_2220 = arith.xori %iota3A_2189, %xor3A_2219 : vector<16xi32>
    %lt3A_2221 = arith.constant 0 : i32
    %lt3A_2222 = vector.broadcast %lt3A_2221 : i32 to vector<16xi32>
    %lt3A_2223 = arith.cmpi slt, %xor3A_2220, %lt3A_2222 : vector<16xi32>
    %add3A_2224 = arith.constant 16 : i32
    %add3A_2225 = vector.broadcast %add3A_2224 : i32 to vector<16xi32>
    %add3A_2226 = arith.addi %xor3A_2220, %add3A_2225 : vector<16xi32>
    %select_n3A_2227 = arith.select %lt3A_2223, %add3A_2226, %xor3A_2220 : vector<16xi1>, vector<16xi32>
    %broadcast_in_dim3A_2228 = vector.shape_cast %select_n3A_2227 : vector<16xi32> to vector<16x1xi32>
    %gather3A_2229 = vector.shape_cast %broadcast_in_dim3A_2228 : vector<16x1xi32> to vector<16xi32>
    %gather3A_2230 = tpu.dynamic_gather %min3A_2217[%gather3A_2229] in [0] : vector<16xi32>, vector<16xi32> -> vector<16xi32>
    %min3A_2231 = arith.minsi %min3A_2217, %gather3A_2230 : vector<16xi32>
    %xor3A_2232 = arith.constant 1 : i32
    %xor3A_2233 = vector.broadcast %xor3A_2232 : i32 to vector<16xi32>
    %xor3A_2234 = arith.xori %iota3A_2189, %xor3A_2233 : vector<16xi32>
    %lt3A_2235 = arith.constant 0 : i32
    %lt3A_2236 = vector.broadcast %lt3A_2235 : i32 to vector<16xi32>
    %lt3A_2237 = arith.cmpi slt, %xor3A_2234, %lt3A_2236 : vector<16xi32>
    %add3A_2238 = arith.constant 16 : i32
    %add3A_2239 = vector.broadcast %add3A_2238 : i32 to vector<16xi32>
    %add3A_2240 = arith.addi %xor3A_2234, %add3A_2239 : vector<16xi32>
    %select_n3A_2241 = arith.select %lt3A_2237, %add3A_2240, %xor3A_2234 : vector<16xi1>, vector<16xi32>
    %broadcast_in_dim3A_2242 = vector.shape_cast %select_n3A_2241 : vector<16xi32> to vector<16x1xi32>
    %gather3A_2243 = vector.shape_cast %broadcast_in_dim3A_2242 : vector<16x1xi32> to vector<16xi32>
    %gather3A_2244 = tpu.dynamic_gather %min3A_2231[%gather3A_2243] in [0] : vector<16xi32>, vector<16xi32> -> vector<16xi32>
    %min3A_2245 = arith.minsi %min3A_2231, %gather3A_2244 : vector<16xi32>
    %eq3A_2246 = arith.cmpi eq, %add3A_3, %min3A_2245 : vector<16xi32>
    %jit3A_2247 = arith.constant 1.000000e+00 : f32
    %broadcast_in_dim3A_2248 = vector.broadcast %jit3A_2247 : f32 to vector<16xf32>
    %select_n3A_2249 = arith.select %eq3A_2246, %broadcast_in_dim3A_2248, %select_n3A_2085 : vector<16xi1>, vector<16xf32>
    %jit3A_2250 = arith.constant -3.400000e+38 : f32
    %broadcast_in_dim3A_2251 = vector.broadcast %jit3A_2250 : f32 to vector<16xf32>
    %select_n3A_2252 = arith.select %eq3A_2246, %broadcast_in_dim3A_2251, %select_n3A_2088 : vector<16xi1>, vector<16xf32>
    %eq3A_2253 = arith.cmpi eq, %add3A_7, %min3A_2245 : vector<16xi32>
    %jit3A_2254 = arith.constant 1.000000e+00 : f32
    %broadcast_in_dim3A_2255 = vector.broadcast %jit3A_2254 : f32 to vector<16xf32>
    %select_n3A_2256 = arith.select %eq3A_2253, %broadcast_in_dim3A_2255, %select_n3A_2092 : vector<16xi1>, vector<16xf32>
    %jit3A_2257 = arith.constant -3.400000e+38 : f32
    %broadcast_in_dim3A_2258 = vector.broadcast %jit3A_2257 : f32 to vector<16xf32>
    %select_n3A_2259 = arith.select %eq3A_2253, %broadcast_in_dim3A_2258, %select_n3A_2095 : vector<16xi1>, vector<16xf32>
    %eq3A_2260 = arith.cmpi eq, %add3A_11, %min3A_2245 : vector<16xi32>
    %jit3A_2261 = arith.constant 1.000000e+00 : f32
    %broadcast_in_dim3A_2262 = vector.broadcast %jit3A_2261 : f32 to vector<16xf32>
    %select_n3A_2263 = arith.select %eq3A_2260, %broadcast_in_dim3A_2262, %select_n3A_2099 : vector<16xi1>, vector<16xf32>
    %jit3A_2264 = arith.constant -3.400000e+38 : f32
    %broadcast_in_dim3A_2265 = vector.broadcast %jit3A_2264 : f32 to vector<16xf32>
    %select_n3A_2266 = arith.select %eq3A_2260, %broadcast_in_dim3A_2265, %select_n3A_2102 : vector<16xi1>, vector<16xf32>
    %eq3A_2267 = arith.cmpi eq, %add3A_15, %min3A_2245 : vector<16xi32>
    %jit3A_2268 = arith.constant 1.000000e+00 : f32
    %broadcast_in_dim3A_2269 = vector.broadcast %jit3A_2268 : f32 to vector<16xf32>
    %select_n3A_2270 = arith.select %eq3A_2267, %broadcast_in_dim3A_2269, %select_n3A_2106 : vector<16xi1>, vector<16xf32>
    %jit3A_2271 = arith.constant -3.400000e+38 : f32
    %broadcast_in_dim3A_2272 = vector.broadcast %jit3A_2271 : f32 to vector<16xf32>
    %select_n3A_2273 = arith.select %eq3A_2267, %broadcast_in_dim3A_2272, %select_n3A_2109 : vector<16xi1>, vector<16xf32>
    %max3A_2274 = arith.maximumf %select_n3A_2252, %select_n3A_2259 : vector<16xf32>
    %max3A_2275 = arith.maximumf %max3A_2274, %select_n3A_2266 : vector<16xf32>
    %max3A_2276 = arith.maximumf %max3A_2275, %select_n3A_2273 : vector<16xf32>
    %iota3A_2277 = tpu.iota {dimensions = array<i32: 0>} : vector<16xi32>
    %xor3A_2278 = arith.constant 8 : i32
    %xor3A_2279 = vector.broadcast %xor3A_2278 : i32 to vector<16xi32>
    %xor3A_2280 = arith.xori %iota3A_2277, %xor3A_2279 : vector<16xi32>
    %lt3A_2281 = arith.constant 0 : i32
    %lt3A_2282 = vector.broadcast %lt3A_2281 : i32 to vector<16xi32>
    %lt3A_2283 = arith.cmpi slt, %xor3A_2280, %lt3A_2282 : vector<16xi32>
    %add3A_2284 = arith.constant 16 : i32
    %add3A_2285 = vector.broadcast %add3A_2284 : i32 to vector<16xi32>
    %add3A_2286 = arith.addi %xor3A_2280, %add3A_2285 : vector<16xi32>
    %select_n3A_2287 = arith.select %lt3A_2283, %add3A_2286, %xor3A_2280 : vector<16xi1>, vector<16xi32>
    %broadcast_in_dim3A_2288 = vector.shape_cast %select_n3A_2287 : vector<16xi32> to vector<16x1xi32>
    %gather3A_2289 = vector.shape_cast %broadcast_in_dim3A_2288 : vector<16x1xi32> to vector<16xi32>
    %gather3A_2290 = tpu.dynamic_gather %max3A_2276[%gather3A_2289] in [0] : vector<16xf32>, vector<16xi32> -> vector<16xf32>
    %max3A_2291 = arith.maximumf %max3A_2276, %gather3A_2290 : vector<16xf32>
    %xor3A_2292 = arith.constant 4 : i32
    %xor3A_2293 = vector.broadcast %xor3A_2292 : i32 to vector<16xi32>
    %xor3A_2294 = arith.xori %iota3A_2277, %xor3A_2293 : vector<16xi32>
    %lt3A_2295 = arith.constant 0 : i32
    %lt3A_2296 = vector.broadcast %lt3A_2295 : i32 to vector<16xi32>
    %lt3A_2297 = arith.cmpi slt, %xor3A_2294, %lt3A_2296 : vector<16xi32>
    %add3A_2298 = arith.constant 16 : i32
    %add3A_2299 = vector.broadcast %add3A_2298 : i32 to vector<16xi32>
    %add3A_2300 = arith.addi %xor3A_2294, %add3A_2299 : vector<16xi32>
    %select_n3A_2301 = arith.select %lt3A_2297, %add3A_2300, %xor3A_2294 : vector<16xi1>, vector<16xi32>
    %broadcast_in_dim3A_2302 = vector.shape_cast %select_n3A_2301 : vector<16xi32> to vector<16x1xi32>
    %gather3A_2303 = vector.shape_cast %broadcast_in_dim3A_2302 : vector<16x1xi32> to vector<16xi32>
    %gather3A_2304 = tpu.dynamic_gather %max3A_2291[%gather3A_2303] in [0] : vector<16xf32>, vector<16xi32> -> vector<16xf32>
    %max3A_2305 = arith.maximumf %max3A_2291, %gather3A_2304 : vector<16xf32>
    %xor3A_2306 = arith.constant 2 : i32
    %xor3A_2307 = vector.broadcast %xor3A_2306 : i32 to vector<16xi32>
    %xor3A_2308 = arith.xori %iota3A_2277, %xor3A_2307 : vector<16xi32>
    %lt3A_2309 = arith.constant 0 : i32
    %lt3A_2310 = vector.broadcast %lt3A_2309 : i32 to vector<16xi32>
    %lt3A_2311 = arith.cmpi slt, %xor3A_2308, %lt3A_2310 : vector<16xi32>
    %add3A_2312 = arith.constant 16 : i32
    %add3A_2313 = vector.broadcast %add3A_2312 : i32 to vector<16xi32>
    %add3A_2314 = arith.addi %xor3A_2308, %add3A_2313 : vector<16xi32>
    %select_n3A_2315 = arith.select %lt3A_2311, %add3A_2314, %xor3A_2308 : vector<16xi1>, vector<16xi32>
    %broadcast_in_dim3A_2316 = vector.shape_cast %select_n3A_2315 : vector<16xi32> to vector<16x1xi32>
    %gather3A_2317 = vector.shape_cast %broadcast_in_dim3A_2316 : vector<16x1xi32> to vector<16xi32>
    %gather3A_2318 = tpu.dynamic_gather %max3A_2305[%gather3A_2317] in [0] : vector<16xf32>, vector<16xi32> -> vector<16xf32>
    %max3A_2319 = arith.maximumf %max3A_2305, %gather3A_2318 : vector<16xf32>
    %xor3A_2320 = arith.constant 1 : i32
    %xor3A_2321 = vector.broadcast %xor3A_2320 : i32 to vector<16xi32>
    %xor3A_2322 = arith.xori %iota3A_2277, %xor3A_2321 : vector<16xi32>
    %lt3A_2323 = arith.constant 0 : i32
    %lt3A_2324 = vector.broadcast %lt3A_2323 : i32 to vector<16xi32>
    %lt3A_2325 = arith.cmpi slt, %xor3A_2322, %lt3A_2324 : vector<16xi32>
    %add3A_2326 = arith.constant 16 : i32
    %add3A_2327 = vector.broadcast %add3A_2326 : i32 to vector<16xi32>
    %add3A_2328 = arith.addi %xor3A_2322, %add3A_2327 : vector<16xi32>
    %select_n3A_2329 = arith.select %lt3A_2325, %add3A_2328, %xor3A_2322 : vector<16xi1>, vector<16xi32>
    %broadcast_in_dim3A_2330 = vector.shape_cast %select_n3A_2329 : vector<16xi32> to vector<16x1xi32>
    %gather3A_2331 = vector.shape_cast %broadcast_in_dim3A_2330 : vector<16x1xi32> to vector<16xi32>
    %gather3A_2332 = tpu.dynamic_gather %max3A_2319[%gather3A_2331] in [0] : vector<16xf32>, vector<16xi32> -> vector<16xf32>
    %max3A_2333 = arith.maximumf %max3A_2319, %gather3A_2332 : vector<16xf32>
    %eq3A_2334 = arith.cmpf oeq, %select_n3A_2252, %max3A_2333 : vector<16xf32>
    %jit3A_2335 = arith.constant 64 : i32
    %broadcast_in_dim3A_2336 = vector.broadcast %jit3A_2335 : i32 to vector<16xi32>
    %select_n3A_2337 = arith.select %eq3A_2334, %add3A_3, %broadcast_in_dim3A_2336 : vector<16xi1>, vector<16xi32>
    %eq3A_2338 = arith.cmpf oeq, %select_n3A_2259, %max3A_2333 : vector<16xf32>
    %jit3A_2339 = arith.constant 64 : i32
    %broadcast_in_dim3A_2340 = vector.broadcast %jit3A_2339 : i32 to vector<16xi32>
    %select_n3A_2341 = arith.select %eq3A_2338, %add3A_7, %broadcast_in_dim3A_2340 : vector<16xi1>, vector<16xi32>
    %eq3A_2342 = arith.cmpf oeq, %select_n3A_2266, %max3A_2333 : vector<16xf32>
    %jit3A_2343 = arith.constant 64 : i32
    %broadcast_in_dim3A_2344 = vector.broadcast %jit3A_2343 : i32 to vector<16xi32>
    %select_n3A_2345 = arith.select %eq3A_2342, %add3A_11, %broadcast_in_dim3A_2344 : vector<16xi1>, vector<16xi32>
    %eq3A_2346 = arith.cmpf oeq, %select_n3A_2273, %max3A_2333 : vector<16xf32>
    %jit3A_2347 = arith.constant 64 : i32
    %broadcast_in_dim3A_2348 = vector.broadcast %jit3A_2347 : i32 to vector<16xi32>
    %select_n3A_2349 = arith.select %eq3A_2346, %add3A_15, %broadcast_in_dim3A_2348 : vector<16xi1>, vector<16xi32>
    %min3A_2350 = arith.minsi %select_n3A_2337, %select_n3A_2341 : vector<16xi32>
    %min3A_2351 = arith.minsi %min3A_2350, %select_n3A_2345 : vector<16xi32>
    %min3A_2352 = arith.minsi %min3A_2351, %select_n3A_2349 : vector<16xi32>
    %iota3A_2353 = tpu.iota {dimensions = array<i32: 0>} : vector<16xi32>
    %xor3A_2354 = arith.constant 8 : i32
    %xor3A_2355 = vector.broadcast %xor3A_2354 : i32 to vector<16xi32>
    %xor3A_2356 = arith.xori %iota3A_2353, %xor3A_2355 : vector<16xi32>
    %lt3A_2357 = arith.constant 0 : i32
    %lt3A_2358 = vector.broadcast %lt3A_2357 : i32 to vector<16xi32>
    %lt3A_2359 = arith.cmpi slt, %xor3A_2356, %lt3A_2358 : vector<16xi32>
    %add3A_2360 = arith.constant 16 : i32
    %add3A_2361 = vector.broadcast %add3A_2360 : i32 to vector<16xi32>
    %add3A_2362 = arith.addi %xor3A_2356, %add3A_2361 : vector<16xi32>
    %select_n3A_2363 = arith.select %lt3A_2359, %add3A_2362, %xor3A_2356 : vector<16xi1>, vector<16xi32>
    %broadcast_in_dim3A_2364 = vector.shape_cast %select_n3A_2363 : vector<16xi32> to vector<16x1xi32>
    %gather3A_2365 = vector.shape_cast %broadcast_in_dim3A_2364 : vector<16x1xi32> to vector<16xi32>
    %gather3A_2366 = tpu.dynamic_gather %min3A_2352[%gather3A_2365] in [0] : vector<16xi32>, vector<16xi32> -> vector<16xi32>
    %min3A_2367 = arith.minsi %min3A_2352, %gather3A_2366 : vector<16xi32>
    %xor3A_2368 = arith.constant 4 : i32
    %xor3A_2369 = vector.broadcast %xor3A_2368 : i32 to vector<16xi32>
    %xor3A_2370 = arith.xori %iota3A_2353, %xor3A_2369 : vector<16xi32>
    %lt3A_2371 = arith.constant 0 : i32
    %lt3A_2372 = vector.broadcast %lt3A_2371 : i32 to vector<16xi32>
    %lt3A_2373 = arith.cmpi slt, %xor3A_2370, %lt3A_2372 : vector<16xi32>
    %add3A_2374 = arith.constant 16 : i32
    %add3A_2375 = vector.broadcast %add3A_2374 : i32 to vector<16xi32>
    %add3A_2376 = arith.addi %xor3A_2370, %add3A_2375 : vector<16xi32>
    %select_n3A_2377 = arith.select %lt3A_2373, %add3A_2376, %xor3A_2370 : vector<16xi1>, vector<16xi32>
    %broadcast_in_dim3A_2378 = vector.shape_cast %select_n3A_2377 : vector<16xi32> to vector<16x1xi32>
    %gather3A_2379 = vector.shape_cast %broadcast_in_dim3A_2378 : vector<16x1xi32> to vector<16xi32>
    %gather3A_2380 = tpu.dynamic_gather %min3A_2367[%gather3A_2379] in [0] : vector<16xi32>, vector<16xi32> -> vector<16xi32>
    %min3A_2381 = arith.minsi %min3A_2367, %gather3A_2380 : vector<16xi32>
    %xor3A_2382 = arith.constant 2 : i32
    %xor3A_2383 = vector.broadcast %xor3A_2382 : i32 to vector<16xi32>
    %xor3A_2384 = arith.xori %iota3A_2353, %xor3A_2383 : vector<16xi32>
    %lt3A_2385 = arith.constant 0 : i32
    %lt3A_2386 = vector.broadcast %lt3A_2385 : i32 to vector<16xi32>
    %lt3A_2387 = arith.cmpi slt, %xor3A_2384, %lt3A_2386 : vector<16xi32>
    %add3A_2388 = arith.constant 16 : i32
    %add3A_2389 = vector.broadcast %add3A_2388 : i32 to vector<16xi32>
    %add3A_2390 = arith.addi %xor3A_2384, %add3A_2389 : vector<16xi32>
    %select_n3A_2391 = arith.select %lt3A_2387, %add3A_2390, %xor3A_2384 : vector<16xi1>, vector<16xi32>
    %broadcast_in_dim3A_2392 = vector.shape_cast %select_n3A_2391 : vector<16xi32> to vector<16x1xi32>
    %gather3A_2393 = vector.shape_cast %broadcast_in_dim3A_2392 : vector<16x1xi32> to vector<16xi32>
    %gather3A_2394 = tpu.dynamic_gather %min3A_2381[%gather3A_2393] in [0] : vector<16xi32>, vector<16xi32> -> vector<16xi32>
    %min3A_2395 = arith.minsi %min3A_2381, %gather3A_2394 : vector<16xi32>
    %xor3A_2396 = arith.constant 1 : i32
    %xor3A_2397 = vector.broadcast %xor3A_2396 : i32 to vector<16xi32>
    %xor3A_2398 = arith.xori %iota3A_2353, %xor3A_2397 : vector<16xi32>
    %lt3A_2399 = arith.constant 0 : i32
    %lt3A_2400 = vector.broadcast %lt3A_2399 : i32 to vector<16xi32>
    %lt3A_2401 = arith.cmpi slt, %xor3A_2398, %lt3A_2400 : vector<16xi32>
    %add3A_2402 = arith.constant 16 : i32
    %add3A_2403 = vector.broadcast %add3A_2402 : i32 to vector<16xi32>
    %add3A_2404 = arith.addi %xor3A_2398, %add3A_2403 : vector<16xi32>
    %select_n3A_2405 = arith.select %lt3A_2401, %add3A_2404, %xor3A_2398 : vector<16xi1>, vector<16xi32>
    %broadcast_in_dim3A_2406 = vector.shape_cast %select_n3A_2405 : vector<16xi32> to vector<16x1xi32>
    %gather3A_2407 = vector.shape_cast %broadcast_in_dim3A_2406 : vector<16x1xi32> to vector<16xi32>
    %gather3A_2408 = tpu.dynamic_gather %min3A_2395[%gather3A_2407] in [0] : vector<16xi32>, vector<16xi32> -> vector<16xi32>
    %min3A_2409 = arith.minsi %min3A_2395, %gather3A_2408 : vector<16xi32>
    %eq3A_2410 = arith.cmpi eq, %add3A_3, %min3A_2409 : vector<16xi32>
    %jit3A_2411 = arith.constant 1.000000e+00 : f32
    %broadcast_in_dim3A_2412 = vector.broadcast %jit3A_2411 : f32 to vector<16xf32>
    %select_n3A_2413 = arith.select %eq3A_2410, %broadcast_in_dim3A_2412, %select_n3A_2249 : vector<16xi1>, vector<16xf32>
    %jit3A_2414 = arith.constant -3.400000e+38 : f32
    %broadcast_in_dim3A_2415 = vector.broadcast %jit3A_2414 : f32 to vector<16xf32>
    %select_n3A_2416 = arith.select %eq3A_2410, %broadcast_in_dim3A_2415, %select_n3A_2252 : vector<16xi1>, vector<16xf32>
    %eq3A_2417 = arith.cmpi eq, %add3A_7, %min3A_2409 : vector<16xi32>
    %jit3A_2418 = arith.constant 1.000000e+00 : f32
    %broadcast_in_dim3A_2419 = vector.broadcast %jit3A_2418 : f32 to vector<16xf32>
    %select_n3A_2420 = arith.select %eq3A_2417, %broadcast_in_dim3A_2419, %select_n3A_2256 : vector<16xi1>, vector<16xf32>
    %jit3A_2421 = arith.constant -3.400000e+38 : f32
    %broadcast_in_dim3A_2422 = vector.broadcast %jit3A_2421 : f32 to vector<16xf32>
    %select_n3A_2423 = arith.select %eq3A_2417, %broadcast_in_dim3A_2422, %select_n3A_2259 : vector<16xi1>, vector<16xf32>
    %eq3A_2424 = arith.cmpi eq, %add3A_11, %min3A_2409 : vector<16xi32>
    %jit3A_2425 = arith.constant 1.000000e+00 : f32
    %broadcast_in_dim3A_2426 = vector.broadcast %jit3A_2425 : f32 to vector<16xf32>
    %select_n3A_2427 = arith.select %eq3A_2424, %broadcast_in_dim3A_2426, %select_n3A_2263 : vector<16xi1>, vector<16xf32>
    %jit3A_2428 = arith.constant -3.400000e+38 : f32
    %broadcast_in_dim3A_2429 = vector.broadcast %jit3A_2428 : f32 to vector<16xf32>
    %select_n3A_2430 = arith.select %eq3A_2424, %broadcast_in_dim3A_2429, %select_n3A_2266 : vector<16xi1>, vector<16xf32>
    %eq3A_2431 = arith.cmpi eq, %add3A_15, %min3A_2409 : vector<16xi32>
    %jit3A_2432 = arith.constant 1.000000e+00 : f32
    %broadcast_in_dim3A_2433 = vector.broadcast %jit3A_2432 : f32 to vector<16xf32>
    %select_n3A_2434 = arith.select %eq3A_2431, %broadcast_in_dim3A_2433, %select_n3A_2270 : vector<16xi1>, vector<16xf32>
    %jit3A_2435 = arith.constant -3.400000e+38 : f32
    %broadcast_in_dim3A_2436 = vector.broadcast %jit3A_2435 : f32 to vector<16xf32>
    %select_n3A_2437 = arith.select %eq3A_2431, %broadcast_in_dim3A_2436, %select_n3A_2273 : vector<16xi1>, vector<16xf32>
    %max3A_2438 = arith.maximumf %select_n3A_2416, %select_n3A_2423 : vector<16xf32>
    %max3A_2439 = arith.maximumf %max3A_2438, %select_n3A_2430 : vector<16xf32>
    %max3A_2440 = arith.maximumf %max3A_2439, %select_n3A_2437 : vector<16xf32>
    %iota3A_2441 = tpu.iota {dimensions = array<i32: 0>} : vector<16xi32>
    %xor3A_2442 = arith.constant 8 : i32
    %xor3A_2443 = vector.broadcast %xor3A_2442 : i32 to vector<16xi32>
    %xor3A_2444 = arith.xori %iota3A_2441, %xor3A_2443 : vector<16xi32>
    %lt3A_2445 = arith.constant 0 : i32
    %lt3A_2446 = vector.broadcast %lt3A_2445 : i32 to vector<16xi32>
    %lt3A_2447 = arith.cmpi slt, %xor3A_2444, %lt3A_2446 : vector<16xi32>
    %add3A_2448 = arith.constant 16 : i32
    %add3A_2449 = vector.broadcast %add3A_2448 : i32 to vector<16xi32>
    %add3A_2450 = arith.addi %xor3A_2444, %add3A_2449 : vector<16xi32>
    %select_n3A_2451 = arith.select %lt3A_2447, %add3A_2450, %xor3A_2444 : vector<16xi1>, vector<16xi32>
    %broadcast_in_dim3A_2452 = vector.shape_cast %select_n3A_2451 : vector<16xi32> to vector<16x1xi32>
    %gather3A_2453 = vector.shape_cast %broadcast_in_dim3A_2452 : vector<16x1xi32> to vector<16xi32>
    %gather3A_2454 = tpu.dynamic_gather %max3A_2440[%gather3A_2453] in [0] : vector<16xf32>, vector<16xi32> -> vector<16xf32>
    %max3A_2455 = arith.maximumf %max3A_2440, %gather3A_2454 : vector<16xf32>
    %xor3A_2456 = arith.constant 4 : i32
    %xor3A_2457 = vector.broadcast %xor3A_2456 : i32 to vector<16xi32>
    %xor3A_2458 = arith.xori %iota3A_2441, %xor3A_2457 : vector<16xi32>
    %lt3A_2459 = arith.constant 0 : i32
    %lt3A_2460 = vector.broadcast %lt3A_2459 : i32 to vector<16xi32>
    %lt3A_2461 = arith.cmpi slt, %xor3A_2458, %lt3A_2460 : vector<16xi32>
    %add3A_2462 = arith.constant 16 : i32
    %add3A_2463 = vector.broadcast %add3A_2462 : i32 to vector<16xi32>
    %add3A_2464 = arith.addi %xor3A_2458, %add3A_2463 : vector<16xi32>
    %select_n3A_2465 = arith.select %lt3A_2461, %add3A_2464, %xor3A_2458 : vector<16xi1>, vector<16xi32>
    %broadcast_in_dim3A_2466 = vector.shape_cast %select_n3A_2465 : vector<16xi32> to vector<16x1xi32>
    %gather3A_2467 = vector.shape_cast %broadcast_in_dim3A_2466 : vector<16x1xi32> to vector<16xi32>
    %gather3A_2468 = tpu.dynamic_gather %max3A_2455[%gather3A_2467] in [0] : vector<16xf32>, vector<16xi32> -> vector<16xf32>
    %max3A_2469 = arith.maximumf %max3A_2455, %gather3A_2468 : vector<16xf32>
    %xor3A_2470 = arith.constant 2 : i32
    %xor3A_2471 = vector.broadcast %xor3A_2470 : i32 to vector<16xi32>
    %xor3A_2472 = arith.xori %iota3A_2441, %xor3A_2471 : vector<16xi32>
    %lt3A_2473 = arith.constant 0 : i32
    %lt3A_2474 = vector.broadcast %lt3A_2473 : i32 to vector<16xi32>
    %lt3A_2475 = arith.cmpi slt, %xor3A_2472, %lt3A_2474 : vector<16xi32>
    %add3A_2476 = arith.constant 16 : i32
    %add3A_2477 = vector.broadcast %add3A_2476 : i32 to vector<16xi32>
    %add3A_2478 = arith.addi %xor3A_2472, %add3A_2477 : vector<16xi32>
    %select_n3A_2479 = arith.select %lt3A_2475, %add3A_2478, %xor3A_2472 : vector<16xi1>, vector<16xi32>
    %broadcast_in_dim3A_2480 = vector.shape_cast %select_n3A_2479 : vector<16xi32> to vector<16x1xi32>
    %gather3A_2481 = vector.shape_cast %broadcast_in_dim3A_2480 : vector<16x1xi32> to vector<16xi32>
    %gather3A_2482 = tpu.dynamic_gather %max3A_2469[%gather3A_2481] in [0] : vector<16xf32>, vector<16xi32> -> vector<16xf32>
    %max3A_2483 = arith.maximumf %max3A_2469, %gather3A_2482 : vector<16xf32>
    %xor3A_2484 = arith.constant 1 : i32
    %xor3A_2485 = vector.broadcast %xor3A_2484 : i32 to vector<16xi32>
    %xor3A_2486 = arith.xori %iota3A_2441, %xor3A_2485 : vector<16xi32>
    %lt3A_2487 = arith.constant 0 : i32
    %lt3A_2488 = vector.broadcast %lt3A_2487 : i32 to vector<16xi32>
    %lt3A_2489 = arith.cmpi slt, %xor3A_2486, %lt3A_2488 : vector<16xi32>
    %add3A_2490 = arith.constant 16 : i32
    %add3A_2491 = vector.broadcast %add3A_2490 : i32 to vector<16xi32>
    %add3A_2492 = arith.addi %xor3A_2486, %add3A_2491 : vector<16xi32>
    %select_n3A_2493 = arith.select %lt3A_2489, %add3A_2492, %xor3A_2486 : vector<16xi1>, vector<16xi32>
    %broadcast_in_dim3A_2494 = vector.shape_cast %select_n3A_2493 : vector<16xi32> to vector<16x1xi32>
    %gather3A_2495 = vector.shape_cast %broadcast_in_dim3A_2494 : vector<16x1xi32> to vector<16xi32>
    %gather3A_2496 = tpu.dynamic_gather %max3A_2483[%gather3A_2495] in [0] : vector<16xf32>, vector<16xi32> -> vector<16xf32>
    %max3A_2497 = arith.maximumf %max3A_2483, %gather3A_2496 : vector<16xf32>
    %eq3A_2498 = arith.cmpf oeq, %select_n3A_2416, %max3A_2497 : vector<16xf32>
    %jit3A_2499 = arith.constant 64 : i32
    %broadcast_in_dim3A_2500 = vector.broadcast %jit3A_2499 : i32 to vector<16xi32>
    %select_n3A_2501 = arith.select %eq3A_2498, %add3A_3, %broadcast_in_dim3A_2500 : vector<16xi1>, vector<16xi32>
    %eq3A_2502 = arith.cmpf oeq, %select_n3A_2423, %max3A_2497 : vector<16xf32>
    %jit3A_2503 = arith.constant 64 : i32
    %broadcast_in_dim3A_2504 = vector.broadcast %jit3A_2503 : i32 to vector<16xi32>
    %select_n3A_2505 = arith.select %eq3A_2502, %add3A_7, %broadcast_in_dim3A_2504 : vector<16xi1>, vector<16xi32>
    %eq3A_2506 = arith.cmpf oeq, %select_n3A_2430, %max3A_2497 : vector<16xf32>
    %jit3A_2507 = arith.constant 64 : i32
    %broadcast_in_dim3A_2508 = vector.broadcast %jit3A_2507 : i32 to vector<16xi32>
    %select_n3A_2509 = arith.select %eq3A_2506, %add3A_11, %broadcast_in_dim3A_2508 : vector<16xi1>, vector<16xi32>
    %eq3A_2510 = arith.cmpf oeq, %select_n3A_2437, %max3A_2497 : vector<16xf32>
    %jit3A_2511 = arith.constant 64 : i32
    %broadcast_in_dim3A_2512 = vector.broadcast %jit3A_2511 : i32 to vector<16xi32>
    %select_n3A_2513 = arith.select %eq3A_2510, %add3A_15, %broadcast_in_dim3A_2512 : vector<16xi1>, vector<16xi32>
    %min3A_2514 = arith.minsi %select_n3A_2501, %select_n3A_2505 : vector<16xi32>
    %min3A_2515 = arith.minsi %min3A_2514, %select_n3A_2509 : vector<16xi32>
    %min3A_2516 = arith.minsi %min3A_2515, %select_n3A_2513 : vector<16xi32>
    %iota3A_2517 = tpu.iota {dimensions = array<i32: 0>} : vector<16xi32>
    %xor3A_2518 = arith.constant 8 : i32
    %xor3A_2519 = vector.broadcast %xor3A_2518 : i32 to vector<16xi32>
    %xor3A_2520 = arith.xori %iota3A_2517, %xor3A_2519 : vector<16xi32>
    %lt3A_2521 = arith.constant 0 : i32
    %lt3A_2522 = vector.broadcast %lt3A_2521 : i32 to vector<16xi32>
    %lt3A_2523 = arith.cmpi slt, %xor3A_2520, %lt3A_2522 : vector<16xi32>
    %add3A_2524 = arith.constant 16 : i32
    %add3A_2525 = vector.broadcast %add3A_2524 : i32 to vector<16xi32>
    %add3A_2526 = arith.addi %xor3A_2520, %add3A_2525 : vector<16xi32>
    %select_n3A_2527 = arith.select %lt3A_2523, %add3A_2526, %xor3A_2520 : vector<16xi1>, vector<16xi32>
    %broadcast_in_dim3A_2528 = vector.shape_cast %select_n3A_2527 : vector<16xi32> to vector<16x1xi32>
    %gather3A_2529 = vector.shape_cast %broadcast_in_dim3A_2528 : vector<16x1xi32> to vector<16xi32>
    %gather3A_2530 = tpu.dynamic_gather %min3A_2516[%gather3A_2529] in [0] : vector<16xi32>, vector<16xi32> -> vector<16xi32>
    %min3A_2531 = arith.minsi %min3A_2516, %gather3A_2530 : vector<16xi32>
    %xor3A_2532 = arith.constant 4 : i32
    %xor3A_2533 = vector.broadcast %xor3A_2532 : i32 to vector<16xi32>
    %xor3A_2534 = arith.xori %iota3A_2517, %xor3A_2533 : vector<16xi32>
    %lt3A_2535 = arith.constant 0 : i32
    %lt3A_2536 = vector.broadcast %lt3A_2535 : i32 to vector<16xi32>
    %lt3A_2537 = arith.cmpi slt, %xor3A_2534, %lt3A_2536 : vector<16xi32>
    %add3A_2538 = arith.constant 16 : i32
    %add3A_2539 = vector.broadcast %add3A_2538 : i32 to vector<16xi32>
    %add3A_2540 = arith.addi %xor3A_2534, %add3A_2539 : vector<16xi32>
    %select_n3A_2541 = arith.select %lt3A_2537, %add3A_2540, %xor3A_2534 : vector<16xi1>, vector<16xi32>
    %broadcast_in_dim3A_2542 = vector.shape_cast %select_n3A_2541 : vector<16xi32> to vector<16x1xi32>
    %gather3A_2543 = vector.shape_cast %broadcast_in_dim3A_2542 : vector<16x1xi32> to vector<16xi32>
    %gather3A_2544 = tpu.dynamic_gather %min3A_2531[%gather3A_2543] in [0] : vector<16xi32>, vector<16xi32> -> vector<16xi32>
    %min3A_2545 = arith.minsi %min3A_2531, %gather3A_2544 : vector<16xi32>
    %xor3A_2546 = arith.constant 2 : i32
    %xor3A_2547 = vector.broadcast %xor3A_2546 : i32 to vector<16xi32>
    %xor3A_2548 = arith.xori %iota3A_2517, %xor3A_2547 : vector<16xi32>
    %lt3A_2549 = arith.constant 0 : i32
    %lt3A_2550 = vector.broadcast %lt3A_2549 : i32 to vector<16xi32>
    %lt3A_2551 = arith.cmpi slt, %xor3A_2548, %lt3A_2550 : vector<16xi32>
    %add3A_2552 = arith.constant 16 : i32
    %add3A_2553 = vector.broadcast %add3A_2552 : i32 to vector<16xi32>
    %add3A_2554 = arith.addi %xor3A_2548, %add3A_2553 : vector<16xi32>
    %select_n3A_2555 = arith.select %lt3A_2551, %add3A_2554, %xor3A_2548 : vector<16xi1>, vector<16xi32>
    %broadcast_in_dim3A_2556 = vector.shape_cast %select_n3A_2555 : vector<16xi32> to vector<16x1xi32>
    %gather3A_2557 = vector.shape_cast %broadcast_in_dim3A_2556 : vector<16x1xi32> to vector<16xi32>
    %gather3A_2558 = tpu.dynamic_gather %min3A_2545[%gather3A_2557] in [0] : vector<16xi32>, vector<16xi32> -> vector<16xi32>
    %min3A_2559 = arith.minsi %min3A_2545, %gather3A_2558 : vector<16xi32>
    %xor3A_2560 = arith.constant 1 : i32
    %xor3A_2561 = vector.broadcast %xor3A_2560 : i32 to vector<16xi32>
    %xor3A_2562 = arith.xori %iota3A_2517, %xor3A_2561 : vector<16xi32>
    %lt3A_2563 = arith.constant 0 : i32
    %lt3A_2564 = vector.broadcast %lt3A_2563 : i32 to vector<16xi32>
    %lt3A_2565 = arith.cmpi slt, %xor3A_2562, %lt3A_2564 : vector<16xi32>
    %add3A_2566 = arith.constant 16 : i32
    %add3A_2567 = vector.broadcast %add3A_2566 : i32 to vector<16xi32>
    %add3A_2568 = arith.addi %xor3A_2562, %add3A_2567 : vector<16xi32>
    %select_n3A_2569 = arith.select %lt3A_2565, %add3A_2568, %xor3A_2562 : vector<16xi1>, vector<16xi32>
    %broadcast_in_dim3A_2570 = vector.shape_cast %select_n3A_2569 : vector<16xi32> to vector<16x1xi32>
    %gather3A_2571 = vector.shape_cast %broadcast_in_dim3A_2570 : vector<16x1xi32> to vector<16xi32>
    %gather3A_2572 = tpu.dynamic_gather %min3A_2559[%gather3A_2571] in [0] : vector<16xi32>, vector<16xi32> -> vector<16xi32>
    %min3A_2573 = arith.minsi %min3A_2559, %gather3A_2572 : vector<16xi32>
    %eq3A_2574 = arith.cmpi eq, %add3A_3, %min3A_2573 : vector<16xi32>
    %jit3A_2575 = arith.constant 1.000000e+00 : f32
    %broadcast_in_dim3A_2576 = vector.broadcast %jit3A_2575 : f32 to vector<16xf32>
    %select_n3A_2577 = arith.select %eq3A_2574, %broadcast_in_dim3A_2576, %select_n3A_2413 : vector<16xi1>, vector<16xf32>
    %jit3A_2578 = arith.constant -3.400000e+38 : f32
    %broadcast_in_dim3A_2579 = vector.broadcast %jit3A_2578 : f32 to vector<16xf32>
    %select_n3A_2580 = arith.select %eq3A_2574, %broadcast_in_dim3A_2579, %select_n3A_2416 : vector<16xi1>, vector<16xf32>
    %eq3A_2581 = arith.cmpi eq, %add3A_7, %min3A_2573 : vector<16xi32>
    %jit3A_2582 = arith.constant 1.000000e+00 : f32
    %broadcast_in_dim3A_2583 = vector.broadcast %jit3A_2582 : f32 to vector<16xf32>
    %select_n3A_2584 = arith.select %eq3A_2581, %broadcast_in_dim3A_2583, %select_n3A_2420 : vector<16xi1>, vector<16xf32>
    %jit3A_2585 = arith.constant -3.400000e+38 : f32
    %broadcast_in_dim3A_2586 = vector.broadcast %jit3A_2585 : f32 to vector<16xf32>
    %select_n3A_2587 = arith.select %eq3A_2581, %broadcast_in_dim3A_2586, %select_n3A_2423 : vector<16xi1>, vector<16xf32>
    %eq3A_2588 = arith.cmpi eq, %add3A_11, %min3A_2573 : vector<16xi32>
    %jit3A_2589 = arith.constant 1.000000e+00 : f32
    %broadcast_in_dim3A_2590 = vector.broadcast %jit3A_2589 : f32 to vector<16xf32>
    %select_n3A_2591 = arith.select %eq3A_2588, %broadcast_in_dim3A_2590, %select_n3A_2427 : vector<16xi1>, vector<16xf32>
    %jit3A_2592 = arith.constant -3.400000e+38 : f32
    %broadcast_in_dim3A_2593 = vector.broadcast %jit3A_2592 : f32 to vector<16xf32>
    %select_n3A_2594 = arith.select %eq3A_2588, %broadcast_in_dim3A_2593, %select_n3A_2430 : vector<16xi1>, vector<16xf32>
    %eq3A_2595 = arith.cmpi eq, %add3A_15, %min3A_2573 : vector<16xi32>
    %jit3A_2596 = arith.constant 1.000000e+00 : f32
    %broadcast_in_dim3A_2597 = vector.broadcast %jit3A_2596 : f32 to vector<16xf32>
    %select_n3A_2598 = arith.select %eq3A_2595, %broadcast_in_dim3A_2597, %select_n3A_2434 : vector<16xi1>, vector<16xf32>
    %jit3A_2599 = arith.constant -3.400000e+38 : f32
    %broadcast_in_dim3A_2600 = vector.broadcast %jit3A_2599 : f32 to vector<16xf32>
    %select_n3A_2601 = arith.select %eq3A_2595, %broadcast_in_dim3A_2600, %select_n3A_2437 : vector<16xi1>, vector<16xf32>
    %max3A_2602 = arith.maximumf %select_n3A_2580, %select_n3A_2587 : vector<16xf32>
    %max3A_2603 = arith.maximumf %max3A_2602, %select_n3A_2594 : vector<16xf32>
    %max3A_2604 = arith.maximumf %max3A_2603, %select_n3A_2601 : vector<16xf32>
    %iota3A_2605 = tpu.iota {dimensions = array<i32: 0>} : vector<16xi32>
    %xor3A_2606 = arith.constant 8 : i32
    %xor3A_2607 = vector.broadcast %xor3A_2606 : i32 to vector<16xi32>
    %xor3A_2608 = arith.xori %iota3A_2605, %xor3A_2607 : vector<16xi32>
    %lt3A_2609 = arith.constant 0 : i32
    %lt3A_2610 = vector.broadcast %lt3A_2609 : i32 to vector<16xi32>
    %lt3A_2611 = arith.cmpi slt, %xor3A_2608, %lt3A_2610 : vector<16xi32>
    %add3A_2612 = arith.constant 16 : i32
    %add3A_2613 = vector.broadcast %add3A_2612 : i32 to vector<16xi32>
    %add3A_2614 = arith.addi %xor3A_2608, %add3A_2613 : vector<16xi32>
    %select_n3A_2615 = arith.select %lt3A_2611, %add3A_2614, %xor3A_2608 : vector<16xi1>, vector<16xi32>
    %broadcast_in_dim3A_2616 = vector.shape_cast %select_n3A_2615 : vector<16xi32> to vector<16x1xi32>
    %gather3A_2617 = vector.shape_cast %broadcast_in_dim3A_2616 : vector<16x1xi32> to vector<16xi32>
    %gather3A_2618 = tpu.dynamic_gather %max3A_2604[%gather3A_2617] in [0] : vector<16xf32>, vector<16xi32> -> vector<16xf32>
    %max3A_2619 = arith.maximumf %max3A_2604, %gather3A_2618 : vector<16xf32>
    %xor3A_2620 = arith.constant 4 : i32
    %xor3A_2621 = vector.broadcast %xor3A_2620 : i32 to vector<16xi32>
    %xor3A_2622 = arith.xori %iota3A_2605, %xor3A_2621 : vector<16xi32>
    %lt3A_2623 = arith.constant 0 : i32
    %lt3A_2624 = vector.broadcast %lt3A_2623 : i32 to vector<16xi32>
    %lt3A_2625 = arith.cmpi slt, %xor3A_2622, %lt3A_2624 : vector<16xi32>
    %add3A_2626 = arith.constant 16 : i32
    %add3A_2627 = vector.broadcast %add3A_2626 : i32 to vector<16xi32>
    %add3A_2628 = arith.addi %xor3A_2622, %add3A_2627 : vector<16xi32>
    %select_n3A_2629 = arith.select %lt3A_2625, %add3A_2628, %xor3A_2622 : vector<16xi1>, vector<16xi32>
    %broadcast_in_dim3A_2630 = vector.shape_cast %select_n3A_2629 : vector<16xi32> to vector<16x1xi32>
    %gather3A_2631 = vector.shape_cast %broadcast_in_dim3A_2630 : vector<16x1xi32> to vector<16xi32>
    %gather3A_2632 = tpu.dynamic_gather %max3A_2619[%gather3A_2631] in [0] : vector<16xf32>, vector<16xi32> -> vector<16xf32>
    %max3A_2633 = arith.maximumf %max3A_2619, %gather3A_2632 : vector<16xf32>
    %xor3A_2634 = arith.constant 2 : i32
    %xor3A_2635 = vector.broadcast %xor3A_2634 : i32 to vector<16xi32>
    %xor3A_2636 = arith.xori %iota3A_2605, %xor3A_2635 : vector<16xi32>
    %lt3A_2637 = arith.constant 0 : i32
    %lt3A_2638 = vector.broadcast %lt3A_2637 : i32 to vector<16xi32>
    %lt3A_2639 = arith.cmpi slt, %xor3A_2636, %lt3A_2638 : vector<16xi32>
    %add3A_2640 = arith.constant 16 : i32
    %add3A_2641 = vector.broadcast %add3A_2640 : i32 to vector<16xi32>
    %add3A_2642 = arith.addi %xor3A_2636, %add3A_2641 : vector<16xi32>
    %select_n3A_2643 = arith.select %lt3A_2639, %add3A_2642, %xor3A_2636 : vector<16xi1>, vector<16xi32>
    %broadcast_in_dim3A_2644 = vector.shape_cast %select_n3A_2643 : vector<16xi32> to vector<16x1xi32>
    %gather3A_2645 = vector.shape_cast %broadcast_in_dim3A_2644 : vector<16x1xi32> to vector<16xi32>
    %gather3A_2646 = tpu.dynamic_gather %max3A_2633[%gather3A_2645] in [0] : vector<16xf32>, vector<16xi32> -> vector<16xf32>
    %max3A_2647 = arith.maximumf %max3A_2633, %gather3A_2646 : vector<16xf32>
    %xor3A_2648 = arith.constant 1 : i32
    %xor3A_2649 = vector.broadcast %xor3A_2648 : i32 to vector<16xi32>
    %xor3A_2650 = arith.xori %iota3A_2605, %xor3A_2649 : vector<16xi32>
    %lt3A_2651 = arith.constant 0 : i32
    %lt3A_2652 = vector.broadcast %lt3A_2651 : i32 to vector<16xi32>
    %lt3A_2653 = arith.cmpi slt, %xor3A_2650, %lt3A_2652 : vector<16xi32>
    %add3A_2654 = arith.constant 16 : i32
    %add3A_2655 = vector.broadcast %add3A_2654 : i32 to vector<16xi32>
    %add3A_2656 = arith.addi %xor3A_2650, %add3A_2655 : vector<16xi32>
    %select_n3A_2657 = arith.select %lt3A_2653, %add3A_2656, %xor3A_2650 : vector<16xi1>, vector<16xi32>
    %broadcast_in_dim3A_2658 = vector.shape_cast %select_n3A_2657 : vector<16xi32> to vector<16x1xi32>
    %gather3A_2659 = vector.shape_cast %broadcast_in_dim3A_2658 : vector<16x1xi32> to vector<16xi32>
    %gather3A_2660 = tpu.dynamic_gather %max3A_2647[%gather3A_2659] in [0] : vector<16xf32>, vector<16xi32> -> vector<16xf32>
    %max3A_2661 = arith.maximumf %max3A_2647, %gather3A_2660 : vector<16xf32>
    %eq3A_2662 = arith.cmpf oeq, %select_n3A_2580, %max3A_2661 : vector<16xf32>
    %jit3A_2663 = arith.constant 64 : i32
    %broadcast_in_dim3A_2664 = vector.broadcast %jit3A_2663 : i32 to vector<16xi32>
    %select_n3A_2665 = arith.select %eq3A_2662, %add3A_3, %broadcast_in_dim3A_2664 : vector<16xi1>, vector<16xi32>
    %eq3A_2666 = arith.cmpf oeq, %select_n3A_2587, %max3A_2661 : vector<16xf32>
    %jit3A_2667 = arith.constant 64 : i32
    %broadcast_in_dim3A_2668 = vector.broadcast %jit3A_2667 : i32 to vector<16xi32>
    %select_n3A_2669 = arith.select %eq3A_2666, %add3A_7, %broadcast_in_dim3A_2668 : vector<16xi1>, vector<16xi32>
    %eq3A_2670 = arith.cmpf oeq, %select_n3A_2594, %max3A_2661 : vector<16xf32>
    %jit3A_2671 = arith.constant 64 : i32
    %broadcast_in_dim3A_2672 = vector.broadcast %jit3A_2671 : i32 to vector<16xi32>
    %select_n3A_2673 = arith.select %eq3A_2670, %add3A_11, %broadcast_in_dim3A_2672 : vector<16xi1>, vector<16xi32>
    %eq3A_2674 = arith.cmpf oeq, %select_n3A_2601, %max3A_2661 : vector<16xf32>
    %jit3A_2675 = arith.constant 64 : i32
    %broadcast_in_dim3A_2676 = vector.broadcast %jit3A_2675 : i32 to vector<16xi32>
    %select_n3A_2677 = arith.select %eq3A_2674, %add3A_15, %broadcast_in_dim3A_2676 : vector<16xi1>, vector<16xi32>
    %min3A_2678 = arith.minsi %select_n3A_2665, %select_n3A_2669 : vector<16xi32>
    %min3A_2679 = arith.minsi %min3A_2678, %select_n3A_2673 : vector<16xi32>
    %min3A_2680 = arith.minsi %min3A_2679, %select_n3A_2677 : vector<16xi32>
    %iota3A_2681 = tpu.iota {dimensions = array<i32: 0>} : vector<16xi32>
    %xor3A_2682 = arith.constant 8 : i32
    %xor3A_2683 = vector.broadcast %xor3A_2682 : i32 to vector<16xi32>
    %xor3A_2684 = arith.xori %iota3A_2681, %xor3A_2683 : vector<16xi32>
    %lt3A_2685 = arith.constant 0 : i32
    %lt3A_2686 = vector.broadcast %lt3A_2685 : i32 to vector<16xi32>
    %lt3A_2687 = arith.cmpi slt, %xor3A_2684, %lt3A_2686 : vector<16xi32>
    %add3A_2688 = arith.constant 16 : i32
    %add3A_2689 = vector.broadcast %add3A_2688 : i32 to vector<16xi32>
    %add3A_2690 = arith.addi %xor3A_2684, %add3A_2689 : vector<16xi32>
    %select_n3A_2691 = arith.select %lt3A_2687, %add3A_2690, %xor3A_2684 : vector<16xi1>, vector<16xi32>
    %broadcast_in_dim3A_2692 = vector.shape_cast %select_n3A_2691 : vector<16xi32> to vector<16x1xi32>
    %gather3A_2693 = vector.shape_cast %broadcast_in_dim3A_2692 : vector<16x1xi32> to vector<16xi32>
    %gather3A_2694 = tpu.dynamic_gather %min3A_2680[%gather3A_2693] in [0] : vector<16xi32>, vector<16xi32> -> vector<16xi32>
    %min3A_2695 = arith.minsi %min3A_2680, %gather3A_2694 : vector<16xi32>
    %xor3A_2696 = arith.constant 4 : i32
    %xor3A_2697 = vector.broadcast %xor3A_2696 : i32 to vector<16xi32>
    %xor3A_2698 = arith.xori %iota3A_2681, %xor3A_2697 : vector<16xi32>
    %lt3A_2699 = arith.constant 0 : i32
    %lt3A_2700 = vector.broadcast %lt3A_2699 : i32 to vector<16xi32>
    %lt3A_2701 = arith.cmpi slt, %xor3A_2698, %lt3A_2700 : vector<16xi32>
    %add3A_2702 = arith.constant 16 : i32
    %add3A_2703 = vector.broadcast %add3A_2702 : i32 to vector<16xi32>
    %add3A_2704 = arith.addi %xor3A_2698, %add3A_2703 : vector<16xi32>
    %select_n3A_2705 = arith.select %lt3A_2701, %add3A_2704, %xor3A_2698 : vector<16xi1>, vector<16xi32>
    %broadcast_in_dim3A_2706 = vector.shape_cast %select_n3A_2705 : vector<16xi32> to vector<16x1xi32>
    %gather3A_2707 = vector.shape_cast %broadcast_in_dim3A_2706 : vector<16x1xi32> to vector<16xi32>
    %gather3A_2708 = tpu.dynamic_gather %min3A_2695[%gather3A_2707] in [0] : vector<16xi32>, vector<16xi32> -> vector<16xi32>
    %min3A_2709 = arith.minsi %min3A_2695, %gather3A_2708 : vector<16xi32>
    %xor3A_2710 = arith.constant 2 : i32
    %xor3A_2711 = vector.broadcast %xor3A_2710 : i32 to vector<16xi32>
    %xor3A_2712 = arith.xori %iota3A_2681, %xor3A_2711 : vector<16xi32>
    %lt3A_2713 = arith.constant 0 : i32
    %lt3A_2714 = vector.broadcast %lt3A_2713 : i32 to vector<16xi32>
    %lt3A_2715 = arith.cmpi slt, %xor3A_2712, %lt3A_2714 : vector<16xi32>
    %add3A_2716 = arith.constant 16 : i32
    %add3A_2717 = vector.broadcast %add3A_2716 : i32 to vector<16xi32>
    %add3A_2718 = arith.addi %xor3A_2712, %add3A_2717 : vector<16xi32>
    %select_n3A_2719 = arith.select %lt3A_2715, %add3A_2718, %xor3A_2712 : vector<16xi1>, vector<16xi32>
    %broadcast_in_dim3A_2720 = vector.shape_cast %select_n3A_2719 : vector<16xi32> to vector<16x1xi32>
    %gather3A_2721 = vector.shape_cast %broadcast_in_dim3A_2720 : vector<16x1xi32> to vector<16xi32>
    %gather3A_2722 = tpu.dynamic_gather %min3A_2709[%gather3A_2721] in [0] : vector<16xi32>, vector<16xi32> -> vector<16xi32>
    %min3A_2723 = arith.minsi %min3A_2709, %gather3A_2722 : vector<16xi32>
    %xor3A_2724 = arith.constant 1 : i32
    %xor3A_2725 = vector.broadcast %xor3A_2724 : i32 to vector<16xi32>
    %xor3A_2726 = arith.xori %iota3A_2681, %xor3A_2725 : vector<16xi32>
    %lt3A_2727 = arith.constant 0 : i32
    %lt3A_2728 = vector.broadcast %lt3A_2727 : i32 to vector<16xi32>
    %lt3A_2729 = arith.cmpi slt, %xor3A_2726, %lt3A_2728 : vector<16xi32>
    %add3A_2730 = arith.constant 16 : i32
    %add3A_2731 = vector.broadcast %add3A_2730 : i32 to vector<16xi32>
    %add3A_2732 = arith.addi %xor3A_2726, %add3A_2731 : vector<16xi32>
    %select_n3A_2733 = arith.select %lt3A_2729, %add3A_2732, %xor3A_2726 : vector<16xi1>, vector<16xi32>
    %broadcast_in_dim3A_2734 = vector.shape_cast %select_n3A_2733 : vector<16xi32> to vector<16x1xi32>
    %gather3A_2735 = vector.shape_cast %broadcast_in_dim3A_2734 : vector<16x1xi32> to vector<16xi32>
    %gather3A_2736 = tpu.dynamic_gather %min3A_2723[%gather3A_2735] in [0] : vector<16xi32>, vector<16xi32> -> vector<16xi32>
    %min3A_2737 = arith.minsi %min3A_2723, %gather3A_2736 : vector<16xi32>
    %eq3A_2738 = arith.cmpi eq, %add3A_3, %min3A_2737 : vector<16xi32>
    %jit3A_2739 = arith.constant 1.000000e+00 : f32
    %broadcast_in_dim3A_2740 = vector.broadcast %jit3A_2739 : f32 to vector<16xf32>
    %select_n3A_2741 = arith.select %eq3A_2738, %broadcast_in_dim3A_2740, %select_n3A_2577 : vector<16xi1>, vector<16xf32>
    %jit3A_2742 = arith.constant -3.400000e+38 : f32
    %broadcast_in_dim3A_2743 = vector.broadcast %jit3A_2742 : f32 to vector<16xf32>
    %select_n3A_2744 = arith.select %eq3A_2738, %broadcast_in_dim3A_2743, %select_n3A_2580 : vector<16xi1>, vector<16xf32>
    %eq3A_2745 = arith.cmpi eq, %add3A_7, %min3A_2737 : vector<16xi32>
    %jit3A_2746 = arith.constant 1.000000e+00 : f32
    %broadcast_in_dim3A_2747 = vector.broadcast %jit3A_2746 : f32 to vector<16xf32>
    %select_n3A_2748 = arith.select %eq3A_2745, %broadcast_in_dim3A_2747, %select_n3A_2584 : vector<16xi1>, vector<16xf32>
    %jit3A_2749 = arith.constant -3.400000e+38 : f32
    %broadcast_in_dim3A_2750 = vector.broadcast %jit3A_2749 : f32 to vector<16xf32>
    %select_n3A_2751 = arith.select %eq3A_2745, %broadcast_in_dim3A_2750, %select_n3A_2587 : vector<16xi1>, vector<16xf32>
    %eq3A_2752 = arith.cmpi eq, %add3A_11, %min3A_2737 : vector<16xi32>
    %jit3A_2753 = arith.constant 1.000000e+00 : f32
    %broadcast_in_dim3A_2754 = vector.broadcast %jit3A_2753 : f32 to vector<16xf32>
    %select_n3A_2755 = arith.select %eq3A_2752, %broadcast_in_dim3A_2754, %select_n3A_2591 : vector<16xi1>, vector<16xf32>
    %jit3A_2756 = arith.constant -3.400000e+38 : f32
    %broadcast_in_dim3A_2757 = vector.broadcast %jit3A_2756 : f32 to vector<16xf32>
    %select_n3A_2758 = arith.select %eq3A_2752, %broadcast_in_dim3A_2757, %select_n3A_2594 : vector<16xi1>, vector<16xf32>
    %eq3A_2759 = arith.cmpi eq, %add3A_15, %min3A_2737 : vector<16xi32>
    %jit3A_2760 = arith.constant 1.000000e+00 : f32
    %broadcast_in_dim3A_2761 = vector.broadcast %jit3A_2760 : f32 to vector<16xf32>
    %select_n3A_2762 = arith.select %eq3A_2759, %broadcast_in_dim3A_2761, %select_n3A_2598 : vector<16xi1>, vector<16xf32>
    %jit3A_2763 = arith.constant -3.400000e+38 : f32
    %broadcast_in_dim3A_2764 = vector.broadcast %jit3A_2763 : f32 to vector<16xf32>
    %select_n3A_2765 = arith.select %eq3A_2759, %broadcast_in_dim3A_2764, %select_n3A_2601 : vector<16xi1>, vector<16xf32>
    %sub3A_2766 = arith.subf %get3A_1436, %max3A_1513 : vector<16xf32>
    %exp3A_2767 = math.exp %sub3A_2766 : vector<16xf32>
    %mul3A_2768 = arith.mulf %exp3A_2767, %select_n3A_2741 : vector<16xf32>
    %sub3A_2769 = arith.subf %get3A_1439, %max3A_1513 : vector<16xf32>
    %exp3A_2770 = math.exp %sub3A_2769 : vector<16xf32>
    %mul3A_2771 = arith.mulf %exp3A_2770, %select_n3A_2748 : vector<16xf32>
    %sub3A_2772 = arith.subf %get3A_1442, %max3A_1513 : vector<16xf32>
    %exp3A_2773 = math.exp %sub3A_2772 : vector<16xf32>
    %mul3A_2774 = arith.mulf %exp3A_2773, %select_n3A_2755 : vector<16xf32>
    %sub3A_2775 = arith.subf %get3A_1445, %max3A_1513 : vector<16xf32>
    %exp3A_2776 = math.exp %sub3A_2775 : vector<16xf32>
    %mul3A_2777 = arith.mulf %exp3A_2776, %select_n3A_2762 : vector<16xf32>
    %add3A_2778 = arith.addf %mul3A_2768, %mul3A_2771 : vector<16xf32>
    %add3A_2779 = arith.addf %add3A_2778, %mul3A_2774 : vector<16xf32>
    %add3A_2780 = arith.addf %add3A_2779, %mul3A_2777 : vector<16xf32>
    %iota3A_2781 = tpu.iota {dimensions = array<i32: 0>} : vector<16xi32>
    %xor3A_2782 = arith.constant 8 : i32
    %xor3A_2783 = vector.broadcast %xor3A_2782 : i32 to vector<16xi32>
    %xor3A_2784 = arith.xori %iota3A_2781, %xor3A_2783 : vector<16xi32>
    %lt3A_2785 = arith.constant 0 : i32
    %lt3A_2786 = vector.broadcast %lt3A_2785 : i32 to vector<16xi32>
    %lt3A_2787 = arith.cmpi slt, %xor3A_2784, %lt3A_2786 : vector<16xi32>
    %add3A_2788 = arith.constant 16 : i32
    %add3A_2789 = vector.broadcast %add3A_2788 : i32 to vector<16xi32>
    %add3A_2790 = arith.addi %xor3A_2784, %add3A_2789 : vector<16xi32>
    %select_n3A_2791 = arith.select %lt3A_2787, %add3A_2790, %xor3A_2784 : vector<16xi1>, vector<16xi32>
    %broadcast_in_dim3A_2792 = vector.shape_cast %select_n3A_2791 : vector<16xi32> to vector<16x1xi32>
    %gather3A_2793 = vector.shape_cast %broadcast_in_dim3A_2792 : vector<16x1xi32> to vector<16xi32>
    %gather3A_2794 = tpu.dynamic_gather %add3A_2780[%gather3A_2793] in [0] : vector<16xf32>, vector<16xi32> -> vector<16xf32>
    %add3A_2795 = arith.addf %add3A_2780, %gather3A_2794 : vector<16xf32>
    %xor3A_2796 = arith.constant 4 : i32
    %xor3A_2797 = vector.broadcast %xor3A_2796 : i32 to vector<16xi32>
    %xor3A_2798 = arith.xori %iota3A_2781, %xor3A_2797 : vector<16xi32>
    %lt3A_2799 = arith.constant 0 : i32
    %lt3A_2800 = vector.broadcast %lt3A_2799 : i32 to vector<16xi32>
    %lt3A_2801 = arith.cmpi slt, %xor3A_2798, %lt3A_2800 : vector<16xi32>
    %add3A_2802 = arith.constant 16 : i32
    %add3A_2803 = vector.broadcast %add3A_2802 : i32 to vector<16xi32>
    %add3A_2804 = arith.addi %xor3A_2798, %add3A_2803 : vector<16xi32>
    %select_n3A_2805 = arith.select %lt3A_2801, %add3A_2804, %xor3A_2798 : vector<16xi1>, vector<16xi32>
    %broadcast_in_dim3A_2806 = vector.shape_cast %select_n3A_2805 : vector<16xi32> to vector<16x1xi32>
    %gather3A_2807 = vector.shape_cast %broadcast_in_dim3A_2806 : vector<16x1xi32> to vector<16xi32>
    %gather3A_2808 = tpu.dynamic_gather %add3A_2795[%gather3A_2807] in [0] : vector<16xf32>, vector<16xi32> -> vector<16xf32>
    %add3A_2809 = arith.addf %add3A_2795, %gather3A_2808 : vector<16xf32>
    %xor3A_2810 = arith.constant 2 : i32
    %xor3A_2811 = vector.broadcast %xor3A_2810 : i32 to vector<16xi32>
    %xor3A_2812 = arith.xori %iota3A_2781, %xor3A_2811 : vector<16xi32>
    %lt3A_2813 = arith.constant 0 : i32
    %lt3A_2814 = vector.broadcast %lt3A_2813 : i32 to vector<16xi32>
    %lt3A_2815 = arith.cmpi slt, %xor3A_2812, %lt3A_2814 : vector<16xi32>
    %add3A_2816 = arith.constant 16 : i32
    %add3A_2817 = vector.broadcast %add3A_2816 : i32 to vector<16xi32>
    %add3A_2818 = arith.addi %xor3A_2812, %add3A_2817 : vector<16xi32>
    %select_n3A_2819 = arith.select %lt3A_2815, %add3A_2818, %xor3A_2812 : vector<16xi1>, vector<16xi32>
    %broadcast_in_dim3A_2820 = vector.shape_cast %select_n3A_2819 : vector<16xi32> to vector<16x1xi32>
    %gather3A_2821 = vector.shape_cast %broadcast_in_dim3A_2820 : vector<16x1xi32> to vector<16xi32>
    %gather3A_2822 = tpu.dynamic_gather %add3A_2809[%gather3A_2821] in [0] : vector<16xf32>, vector<16xi32> -> vector<16xf32>
    %add3A_2823 = arith.addf %add3A_2809, %gather3A_2822 : vector<16xf32>
    %xor3A_2824 = arith.constant 1 : i32
    %xor3A_2825 = vector.broadcast %xor3A_2824 : i32 to vector<16xi32>
    %xor3A_2826 = arith.xori %iota3A_2781, %xor3A_2825 : vector<16xi32>
    %lt3A_2827 = arith.constant 0 : i32
    %lt3A_2828 = vector.broadcast %lt3A_2827 : i32 to vector<16xi32>
    %lt3A_2829 = arith.cmpi slt, %xor3A_2826, %lt3A_2828 : vector<16xi32>
    %add3A_2830 = arith.constant 16 : i32
    %add3A_2831 = vector.broadcast %add3A_2830 : i32 to vector<16xi32>
    %add3A_2832 = arith.addi %xor3A_2826, %add3A_2831 : vector<16xi32>
    %select_n3A_2833 = arith.select %lt3A_2829, %add3A_2832, %xor3A_2826 : vector<16xi1>, vector<16xi32>
    %broadcast_in_dim3A_2834 = vector.shape_cast %select_n3A_2833 : vector<16xi32> to vector<16x1xi32>
    %gather3A_2835 = vector.shape_cast %broadcast_in_dim3A_2834 : vector<16x1xi32> to vector<16xi32>
    %gather3A_2836 = tpu.dynamic_gather %add3A_2823[%gather3A_2835] in [0] : vector<16xf32>, vector<16xi32> -> vector<16xf32>
    %add3A_2837 = arith.addf %add3A_2823, %gather3A_2836 : vector<16xf32>
    %div3A_2838 = arith.divf %mul3A_2768, %add3A_2837 : vector<16xf32>
    %swap3A_2839 = arith.constant 0 : index
    %swap3A_2840 = tpu.vector_load %arg5[%swap3A_2839] {strides = array<i32>} : memref<64xf32, #tpu.memory_space<vmem>>, vector<16xf32>,
    %swap3A_2841 = vector.shape_cast %swap3A_2840 : vector<16xf32> to vector<16xf32>
    %swap3A_2842 = vector.shape_cast %div3A_2838 : vector<16xf32> to vector<16xf32>
    tpu.vector_store %arg5[%swap3A_2839], %swap3A_2842 {strides = array<i32>} : memref<64xf32, #tpu.memory_space<vmem>>, vector<16xf32>,
    %div3A_2843 = arith.divf %mul3A_2771, %add3A_2837 : vector<16xf32>
    %swap3A_2844 = arith.constant 16 : index
    %swap3A_2845 = tpu.vector_load %arg5[%swap3A_2844] {strides = array<i32>} : memref<64xf32, #tpu.memory_space<vmem>>, vector<16xf32>,
    %swap3A_2846 = vector.shape_cast %swap3A_2845 : vector<16xf32> to vector<16xf32>
    %swap3A_2847 = vector.shape_cast %div3A_2843 : vector<16xf32> to vector<16xf32>
    tpu.vector_store %arg5[%swap3A_2844], %swap3A_2847 {strides = array<i32>} : memref<64xf32, #tpu.memory_space<vmem>>, vector<16xf32>,
    %div3A_2848 = arith.divf %mul3A_2774, %add3A_2837 : vector<16xf32>
    %swap3A_2849 = arith.constant 32 : index
    %swap3A_2850 = tpu.vector_load %arg5[%swap3A_2849] {strides = array<i32>} : memref<64xf32, #tpu.memory_space<vmem>>, vector<16xf32>,
    %swap3A_2851 = vector.shape_cast %swap3A_2850 : vector<16xf32> to vector<16xf32>
    %swap3A_2852 = vector.shape_cast %div3A_2848 : vector<16xf32> to vector<16xf32>
    tpu.vector_store %arg5[%swap3A_2849], %swap3A_2852 {strides = array<i32>} : memref<64xf32, #tpu.memory_space<vmem>>, vector<16xf32>,
    %div3A_2853 = arith.divf %mul3A_2777, %add3A_2837 : vector<16xf32>
    %swap3A_2854 = arith.constant 48 : index
    %swap3A_2855 = tpu.vector_load %arg5[%swap3A_2854] {strides = array<i32>} : memref<64xf32, #tpu.memory_space<vmem>>, vector<16xf32>,
    %swap3A_2856 = vector.shape_cast %swap3A_2855 : vector<16xf32> to vector<16xf32>
    %swap3A_2857 = vector.shape_cast %div3A_2853 : vector<16xf32> to vector<16xf32>
    tpu.vector_store %arg5[%swap3A_2854], %swap3A_2857 {strides = array<i32>} : memref<64xf32, #tpu.memory_space<vmem>>, vector<16xf32>,
    "tpu.region"() ({
      %run_scoped3A = tpu.sem_alloc : memref<!tpu.dma_semaphore, #tpu.memory_space<semaphore_mem>>
      %dma_start3A = arith.constant 0 : i32
      %dma_start3A_2858 = tpu.memref_slice %arg3[%add3A_1433, %dma_start3A] : memref<64x64xf32, #tpu.memory_space<hbm>> -> memref<1x64xf32, #tpu.memory_space<hbm>>
      %dma_start3A_2859 = tpu.memref_squeeze %dma_start3A_2858 : memref<1x64xf32, #tpu.memory_space<hbm>> -> memref<64xf32, #tpu.memory_space<hbm>>
      %dma_start3A_2860 = arith.constant 0 : i32
      %dma_start3A_2861 = tpu.memref_slice %arg3[%add3A_1433, %dma_start3A_2860] : memref<64x64xf32, #tpu.memory_space<hbm>> -> memref<1x64xf32, #tpu.memory_space<hbm>>
      %dma_start3A_2862 = tpu.memref_squeeze %dma_start3A_2861 : memref<1x64xf32, #tpu.memory_space<hbm>> -> memref<64xf32, #tpu.memory_space<hbm>>
      tpu.enqueue_dma source(%arg5 : memref<64xf32, #tpu.memory_space<vmem>>) target(%dma_start3A_2862 : memref<64xf32, #tpu.memory_space<hbm>>) target_semaphore(%run_scoped3A : memref<!tpu.dma_semaphore, #tpu.memory_space<semaphore_mem>>)
      %dma_wait3A = arith.constant 0 : i32
      %dma_wait3A_2863 = tpu.memref_slice %arg3[%add3A_1433, %dma_wait3A] : memref<64x64xf32, #tpu.memory_space<hbm>> -> memref<1x64xf32, #tpu.memory_space<hbm>>
      %dma_wait3A_2864 = tpu.memref_squeeze %dma_wait3A_2863 : memref<1x64xf32, #tpu.memory_space<hbm>> -> memref<64xf32, #tpu.memory_space<hbm>>
      %dma_wait3A_2865 = arith.constant 0 : i32
      %dma_wait3A_2866 = tpu.memref_slice %arg3[%add3A_1433, %dma_wait3A_2865] : memref<64x64xf32, #tpu.memory_space<hbm>> -> memref<1x64xf32, #tpu.memory_space<hbm>>
      %dma_wait3A_2867 = tpu.memref_squeeze %dma_wait3A_2866 : memref<1x64xf32, #tpu.memory_space<hbm>> -> memref<64xf32, #tpu.memory_space<hbm>>
      tpu.wait_dma2 semaphore(%run_scoped3A : memref<!tpu.dma_semaphore, #tpu.memory_space<semaphore_mem>>) src(%arg5 : memref<64xf32, #tpu.memory_space<vmem>>) dst(%dma_wait3A_2867 : memref<64xf32, #tpu.memory_space<hbm>>)
      tpu.yield
    }) : () -> ()
    return
  }
}

module attributes {stable_mosaic.version = 14 : i64} {
  func.func @_logits_body(%arg0: memref<64x1024xf32, #tpu.memory_space<vmem>>, %arg1: memref<64x1024xf32, #tpu.memory_space<vmem>>, %arg2: memref<64x64xf32, #tpu.memory_space<vmem>>) attributes {dimension_semantics = [], scalar_prefetch = 0 : i64, scratch_operands = 0 : i64, tpu.core_type = #tpu.core_type<tc>} {
    %get3A = arith.constant 0 : index
    %get3A_0 = arith.constant 0 : index
    %get3A_1 = vector.load %arg0[%get3A, %get3A_0] : memref<64x1024xf32, #tpu.memory_space<vmem>>, vector<64x1024xf32>
    %get3A_2 = arith.constant 0 : index
    %get3A_3 = arith.constant 0 : index
    %get3A_4 = vector.load %arg1[%get3A_2, %get3A_3] : memref<64x1024xf32, #tpu.memory_space<vmem>>, vector<64x1024xf32>
    %dot_general3A = arith.constant dense<0.000000e+00> : vector<64x64xf32>
    %dot_general3A_5 = tpu.matmul %get3A_1, %get3A_4, %dot_general3A {dimension_numbers = #tpu.dot_dimension_numbers<[1], [1], [0], [0], [0, 0, 1, 0], [], []>, transpose_lhs_hint = false} : vector<64x1024xf32>, vector<64x1024xf32>, vector<64x64xf32> -> vector<64x64xf32>
    %swap3A = arith.constant 0 : index
    %swap3A_6 = arith.constant 0 : index
    %swap3A_7 = vector.load %arg2[%swap3A, %swap3A_6] : memref<64x64xf32, #tpu.memory_space<vmem>>, vector<64x64xf32>
    tpu.vector_store %arg2[%swap3A, %swap3A_6], %dot_general3A_5 {strides = array<i32>} : memref<64x64xf32, #tpu.memory_space<vmem>>, vector<64x64xf32>,
    return
  }
}

module attributes {stable_mosaic.version = 14 : i64} {
  func.func @_down_body(%arg0: i32, %arg1: memref<64x1024xf32, #tpu.memory_space<vmem>>, %arg2: memref<64x64xf32, #tpu.memory_space<vmem>>, %arg3: memref<2x256x512xf32, #tpu.memory_space<vmem>>, %arg4: memref<2x256x512xf32, #tpu.memory_space<vmem>>, %arg5: memref<2x256x512xf32, #tpu.memory_space<vmem>>, %arg6: memref<2x256x512xf32, #tpu.memory_space<vmem>>, %arg7: memref<64x1024xf32, #tpu.memory_space<vmem>>) attributes {dimension_semantics = [#tpu.dimension_semantics<arbitrary>], iteration_bounds = array<i64: 32>, scalar_prefetch = 0 : i64, scratch_operands = 0 : i64, tpu.core_type = #tpu.core_type<tc>, window_params = [{transform_indices = @transform_0, window_bounds = array<i64: 64, 1024>}, {pipeline_mode = #tpu.pipeline_mode<synchronous>, transform_indices = @transform_1, window_bounds = array<i64: 64, 64>}, {transform_indices = @transform_2, window_bounds = array<i64: 2, 256, 512>}, {transform_indices = @transform_3, window_bounds = array<i64: 2, 256, 512>}, {transform_indices = @transform_4, window_bounds = array<i64: 2, 256, 512>}, {transform_indices = @transform_5, window_bounds = array<i64: 2, 256, 512>}, {pipeline_mode = #tpu.pipeline_mode<synchronous>, transform_indices = @transform_6, window_bounds = array<i64: 64, 1024>}]} {
    %eq3A = arith.constant 0 : i32
    %eq3A_0 = arith.cmpi eq, %arg0, %eq3A : i32
    %convert_element_type3A = arith.extui %eq3A_0 : i1 to i32
    %cond3A = arith.constant 0 : i32
    %cond3A_1 = arith.cmpi ne, %convert_element_type3A, %cond3A : i32
    scf.if %cond3A_1 {
      %broadcast_in_dim3A_118 = arith.constant 0.000000e+00 : f32
      %broadcast_in_dim3A_119 = vector.broadcast %broadcast_in_dim3A_118 : f32 to vector<64x1024xf32>
      %swap3A_120 = arith.constant 0 : index
      %swap3A_121 = arith.constant 0 : index
      %swap3A_122 = vector.load %arg7[%swap3A_120, %swap3A_121] : memref<64x1024xf32, #tpu.memory_space<vmem>>, vector<64x1024xf32>
      tpu.vector_store %arg7[%swap3A_120, %swap3A_121], %broadcast_in_dim3A_119 {strides = array<i32>} : memref<64x1024xf32, #tpu.memory_space<vmem>>, vector<64x1024xf32>,
    } else {
    }
    %iota3A = tpu.iota {dimensions = array<i32: 1>} : vector<64x64xi32>
    %get3A = arith.constant 0 : index
    %get3A_2 = arith.constant 0 : index
    %get3A_3 = vector.load %arg2[%get3A, %get3A_2] : memref<64x64xf32, #tpu.memory_space<vmem>>, vector<64x64xf32>
    %mul3A = arith.constant 2 : i32
    %mul3A_4 = arith.muli %arg0, %mul3A : i32
    %add3A = arith.constant 0 : i32
    %add3A_5 = arith.addi %mul3A_4, %add3A : i32
    %eq3A_6 = vector.broadcast %add3A_5 : i32 to vector<64x64xi32>
    %eq3A_7 = arith.cmpi eq, %iota3A, %eq3A_6 : vector<64x64xi32>
    %jit3A = arith.constant 0.000000e+00 : f32
    %broadcast_in_dim3A = vector.broadcast %jit3A : f32 to vector<64x64xf32>
    %select_n3A = arith.select %eq3A_7, %get3A_3, %broadcast_in_dim3A : vector<64x64xi1>, vector<64x64xf32>
    %reduce_sum3A = arith.constant dense<0.000000e+00> : vector<64xf32>
    %reduce_sum3A_8 = vector.multi_reduction <add>, %select_n3A, %reduce_sum3A [1] : vector<64x64xf32> to vector<64xf32>
    %broadcast_in_dim3A_9 = vector.shape_cast %reduce_sum3A_8 : vector<64xf32> to vector<64x1xf32>
    %get3A_10 = arith.constant 0 : index
    %get3A_11 = arith.constant 0 : index
    %get3A_12 = vector.load %arg1[%get3A_10, %get3A_11] : memref<64x1024xf32, #tpu.memory_space<vmem>>, vector<64x512xf32>
    %mul3A_13 = vector.broadcast %broadcast_in_dim3A_9 : vector<64x1xf32> to vector<64x512xf32>
    %mul3A_14 = arith.mulf %get3A_12, %mul3A_13 : vector<64x512xf32>
    %mul3A_15 = arith.constant 2 : i32
    %mul3A_16 = arith.muli %arg0, %mul3A_15 : i32
    %add3A_17 = arith.constant 1 : i32
    %add3A_18 = arith.addi %mul3A_16, %add3A_17 : i32
    %eq3A_19 = vector.broadcast %add3A_18 : i32 to vector<64x64xi32>
    %eq3A_20 = arith.cmpi eq, %iota3A, %eq3A_19 : vector<64x64xi32>
    %jit3A_21 = arith.constant 0.000000e+00 : f32
    %broadcast_in_dim3A_22 = vector.broadcast %jit3A_21 : f32 to vector<64x64xf32>
    %select_n3A_23 = arith.select %eq3A_20, %get3A_3, %broadcast_in_dim3A_22 : vector<64x64xi1>, vector<64x64xf32>
    %reduce_sum3A_24 = arith.constant dense<0.000000e+00> : vector<64xf32>
    %reduce_sum3A_25 = vector.multi_reduction <add>, %select_n3A_23, %reduce_sum3A_24 [1] : vector<64x64xf32> to vector<64xf32>
    %broadcast_in_dim3A_26 = vector.shape_cast %reduce_sum3A_25 : vector<64xf32> to vector<64x1xf32>
    %get3A_27 = arith.constant 0 : index
    %get3A_28 = arith.constant 512 : index
    %get3A_29 = vector.load %arg1[%get3A_27, %get3A_28] : memref<64x1024xf32, #tpu.memory_space<vmem>>, vector<64x512xf32>
    %mul3A_30 = vector.broadcast %broadcast_in_dim3A_26 : vector<64x1xf32> to vector<64x512xf32>
    %mul3A_31 = arith.mulf %get3A_29, %mul3A_30 : vector<64x512xf32>
    %get3A_32 = arith.constant 0 : index
    %get3A_33 = arith.constant 0 : index
    %get3A_34 = vector.load %arg7[%get3A_32, %get3A_33] : memref<64x1024xf32, #tpu.memory_space<vmem>>, vector<64x256xf32>
    %get3A_35 = arith.constant 0 : index
    %get3A_36 = arith.constant 0 : index
    %get3A_37 = arith.constant 0 : index
    %get3A_38 = vector.load %arg3[%get3A_35, %get3A_36, %get3A_37] : memref<2x256x512xf32, #tpu.memory_space<vmem>>, vector<1x256x512xf32>
    %get3A_39 = vector.shape_cast %get3A_38 : vector<1x256x512xf32> to vector<256x512xf32>
    %dot_general3A = arith.constant dense<0.000000e+00> : vector<64x256xf32>
    %dot_general3A_40 = tpu.matmul %mul3A_14, %get3A_39, %dot_general3A {dimension_numbers = #tpu.dot_dimension_numbers<[1], [1], [0], [0], [0, 0, 1, 0], [], []>, transpose_lhs_hint = false} : vector<64x512xf32>, vector<256x512xf32>, vector<64x256xf32> -> vector<64x256xf32>
    %add3A_41 = arith.addf %get3A_34, %dot_general3A_40 : vector<64x256xf32>
    %get3A_42 = arith.constant 1 : index
    %get3A_43 = arith.constant 0 : index
    %get3A_44 = arith.constant 0 : index
    %get3A_45 = vector.load %arg3[%get3A_42, %get3A_43, %get3A_44] : memref<2x256x512xf32, #tpu.memory_space<vmem>>, vector<1x256x512xf32>
    %get3A_46 = vector.shape_cast %get3A_45 : vector<1x256x512xf32> to vector<256x512xf32>
    %dot_general3A_47 = arith.constant dense<0.000000e+00> : vector<64x256xf32>
    %dot_general3A_48 = tpu.matmul %mul3A_31, %get3A_46, %dot_general3A_47 {dimension_numbers = #tpu.dot_dimension_numbers<[1], [1], [0], [0], [0, 0, 1, 0], [], []>, transpose_lhs_hint = false} : vector<64x512xf32>, vector<256x512xf32>, vector<64x256xf32> -> vector<64x256xf32>
    %add3A_49 = arith.addf %add3A_41, %dot_general3A_48 : vector<64x256xf32>
    %swap3A = arith.constant 0 : index
    %swap3A_50 = arith.constant 0 : index
    %swap3A_51 = vector.load %arg7[%swap3A, %swap3A_50] : memref<64x1024xf32, #tpu.memory_space<vmem>>, vector<64x256xf32>
    tpu.vector_store %arg7[%swap3A, %swap3A_50], %add3A_49 {strides = array<i32>} : memref<64x1024xf32, #tpu.memory_space<vmem>>, vector<64x256xf32>,
    %get3A_52 = arith.constant 0 : index
    %get3A_53 = arith.constant 256 : index
    %get3A_54 = vector.load %arg7[%get3A_52, %get3A_53] : memref<64x1024xf32, #tpu.memory_space<vmem>>, vector<64x256xf32>
    %get3A_55 = arith.constant 0 : index
    %get3A_56 = arith.constant 0 : index
    %get3A_57 = arith.constant 0 : index
    %get3A_58 = vector.load %arg4[%get3A_55, %get3A_56, %get3A_57] : memref<2x256x512xf32, #tpu.memory_space<vmem>>, vector<1x256x512xf32>
    %get3A_59 = vector.shape_cast %get3A_58 : vector<1x256x512xf32> to vector<256x512xf32>
    %dot_general3A_60 = arith.constant dense<0.000000e+00> : vector<64x256xf32>
    %dot_general3A_61 = tpu.matmul %mul3A_14, %get3A_59, %dot_general3A_60 {dimension_numbers = #tpu.dot_dimension_numbers<[1], [1], [0], [0], [0, 0, 1, 0], [], []>, transpose_lhs_hint = false} : vector<64x512xf32>, vector<256x512xf32>, vector<64x256xf32> -> vector<64x256xf32>
    %add3A_62 = arith.addf %get3A_54, %dot_general3A_61 : vector<64x256xf32>
    %get3A_63 = arith.constant 1 : index
    %get3A_64 = arith.constant 0 : index
    %get3A_65 = arith.constant 0 : index
    %get3A_66 = vector.load %arg4[%get3A_63, %get3A_64, %get3A_65] : memref<2x256x512xf32, #tpu.memory_space<vmem>>, vector<1x256x512xf32>
    %get3A_67 = vector.shape_cast %get3A_66 : vector<1x256x512xf32> to vector<256x512xf32>
    %dot_general3A_68 = arith.constant dense<0.000000e+00> : vector<64x256xf32>
    %dot_general3A_69 = tpu.matmul %mul3A_31, %get3A_67, %dot_general3A_68 {dimension_numbers = #tpu.dot_dimension_numbers<[1], [1], [0], [0], [0, 0, 1, 0], [], []>, transpose_lhs_hint = false} : vector<64x512xf32>, vector<256x512xf32>, vector<64x256xf32> -> vector<64x256xf32>
    %add3A_70 = arith.addf %add3A_62, %dot_general3A_69 : vector<64x256xf32>
    %swap3A_71 = arith.constant 0 : index
    %swap3A_72 = arith.constant 256 : index
    %swap3A_73 = vector.load %arg7[%swap3A_71, %swap3A_72] : memref<64x1024xf32, #tpu.memory_space<vmem>>, vector<64x256xf32>
    tpu.vector_store %arg7[%swap3A_71, %swap3A_72], %add3A_70 {strides = array<i32>} : memref<64x1024xf32, #tpu.memory_space<vmem>>, vector<64x256xf32>,
    %get3A_74 = arith.constant 0 : index
    %get3A_75 = arith.constant 512 : index
    %get3A_76 = vector.load %arg7[%get3A_74, %get3A_75] : memref<64x1024xf32, #tpu.memory_space<vmem>>, vector<64x256xf32>
    %get3A_77 = arith.constant 0 : index
    %get3A_78 = arith.constant 0 : index
    %get3A_79 = arith.constant 0 : index
    %get3A_80 = vector.load %arg5[%get3A_77, %get3A_78, %get3A_79] : memref<2x256x512xf32, #tpu.memory_space<vmem>>, vector<1x256x512xf32>
    %get3A_81 = vector.shape_cast %get3A_80 : vector<1x256x512xf32> to vector<256x512xf32>
    %dot_general3A_82 = arith.constant dense<0.000000e+00> : vector<64x256xf32>
    %dot_general3A_83 = tpu.matmul %mul3A_14, %get3A_81, %dot_general3A_82 {dimension_numbers = #tpu.dot_dimension_numbers<[1], [1], [0], [0], [0, 0, 1, 0], [], []>, transpose_lhs_hint = false} : vector<64x512xf32>, vector<256x512xf32>, vector<64x256xf32> -> vector<64x256xf32>
    %add3A_84 = arith.addf %get3A_76, %dot_general3A_83 : vector<64x256xf32>
    %get3A_85 = arith.constant 1 : index
    %get3A_86 = arith.constant 0 : index
    %get3A_87 = arith.constant 0 : index
    %get3A_88 = vector.load %arg5[%get3A_85, %get3A_86, %get3A_87] : memref<2x256x512xf32, #tpu.memory_space<vmem>>, vector<1x256x512xf32>
    %get3A_89 = vector.shape_cast %get3A_88 : vector<1x256x512xf32> to vector<256x512xf32>
    %dot_general3A_90 = arith.constant dense<0.000000e+00> : vector<64x256xf32>
    %dot_general3A_91 = tpu.matmul %mul3A_31, %get3A_89, %dot_general3A_90 {dimension_numbers = #tpu.dot_dimension_numbers<[1], [1], [0], [0], [0, 0, 1, 0], [], []>, transpose_lhs_hint = false} : vector<64x512xf32>, vector<256x512xf32>, vector<64x256xf32> -> vector<64x256xf32>
    %add3A_92 = arith.addf %add3A_84, %dot_general3A_91 : vector<64x256xf32>
    %swap3A_93 = arith.constant 0 : index
    %swap3A_94 = arith.constant 512 : index
    %swap3A_95 = vector.load %arg7[%swap3A_93, %swap3A_94] : memref<64x1024xf32, #tpu.memory_space<vmem>>, vector<64x256xf32>
    tpu.vector_store %arg7[%swap3A_93, %swap3A_94], %add3A_92 {strides = array<i32>} : memref<64x1024xf32, #tpu.memory_space<vmem>>, vector<64x256xf32>,
    %get3A_96 = arith.constant 0 : index
    %get3A_97 = arith.constant 768 : index
    %get3A_98 = vector.load %arg7[%get3A_96, %get3A_97] : memref<64x1024xf32, #tpu.memory_space<vmem>>, vector<64x256xf32>
    %get3A_99 = arith.constant 0 : index
    %get3A_100 = arith.constant 0 : index
    %get3A_101 = arith.constant 0 : index
    %get3A_102 = vector.load %arg6[%get3A_99, %get3A_100, %get3A_101] : memref<2x256x512xf32, #tpu.memory_space<vmem>>, vector<1x256x512xf32>
    %get3A_103 = vector.shape_cast %get3A_102 : vector<1x256x512xf32> to vector<256x512xf32>
    %dot_general3A_104 = arith.constant dense<0.000000e+00> : vector<64x256xf32>
    %dot_general3A_105 = tpu.matmul %mul3A_14, %get3A_103, %dot_general3A_104 {dimension_numbers = #tpu.dot_dimension_numbers<[1], [1], [0], [0], [0, 0, 1, 0], [], []>, transpose_lhs_hint = false} : vector<64x512xf32>, vector<256x512xf32>, vector<64x256xf32> -> vector<64x256xf32>
    %add3A_106 = arith.addf %get3A_98, %dot_general3A_105 : vector<64x256xf32>
    %get3A_107 = arith.constant 1 : index
    %get3A_108 = arith.constant 0 : index
    %get3A_109 = arith.constant 0 : index
    %get3A_110 = vector.load %arg6[%get3A_107, %get3A_108, %get3A_109] : memref<2x256x512xf32, #tpu.memory_space<vmem>>, vector<1x256x512xf32>
    %get3A_111 = vector.shape_cast %get3A_110 : vector<1x256x512xf32> to vector<256x512xf32>
    %dot_general3A_112 = arith.constant dense<0.000000e+00> : vector<64x256xf32>
    %dot_general3A_113 = tpu.matmul %mul3A_31, %get3A_111, %dot_general3A_112 {dimension_numbers = #tpu.dot_dimension_numbers<[1], [1], [0], [0], [0, 0, 1, 0], [], []>, transpose_lhs_hint = false} : vector<64x512xf32>, vector<256x512xf32>, vector<64x256xf32> -> vector<64x256xf32>
    %add3A_114 = arith.addf %add3A_106, %dot_general3A_113 : vector<64x256xf32>
    %swap3A_115 = arith.constant 0 : index
    %swap3A_116 = arith.constant 768 : index
    %swap3A_117 = vector.load %arg7[%swap3A_115, %swap3A_116] : memref<64x1024xf32, #tpu.memory_space<vmem>>, vector<64x256xf32>
    tpu.vector_store %arg7[%swap3A_115, %swap3A_116], %add3A_114 {strides = array<i32>} : memref<64x1024xf32, #tpu.memory_space<vmem>>, vector<64x256xf32>,
    return
  }
  func.func @transform_0(%arg0: i32) -> (i32, i32) {
    %c0_i32 = arith.constant 0 : i32
    %c0_i32_0 = arith.constant 0 : i32
    return %c0_i32, %arg0 : i32, i32
  }
  func.func @transform_1(%arg0: i32) -> (i32, i32) {
    %c0_i32 = arith.constant 0 : i32
    %c0_i32_0 = arith.constant 0 : i32
    %c0_i32_1 = arith.constant 0 : i32
    return %c0_i32, %c0_i32_0 : i32, i32
  }
  func.func @transform_2(%arg0: i32) -> (i32, i32, i32) {
    %c0_i32 = arith.constant 0 : i32
    %c0_i32_0 = arith.constant 0 : i32
    %c0_i32_1 = arith.constant 0 : i32
    return %arg0, %c0_i32, %c0_i32_0 : i32, i32, i32
  }
  func.func @transform_3(%arg0: i32) -> (i32, i32, i32) {
    %c1_i32 = arith.constant 1 : i32
    %c0_i32 = arith.constant 0 : i32
    %c0_i32_0 = arith.constant 0 : i32
    return %arg0, %c1_i32, %c0_i32 : i32, i32, i32
  }
  func.func @transform_4(%arg0: i32) -> (i32, i32, i32) {
    %c2_i32 = arith.constant 2 : i32
    %c0_i32 = arith.constant 0 : i32
    %c0_i32_0 = arith.constant 0 : i32
    return %arg0, %c2_i32, %c0_i32 : i32, i32, i32
  }
  func.func @transform_5(%arg0: i32) -> (i32, i32, i32) {
    %c3_i32 = arith.constant 3 : i32
    %c0_i32 = arith.constant 0 : i32
    %c0_i32_0 = arith.constant 0 : i32
    return %arg0, %c3_i32, %c0_i32 : i32, i32, i32
  }
  func.func @transform_6(%arg0: i32) -> (i32, i32) {
    %c0_i32 = arith.constant 0 : i32
    %c0_i32_0 = arith.constant 0 : i32
    %c0_i32_1 = arith.constant 0 : i32
    return %c0_i32, %c0_i32_0 : i32, i32
  }
}

module attributes {stable_mosaic.version = 14 : i64} {
  func.func @_gateup_body(%arg0: i32, %arg1: memref<64x1024xf32, #tpu.memory_space<vmem>>, %arg2: memref<2x128x1024xf32, #tpu.memory_space<vmem>>, %arg3: memref<2x128x1024xf32, #tpu.memory_space<vmem>>, %arg4: memref<2x128x1024xf32, #tpu.memory_space<vmem>>, %arg5: memref<2x128x1024xf32, #tpu.memory_space<vmem>>, %arg6: memref<2x128x1024xf32, #tpu.memory_space<vmem>>, %arg7: memref<2x128x1024xf32, #tpu.memory_space<vmem>>, %arg8: memref<2x128x1024xf32, #tpu.memory_space<vmem>>, %arg9: memref<2x128x1024xf32, #tpu.memory_space<vmem>>, %arg10: memref<64x1024xf32, #tpu.memory_space<vmem>>) attributes {dimension_semantics = [#tpu.dimension_semantics<arbitrary>], iteration_bounds = array<i64: 32>, scalar_prefetch = 0 : i64, scratch_operands = 0 : i64, tpu.core_type = #tpu.core_type<tc>, window_params = [{pipeline_mode = #tpu.pipeline_mode<synchronous>, transform_indices = @transform_0, window_bounds = array<i64: 64, 1024>}, {transform_indices = @transform_1, window_bounds = array<i64: 2, 128, 1024>}, {transform_indices = @transform_2, window_bounds = array<i64: 2, 128, 1024>}, {transform_indices = @transform_3, window_bounds = array<i64: 2, 128, 1024>}, {transform_indices = @transform_4, window_bounds = array<i64: 2, 128, 1024>}, {transform_indices = @transform_5, window_bounds = array<i64: 2, 128, 1024>}, {transform_indices = @transform_6, window_bounds = array<i64: 2, 128, 1024>}, {transform_indices = @transform_7, window_bounds = array<i64: 2, 128, 1024>}, {transform_indices = @transform_8, window_bounds = array<i64: 2, 128, 1024>}, {transform_indices = @transform_9, window_bounds = array<i64: 64, 1024>}]} {
    %get3A = arith.constant 0 : index
    %get3A_0 = arith.constant 0 : index
    %get3A_1 = vector.load %arg1[%get3A, %get3A_0] : memref<64x1024xf32, #tpu.memory_space<vmem>>, vector<64x1024xf32>
    %get3A_2 = arith.constant 0 : index
    %get3A_3 = arith.constant 0 : index
    %get3A_4 = arith.constant 0 : index
    %get3A_5 = vector.load %arg2[%get3A_2, %get3A_3, %get3A_4] : memref<2x128x1024xf32, #tpu.memory_space<vmem>>, vector<2x128x1024xf32>
    %reshape3A = vector.shape_cast %get3A_5 : vector<2x128x1024xf32> to vector<256x1024xf32>
    %get3A_6 = arith.constant 0 : index
    %get3A_7 = arith.constant 0 : index
    %get3A_8 = arith.constant 0 : index
    %get3A_9 = vector.load %arg6[%get3A_6, %get3A_7, %get3A_8] : memref<2x128x1024xf32, #tpu.memory_space<vmem>>, vector<2x128x1024xf32>
    %reshape3A_10 = vector.shape_cast %get3A_9 : vector<2x128x1024xf32> to vector<256x1024xf32>
    %dot_general3A = arith.constant dense<0.000000e+00> : vector<64x256xf32>
    %dot_general3A_11 = tpu.matmul %get3A_1, %reshape3A, %dot_general3A {dimension_numbers = #tpu.dot_dimension_numbers<[1], [1], [0], [0], [0, 0, 1, 0], [], []>, transpose_lhs_hint = false} : vector<64x1024xf32>, vector<256x1024xf32>, vector<64x256xf32> -> vector<64x256xf32>
    %dot_general3A_12 = arith.constant dense<0.000000e+00> : vector<64x256xf32>
    %dot_general3A_13 = tpu.matmul %get3A_1, %reshape3A_10, %dot_general3A_12 {dimension_numbers = #tpu.dot_dimension_numbers<[1], [1], [0], [0], [0, 0, 1, 0], [], []>, transpose_lhs_hint = false} : vector<64x1024xf32>, vector<256x1024xf32>, vector<64x256xf32> -> vector<64x256xf32>
    %logistic3A = arith.negf %dot_general3A_11 : vector<64x256xf32>
    %logistic3A_14 = math.exp %logistic3A : vector<64x256xf32>
    %logistic3A_15 = arith.constant 1.000000e+00 : f32
    %logistic3A_16 = vector.broadcast %logistic3A_15 : f32 to vector<64x256xf32>
    %logistic3A_17 = arith.addf %logistic3A_16, %logistic3A_14 : vector<64x256xf32>
    %logistic3A_18 = arith.divf %logistic3A_16, %logistic3A_17 : vector<64x256xf32>
    %mul3A = arith.mulf %dot_general3A_11, %logistic3A_18 : vector<64x256xf32>
    %mul3A_19 = arith.mulf %mul3A, %dot_general3A_13 : vector<64x256xf32>
    %slice3A = vector.extract_strided_slice %mul3A_19 {offsets = [0, 0], sizes = [64, 128], strides = [1, 1]} : vector<64x256xf32> to vector<64x128xf32>
    %swap3A = arith.constant 0 : index
    %swap3A_20 = arith.constant 0 : index
    %swap3A_21 = vector.load %arg10[%swap3A, %swap3A_20] : memref<64x1024xf32, #tpu.memory_space<vmem>>, vector<64x128xf32>
    tpu.vector_store %arg10[%swap3A, %swap3A_20], %slice3A {strides = array<i32>} : memref<64x1024xf32, #tpu.memory_space<vmem>>, vector<64x128xf32>,
    %slice3A_22 = vector.extract_strided_slice %mul3A_19 {offsets = [0, 128], sizes = [64, 128], strides = [1, 1]} : vector<64x256xf32> to vector<64x128xf32>
    %swap3A_23 = arith.constant 0 : index
    %swap3A_24 = arith.constant 512 : index
    %swap3A_25 = vector.load %arg10[%swap3A_23, %swap3A_24] : memref<64x1024xf32, #tpu.memory_space<vmem>>, vector<64x128xf32>
    tpu.vector_store %arg10[%swap3A_23, %swap3A_24], %slice3A_22 {strides = array<i32>} : memref<64x1024xf32, #tpu.memory_space<vmem>>, vector<64x128xf32>,
    %get3A_26 = arith.constant 0 : index
    %get3A_27 = arith.constant 0 : index
    %get3A_28 = arith.constant 0 : index
    %get3A_29 = vector.load %arg3[%get3A_26, %get3A_27, %get3A_28] : memref<2x128x1024xf32, #tpu.memory_space<vmem>>, vector<2x128x1024xf32>
    %reshape3A_30 = vector.shape_cast %get3A_29 : vector<2x128x1024xf32> to vector<256x1024xf32>
    %get3A_31 = arith.constant 0 : index
    %get3A_32 = arith.constant 0 : index
    %get3A_33 = arith.constant 0 : index
    %get3A_34 = vector.load %arg7[%get3A_31, %get3A_32, %get3A_33] : memref<2x128x1024xf32, #tpu.memory_space<vmem>>, vector<2x128x1024xf32>
    %reshape3A_35 = vector.shape_cast %get3A_34 : vector<2x128x1024xf32> to vector<256x1024xf32>
    %dot_general3A_36 = arith.constant dense<0.000000e+00> : vector<64x256xf32>
    %dot_general3A_37 = tpu.matmul %get3A_1, %reshape3A_30, %dot_general3A_36 {dimension_numbers = #tpu.dot_dimension_numbers<[1], [1], [0], [0], [0, 0, 1, 0], [], []>, transpose_lhs_hint = false} : vector<64x1024xf32>, vector<256x1024xf32>, vector<64x256xf32> -> vector<64x256xf32>
    %dot_general3A_38 = arith.constant dense<0.000000e+00> : vector<64x256xf32>
    %dot_general3A_39 = tpu.matmul %get3A_1, %reshape3A_35, %dot_general3A_38 {dimension_numbers = #tpu.dot_dimension_numbers<[1], [1], [0], [0], [0, 0, 1, 0], [], []>, transpose_lhs_hint = false} : vector<64x1024xf32>, vector<256x1024xf32>, vector<64x256xf32> -> vector<64x256xf32>
    %logistic3A_40 = arith.negf %dot_general3A_37 : vector<64x256xf32>
    %logistic3A_41 = math.exp %logistic3A_40 : vector<64x256xf32>
    %logistic3A_42 = arith.constant 1.000000e+00 : f32
    %logistic3A_43 = vector.broadcast %logistic3A_42 : f32 to vector<64x256xf32>
    %logistic3A_44 = arith.addf %logistic3A_43, %logistic3A_41 : vector<64x256xf32>
    %logistic3A_45 = arith.divf %logistic3A_43, %logistic3A_44 : vector<64x256xf32>
    %mul3A_46 = arith.mulf %dot_general3A_37, %logistic3A_45 : vector<64x256xf32>
    %mul3A_47 = arith.mulf %mul3A_46, %dot_general3A_39 : vector<64x256xf32>
    %slice3A_48 = vector.extract_strided_slice %mul3A_47 {offsets = [0, 0], sizes = [64, 128], strides = [1, 1]} : vector<64x256xf32> to vector<64x128xf32>
    %swap3A_49 = arith.constant 0 : index
    %swap3A_50 = arith.constant 128 : index
    %swap3A_51 = vector.load %arg10[%swap3A_49, %swap3A_50] : memref<64x1024xf32, #tpu.memory_space<vmem>>, vector<64x128xf32>
    tpu.vector_store %arg10[%swap3A_49, %swap3A_50], %slice3A_48 {strides = array<i32>} : memref<64x1024xf32, #tpu.memory_space<vmem>>, vector<64x128xf32>,
    %slice3A_52 = vector.extract_strided_slice %mul3A_47 {offsets = [0, 128], sizes = [64, 128], strides = [1, 1]} : vector<64x256xf32> to vector<64x128xf32>
    %swap3A_53 = arith.constant 0 : index
    %swap3A_54 = arith.constant 640 : index
    %swap3A_55 = vector.load %arg10[%swap3A_53, %swap3A_54] : memref<64x1024xf32, #tpu.memory_space<vmem>>, vector<64x128xf32>
    tpu.vector_store %arg10[%swap3A_53, %swap3A_54], %slice3A_52 {strides = array<i32>} : memref<64x1024xf32, #tpu.memory_space<vmem>>, vector<64x128xf32>,
    %get3A_56 = arith.constant 0 : index
    %get3A_57 = arith.constant 0 : index
    %get3A_58 = arith.constant 0 : index
    %get3A_59 = vector.load %arg4[%get3A_56, %get3A_57, %get3A_58] : memref<2x128x1024xf32, #tpu.memory_space<vmem>>, vector<2x128x1024xf32>
    %reshape3A_60 = vector.shape_cast %get3A_59 : vector<2x128x1024xf32> to vector<256x1024xf32>
    %get3A_61 = arith.constant 0 : index
    %get3A_62 = arith.constant 0 : index
    %get3A_63 = arith.constant 0 : index
    %get3A_64 = vector.load %arg8[%get3A_61, %get3A_62, %get3A_63] : memref<2x128x1024xf32, #tpu.memory_space<vmem>>, vector<2x128x1024xf32>
    %reshape3A_65 = vector.shape_cast %get3A_64 : vector<2x128x1024xf32> to vector<256x1024xf32>
    %dot_general3A_66 = arith.constant dense<0.000000e+00> : vector<64x256xf32>
    %dot_general3A_67 = tpu.matmul %get3A_1, %reshape3A_60, %dot_general3A_66 {dimension_numbers = #tpu.dot_dimension_numbers<[1], [1], [0], [0], [0, 0, 1, 0], [], []>, transpose_lhs_hint = false} : vector<64x1024xf32>, vector<256x1024xf32>, vector<64x256xf32> -> vector<64x256xf32>
    %dot_general3A_68 = arith.constant dense<0.000000e+00> : vector<64x256xf32>
    %dot_general3A_69 = tpu.matmul %get3A_1, %reshape3A_65, %dot_general3A_68 {dimension_numbers = #tpu.dot_dimension_numbers<[1], [1], [0], [0], [0, 0, 1, 0], [], []>, transpose_lhs_hint = false} : vector<64x1024xf32>, vector<256x1024xf32>, vector<64x256xf32> -> vector<64x256xf32>
    %logistic3A_70 = arith.negf %dot_general3A_67 : vector<64x256xf32>
    %logistic3A_71 = math.exp %logistic3A_70 : vector<64x256xf32>
    %logistic3A_72 = arith.constant 1.000000e+00 : f32
    %logistic3A_73 = vector.broadcast %logistic3A_72 : f32 to vector<64x256xf32>
    %logistic3A_74 = arith.addf %logistic3A_73, %logistic3A_71 : vector<64x256xf32>
    %logistic3A_75 = arith.divf %logistic3A_73, %logistic3A_74 : vector<64x256xf32>
    %mul3A_76 = arith.mulf %dot_general3A_67, %logistic3A_75 : vector<64x256xf32>
    %mul3A_77 = arith.mulf %mul3A_76, %dot_general3A_69 : vector<64x256xf32>
    %slice3A_78 = vector.extract_strided_slice %mul3A_77 {offsets = [0, 0], sizes = [64, 128], strides = [1, 1]} : vector<64x256xf32> to vector<64x128xf32>
    %swap3A_79 = arith.constant 0 : index
    %swap3A_80 = arith.constant 256 : index
    %swap3A_81 = vector.load %arg10[%swap3A_79, %swap3A_80] : memref<64x1024xf32, #tpu.memory_space<vmem>>, vector<64x128xf32>
    tpu.vector_store %arg10[%swap3A_79, %swap3A_80], %slice3A_78 {strides = array<i32>} : memref<64x1024xf32, #tpu.memory_space<vmem>>, vector<64x128xf32>,
    %slice3A_82 = vector.extract_strided_slice %mul3A_77 {offsets = [0, 128], sizes = [64, 128], strides = [1, 1]} : vector<64x256xf32> to vector<64x128xf32>
    %swap3A_83 = arith.constant 0 : index
    %swap3A_84 = arith.constant 768 : index
    %swap3A_85 = vector.load %arg10[%swap3A_83, %swap3A_84] : memref<64x1024xf32, #tpu.memory_space<vmem>>, vector<64x128xf32>
    tpu.vector_store %arg10[%swap3A_83, %swap3A_84], %slice3A_82 {strides = array<i32>} : memref<64x1024xf32, #tpu.memory_space<vmem>>, vector<64x128xf32>,
    %get3A_86 = arith.constant 0 : index
    %get3A_87 = arith.constant 0 : index
    %get3A_88 = arith.constant 0 : index
    %get3A_89 = vector.load %arg5[%get3A_86, %get3A_87, %get3A_88] : memref<2x128x1024xf32, #tpu.memory_space<vmem>>, vector<2x128x1024xf32>
    %reshape3A_90 = vector.shape_cast %get3A_89 : vector<2x128x1024xf32> to vector<256x1024xf32>
    %get3A_91 = arith.constant 0 : index
    %get3A_92 = arith.constant 0 : index
    %get3A_93 = arith.constant 0 : index
    %get3A_94 = vector.load %arg9[%get3A_91, %get3A_92, %get3A_93] : memref<2x128x1024xf32, #tpu.memory_space<vmem>>, vector<2x128x1024xf32>
    %reshape3A_95 = vector.shape_cast %get3A_94 : vector<2x128x1024xf32> to vector<256x1024xf32>
    %dot_general3A_96 = arith.constant dense<0.000000e+00> : vector<64x256xf32>
    %dot_general3A_97 = tpu.matmul %get3A_1, %reshape3A_90, %dot_general3A_96 {dimension_numbers = #tpu.dot_dimension_numbers<[1], [1], [0], [0], [0, 0, 1, 0], [], []>, transpose_lhs_hint = false} : vector<64x1024xf32>, vector<256x1024xf32>, vector<64x256xf32> -> vector<64x256xf32>
    %dot_general3A_98 = arith.constant dense<0.000000e+00> : vector<64x256xf32>
    %dot_general3A_99 = tpu.matmul %get3A_1, %reshape3A_95, %dot_general3A_98 {dimension_numbers = #tpu.dot_dimension_numbers<[1], [1], [0], [0], [0, 0, 1, 0], [], []>, transpose_lhs_hint = false} : vector<64x1024xf32>, vector<256x1024xf32>, vector<64x256xf32> -> vector<64x256xf32>
    %logistic3A_100 = arith.negf %dot_general3A_97 : vector<64x256xf32>
    %logistic3A_101 = math.exp %logistic3A_100 : vector<64x256xf32>
    %logistic3A_102 = arith.constant 1.000000e+00 : f32
    %logistic3A_103 = vector.broadcast %logistic3A_102 : f32 to vector<64x256xf32>
    %logistic3A_104 = arith.addf %logistic3A_103, %logistic3A_101 : vector<64x256xf32>
    %logistic3A_105 = arith.divf %logistic3A_103, %logistic3A_104 : vector<64x256xf32>
    %mul3A_106 = arith.mulf %dot_general3A_97, %logistic3A_105 : vector<64x256xf32>
    %mul3A_107 = arith.mulf %mul3A_106, %dot_general3A_99 : vector<64x256xf32>
    %slice3A_108 = vector.extract_strided_slice %mul3A_107 {offsets = [0, 0], sizes = [64, 128], strides = [1, 1]} : vector<64x256xf32> to vector<64x128xf32>
    %swap3A_109 = arith.constant 0 : index
    %swap3A_110 = arith.constant 384 : index
    %swap3A_111 = vector.load %arg10[%swap3A_109, %swap3A_110] : memref<64x1024xf32, #tpu.memory_space<vmem>>, vector<64x128xf32>
    tpu.vector_store %arg10[%swap3A_109, %swap3A_110], %slice3A_108 {strides = array<i32>} : memref<64x1024xf32, #tpu.memory_space<vmem>>, vector<64x128xf32>,
    %slice3A_112 = vector.extract_strided_slice %mul3A_107 {offsets = [0, 128], sizes = [64, 128], strides = [1, 1]} : vector<64x256xf32> to vector<64x128xf32>
    %swap3A_113 = arith.constant 0 : index
    %swap3A_114 = arith.constant 896 : index
    %swap3A_115 = vector.load %arg10[%swap3A_113, %swap3A_114] : memref<64x1024xf32, #tpu.memory_space<vmem>>, vector<64x128xf32>
    tpu.vector_store %arg10[%swap3A_113, %swap3A_114], %slice3A_112 {strides = array<i32>} : memref<64x1024xf32, #tpu.memory_space<vmem>>, vector<64x128xf32>,
    return
  }
  func.func @transform_0(%arg0: i32) -> (i32, i32) {
    %c0_i32 = arith.constant 0 : i32
    %c0_i32_0 = arith.constant 0 : i32
    %c0_i32_1 = arith.constant 0 : i32
    return %c0_i32, %c0_i32_0 : i32, i32
  }
  func.func @transform_1(%arg0: i32) -> (i32, i32, i32) {
    %c0_i32 = arith.constant 0 : i32
    %c0_i32_0 = arith.constant 0 : i32
    %c0_i32_1 = arith.constant 0 : i32
    return %arg0, %c0_i32, %c0_i32_0 : i32, i32, i32
  }
  func.func @transform_2(%arg0: i32) -> (i32, i32, i32) {
    %c1_i32 = arith.constant 1 : i32
    %c0_i32 = arith.constant 0 : i32
    %c0_i32_0 = arith.constant 0 : i32
    return %arg0, %c1_i32, %c0_i32 : i32, i32, i32
  }
  func.func @transform_3(%arg0: i32) -> (i32, i32, i32) {
    %c2_i32 = arith.constant 2 : i32
    %c0_i32 = arith.constant 0 : i32
    %c0_i32_0 = arith.constant 0 : i32
    return %arg0, %c2_i32, %c0_i32 : i32, i32, i32
  }
  func.func @transform_4(%arg0: i32) -> (i32, i32, i32) {
    %c3_i32 = arith.constant 3 : i32
    %c0_i32 = arith.constant 0 : i32
    %c0_i32_0 = arith.constant 0 : i32
    return %arg0, %c3_i32, %c0_i32 : i32, i32, i32
  }
  func.func @transform_5(%arg0: i32) -> (i32, i32, i32) {
    %c0_i32 = arith.constant 0 : i32
    %c0_i32_0 = arith.constant 0 : i32
    %c0_i32_1 = arith.constant 0 : i32
    return %arg0, %c0_i32, %c0_i32_0 : i32, i32, i32
  }
  func.func @transform_6(%arg0: i32) -> (i32, i32, i32) {
    %c1_i32 = arith.constant 1 : i32
    %c0_i32 = arith.constant 0 : i32
    %c0_i32_0 = arith.constant 0 : i32
    return %arg0, %c1_i32, %c0_i32 : i32, i32, i32
  }
  func.func @transform_7(%arg0: i32) -> (i32, i32, i32) {
    %c2_i32 = arith.constant 2 : i32
    %c0_i32 = arith.constant 0 : i32
    %c0_i32_0 = arith.constant 0 : i32
    return %arg0, %c2_i32, %c0_i32 : i32, i32, i32
  }
  func.func @transform_8(%arg0: i32) -> (i32, i32, i32) {
    %c3_i32 = arith.constant 3 : i32
    %c0_i32 = arith.constant 0 : i32
    %c0_i32_0 = arith.constant 0 : i32
    return %arg0, %c3_i32, %c0_i32 : i32, i32, i32
  }
  func.func @transform_9(%arg0: i32) -> (i32, i32) {
    %c0_i32 = arith.constant 0 : i32
    %c0_i32_0 = arith.constant 0 : i32
    return %c0_i32, %arg0 : i32, i32
  }
}

</mosaic_0001>

<sc_bundles>
// kernel: kernel.6.cloned.1.call-start
scs
__scs_entry_jumppad:
0x0: {  	(pc) =	sbr.rel $0x88, $3  }
0x1: {  	(tag) =	ssettag $0x0;
	lr =	simm.s32 $0x1  }
0x2: {  	[smem:$0x3F9C] =	sst lr;
	_ =	strace $0xD0000000  }
0x3: {  	_ = 	snop  }
0x4: {  	_ = 	snop  }
0x5: {  	_ = 	snop  }
0x6: {  	_ = 	snop  }
0x7: {  	_ = 	snop  }
__scs_overlays_trampoline_lowered:
0x8: {  	[smem:$0x3FAB] =	sst s0  }
0x9: {  	[smem:$0x3FAC] =	sst s1  }
0xa: {  	[smem:$0x3FAD] =	sst s2  }
0xb: {  	[smem:$0x3FAE] =	sst s3  }
0xc: {  	[smem:$0x3FAF] =	sst s4  }
0xd: {  	[smem:$0x3FB0] =	sst s5  }
0xe: {  	[smem:$0x3FB1] =	sst s6  }
0xf: {  	[smem:$0x3FB2] =	sst s7  }
0x10: {  	[smem:$0x3FB3] =	sst s8  }
0x11: {  	[smem:$0x3FB4] =	sst s9;
	s0 =	simm.s32 @!p0 $0x0  }
0x12: {  	s1 =	sld [smem:$0x3F9A];
	s0 =	simm.s32 @p0 $0x1  }
0x13: {  	[smem:$0x3FB5] =	sst s0;
	s0 =	simm.s32 @!p1 $0x0  }
0x14: {  	s2 =	sld [smem:$0x3F99];
	s0 =	simm.s32 @p1 $0x1  }
0x15: {  	[smem:$0x3FB6] =	sst s0;
	s0 =	simm.s32 @!p2 $0x0  }
0x16: {  	s3 =	sld [smem:$0x3FDB];
	s0 =	simm.s32 @p2 $0x1  }
0x17: {  	s4 =	simm.s32 $0x1BF5;
	[smem:$0x3FB8] =	sst s0  }
0x18: {  	s0 =	sld [smem:$0x3F9B];
	_ =	swait.ge [sflag:s4], $0x0  }
0x19: {  	s7 =	sld [smem:$0x3F9C]  }
0x1a: {  	s8 =	sadd.s32 $0xFFFFE003, lr  }
0x1b: {  	s9 =	sadd.s32 $0xFFFFFEF7, lr;
	s5 =	simm.s32 $0xFFFFFFFF;
	p2 =	slt.u32 s8, $0xFFFFF086  }
0x1c: {  	p1 =	slt.u32 s9, $0xF7A;
	s5 =	simm.s32 @!p2 $0x0  }
0x1d: {  	s5 =	simm.s32 @p1 $0x1;
	p0 =	seq.s32 s7, s2  }
0x1e: {  	s7 =	smul.u32 @!p0 $0xF7A, s2;
	p2 =	seq.s32 @!p0 s5, $0x0  }
0x1f: {  	s9 =	smul.u32 $0xF7A, s1;
	s8 =	simm.s32 @!p0 $0x1BF5;
	p2 =	por !p2, p0  }
0x20: {  	[sflag:s8] =	ssyncset.s32 @!p0 $0xFFFFF086;
	s6 =	sadd.s32 @!p0 s3, s7;
	s7 =	simm.s32 @!p0 $0x108  }
0x21: {  	s3 =	sadd.s32 s3, s9;
	s6 =	sadd.s32 @!p0 $0x88, s6;
	s7 =	simm.s32 @p2 $0x1082  }
0x22: {  	[simem:s7], [sflag:s8] =	dma.local @!p0 [hbm:s6], $0xF7A  }
0x23: {  	s9 =	sor.u32 $0xD0000000, s2;
	s6 =	simm.s32 $0x108;
	_ =	swait.ge @!p0 [sflag:s8], $0x0  }
0x24: {  	s3 =	sadd.s32 $0x88, s3;
	s6 =	simm.s32 @!p1 $0x1082;
	[sflag:s4] =	ssyncset.s32 $0xFFFFF086  }
0x25: {  	[simem:s6], [sflag:s4] =	dma.local [hbm:s3], $0xF7A  }
0x26: {  	[smem:$0x3F9C] =	sst s1;
	(tag) =	ssettag s2;
	_ =	strace s9  }
0x27: {  	s1 =	sld [smem:$0x3FAC]  }
0x28: {  	s2 =	sld [smem:$0x3FAD]  }
0x29: {  	s4 =	sld [smem:$0x3FAF]  }
0x2a: {  	p0 =	seq.s32 s5, $0x0;
	s5 =	sld [smem:$0x3FB0]  }
0x2b: {  	s6 =	sld [smem:$0x3FB1]  }
0x2c: {  	s7 =	sld [smem:$0x3FB2]  }
0x2d: {  	s3 =	simm.s32 $0x108;
	s8 =	sld [smem:$0x3FB3]  }
0x2e: {  	s3 =	simm.s32 @!p0 $0x1082;
	s9 =	sld [smem:$0x3FB4]  }
0x2f: {  	lr =	sadd.s32 s0, s3;
	s0 =	sld [smem:$0x3FAB]  }
0x30: {  	s3 =	sld [smem:$0x3FAE]  }
0x31: {  	[smem:$0x3FB7] =	sst s10  }
0x32: {  	s10 =	sld [smem:$0x3FB5];
	_ =	sdelay $0x3  }
0x33: {  	p0 =	seq.s32 s10, $0x1;
	s10 =	sld [smem:$0x3FB7];
	_ =	sdelay $0x3  }
0x34: {  	[smem:$0x3FB7] =	sst s10  }
0x35: {  	s10 =	sld [smem:$0x3FB6];
	_ =	sdelay $0x3  }
0x36: {  	p1 =	seq.s32 s10, $0x1;
	s10 =	sld [smem:$0x3FB7];
	_ =	sdelay $0x3  }
0x37: {  	[smem:$0x3FB7] =	sst s10  }
0x38: {  	s10 =	sld [smem:$0x3FB8]  }
0x39: {  	_ = 	snop;
	(pc) =	sbr.ind lr, $3  }
0x3a: {  	_ = 	snop  }
0x3b: {  	_ = 	snop  }
0x3c: {  	p2 =	seq.s32 s10, $0x1;
	s10 =	sld [smem:$0x3FB7]  }
0x3d: {  	_ =	shalt  }
0x3e: {  	_ =	shalt  }
0x3f: {  	_ =	shalt  }
0x40: {  	_ =	shalt  }
0x41: {  	_ =	shalt  }
0x42: {  	_ =	shalt  }
0x43: {  	_ =	shalt  }
0x44: {  	_ =	shalt  }
0x45: {  	_ =	shalt  }
0x46: {  	_ =	shalt  }
0x47: {  	_ =	shalt  }
0x48: {  	_ =	shalt  }
0x49: {  	_ =	shalt  }
0x4a: {  	_ =	shalt  }
0x4b: {  	_ =	shalt  }
0x4c: {  	_ =	shalt  }
0x4d: {  	_ =	shalt  }
0x4e: {  	_ =	shalt  }
0x4f: {  	_ =	shalt  }
0x50: {  	_ =	shalt  }
0x51: {  	_ =	shalt  }
0x52: {  	_ =	shalt  }
0x53: {  	_ =	shalt  }
0x54: {  	_ =	shalt  }
0x55: {  	_ =	shalt  }
0x56: {  	_ =	shalt  }
0x57: {  	_ =	shalt  }
0x58: {  	_ =	shalt  }
0x59: {  	_ =	shalt  }
0x5a: {  	_ =	shalt  }
0x5b: {  	_ =	shalt  }
0x5c: {  	_ =	shalt  }
0x5d: {  	_ =	shalt  }
0x5e: {  	_ =	shalt  }
0x5f: {  	_ =	shalt  }
0x60: {  	_ =	shalt  }
0x61: {  	_ =	shalt  }
0x62: {  	_ =	shalt  }
0x63: {  	_ =	shalt  }
0x64: {  	_ =	shalt  }
0x65: {  	_ =	shalt  }
0x66: {  	_ =	shalt  }
0x67: {  	_ =	shalt  }
0x68: {  	_ =	shalt  }
0x69: {  	_ =	shalt  }
0x6a: {  	_ =	shalt  }
0x6b: {  	_ =	shalt  }
0x6c: {  	_ =	shalt  }
0x6d: {  	_ =	shalt  }
0x6e: {  	_ =	shalt  }
0x6f: {  	_ =	shalt  }
0x70: {  	_ =	shalt  }
0x71: {  	_ =	shalt  }
0x72: {  	_ =	shalt  }
0x73: {  	_ =	shalt  }
0x74: {  	_ =	shalt  }
0x75: {  	_ =	shalt  }
0x76: {  	_ =	shalt  }
0x77: {  	_ =	shalt  }
0x78: {  	_ =	shalt  }
0x79: {  	_ =	shalt  }
0x7a: {  	_ =	shalt  }
0x7b: {  	_ =	shalt  }
0x7c: {  	_ =	shalt  }
0x7d: {  	_ =	shalt  }
0x7e: {  	_ =	shalt  }
0x7f: {  	_ =	shalt  }
0x80: {  	_ =	shalt  }
0x81: {  	_ =	shalt  }
0x82: {  	_ =	shalt  }
0x83: {  	_ =	shalt  }
0x84: {  	_ =	shalt  }
0x85: {  	_ =	shalt  }
0x86: {  	_ =	shalt  }
0x87: {  	_ =	shalt  }
.Lfunc_end0:
.L_simem_size_0:
called_computation_lowered:
.L_overlay_start_0:
0x88: {  	s2 =	sld [smem:$0x3FD9]  }
0x89: {  	s3 =	sld [smem:$0x3FFE];
	_ =	sdelay $0x1  }
0x8a: {  	s1 =	srdreg.scid  }
0x8b: {  	s0 =	sand.u32 $0x1, s1  }
0x8c: {  	s15 =	sshll.u32 s0, $0xA;
	s2 =	sadd.s32 s3, s2  }
0x8d: {  	s2 =	sadd.s32 s2, s15  }
0x8e: {  	[smem:$0x3FC3] =	sst s2  }
0x8f: {  	_ = 	snop  }
0x90: {  	s2 =	sld [smem:$0x3FD0];
	_ =	sdelay $0x2  }
0x91: {  	s16 =	simm.s32 $0xA;
	s4 =	simm.s32 $0x10  }
0x92: {  	[smem:s4], [sflag:s16] =	dma.local [hbm:s2], $0x1  }
0x93: {  	_ =	swait.eq [sflag:s16], $0x1  }
0x94: {  	[sflag:s16] =	ssyncset.done $0x0  }
0x95: {  	s17 =	sld [smem:$0x10];
	[sflag:s16] =	ssyncadd.s32 $0xFFFFFFFF  }
0x96: {  	s18 =	sld [smem:$0x11];
	(tm) =	ssettm $0x1  }
0x97: {  	s19 =	sld [smem:$0x3FFB];
	_ =	sdelay $0x3  }
0x98: {  	_ =	strace s19  }
0x99: {  	s4 =	sld [smem:$0x3FFC];
	_ =	sdelay $0x3  }
0x9a: {  	_ =	strace s4  }
0x9b: {  	s4 =	sld [smem:$0x3FFD];
	_ =	sdelay $0x3  }
0x9c: {  	_ =	strace s4  }
0x9d: {  	_ =	strace $0x8FFFFFFF  }
0x9e: {  	s20 =	sld [smem:$0x3FDB];
	_ =	sdelay $0x1  }
0x9f: {  	s5 =	simm.s32 $_scs_section_size  }
0xa0: {  	s6 =	simm.s32 $_size__tile_overlayer_lowered;
	s7 =	simm.s32 $_tile_overlayer_lowered  }
0xa1: {  	s23 =	simm.s32 $0x1BFF;
	s22 =	sshll.u32 s7, $0x1;
	s4 =	sadd.s32 s5, s20  }
0xa2: {  	s8 =	simm.s32 $0x0;
	s21 =	sshll.u32 s6, $0x1;
	s6 =	sadd.s32 s22, s4  }
0xa3: {  	[timem:s8], [sflag:s23] =	dma.local [hbm:s6], s21  }
0xa4: {  	_ =	swait.ge [sflag:s23], s21  }
0xa5: {  	s5 =	ssub.s32 $0x0, s21;
	[sflag:s23] =	ssyncset.done $0x0  }
0xa6: {  	[sflag:s23] =	ssyncadd.s32 s5;
	_ =	sdelay $0x1  }
0xa7: {  	s24 =	simm.s32 $0x1B8B  }
0xa8: {  	_ =	swait.ge [sflag:s24], $0x1  }
0xa9: {  	[sflag:s24] =	ssyncset.done $0x0  }
0xaa: {  	s25 =	simm.s32 $0x1B8E;
	[sflag:s24] =	ssyncadd.s32 $0xFFFFFFFF  }
0xab: {  	s26 =	simm.s32 $execute0_lowered;
	[smem:$0x3FD2] =	sst s25  }
0xac: {  	s5 =	sshll.u32 s26, $0x1;
	_ =	strace $0x80000046;
	[dreg:$0x1] =	wrdreg $0xFFFFFFFF  }
0xad: {  	s28 =	simm.s32 $_size_execute0_lowered;
	s4 =	sadd.s32 s4, s5;
	[dreg:$0x0] =	wrdreg $0x0  }
0xae: {  	s5 =	sshll.u32 s28, $0x1;
	[dreg:$0x2] =	wrdreg s4  }
0xaf: {  	[dreg:$0x3] =	wrdreg s5  }
0xb0: {  	[dreg:$0x4] =	wrdreg $0xC0  }
0xb1: {  	_ =	task [dreg:s8], $0x5FFFF  }
0xb2: {  	[dreg:$0x1] =	wrdreg $0xFFFFFFFF  }
0xb3: {  	[dreg:$0x0] =	wrdreg $0x60  }
0xb4: {  	[dreg:$0x2] =	wrdreg s18  }
0xb5: {  	[dreg:$0x3] =	wrdreg s17  }
0xb6: {  	[dreg:$0x4] =	wrdreg $0x9  }
0xb7: {  	_ =	task.clear_ibuf [dreg:s8], $0x5FFFF;
	_ =	strace $0x90000046  }
0xb8: {  	s29 =	simm.s32 $0x9;
	_ =	strace $0x80000048  }
0xb9: {  	_ =	swait.ge [sflag:s29], $0x1  }
0xba: {  	[sflag:s29] =	ssyncadd.s32 $0xFFFFFFFF  }
0xbb: {  	_ =	strace $0x90000048  }
0xbc: {  	_ =	sfence  }
0xbd: {  	s30 =	sld [smem:$0x0];
	_ =	sdelay $0x2  }
0xbe: {  	s31 =	sshll.u32 s1, $0xD;
	s1 =	sshrl.u32 s1, $0x2  }
0xbf: {  	s3 =	sand.u32 $0x4000, s31;
	s1 =	sadd.s32 s1, s30  }
0xc0: {  	s0 =	sor.u32 s3, s0;
	s1 =	sshll.u32 s1, $0x11  }
0xc1: {  	s0 =	sor.u32 s1, s0  }
0xc2: {  	s0 =	sadd.s32 $0x8F2B, s0  }
0xc3: {  	[sflag:s0] =	ssyncadd.remote.s32 $0x1  }
0xc4: {  	_ =	sfence.sel $0xFFFF  }
0xc5: {  	[dreg:$0x0] =	wrdreg $0xFFFFFFFF;
	(pc) =	sbr.abs _section_cstart, $3  }
0xc6: {  	[dreg:$0x1] =	wrdreg $0xFFFFFFFF  }
0xc7: {  	_ =	task.clear_ibuf [dreg:s8], $0x2FFFF;
	_ =	strace $0x9FFFFFFF  }
0xc8: {  	(tm) =	ssettm $0x7FFFFFFF  }
0xc9: {  	_ =	shalt  }
tec
execute0_lowered:
.L_overlay_start_1:
0x0: {  	(tag) =	ssettag $0x1  }
0x1: {  	v0 =	vimm.s32 $0xFEDCBA98;
	v1 =	vimm.s32 $0x76543210  }
0x2: {  	v2 =	vimm.s32 $0xBA98FEDC;
	v3 =	vimm.s32 $0x32107654;
	v4 =	vimm.s32 $0xDCFE98BA  }
0x3: {  	v5 =	vimm.s32 $0x54761032;
	v6 =	vimm.s32 $0xEFCDAB89;
	v7 =	vimm.s32 $0x67452301  }
0x4: {  	v0 =	vunpack.c.l.s4.s8 v0;
	v1 =	vunpack.c.l.s4.s8 v1;
	v2 =	vunpack.c.l.s4.s8 v2  }
0x5: {  	s5 =	rddreg [dreg:$0x0];
	v3 =	vunpack.c.l.s4.s8 v3;
	v4 =	vunpack.c.l.s4.s8 v4;
	v5 =	vunpack.c.l.s4.s8 v5  }
0x6: {  	s6 =	rddreg [dreg:$0x1];
	v6 =	vunpack.c.l.s4.s8 v6;
	v7 =	vunpack.c.l.s4.s8 v7;
	v0 =	vunpack.c.0.s8.s32 v0  }
0x7: {  	s0 =	rddreg [dreg:$0x2];
	s1 =	simm.s32 $0x0;
	s3 =	srdreg.scid;
	v2 =	vunpack.c.0.s8.s32 v2;
	v3 =	vunpack.c.0.s8.s32 v3;
	v4 =	vunpack.c.0.s8.s32 v4  }
0x8: {  	s2 =	stileid.u32;
	[smem:$0x7FF] =	sst s1;
	s3 =	sand.u32 $0x1, s3;
	v5 =	vunpack.c.0.s8.s32 v5;
	v6 =	vunpack.c.0.s8.s32 v6;
	v7 =	vunpack.c.0.s8.s32 v7  }
0x9: {  	s7 =	sshll.u32 s2, $0x6;
	s4 =	ssub.s32 $0x2, s3;
	s3 =	sshll.u32 s3, $0x5;
	v1 =	vunpack.c.0.s8.s32 v1;
	v2 =	vcombine.low v3, v2  }
0xa: {  	_ =	strace $0x80000047;
	s8 =	sshrl.u32 s4, $0x1;
	s7 =	sor.u32 s3, s7;
	v0 =	vand.u32 $0xF, v0;
	v3 =	vcombine.low v5, v4;
	v4 =	vcombine.low v7, v6  }
0xb: {  	v8 =	vimm.f32 $0.0e+00;
	s8 =	ssub.s32 s4, s8;
	s3 =	sadd.s32 s5, s7;
	s9 =	sor.u32 $0x10, s7;
	v0 =	vcombine.low v0, v1;
	v1 =	vand.u32 $0xF, v2  }
0xc: {  	s4 =	sadd.s32 s6, s7;
	s5 =	sadd.s32 s5, s9;
	s6 =	sadd.s32 s6, s9;
	v2 =	vlaneseq.u32;
	v3 =	vand.u32 $0xF, v3;
	v4 =	vand.u32 $0xF, v4  }
0xd: {  	s7 =	smax.u32 s8, $0x1;
	s8 =	simm.s32 $0x1;
	s9 =	simm.s32 $0x80;
	v5 =	vor.u32 $0x30, v2;
	v6 =	vor.u32 $0x20, v2;
	v7 =	vor.u32 $0x10, v2  }
.LBB2_1:
0xe: {  	[tilespmem:s1], [sflag:$0x1] =	stream.linear.gather [hbm4b:s3+s1], $0x80, $0x38;
	[tilespmem:$0x100] =	vst v63  }
0xf: {  	_ =	swait.ge [sflag:s8], $0x80  }
0x10: {  	[sflag:s8] =	ssyncset.done $0x0  }
0x11: {  	[sflag:s8] =	ssyncadd.s32 $0xFFFFFF80  }
0x12: {  	v12 =	vld [tilespmem:$0x0]  }
0x13: {  	v11 =	vld [tilespmem:$0x10]  }
0x14: {  	v10 =	vld [tilespmem:$0x20]  }
0x15: {  	v9 =	vld [tilespmem:$0x30];
	_ =	sdelay $0x2  }
0x16: {  	v13 =	vmax.f32 v12, v11  }
0x17: {  	v13 =	vmax.f32 v13, v10  }
0x18: {  	v13 =	vmax.f32 v13, v9  }
0x19: {  	v14 =	vperm.xlane v13, v0;
	_ =	sdelay $0x1  }
0x1a: {  	v13 =	vmax.f32 v13, v14  }
0x1b: {  	v14 =	vperm.xlane v13, v1;
	_ =	sdelay $0x1  }
0x1c: {  	v13 =	vmax.f32 v13, v14  }
0x1d: {  	v14 =	vperm.xlane v13, v3;
	_ =	sdelay $0x1  }
0x1e: {  	v13 =	vmax.f32 v13, v14  }
0x1f: {  	v14 =	vperm.xlane v13, v4;
	_ =	sdelay $0x1  }
0x20: {  	v13 =	vmax.f32 v13, v14  }
0x21: {  	vm0 =	veq.f32 v9, v13  }
0x22: {  	vm1 =	veq.f32 v10, v13;
	v30 =	vnsel vm0, $0x40, v5  }
0x23: {  	vm10 =	veq.f32 v11, v13;
	v14 =	vsel vm1, v6, v30  }
0x24: {  	vm11 =	veq.f32 v12, v13;
	v14 =	vsel vm10, v7, v14  }
0x25: {  	v14 =	vsel vm11, v2, v14  }
0x26: {  	v15 =	vperm.xlane v14, v0;
	_ =	sdelay $0x1  }
0x27: {  	vm12 =	vlt.s32 v14, v15  }
0x28: {  	v14 =	vsel vm12, v14, v15  }
0x29: {  	v15 =	vperm.xlane v14, v1;
	_ =	sdelay $0x1  }
0x2a: {  	vm0 =	vlt.s32 v14, v15  }
0x2b: {  	v14 =	vsel vm0, v14, v15  }
0x2c: {  	v15 =	vperm.xlane v14, v3;
	_ =	sdelay $0x1  }
0x2d: {  	vm0 =	vlt.s32 v14, v15  }
0x2e: {  	v14 =	vsel vm0, v14, v15  }
0x2f: {  	v15 =	vperm.xlane v14, v4;
	_ =	sdelay $0x1  }
0x30: {  	vm0 =	vlt.s32 v14, v15  }
0x31: {  	v35 =	vimm.s32 $0x0;
	v14 =	vsel vm0, v14, v15  }
0x32: {  	vm13 =	veq.s32 v14, v2;
	vm0 =	veq.s32 v14, v7;
	vm14 =	veq.s32 v14, v6  }
0x33: {  	vm15 =	veq.s32 v14, v5;
	v33 =	vsel vm13, $0xFF7FC99E, v12;
	v16 =	vsel vm0, $0xFF7FC99E, v11  }
0x34: {  	v34 =	vsel vm14, $0xFF7FC99E, v10;
	v14 =	vsel vm15, $0xFFFFFFFF, v35;
	v36 =	vmax.f32 v33, v16  }
0x35: {  	v18 =	vsel vm15, $0xFF7FC99E, v9;
	[tilespmem:$0x1FF20] =	vst v14;
	v14 =	vmax.f32 v36, v34  }
0x36: {  	v14 =	vmax.f32 v14, v18  }
0x37: {  	v19 =	vperm.xlane v14, v0;
	_ =	sdelay $0x1  }
0x38: {  	v14 =	vmax.f32 v14, v19  }
0x39: {  	v19 =	vperm.xlane v14, v1;
	_ =	sdelay $0x1  }
0x3a: {  	v14 =	vmax.f32 v14, v19  }
0x3b: {  	v19 =	vperm.xlane v14, v3;
	_ =	sdelay $0x1  }
0x3c: {  	v14 =	vmax.f32 v14, v19  }
0x3d: {  	v19 =	vperm.xlane v14, v4  }
0x3e: {  	v31 =	vimm.s32 $0x0  }
0x3f: {  	v32 =	vimm.s32 $0x0;
	v15 =	vsel vm13, $0xFFFFFFFF, v31;
	v14 =	vmax.f32 v14, v19  }
0x40: {  	[tilespmem:$0x1FE80] =	vst v15;
	v15 =	vsel vm0, $0xFFFFFFFF, v32;
	vm0 =	veq.f32 v18, v14  }
0x41: {  	vm4 =	veq.f32 v34, v14;
	v37 =	vnsel vm0, $0x40, v5  }
0x42: {  	vm5 =	veq.f32 v16, v14;
	v19 =	vsel vm4, v6, v37  }
0x43: {  	vm6 =	veq.f32 v33, v14;
	v38 =	vsel vm5, v7, v19  }
0x44: {  	v14 =	vsel vm6, v2, v38  }
0x45: {  	v39 =	vperm.xlane v14, v0;
	_ =	sdelay $0x1  }
0x46: {  	vm7 =	vlt.s32 v14, v39  }
0x47: {  	v14 =	vsel vm7, v14, v39  }
0x48: {  	v19 =	vperm.xlane v14, v1;
	_ =	sdelay $0x1  }
0x49: {  	vm0 =	vlt.s32 v14, v19  }
0x4a: {  	v14 =	vsel vm0, v14, v19  }
0x4b: {  	v19 =	vperm.xlane v14, v3;
	_ =	sdelay $0x1  }
0x4c: {  	vm0 =	vlt.s32 v14, v19  }
0x4d: {  	v14 =	vsel vm0, v14, v19  }
0x4e: {  	v19 =	vperm.xlane v14, v4;
	_ =	sdelay $0x1  }
0x4f: {  	v17 =	vimm.s32 $0x0;
	vm0 =	vlt.s32 v14, v19  }
0x50: {  	v43 =	vimm.s32 $0x0;
	v17 =	vsel vm14, $0xFFFFFFFF, v17;
	v14 =	vsel vm0, v14, v19  }
0x51: {  	vm8 =	veq.s32 v14, v2;
	vm0 =	veq.s32 v14, v7;
	vm9 =	veq.s32 v14, v6  }
0x52: {  	[tilespmem:$0x1FEC0] =	vst v15;
	vm10 =	veq.s32 v14, v5;
	v15 =	vsel vm8, $0xFF7FC99E, v33;
	v16 =	vsel vm0, $0xFF7FC99E, v16  }
0x53: {  	[tilespmem:$0x1FEE0] =	vst v17;
	v17 =	vsel vm9, $0xFF7FC99E, v34;
	v14 =	vsel vm10, $0xFFFFFFFF, v43;
	v44 =	vmax.f32 v15, v16  }
0x54: {  	v18 =	vsel vm10, $0xFF7FC99E, v18;
	[tilespmem:$0x1FF10] =	vst v14;
	v14 =	vmax.f32 v44, v17  }
0x55: {  	v40 =	vimm.s32 $0x0;
	v14 =	vmax.f32 v14, v18  }
0x56: {  	v41 =	vimm.s32 $0x0;
	v19 =	vsel vm8, $0xFFFFFFFF, v40;
	v45 =	vperm.xlane v14, v0  }
0x57: {  	v42 =	vimm.s32 $0x0;
	[tilespmem:$0x1FE70] =	vst v19;
	v19 =	vsel vm0, $0xFFFFFFFF, v41  }
0x58: {  	[tilespmem:$0x1FEA0] =	vst v19;
	v19 =	vsel vm9, $0xFFFFFFFF, v42;
	v14 =	vmax.f32 v14, v45  }
0x59: {  	[tilespmem:$0x1FED0] =	vst v19;
	v19 =	vperm.xlane v14, v1;
	_ =	sdelay $0x1  }
0x5a: {  	v14 =	vmax.f32 v14, v19  }
0x5b: {  	v19 =	vperm.xlane v14, v3;
	_ =	sdelay $0x1  }
0x5c: {  	v14 =	vmax.f32 v14, v19  }
0x5d: {  	v19 =	vperm.xlane v14, v4;
	_ =	sdelay $0x1  }
0x5e: {  	v14 =	vmax.f32 v14, v19  }
0x5f: {  	vm0 =	veq.f32 v18, v14  }
0x60: {  	vm11 =	veq.f32 v17, v14;
	v46 =	vnsel vm0, $0x40, v5  }
0x61: {  	vm12 =	veq.f32 v16, v14;
	v19 =	vsel vm11, v6, v46  }
0x62: {  	vm13 =	veq.f32 v15, v14;
	v47 =	vsel vm12, v7, v19  }
0x63: {  	v14 =	vsel vm13, v2, v47  }
0x64: {  	v48 =	vperm.xlane v14, v0;
	_ =	sdelay $0x1  }
0x65: {  	vm14 =	vlt.s32 v14, v48  }
0x66: {  	v14 =	vsel vm14, v14, v48  }
0x67: {  	v19 =	vperm.xlane v14, v1;
	_ =	sdelay $0x1  }
0x68: {  	vm0 =	vlt.s32 v14, v19  }
0x69: {  	v14 =	vsel vm0, v14, v19  }
0x6a: {  	v19 =	vperm.xlane v14, v3;
	_ =	sdelay $0x1  }
0x6b: {  	vm0 =	vlt.s32 v14, v19  }
0x6c: {  	v14 =	vsel vm0, v14, v19  }
0x6d: {  	v19 =	vperm.xlane v14, v4;
	_ =	sdelay $0x1  }
0x6e: {  	vm0 =	vlt.s32 v14, v19  }
0x6f: {  	v52 =	vimm.s32 $0x0;
	v14 =	vsel vm0, v14, v19  }
0x70: {  	vm15 =	veq.s32 v14, v2;
	vm0 =	veq.s32 v14, v7;
	vm4 =	veq.s32 v14, v6  }
0x71: {  	vm5 =	veq.s32 v14, v5;
	v15 =	vsel vm15, $0xFF7FC99E, v15;
	v16 =	vsel vm0, $0xFF7FC99E, v16  }
0x72: {  	v17 =	vsel vm4, $0xFF7FC99E, v17;
	v14 =	vsel vm5, $0xFFFFFFFF, v52;
	v53 =	vmax.f32 v15, v16  }
0x73: {  	v18 =	vsel vm5, $0xFF7FC99E, v18;
	[tilespmem:$0x1FF00] =	vst v14;
	v14 =	vmax.f32 v53, v17  }
0x74: {  	v49 =	vimm.s32 $0x0;
	v14 =	vmax.f32 v14, v18  }
0x75: {  	v50 =	vimm.s32 $0x0;
	v19 =	vsel vm15, $0xFFFFFFFF, v49;
	v54 =	vperm.xlane v14, v0  }
0x76: {  	v51 =	vimm.s32 $0x0;
	[tilespmem:$0x1FE60] =	vst v19;
	v19 =	vsel vm0, $0xFFFFFFFF, v50  }
0x77: {  	[tilespmem:$0x1FE90] =	vst v19;
	v19 =	vsel vm4, $0xFFFFFFFF, v51;
	v14 =	vmax.f32 v14, v54  }
0x78: {  	[tilespmem:$0x1FEB0] =	vst v19;
	v19 =	vperm.xlane v14, v1;
	_ =	sdelay $0x1  }
0x79: {  	v14 =	vmax.f32 v14, v19  }
0x7a: {  	v19 =	vperm.xlane v14, v3;
	_ =	sdelay $0x1  }
0x7b: {  	v14 =	vmax.f32 v14, v19  }
0x7c: {  	v19 =	vperm.xlane v14, v4;
	_ =	sdelay $0x1  }
0x7d: {  	v14 =	vmax.f32 v14, v19  }
0x7e: {  	vm0 =	veq.f32 v18, v14  }
0x7f: {  	vm6 =	veq.f32 v17, v14;
	v55 =	vnsel vm0, $0x40, v5  }
0x80: {  	vm7 =	veq.f32 v16, v14;
	v19 =	vsel vm6, v6, v55  }
0x81: {  	vm8 =	veq.f32 v15, v14;
	v56 =	vsel vm7, v7, v19  }
0x82: {  	v14 =	vsel vm8, v2, v56  }
0x83: {  	v57 =	vperm.xlane v14, v0;
	_ =	sdelay $0x1  }
0x84: {  	vm9 =	vlt.s32 v14, v57  }
0x85: {  	v14 =	vsel vm9, v14, v57  }
0x86: {  	v19 =	vperm.xlane v14, v1;
	_ =	sdelay $0x1  }
0x87: {  	vm0 =	vlt.s32 v14, v19  }
0x88: {  	v14 =	vsel vm0, v14, v19  }
0x89: {  	v19 =	vperm.xlane v14, v3;
	_ =	sdelay $0x1  }
0x8a: {  	vm0 =	vlt.s32 v14, v19  }
0x8b: {  	v14 =	vsel vm0, v14, v19  }
0x8c: {  	v19 =	vperm.xlane v14, v4;
	_ =	sdelay $0x1  }
0x8d: {  	vm0 =	vlt.s32 v14, v19  }
0x8e: {  	v58 =	vimm.s32 $0x0;
	v14 =	vsel vm0, v14, v19  }
0x8f: {  	vm15 =	veq.s32 v14, v2;
	vm14 =	veq.s32 v14, v7;
	vm13 =	veq.s32 v14, v6  }
0x90: {  	vm0 =	veq.s32 v14, v5;
	v15 =	vsel vm15, $0xFF7FC99E, v15;
	v16 =	vsel vm14, $0xFF7FC99E, v16  }
0x91: {  	v17 =	vsel vm13, $0xFF7FC99E, v17;
	v14 =	vsel vm0, $0xFFFFFFFF, v58;
	v59 =	vmax.f32 v15, v16  }
0x92: {  	v18 =	vsel vm0, $0xFF7FC99E, v18;
	[tilespmem:$0x1FEF0] =	vst v14;
	v14 =	vmax.f32 v59, v17  }
0x93: {  	v14 =	vmax.f32 v14, v18  }
0x94: {  	v60 =	vperm.xlane v14, v0;
	_ =	sdelay $0x1  }
0x95: {  	v14 =	vmax.f32 v14, v60  }
0x96: {  	v19 =	vperm.xlane v14, v1;
	_ =	sdelay $0x1  }
0x97: {  	v14 =	vmax.f32 v14, v19  }
0x98: {  	v19 =	vperm.xlane v14, v3;
	_ =	sdelay $0x1  }
0x99: {  	v14 =	vmax.f32 v14, v19  }
0x9a: {  	v19 =	vperm.xlane v14, v4;
	_ =	sdelay $0x1  }
0x9b: {  	v14 =	vmax.f32 v14, v19  }
0x9c: {  	vm0 =	veq.f32 v18, v14  }
0x9d: {  	vm10 =	veq.f32 v17, v14;
	v61 =	vnsel vm0, $0x40, v5  }
0x9e: {  	vm11 =	veq.f32 v16, v14;
	v19 =	vsel vm10, v6, v61  }
0x9f: {  	vm12 =	veq.f32 v15, v14;
	v19 =	vsel vm11, v7, v19  }
0xa0: {  	v14 =	vsel vm12, v2, v19  }
0xa1: {  	v19 =	vperm.xlane v14, v0;
	_ =	sdelay $0x1  }
0xa2: {  	vm0 =	vlt.s32 v14, v19  }
0xa3: {  	v14 =	vsel vm0, v14, v19  }
0xa4: {  	v19 =	vperm.xlane v14, v1;
	_ =	sdelay $0x1  }
0xa5: {  	vm0 =	vlt.s32 v14, v19  }
0xa6: {  	v14 =	vsel vm0, v14, v19  }
0xa7: {  	v19 =	vperm.xlane v14, v3;
	_ =	sdelay $0x1  }
0xa8: {  	vm0 =	vlt.s32 v14, v19  }
0xa9: {  	v14 =	vsel vm0, v14, v19  }
0xaa: {  	v19 =	vperm.xlane v14, v4;
	_ =	sdelay $0x1  }
0xab: {  	vm0 =	vlt.s32 v14, v19  }
0xac: {  	v14 =	vsel vm0, v14, v19  }
0xad: {  	vm8 =	veq.s32 v14, v2;
	vm9 =	veq.s32 v14, v7  }
0xae: {  	vm10 =	veq.s32 v14, v6;
	v15 =	vsel vm8, $0xFF7FC99E, v15;
	v16 =	vsel vm9, $0xFF7FC99E, v16  }
0xaf: {  	vm11 =	veq.s32 v14, v5;
	v17 =	vsel vm10, $0xFF7FC99E, v17;
	v62 =	vmax.f32 v15, v16  }
0xb0: {  	v14 =	vsel vm11, $0xFF7FC99E, v18;
	v63 =	vmax.f32 v62, v17  }
0xb1: {  	v18 =	vmax.f32 v63, v14  }
0xb2: {  	v21 =	vperm.xlane v18, v0;
	_ =	sdelay $0x1  }
0xb3: {  	v18 =	vmax.f32 v18, v21  }
0xb4: {  	v19 =	vperm.xlane v18, v1;
	_ =	sdelay $0x1  }
0xb5: {  	v18 =	vmax.f32 v18, v19  }
0xb6: {  	v19 =	vperm.xlane v18, v3;
	_ =	sdelay $0x1  }
0xb7: {  	v18 =	vmax.f32 v18, v19  }
0xb8: {  	v19 =	vperm.xlane v18, v4;
	_ =	sdelay $0x1  }
0xb9: {  	v18 =	vmax.f32 v18, v19  }
0xba: {  	vm4 =	veq.f32 v14, v18  }
0xbb: {  	vm5 =	veq.f32 v17, v18;
	v22 =	vnsel vm4, $0x40, v5  }
0xbc: {  	vm6 =	veq.f32 v16, v18;
	v19 =	vsel vm5, v6, v22  }
0xbd: {  	vm7 =	veq.f32 v15, v18;
	v19 =	vsel vm6, v7, v19  }
0xbe: {  	v18 =	vsel vm7, v2, v19  }
0xbf: {  	v19 =	vperm.xlane v18, v0;
	_ =	sdelay $0x1  }
0xc0: {  	vm0 =	vlt.s32 v18, v19  }
0xc1: {  	v18 =	vsel vm0, v18, v19  }
0xc2: {  	v19 =	vperm.xlane v18, v1;
	_ =	sdelay $0x1  }
0xc3: {  	vm0 =	vlt.s32 v18, v19  }
0xc4: {  	v18 =	vsel vm0, v18, v19  }
0xc5: {  	v19 =	vperm.xlane v18, v3;
	_ =	sdelay $0x1  }
0xc6: {  	vm0 =	vlt.s32 v18, v19  }
0xc7: {  	v18 =	vsel vm0, v18, v19  }
0xc8: {  	v19 =	vperm.xlane v18, v4;
	_ =	sdelay $0x1  }
0xc9: {  	vm0 =	vlt.s32 v18, v19  }
0xca: {  	v18 =	vsel vm0, v18, v19  }
0xcb: {  	vm4 =	veq.s32 v18, v2;
	vm6 =	veq.s32 v18, v7  }
0xcc: {  	vm5 =	veq.s32 v18, v6;
	v15 =	vsel vm4, $0xFF7FC99E, v15;
	v16 =	vsel vm6, $0xFF7FC99E, v16  }
0xcd: {  	vm7 =	veq.s32 v18, v5;
	v17 =	vsel vm5, $0xFF7FC99E, v17;
	v23 =	vmax.f32 v15, v16  }
0xce: {  	v14 =	vsel vm7, $0xFF7FC99E, v14;
	v24 =	vmax.f32 v23, v17  }
0xcf: {  	v18 =	vmax.f32 v24, v14  }
0xd0: {  	v25 =	vperm.xlane v18, v0;
	_ =	sdelay $0x1  }
0xd1: {  	v18 =	vmax.f32 v18, v25  }
0xd2: {  	v19 =	vperm.xlane v18, v1;
	_ =	sdelay $0x1  }
0xd3: {  	v18 =	vmax.f32 v18, v19  }
0xd4: {  	v19 =	vperm.xlane v18, v3;
	_ =	sdelay $0x1  }
0xd5: {  	v18 =	vmax.f32 v18, v19  }
0xd6: {  	v19 =	vperm.xlane v18, v4;
	_ =	sdelay $0x1  }
0xd7: {  	v18 =	vmax.f32 v18, v19  }
0xd8: {  	vm12 =	veq.f32 v14, v18  }
0xd9: {  	v26 =	vnsel vm12, $0x40, v5;
	vm12 =	veq.f32 v17, v18  }
0xda: {  	v19 =	vsel vm12, v6, v26;
	vm12 =	veq.f32 v16, v18  }
0xdb: {  	v19 =	vsel vm12, v7, v19;
	vm12 =	veq.f32 v15, v18  }
0xdc: {  	v18 =	vsel vm12, v2, v19  }
0xdd: {  	v19 =	vperm.xlane v18, v0;
	_ =	sdelay $0x1  }
0xde: {  	vm0 =	vlt.s32 v18, v19  }
0xdf: {  	v18 =	vsel vm0, v18, v19  }
0xe0: {  	v19 =	vperm.xlane v18, v1;
	_ =	sdelay $0x1  }
0xe1: {  	vm0 =	vlt.s32 v18, v19  }
0xe2: {  	v18 =	vsel vm0, v18, v19  }
0xe3: {  	v19 =	vperm.xlane v18, v3;
	_ =	sdelay $0x1  }
0xe4: {  	vm0 =	vlt.s32 v18, v19  }
0xe5: {  	v18 =	vsel vm0, v18, v19  }
0xe6: {  	v19 =	vperm.xlane v18, v4;
	_ =	sdelay $0x1  }
0xe7: {  	vm0 =	vlt.s32 v18, v19  }
0xe8: {  	v18 =	vsel vm0, v18, v19  }
0xe9: {  	vm0 =	veq.s32 v18, v2;
	vm1 =	veq.s32 v18, v7  }
0xea: {  	vm2 =	veq.s32 v18, v6;
	v15 =	vsel vm0, $0xFF7FC99E, v15;
	v16 =	vsel vm1, $0xFF7FC99E, v16  }
0xeb: {  	vm3 =	veq.s32 v18, v5;
	v17 =	vsel vm2, $0xFF7FC99E, v17;
	v27 =	vmax.f32 v15, v16  }
0xec: {  	v14 =	vsel vm3, $0xFF7FC99E, v14;
	v28 =	vmax.f32 v27, v17  }
0xed: {  	v18 =	vmax.f32 v28, v14  }
0xee: {  	v29 =	vperm.xlane v18, v0;
	_ =	sdelay $0x1  }
0xef: {  	v18 =	vmax.f32 v18, v29  }
0xf0: {  	v19 =	vperm.xlane v18, v1;
	_ =	sdelay $0x1  }
0xf1: {  	v18 =	vmax.f32 v18, v19  }
0xf2: {  	v19 =	vperm.xlane v18, v3;
	_ =	sdelay $0x1  }
0xf3: {  	v18 =	vmax.f32 v18, v19  }
0xf4: {  	v19 =	vperm.xlane v18, v4;
	_ =	sdelay $0x1  }
0xf5: {  	v18 =	vmax.f32 v18, v19  }
0xf6: {  	vm12 =	veq.f32 v14, v18  }
0xf7: {  	v14 =	vnsel vm12, $0x40, v5;
	vm12 =	veq.f32 v17, v18  }
0xf8: {  	v14 =	vsel vm12, v6, v14;
	vm12 =	veq.f32 v16, v18  }
0xf9: {  	v14 =	vsel vm12, v7, v14;
	vm12 =	veq.f32 v15, v18  }
0xfa: {  	v14 =	vsel vm12, v2, v14  }
0xfb: {  	v30 =	vperm.xlane v14, v0;
	_ =	sdelay $0x1  }
0xfc: {  	vm12 =	vlt.s32 v14, v30  }
0xfd: {  	v14 =	vsel vm12, v14, v30  }
0xfe: {  	v15 =	vperm.xlane v14, v1;
	_ =	sdelay $0x1  }
0xff: {  	vm12 =	vlt.s32 v14, v15  }
0x100: {  	v14 =	vsel vm12, v14, v15  }
0x101: {  	v15 =	vperm.xlane v14, v3;
	_ =	sdelay $0x1  }
0x102: {  	vm12 =	vlt.s32 v14, v15  }
0x103: {  	v14 =	vsel vm12, v14, v15  }
0x104: {  	v12 =	vsub.f32 v12, v13;
	v15 =	vperm.xlane v14, v4  }
0x105: {  	v11 =	vsub.f32 v11, v13  }
0x106: {  	v10 =	vsub.f32 v10, v13;
	v12 =	vmul.f32 $1.442695020e+00, v12;
	vm12 =	vlt.s32 v14, v15  }
0x107: {  	v9 =	vsub.f32 v9, v13;
	v11 =	vmul.f32 $1.442695020e+00, v11;
	v31 =	vld [tilespmem:$0x1FE60];
	v14 =	vsel vm12, v14, v15  }
0x108: {  	v10 =	vmul.f32 $1.442695020e+00, v10;
	(erf) = vpow2.f32 v12;
	v32 =	vld [tilespmem:$0x1FE70];
	vm12 =	veq.s32 v14, v2  }
0x109: {  	v9 =	vmul.f32 $1.442695020e+00, v9;
	(erf) = vpow2.f32 v11;
	v11 =	vld [tilespmem:$0x1FE80];
	vm0 =	vmor vm12, vm0  }
0x10a: {  	(erf) = vpow2.f32 v10;
	vm0 =	vmor vm0, vm4  }
0x10b: {  	(erf) = vpow2.f32 v9;
	v9 =	vld [tilespmem:$0x1FE90];
	vm0 =	vmor vm0, vm8  }
0x10c: {  	vm0 =	vmor vm0, vm15;
	vm15 =	vnez.u8 v31  }
0x10d: {  	vm12 =	veq.s32 v14, v7;
	vm8 =	vnez.u8 v32;
	vm0 =	vmor vm0, vm15  }
0x10e: {  	vm1 =	vmor vm12, vm1;
	vm15 =	vnez.u8 v11;
	vm0 =	vmor vm0, vm8  }
0x10f: {  	vm0 =	vmor vm0, vm15;
	vm15 =	vmor vm1, vm6  }
0x110: {  	v10 =	vsel vm0, $0x3F800000, v8;
	vm0 =	vmor vm15, vm9;
	vm9 =	vnez.u8 v9;
	v9 =	vld [tilespmem:$0x1FEA0];
	_ =	sdelay $0x1  }
0x111: {  	vm12 =	veq.s32 v14, v6  }
0x112: {  	vm6 =	vmor vm12, vm2  }
0x113: {  	vm1 =	vmor vm6, vm5  }
0x114: {  	vm1 =	vmor vm1, vm10;
	vm10 =	vnez.u8 v9;
	v9 =	vld [tilespmem:$0x1FEB0];
	_ =	sdelay $0x4  }
0x115: {  	vm12 =	vnez.u8 v9;
	v9 =	vld [tilespmem:$0x1FEC0]  }
0x116: {  	v33 =	vld [tilespmem:$0x1FEE0]  }
0x117: {  	v34 =	vld [tilespmem:$0x1FEF0]  }
0x118: {  	v37 =	vld [tilespmem:$0x1FF10]  }
0x119: {  	v36 =	vld [tilespmem:$0x1FF00]  }
0x11a: {  	vm1 =	vmor vm1, vm13;
	vm13 =	vnez.u8 v9;
	v9 =	vld [tilespmem:$0x1FED0]  }
0x11b: {  	vm8 =	veq.s32 v14, v5  }
0x11c: {  	vm4 =	vnez.u8 v34;
	vm2 =	vmor vm8, vm3  }
0x11d: {  	vm2 =	vmor vm2, vm7;
	vm15 =	vnez.u8 v33;
	vm0 =	vmor vm0, vm14  }
0x11e: {  	v39 =	vld [tilespmem:$0x1FF20];
	vm5 =	vnez.u8 v36;
	vm6 =	vnez.u8 v37;
	vm0 =	vmor vm0, vm9  }
0x11f: {  	vm0 =	vmor vm0, vm10;
	vm1 =	vmor vm1, vm12;
	vm14 =	vnez.u8 v9  }
0x120: {  	vm2 =	vmor vm2, vm11;
	vm0 =	vmor vm0, vm13;
	v9 =	vpop (erf);
	vm1 =	vmor vm1, vm14  }
0x121: {  	v11 =	vsel vm0, $0x3F800000, v8;
	v35 =	vpop (erf);
	vm0 =	vmor vm1, vm15;
	vm1 =	vmor vm2, vm4  }
0x122: {  	v9 =	vmul.f32 v10, v9;
	v10 =	vmul.f32 v11, v35;
	vm1 =	vmor vm1, vm5  }
0x123: {  	vm7 =	vnez.u8 v39;
	v38 =	vpop (erf);
	v11 =	vsel vm0, $0x3F800000, v8;
	vm0 =	vmor vm1, vm6  }
0x124: {  	v11 =	vmul.f32 v11, v38;
	v40 =	vadd.f32 v10, v9;
	vm0 =	vmor vm0, vm7  }
0x125: {  	v42 =	vpop (erf);
	v41 =	vsel vm0, $0x3F800000, v8  }
0x126: {  	v12 =	vadd.f32 v40, v11;
	v13 =	vmul.f32 v41, v42;
	_ =	sdelay $0x1  }
0x127: {  	v12 =	vadd.f32 v12, v13;
	_ =	sdelay $0x1  }
0x128: {  	v43 =	vperm.xlane v12, v0;
	_ =	sdelay $0x1  }
0x129: {  	v12 =	vadd.f32 v12, v43;
	_ =	sdelay $0x1  }
0x12a: {  	v14 =	vperm.xlane v12, v1;
	_ =	sdelay $0x1  }
0x12b: {  	v12 =	vadd.f32 v12, v14;
	_ =	sdelay $0x1  }
0x12c: {  	v14 =	vperm.xlane v12, v3;
	_ =	sdelay $0x1  }
0x12d: {  	v12 =	vadd.f32 v12, v14;
	_ =	sdelay $0x1  }
0x12e: {  	v14 =	vperm.xlane v12, v4;
	_ =	sdelay $0x1  }
0x12f: {  	v12 =	vadd.f32 v12, v14;
	_ =	sdelay $0x1  }
0x130: {  	(erf) = vrcp.f32 v12;
	_ =	sdelay $0x8  }
0x131: {  	v12 =	vpop (erf)  }
0x132: {  	v9 =	vmul.f32 v12, v9  }
0x133: {  	v10 =	vmul.f32 v12, v10  }
0x134: {  	[tilespmem:$0x80] =	vst v9;
	v9 =	vmul.f32 v12, v11  }
0x135: {  	[tilespmem:$0x90] =	vst v10;
	v10 =	vmul.f32 v12, v13  }
0x136: {  	[tilespmem:$0xA0] =	vst v9  }
0x137: {  	[tilespmem:$0xB0] =	vst v10  }
0x138: {  	[hbm4b:s4+s1] =	stream.linear.scatter [tilespmem:s9], [sflag:$0x1], $0x80, $0x38;
	[tilespmem:$0x100] =	vst v63  }
0x139: {  	_ =	swait.ge [sflag:s8], $0x80  }
0x13a: {  	[sflag:s8] =	ssyncset.done $0x0  }
0x13b: {  	[sflag:s8] =	ssyncadd.s32 $0xFFFFFF80  }
0x13c: {  	[tilespmem:s1], [sflag:$0x1] =	stream.linear.gather [hbm4b:s5+s1], $0x80, $0x38;
	[tilespmem:$0x100] =	vst v63  }
0x13d: {  	_ =	swait.ge [sflag:s8], $0x80  }
0x13e: {  	[sflag:s8] =	ssyncset.done $0x0  }
0x13f: {  	[sflag:s8] =	ssyncadd.s32 $0xFFFFFF80  }
0x140: {  	v12 =	vld [tilespmem:$0x0]  }
0x141: {  	v11 =	vld [tilespmem:$0x10]  }
0x142: {  	v10 =	vld [tilespmem:$0x20]  }
0x143: {  	v9 =	vld [tilespmem:$0x30];
	_ =	sdelay $0x2  }
0x144: {  	v44 =	vmax.f32 v12, v11  }
0x145: {  	v13 =	vmax.f32 v44, v10  }
0x146: {  	v13 =	vmax.f32 v13, v9  }
0x147: {  	v45 =	vperm.xlane v13, v0;
	_ =	sdelay $0x1  }
0x148: {  	v13 =	vmax.f32 v13, v45  }
0x149: {  	v14 =	vperm.xlane v13, v1;
	_ =	sdelay $0x1  }
0x14a: {  	v13 =	vmax.f32 v13, v14  }
0x14b: {  	v14 =	vperm.xlane v13, v3;
	_ =	sdelay $0x1  }
0x14c: {  	v13 =	vmax.f32 v13, v14  }
0x14d: {  	v14 =	vperm.xlane v13, v4;
	_ =	sdelay $0x1  }
0x14e: {  	v13 =	vmax.f32 v13, v14  }
0x14f: {  	vm8 =	veq.f32 v9, v13  }
0x150: {  	vm9 =	veq.f32 v10, v13;
	v46 =	vnsel vm8, $0x40, v5  }
0x151: {  	vm10 =	veq.f32 v11, v13;
	v14 =	vsel vm9, v6, v46  }
0x152: {  	vm11 =	veq.f32 v12, v13;
	v14 =	vsel vm10, v7, v14  }
0x153: {  	v14 =	vsel vm11, v2, v14  }
0x154: {  	v47 =	vperm.xlane v14, v0;
	_ =	sdelay $0x1  }
0x155: {  	vm12 =	vlt.s32 v14, v47  }
0x156: {  	v14 =	vsel vm12, v14, v47  }
0x157: {  	v15 =	vperm.xlane v14, v1;
	_ =	sdelay $0x1  }
0x158: {  	vm0 =	vlt.s32 v14, v15  }
0x159: {  	v14 =	vsel vm0, v14, v15  }
0x15a: {  	v15 =	vperm.xlane v14, v3;
	_ =	sdelay $0x1  }
0x15b: {  	vm0 =	vlt.s32 v14, v15  }
0x15c: {  	v14 =	vsel vm0, v14, v15  }
0x15d: {  	v15 =	vperm.xlane v14, v4;
	_ =	sdelay $0x1  }
0x15e: {  	vm0 =	vlt.s32 v14, v15  }
0x15f: {  	v54 =	vimm.s32 $0x0;
	v14 =	vsel vm0, v14, v15  }
0x160: {  	vm13 =	veq.s32 v14, v2;
	vm0 =	veq.s32 v14, v7;
	vm14 =	veq.s32 v14, v6  }
0x161: {  	vm15 =	veq.s32 v14, v5;
	v50 =	vsel vm13, $0xFF7FC99E, v12;
	v51 =	vsel vm0, $0xFF7FC99E, v11  }
0x162: {  	v53 =	vsel vm14, $0xFF7FC99E, v10;
	v14 =	vsel vm15, $0xFFFFFFFF, v54;
	v55 =	vmax.f32 v50, v51  }
0x163: {  	v56 =	vsel vm15, $0xFF7FC99E, v9;
	[tilespmem:$0x1FFF0] =	vst v14;
	v14 =	vmax.f32 v55, v53  }
0x164: {  	v14 =	vmax.f32 v14, v56  }
0x165: {  	v57 =	vperm.xlane v14, v0;
	_ =	sdelay $0x1  }
0x166: {  	v14 =	vmax.f32 v14, v57  }
0x167: {  	v19 =	vperm.xlane v14, v1;
	_ =	sdelay $0x1  }
0x168: {  	v14 =	vmax.f32 v14, v19  }
0x169: {  	v19 =	vperm.xlane v14, v3;
	_ =	sdelay $0x1  }
0x16a: {  	v14 =	vmax.f32 v14, v19  }
0x16b: {  	v19 =	vperm.xlane v14, v4  }
0x16c: {  	v48 =	vimm.s32 $0x0  }
0x16d: {  	v49 =	vimm.s32 $0x0;
	v15 =	vsel vm13, $0xFFFFFFFF, v48;
	v14 =	vmax.f32 v14, v19  }
0x16e: {  	[tilespmem:$0x1FF50] =	vst v15;
	v15 =	vsel vm0, $0xFFFFFFFF, v49;
	vm0 =	veq.f32 v56, v14  }
0x16f: {  	vm4 =	veq.f32 v53, v14;
	v58 =	vnsel vm0, $0x40, v5  }
0x170: {  	vm5 =	veq.f32 v51, v14;
	v19 =	vsel vm4, v6, v58  }
0x171: {  	vm6 =	veq.f32 v50, v14;
	v59 =	vsel vm5, v7, v19  }
0x172: {  	v14 =	vsel vm6, v2, v59  }
0x173: {  	v60 =	vperm.xlane v14, v0;
	_ =	sdelay $0x1  }
0x174: {  	vm7 =	vlt.s32 v14, v60  }
0x175: {  	v14 =	vsel vm7, v14, v60  }
0x176: {  	v19 =	vperm.xlane v14, v1;
	_ =	sdelay $0x1  }
0x177: {  	vm0 =	vlt.s32 v14, v19  }
0x178: {  	v14 =	vsel vm0, v14, v19  }
0x179: {  	v19 =	vperm.xlane v14, v3;
	_ =	sdelay $0x1  }
0x17a: {  	vm0 =	vlt.s32 v14, v19  }
0x17b: {  	v14 =	vsel vm0, v14, v19  }
0x17c: {  	v19 =	vperm.xlane v14, v4;
	_ =	sdelay $0x1  }
0x17d: {  	v52 =	vimm.s32 $0x0;
	vm0 =	vlt.s32 v14, v19  }
0x17e: {  	v20 =	vimm.s32 $0x0;
	v17 =	vsel vm14, $0xFFFFFFFF, v52;
	v14 =	vsel vm0, v14, v19  }
0x17f: {  	vm8 =	veq.s32 v14, v2;
	vm0 =	veq.s32 v14, v7;
	vm9 =	veq.s32 v14, v6  }
0x180: {  	[tilespmem:$0x1FF90] =	vst v15;
	vm10 =	veq.s32 v14, v5;
	v15 =	vsel vm8, $0xFF7FC99E, v50;
	v16 =	vsel vm0, $0xFF7FC99E, v51  }
0x181: {  	[tilespmem:$0x1FFB0] =	vst v17;
	v17 =	vsel vm9, $0xFF7FC99E, v53;
	v14 =	vsel vm10, $0xFFFFFFFF, v20;
	v21 =	vmax.f32 v15, v16  }
0x182: {  	v18 =	vsel vm10, $0xFF7FC99E, v56;
	[tilespmem:$0x1FFE0] =	vst v14;
	v14 =	vmax.f32 v21, v17  }
0x183: {  	v61 =	vimm.s32 $0x0;
	v14 =	vmax.f32 v14, v18  }
0x184: {  	v62 =	vimm.s32 $0x0;
	v19 =	vsel vm8, $0xFFFFFFFF, v61;
	v22 =	vperm.xlane v14, v0  }
0x185: {  	v63 =	vimm.s32 $0x0;
	[tilespmem:$0x1FF40] =	vst v19;
	v19 =	vsel vm0, $0xFFFFFFFF, v62  }
0x186: {  	[tilespmem:$0x1FF70] =	vst v19;
	v19 =	vsel vm9, $0xFFFFFFFF, v63;
	v14 =	vmax.f32 v14, v22  }
0x187: {  	[tilespmem:$0x1FFA0] =	vst v19;
	v19 =	vperm.xlane v14, v1;
	_ =	sdelay $0x1  }
0x188: {  	v14 =	vmax.f32 v14, v19  }
0x189: {  	v19 =	vperm.xlane v14, v3;
	_ =	sdelay $0x1  }
0x18a: {  	v14 =	vmax.f32 v14, v19  }
0x18b: {  	v19 =	vperm.xlane v14, v4;
	_ =	sdelay $0x1  }
0x18c: {  	v14 =	vmax.f32 v14, v19  }
0x18d: {  	vm0 =	veq.f32 v18, v14  }
0x18e: {  	vm11 =	veq.f32 v17, v14;
	v23 =	vnsel vm0, $0x40, v5  }
0x18f: {  	vm12 =	veq.f32 v16, v14;
	v19 =	vsel vm11, v6, v23  }
0x190: {  	vm13 =	veq.f32 v15, v14;
	v24 =	vsel vm12, v7, v19  }
0x191: {  	v14 =	vsel vm13, v2, v24  }
0x192: {  	v25 =	vperm.xlane v14, v0;
	_ =	sdelay $0x1  }
0x193: {  	vm14 =	vlt.s32 v14, v25  }
0x194: {  	v14 =	vsel vm14, v14, v25  }
0x195: {  	v19 =	vperm.xlane v14, v1;
	_ =	sdelay $0x1  }
0x196: {  	vm0 =	vlt.s32 v14, v19  }
0x197: {  	v14 =	vsel vm0, v14, v19  }
0x198: {  	v19 =	vperm.xlane v14, v3;
	_ =	sdelay $0x1  }
0x199: {  	vm0 =	vlt.s32 v14, v19  }
0x19a: {  	v14 =	vsel vm0, v14, v19  }
0x19b: {  	v19 =	vperm.xlane v14, v4;
	_ =	sdelay $0x1  }
0x19c: {  	vm0 =	vlt.s32 v14, v19  }
0x19d: {  	v29 =	vimm.s32 $0x0;
	v14 =	vsel vm0, v14, v19  }
0x19e: {  	vm15 =	veq.s32 v14, v2;
	vm0 =	veq.s32 v14, v7;
	vm4 =	veq.s32 v14, v6  }
0x19f: {  	vm5 =	veq.s32 v14, v5;
	v15 =	vsel vm15, $0xFF7FC99E, v15;
	v16 =	vsel vm0, $0xFF7FC99E, v16  }
0x1a0: {  	v17 =	vsel vm4, $0xFF7FC99E, v17;
	v14 =	vsel vm5, $0xFFFFFFFF, v29;
	v30 =	vmax.f32 v15, v16  }
0x1a1: {  	v18 =	vsel vm5, $0xFF7FC99E, v18;
	[tilespmem:$0x1FFD0] =	vst v14;
	v14 =	vmax.f32 v30, v17  }
0x1a2: {  	v26 =	vimm.s32 $0x0;
	v14 =	vmax.f32 v14, v18  }
0x1a3: {  	v27 =	vimm.s32 $0x0;
	v19 =	vsel vm15, $0xFFFFFFFF, v26;
	v31 =	vperm.xlane v14, v0  }
0x1a4: {  	v28 =	vimm.s32 $0x0;
	[tilespmem:$0x1FF30] =	vst v19;
	v19 =	vsel vm0, $0xFFFFFFFF, v27  }
0x1a5: {  	[tilespmem:$0x1FF60] =	vst v19;
	v19 =	vsel vm4, $0xFFFFFFFF, v28;
	v14 =	vmax.f32 v14, v31  }
0x1a6: {  	[tilespmem:$0x1FF80] =	vst v19;
	v19 =	vperm.xlane v14, v1;
	_ =	sdelay $0x1  }
0x1a7: {  	v14 =	vmax.f32 v14, v19  }
0x1a8: {  	v19 =	vperm.xlane v14, v3;
	_ =	sdelay $0x1  }
0x1a9: {  	v14 =	vmax.f32 v14, v19  }
0x1aa: {  	v19 =	vperm.xlane v14, v4;
	_ =	sdelay $0x1  }
0x1ab: {  	v14 =	vmax.f32 v14, v19  }
0x1ac: {  	vm0 =	veq.f32 v18, v14  }
0x1ad: {  	vm6 =	veq.f32 v17, v14;
	v32 =	vnsel vm0, $0x40, v5  }
0x1ae: {  	vm7 =	veq.f32 v16, v14;
	v19 =	vsel vm6, v6, v32  }
0x1af: {  	vm8 =	veq.f32 v15, v14;
	v33 =	vsel vm7, v7, v19  }
0x1b0: {  	v14 =	vsel vm8, v2, v33  }
0x1b1: {  	v34 =	vperm.xlane v14, v0;
	_ =	sdelay $0x1  }
0x1b2: {  	vm9 =	vlt.s32 v14, v34  }
0x1b3: {  	v14 =	vsel vm9, v14, v34  }
0x1b4: {  	v19 =	vperm.xlane v14, v1;
	_ =	sdelay $0x1  }
0x1b5: {  	vm0 =	vlt.s32 v14, v19  }
0x1b6: {  	v14 =	vsel vm0, v14, v19  }
0x1b7: {  	v19 =	vperm.xlane v14, v3;
	_ =	sdelay $0x1  }
0x1b8: {  	vm0 =	vlt.s32 v14, v19  }
0x1b9: {  	v14 =	vsel vm0, v14, v19  }
0x1ba: {  	v19 =	vperm.xlane v14, v4;
	_ =	sdelay $0x1  }
0x1bb: {  	vm0 =	vlt.s32 v14, v19  }
0x1bc: {  	v35 =	vimm.s32 $0x0;
	v14 =	vsel vm0, v14, v19  }
0x1bd: {  	vm15 =	veq.s32 v14, v2;
	vm14 =	veq.s32 v14, v7;
	vm13 =	veq.s32 v14, v6  }
0x1be: {  	vm0 =	veq.s32 v14, v5;
	v15 =	vsel vm15, $0xFF7FC99E, v15;
	v16 =	vsel vm14, $0xFF7FC99E, v16  }
0x1bf: {  	v17 =	vsel vm13, $0xFF7FC99E, v17;
	v14 =	vsel vm0, $0xFFFFFFFF, v35;
	v36 =	vmax.f32 v15, v16  }
0x1c0: {  	v18 =	vsel vm0, $0xFF7FC99E, v18;
	[tilespmem:$0x1FFC0] =	vst v14;
	v14 =	vmax.f32 v36, v17  }
0x1c1: {  	v14 =	vmax.f32 v14, v18  }
0x1c2: {  	v37 =	vperm.xlane v14, v0;
	_ =	sdelay $0x1  }
0x1c3: {  	v14 =	vmax.f32 v14, v37  }
0x1c4: {  	v19 =	vperm.xlane v14, v1;
	_ =	sdelay $0x1  }
0x1c5: {  	v14 =	vmax.f32 v14, v19  }
0x1c6: {  	v19 =	vperm.xlane v14, v3;
	_ =	sdelay $0x1  }
0x1c7: {  	v14 =	vmax.f32 v14, v19  }
0x1c8: {  	v19 =	vperm.xlane v14, v4;
	_ =	sdelay $0x1  }
0x1c9: {  	v14 =	vmax.f32 v14, v19  }
0x1ca: {  	vm0 =	veq.f32 v18, v14  }
0x1cb: {  	vm10 =	veq.f32 v17, v14;
	v38 =	vnsel vm0, $0x40, v5  }
0x1cc: {  	vm11 =	veq.f32 v16, v14;
	v19 =	vsel vm10, v6, v38  }
0x1cd: {  	vm12 =	veq.f32 v15, v14;
	v19 =	vsel vm11, v7, v19  }
0x1ce: {  	v14 =	vsel vm12, v2, v19  }
0x1cf: {  	v19 =	vperm.xlane v14, v0;
	_ =	sdelay $0x1  }
0x1d0: {  	vm0 =	vlt.s32 v14, v19  }
0x1d1: {  	v14 =	vsel vm0, v14, v19  }
0x1d2: {  	v19 =	vperm.xlane v14, v1;
	_ =	sdelay $0x1  }
0x1d3: {  	vm0 =	vlt.s32 v14, v19  }
0x1d4: {  	v14 =	vsel vm0, v14, v19  }
0x1d5: {  	v19 =	vperm.xlane v14, v3;
	_ =	sdelay $0x1  }
0x1d6: {  	vm0 =	vlt.s32 v14, v19  }
0x1d7: {  	v14 =	vsel vm0, v14, v19  }
0x1d8: {  	v19 =	vperm.xlane v14, v4;
	_ =	sdelay $0x1  }
0x1d9: {  	vm0 =	vlt.s32 v14, v19  }
0x1da: {  	v14 =	vsel vm0, v14, v19  }
0x1db: {  	vm8 =	veq.s32 v14, v2;
	vm9 =	veq.s32 v14, v7  }
0x1dc: {  	vm10 =	veq.s32 v14, v6;
	v15 =	vsel vm8, $0xFF7FC99E, v15;
	v16 =	vsel vm9, $0xFF7FC99E, v16  }
0x1dd: {  	vm11 =	veq.s32 v14, v5;
	v17 =	vsel vm10, $0xFF7FC99E, v17;
	v39 =	vmax.f32 v15, v16  }
0x1de: {  	v14 =	vsel vm11, $0xFF7FC99E, v18;
	v40 =	vmax.f32 v39, v17  }
0x1df: {  	v18 =	vmax.f32 v40, v14  }
0x1e0: {  	v41 =	vperm.xlane v18, v0;
	_ =	sdelay $0x1  }
0x1e1: {  	v18 =	vmax.f32 v18, v41  }
0x1e2: {  	v19 =	vperm.xlane v18, v1;
	_ =	sdelay $0x1  }
0x1e3: {  	v18 =	vmax.f32 v18, v19  }
0x1e4: {  	v19 =	vperm.xlane v18, v3;
	_ =	sdelay $0x1  }
0x1e5: {  	v18 =	vmax.f32 v18, v19  }
0x1e6: {  	v19 =	vperm.xlane v18, v4;
	_ =	sdelay $0x1  }
0x1e7: {  	v18 =	vmax.f32 v18, v19  }
0x1e8: {  	vm4 =	veq.f32 v14, v18  }
0x1e9: {  	vm5 =	veq.f32 v17, v18;
	v42 =	vnsel vm4, $0x40, v5  }
0x1ea: {  	vm6 =	veq.f32 v16, v18;
	v19 =	vsel vm5, v6, v42  }
0x1eb: {  	vm7 =	veq.f32 v15, v18;
	v19 =	vsel vm6, v7, v19  }
0x1ec: {  	v18 =	vsel vm7, v2, v19  }
0x1ed: {  	v19 =	vperm.xlane v18, v0;
	_ =	sdelay $0x1  }
0x1ee: {  	vm0 =	vlt.s32 v18, v19  }
0x1ef: {  	v18 =	vsel vm0, v18, v19  }
0x1f0: {  	v19 =	vperm.xlane v18, v1;
	_ =	sdelay $0x1  }
0x1f1: {  	vm0 =	vlt.s32 v18, v19  }
0x1f2: {  	v18 =	vsel vm0, v18, v19  }
0x1f3: {  	v19 =	vperm.xlane v18, v3;
	_ =	sdelay $0x1  }
0x1f4: {  	vm0 =	vlt.s32 v18, v19  }
0x1f5: {  	v18 =	vsel vm0, v18, v19  }
0x1f6: {  	v19 =	vperm.xlane v18, v4;
	_ =	sdelay $0x1  }
0x1f7: {  	vm0 =	vlt.s32 v18, v19  }
0x1f8: {  	v18 =	vsel vm0, v18, v19  }
0x1f9: {  	vm4 =	veq.s32 v18, v2;
	vm6 =	veq.s32 v18, v7  }
0x1fa: {  	vm5 =	veq.s32 v18, v6;
	v15 =	vsel vm4, $0xFF7FC99E, v15;
	v16 =	vsel vm6, $0xFF7FC99E, v16  }
0x1fb: {  	vm7 =	veq.s32 v18, v5;
	v17 =	vsel vm5, $0xFF7FC99E, v17;
	v43 =	vmax.f32 v15, v16  }
0x1fc: {  	v14 =	vsel vm7, $0xFF7FC99E, v14;
	v44 =	vmax.f32 v43, v17  }
0x1fd: {  	v18 =	vmax.f32 v44, v14  }
0x1fe: {  	v45 =	vperm.xlane v18, v0;
	_ =	sdelay $0x1  }
0x1ff: {  	v18 =	vmax.f32 v18, v45  }
0x200: {  	v19 =	vperm.xlane v18, v1;
	_ =	sdelay $0x1  }
0x201: {  	v18 =	vmax.f32 v18, v19  }
0x202: {  	v19 =	vperm.xlane v18, v3;
	_ =	sdelay $0x1  }
0x203: {  	v18 =	vmax.f32 v18, v19  }
0x204: {  	v19 =	vperm.xlane v18, v4;
	_ =	sdelay $0x1  }
0x205: {  	v18 =	vmax.f32 v18, v19  }
0x206: {  	vm12 =	veq.f32 v14, v18  }
0x207: {  	v46 =	vnsel vm12, $0x40, v5;
	vm12 =	veq.f32 v17, v18  }
0x208: {  	v19 =	vsel vm12, v6, v46;
	vm12 =	veq.f32 v16, v18  }
0x209: {  	v19 =	vsel vm12, v7, v19;
	vm12 =	veq.f32 v15, v18  }
0x20a: {  	v18 =	vsel vm12, v2, v19  }
0x20b: {  	v19 =	vperm.xlane v18, v0;
	_ =	sdelay $0x1  }
0x20c: {  	vm0 =	vlt.s32 v18, v19  }
0x20d: {  	v18 =	vsel vm0, v18, v19  }
0x20e: {  	v19 =	vperm.xlane v18, v1;
	_ =	sdelay $0x1  }
0x20f: {  	vm0 =	vlt.s32 v18, v19  }
0x210: {  	v18 =	vsel vm0, v18, v19  }
0x211: {  	v19 =	vperm.xlane v18, v3;
	_ =	sdelay $0x1  }
0x212: {  	vm0 =	vlt.s32 v18, v19  }
0x213: {  	v18 =	vsel vm0, v18, v19  }
0x214: {  	v19 =	vperm.xlane v18, v4;
	_ =	sdelay $0x1  }
0x215: {  	vm0 =	vlt.s32 v18, v19  }
0x216: {  	v18 =	vsel vm0, v18, v19  }
0x217: {  	vm0 =	veq.s32 v18, v2;
	vm1 =	veq.s32 v18, v7  }
0x218: {  	vm2 =	veq.s32 v18, v6;
	v15 =	vsel vm0, $0xFF7FC99E, v15;
	v16 =	vsel vm1, $0xFF7FC99E, v16  }
0x219: {  	vm3 =	veq.s32 v18, v5;
	v17 =	vsel vm2, $0xFF7FC99E, v17;
	v47 =	vmax.f32 v15, v16  }
0x21a: {  	v14 =	vsel vm3, $0xFF7FC99E, v14;
	v48 =	vmax.f32 v47, v17  }
0x21b: {  	v18 =	vmax.f32 v48, v14  }
0x21c: {  	v49 =	vperm.xlane v18, v0;
	_ =	sdelay $0x1  }
0x21d: {  	v18 =	vmax.f32 v18, v49  }
0x21e: {  	v19 =	vperm.xlane v18, v1;
	_ =	sdelay $0x1  }
0x21f: {  	v18 =	vmax.f32 v18, v19  }
0x220: {  	v19 =	vperm.xlane v18, v3;
	_ =	sdelay $0x1  }
0x221: {  	v18 =	vmax.f32 v18, v19  }
0x222: {  	v19 =	vperm.xlane v18, v4;
	_ =	sdelay $0x1  }
0x223: {  	v18 =	vmax.f32 v18, v19  }
0x224: {  	vm12 =	veq.f32 v14, v18  }
0x225: {  	v14 =	vnsel vm12, $0x40, v5;
	vm12 =	veq.f32 v17, v18  }
0x226: {  	v14 =	vsel vm12, v6, v14;
	vm12 =	veq.f32 v16, v18  }
0x227: {  	v14 =	vsel vm12, v7, v14;
	vm12 =	veq.f32 v15, v18  }
0x228: {  	v14 =	vsel vm12, v2, v14  }
0x229: {  	v50 =	vperm.xlane v14, v0;
	_ =	sdelay $0x1  }
0x22a: {  	vm12 =	vlt.s32 v14, v50  }
0x22b: {  	v14 =	vsel vm12, v14, v50  }
0x22c: {  	v15 =	vperm.xlane v14, v1;
	_ =	sdelay $0x1  }
0x22d: {  	vm12 =	vlt.s32 v14, v15  }
0x22e: {  	v14 =	vsel vm12, v14, v15  }
0x22f: {  	v15 =	vperm.xlane v14, v3;
	_ =	sdelay $0x1  }
0x230: {  	vm12 =	vlt.s32 v14, v15  }
0x231: {  	v12 =	vsub.f32 v12, v13;
	v14 =	vsel vm12, v14, v15  }
0x232: {  	v11 =	vsub.f32 v11, v13;
	v15 =	vperm.xlane v14, v4  }
0x233: {  	v10 =	vsub.f32 v10, v13;
	v12 =	vmul.f32 $1.442695020e+00, v12  }
0x234: {  	v9 =	vsub.f32 v9, v13;
	v11 =	vmul.f32 $1.442695020e+00, v11;
	vm12 =	vlt.s32 v14, v15  }
0x235: {  	v10 =	vmul.f32 $1.442695020e+00, v10;
	(erf) = vpow2.f32 v12;
	v51 =	vld [tilespmem:$0x1FF30];
	v14 =	vsel vm12, v14, v15  }
0x236: {  	v9 =	vmul.f32 $1.442695020e+00, v9;
	(erf) = vpow2.f32 v11;
	v52 =	vld [tilespmem:$0x1FF40];
	vm12 =	veq.s32 v14, v2  }
0x237: {  	v11 =	vld [tilespmem:$0x1FF50];
	(erf) = vpow2.f32 v10;
	vm0 =	vmor vm12, vm0  }
0x238: {  	(erf) = vpow2.f32 v9;
	v9 =	vld [tilespmem:$0x1FF60];
	vm0 =	vmor vm0, vm4  }
0x239: {  	vm0 =	vmor vm0, vm8  }
0x23a: {  	vm8 =	vnez.u8 v51;
	vm0 =	vmor vm0, vm15;
	vm15 =	veq.s32 v14, v7  }
0x23b: {  	vm12 =	vnez.u8 v52;
	vm0 =	vmor vm0, vm8;
	vm1 =	vmor vm15, vm1  }
0x23c: {  	vm15 =	veq.s32 v14, v6;
	vm0 =	vmor vm0, vm12;
	vm12 =	vnez.u8 v11  }
0x23d: {  	vm0 =	vmor vm0, vm12;
	vm12 =	vmor vm15, vm2;
	vm15 =	vnez.u8 v9;
	v9 =	vld [tilespmem:$0x1FF70];
	_ =	sdelay $0x4  }
0x23e: {  	vm8 =	vmor vm1, vm6;
	vm6 =	vnez.u8 v9;
	v9 =	vld [tilespmem:$0x1FF80];
	_ =	sdelay $0x4  }
0x23f: {  	v10 =	vsel vm0, $0x3F800000, v8;
	vm0 =	vmor vm8, vm9;
	vm8 =	vnez.u8 v9;
	v9 =	vld [tilespmem:$0x1FF90];
	_ =	sdelay $0x1  }
0x240: {  	v54 =	vld [tilespmem:$0x1FFC0]  }
0x241: {  	v57 =	vld [tilespmem:$0x1FFE0]  }
0x242: {  	v56 =	vld [tilespmem:$0x1FFD0]  }
0x243: {  	vm9 =	vnez.u8 v9;
	v9 =	vld [tilespmem:$0x1FFA0]  }
0x244: {  	v53 =	vld [tilespmem:$0x1FFB0];
	vm1 =	vmor vm12, vm5;
	vm0 =	vmor vm0, vm14;
	vm14 =	veq.s32 v14, v5  }
0x245: {  	vm12 =	vnez.u8 v54;
	vm1 =	vmor vm1, vm10;
	vm2 =	vmor vm14, vm3  }
0x246: {  	vm0 =	vmor vm0, vm15;
	vm1 =	vmor vm1, vm13;
	vm2 =	vmor vm2, vm7  }
0x247: {  	v59 =	vld [tilespmem:$0x1FFF0];
	vm13 =	vnez.u8 v56;
	vm14 =	vnez.u8 v57;
	vm2 =	vmor vm2, vm11  }
0x248: {  	vm0 =	vmor vm0, vm6;
	vm1 =	vmor vm1, vm8;
	vm10 =	vnez.u8 v9  }
0x249: {  	vm11 =	vnez.u8 v53;
	vm0 =	vmor vm0, vm9;
	v9 =	vpop (erf);
	vm1 =	vmor vm1, vm10  }
0x24a: {  	v11 =	vsel vm0, $0x3F800000, v8;
	v55 =	vpop (erf);
	vm0 =	vmor vm1, vm11;
	vm1 =	vmor vm2, vm12  }
0x24b: {  	v9 =	vmul.f32 v10, v9;
	v10 =	vmul.f32 v11, v55;
	vm1 =	vmor vm1, vm13  }
0x24c: {  	vm15 =	vnez.u8 v59;
	v58 =	vpop (erf);
	v11 =	vsel vm0, $0x3F800000, v8;
	vm0 =	vmor vm1, vm14  }
0x24d: {  	v11 =	vmul.f32 v11, v58;
	v60 =	vadd.f32 v10, v9;
	vm0 =	vmor vm0, vm15  }
0x24e: {  	v62 =	vpop (erf);
	v61 =	vsel vm0, $0x3F800000, v8  }
0x24f: {  	v12 =	vadd.f32 v60, v11;
	v13 =	vmul.f32 v61, v62;
	_ =	sdelay $0x1  }
0x250: {  	v12 =	vadd.f32 v12, v13;
	_ =	sdelay $0x1  }
0x251: {  	v63 =	vperm.xlane v12, v0;
	_ =	sdelay $0x1  }
0x252: {  	v12 =	vadd.f32 v12, v63;
	_ =	sdelay $0x1  }
0x253: {  	v14 =	vperm.xlane v12, v1;
	_ =	sdelay $0x1  }
0x254: {  	v12 =	vadd.f32 v12, v14;
	_ =	sdelay $0x1  }
0x255: {  	v14 =	vperm.xlane v12, v3;
	_ =	sdelay $0x1  }
0x256: {  	v12 =	vadd.f32 v12, v14;
	_ =	sdelay $0x1  }
0x257: {  	v14 =	vperm.xlane v12, v4;
	_ =	sdelay $0x1  }
0x258: {  	v12 =	vadd.f32 v12, v14;
	_ =	sdelay $0x1  }
0x259: {  	(erf) = vrcp.f32 v12;
	_ =	sdelay $0x8  }
0x25a: {  	v12 =	vpop (erf)  }
0x25b: {  	v9 =	vmul.f32 v12, v9  }
0x25c: {  	v10 =	vmul.f32 v12, v10  }
0x25d: {  	[tilespmem:$0x80] =	vst v9;
	v9 =	vmul.f32 v12, v11  }
0x25e: {  	[tilespmem:$0x90] =	vst v10;
	v10 =	vmul.f32 v12, v13  }
0x25f: {  	p0 =	sne.s32 s7, $0x1;
	[tilespmem:$0xA0] =	vst v9  }
.Ltmp0:
0x260: {  	[tilespmem:$0xB0] =	vst v10;
	(pc) =	sbr.rel @p0 .LBB2_1-.Ltmp0, $4  }
0x261: {  	[hbm4b:s6+s1] =	stream.linear.scatter [tilespmem:s9], [sflag:$0x1], $0x80, $0x38;
	[tilespmem:$0x100] =	vst v63  }
0x262: {  	_ =	swait.ge [sflag:s8], $0x80  }
0x263: {  	[sflag:s8] =	ssyncset.done $0x0  }
0x264: {  	s7 =	sadd.s32 $0xFFFFFFFF, s7;
	[sflag:s8] =	ssyncadd.s32 $0xFFFFFF80  }
0x265: {  	_ =	sfence.sel $0x180000  }
0x266: {  	[bflag:$0x0] =	sbarrier.arrive $0xFFFF  }
0x267: {  	p0 =	sne.s32 s2, $0x0;
	_ =	strace $0x90000047  }
0x268: {  	s0 =	sadd.s32 @!p0 $0x100000, s0;
	[bflag:$0x2] =	sbarrier.arrive $0xFFFF  }
0x269: {  	[sflag:s0] =	ssyncadd.tile.s32 @!p0 $0x1;
	_ =	shalt  }
.Lfunc_end2:
_tile_overlayer_lowered:
.L_overlay_start_2:
0x26a: {  	(tag) =	ssettag $0x2  }
0x26b: {  	s0 =	rddreg [dreg:$0x0];
	s2 =	stileid.u32  }
0x26c: {  	s1 =	rddreg [dreg:$0x1];
	p0 =	sne.s32 s2, $0x0  }
0x26d: {  	s3 =	rddreg [dreg:$0x2];
	[bflag:$0x3] =	sbarrier.arrive $0xFFFF;
	s2 =	simm.s32 @!p0 $0x1C01  }
0x26e: {  	[timem:s3], [sflag:s2] =	dma.local @!p0 [hbm:s0], s1  }
0x26f: {  	s0 =	simm.s32 @!p0 $0x1  }
0x270: {  	_ =	swait.ge @!p0 [sflag:s0], s1  }
0x271: {  	s1 =	ssub.s32 @!p0 $0x0, s1;
	[sflag:s0] =	ssyncset.done @!p0 $0x0  }
0x272: {  	[sflag:s0] =	ssyncadd.s32 @!p0 s1  }
0x273: {  	[bflag:$0x3] =	sbarrier.arrive $0xFFFF  }
0x274: {  	_ =	shalt  }

</sc_bundles>
